<compile_context>
chip_gen: v7x
topology: tpu7x:2x2x1
jax: 0.10.2.dev20260603
libtpu: 0.0.44.dev20260713+nightly
codegen_flags: <defaults>
</compile_context>

<pallas_src>
import jax
import jax.numpy as jnp
from jax import lax
from jax.experimental import pallas as pl
from jax.experimental.pallas import tpu as pltpu
from jax.experimental.pallas import tpu_sc as plsc

N = 10000
D = 128
H = 64
E = 320000
MLP = 128

NC = 2
NS = 16
NW = NC * NS
EP = E // NW
CH = 128
NBUF = 8
NCH = 79
EPP = NCH * CH
NPAD = 10112
ZR = NPAD // NS
DEGW = 8

_mesh = plsc.VectorSubcoreMesh(core_axis_name="c", subcore_axis_name="s")
_sc_params = pltpu.CompilerParams(use_tc_tiling_on_sc=False)


def _dot3(a, b):
    ah = a.astype(jnp.bfloat16)
    al = (a - ah.astype(jnp.float32)).astype(jnp.bfloat16)
    bh = b.astype(jnp.bfloat16)
    bl = (b - bh.astype(jnp.float32)).astype(jnp.bfloat16)

    def d(u, v):
        return jnp.dot(u, v, preferred_element_type=jnp.float32)

    return d(ah, bh) + d(ah, bl) + d(al, bh)


def _dotd(a, b):
    return jnp.dot(a, b, preferred_element_type=jnp.float32)


def _sc_deg_body(sd_hbm, dd_hbm, ones_hbm, z8_hbm, out_hbm,
                 idx_s, idx_d, ones_v, acc_out, acc_in):
    c = lax.axis_index("c")
    s = lax.axis_index("s")
    w = c * NS + s
    pltpu.sync_copy(sd_hbm.at[w], idx_s)
    pltpu.sync_copy(dd_hbm.at[w], idx_d)
    pltpu.sync_copy(ones_hbm, ones_v)
    pltpu.sync_copy(z8_hbm.at[pl.ds(s * ZR, ZR)], acc_out.at[pl.ds(s * ZR, ZR)])
    pltpu.sync_copy(z8_hbm.at[pl.ds(s * ZR, ZR)], acc_in.at[pl.ds(s * ZR, ZR)])
    plsc.subcore_barrier()

    def body(j, carry):
        pltpu.sync_copy(ones_v, acc_out.at[idx_s.at[j]], add=True)
        pltpu.sync_copy(ones_v, acc_in.at[idx_d.at[j]], add=True)
        return carry

    lax.fori_loop(0, NCH, body, 0)
    plsc.subcore_barrier()
    pltpu.sync_copy(acc_out.at[pl.ds(s * ZR, ZR)],
                    out_hbm.at[c, 0, pl.ds(s * ZR, ZR)])
    pltpu.sync_copy(acc_in.at[pl.ds(s * ZR, ZR)],
                    out_hbm.at[c, 1, pl.ds(s * ZR, ZR)])


_deg_call = pl.kernel(
    _sc_deg_body,
    out_type=jax.ShapeDtypeStruct((NC, 2, NPAD, DEGW), jnp.float32),
    mesh=_mesh,
    scratch_types=[
        pltpu.VMEM((NCH, CH), jnp.int32),
        pltpu.VMEM((NCH, CH), jnp.int32),
        pltpu.VMEM((CH, DEGW), jnp.float32),
        pltpu.VMEM_SHARED((NPAD, DEGW), jnp.float32),
        pltpu.VMEM_SHARED((NPAD, DEGW), jnp.float32),
    ],
    compiler_params=_sc_params,
)


def _sc_agg_body(h_hbm, sg_hbm, dd_hbm, z64_hbm, out_hbm,
                 idx_s, idx_d, gbuf, acc, *sems):
    c = lax.axis_index("c")
    s = lax.axis_index("s")
    w = c * NS + s
    pltpu.sync_copy(sg_hbm.at[w], idx_s)
    pltpu.sync_copy(dd_hbm.at[w], idx_d)
    pltpu.sync_copy(z64_hbm.at[pl.ds(s * ZR, ZR)], acc.at[pl.ds(s * ZR, ZR)])
    plsc.subcore_barrier()

    for b in range(NBUF):
        pltpu.async_copy(h_hbm.at[idx_s.at[b]], gbuf.at[b], sems[b])

    @pl.loop(0, NCH - NCH % NBUF, step=NBUF)
    def _steady(j0):
        for b in range(NBUF):
            j = j0 + b
            pltpu.make_async_copy(h_hbm.at[idx_s.at[j]], gbuf.at[b],
                                  sems[b]).wait()
            pltpu.sync_copy(gbuf.at[b], acc.at[idx_d.at[j]], add=True)

            @pl.when(j + NBUF < NCH)
            def _refill():
                pltpu.async_copy(h_hbm.at[idx_s.at[j + NBUF]], gbuf.at[b],
                                 sems[b])

    for b in range(NCH % NBUF):
        j = NCH - NCH % NBUF + b
        pltpu.make_async_copy(h_hbm.at[idx_s.at[j]], gbuf.at[b],
                              sems[b]).wait()
        pltpu.sync_copy(gbuf.at[b], acc.at[idx_d.at[j]], add=True)

    plsc.subcore_barrier()
    pltpu.sync_copy(acc.at[pl.ds(s * ZR, ZR)], out_hbm.at[c, pl.ds(s * ZR, ZR)])


_agg_call = pl.kernel(
    _sc_agg_body,
    out_type=jax.ShapeDtypeStruct((NC, NPAD, H), jnp.float32),
    mesh=_mesh,
    scratch_types=[
        pltpu.VMEM((NCH, CH), jnp.int32),
        pltpu.VMEM((NCH, CH), jnp.int32),
        pltpu.VMEM((NBUF, CH, H), jnp.float32),
        pltpu.VMEM_SHARED((NPAD, H), jnp.float32),
    ] + [pltpu.SemaphoreType.DMA] * NBUF,
    compiler_params=_sc_params,
)

R = 1000
G = N // R


def _tc_norm_mm1_body(degp_ref, x_ref, w1_ref, hn_ref, ns_ref, nd_ref):
    dp = degp_ref[...]
    deg_out = dp[0, 0, :, :1] + dp[1, 0, :, :1]
    deg_in = dp[0, 1, :, :1] + dp[1, 1, :, :1]
    ns = lax.rsqrt(jnp.maximum(deg_out, 1.0))
    nd = lax.rsqrt(jnp.maximum(deg_in, 1.0))
    h = _dot3(x_ref[...], w1_ref[...])
    hn_ref[...] = h * ns
    ns_ref[...] = ns
    nd_ref[...] = nd


def _tc_norm_mm1(degp, x, W1):
    return pl.pallas_call(
        _tc_norm_mm1_body,
        grid=(G,),
        in_specs=[
            pl.BlockSpec((NC, 2, R, DEGW), lambda i: (0, 0, i, 0)),
            pl.BlockSpec((R, D), lambda i: (i, 0)),
            pl.BlockSpec((D, H), lambda i: (0, 0)),
        ],
        out_specs=[
            pl.BlockSpec((R, H), lambda i: (i, 0)),
            pl.BlockSpec((R, 1), lambda i: (i, 0)),
            pl.BlockSpec((R, 1), lambda i: (i, 0)),
        ],
        out_shape=[
            jax.ShapeDtypeStruct((N, H), jnp.float32),
            jax.ShapeDtypeStruct((N, 1), jnp.float32),
            jax.ShapeDtypeStruct((N, 1), jnp.float32),
        ],
    )(degp, x, W1)


def _tc_layer_body(agg_ref, nd_ref, ns_ref, b_ref, w_ref, out_ref):
    a = agg_ref[0] + agg_ref[1]
    h = jnp.maximum(a * nd_ref[...] + b_ref[...][None, :], 0.0)
    out_ref[...] = _dot3(h, w_ref[...]) * ns_ref[...]


def _tc_layer(agg, nd, ns, b, W):
    return pl.pallas_call(
        _tc_layer_body,
        grid=(G,),
        in_specs=[
            pl.BlockSpec((NC, R, H), lambda i: (0, i, 0)),
            pl.BlockSpec((R, 1), lambda i: (i, 0)),
            pl.BlockSpec((R, 1), lambda i: (i, 0)),
            pl.BlockSpec((H,), lambda i: (0,)),
            pl.BlockSpec((H, H), lambda i: (0, 0)),
        ],
        out_specs=pl.BlockSpec((R, H), lambda i: (i, 0)),
        out_shape=jax.ShapeDtypeStruct((N, H), jnp.float32),
    )(agg, nd, ns, b, W)


def _tc_head_body(agg_ref, nd_ref, b3_ref, m1_ref, c1_ref, m2_ref, c2_ref,
                  m3_ref, c3_ref, out_ref):
    a = agg_ref[0, :N] + agg_ref[1, :N]
    h = jnp.maximum(a * nd_ref[...] + b3_ref[...][None, :], 0.0)
    emb = jnp.sum(h, axis=0, keepdims=True) * (1.0 / N)
    z = jnp.maximum(
        _dot3(emb, m1_ref[...])
        + c1_ref[...][None, :], 0.0)
    z = jnp.maximum(
        _dot3(z, m2_ref[...])
        + c2_ref[...][None, :], 0.0)
    out_ref[...] = (_dot3(z, m3_ref[...])
                    + c3_ref[...][None, :])


def _tc_head(agg, nd, b3, M1, c1, M2, c2, M3, c3):
    return pl.pallas_call(
        _tc_head_body,
        out_shape=jax.ShapeDtypeStruct((1, 1), jnp.float32),
    )(agg, nd, b3, M1, c1, M2, c2, M3, c3)


def kernel(x, W1, b1, W2, b2, W3, b3, M1, c1, M2, c2, M3, c3, edge_index):
    src = edge_index[0].reshape(NW, EP)
    dst = edge_index[1].reshape(NW, EP)
    pad0 = jnp.zeros((NW, EPP - EP), jnp.int32)
    padN = jnp.full((NW, EPP - EP), N, jnp.int32)
    sg = jnp.concatenate([src, pad0], axis=1).reshape(NW, NCH, CH)
    sd = jnp.concatenate([src, padN], axis=1).reshape(NW, NCH, CH)
    dd = jnp.concatenate([dst, padN], axis=1).reshape(NW, NCH, CH)
    ones8 = jnp.ones((CH, DEGW), jnp.float32)
    z8 = jnp.zeros((NPAD, DEGW), jnp.float32)
    z64 = jnp.zeros((NPAD, H), jnp.float32)

    degp = _deg_call(sd, dd, ones8, z8)
    hn1, ns, nd = _tc_norm_mm1(degp, x, W1)
    agg1 = _agg_call(hn1, sg, dd, z64)
    hn2 = _tc_layer(agg1, nd, ns, b1, W2)
    agg2 = _agg_call(hn2, sg, dd, z64)
    hn3 = _tc_layer(agg2, nd, ns, b2, W3)
    agg3 = _agg_call(hn3, sg, dd, z64)
    return _tc_head(agg3, nd, b3, M1, c1, M2, c2, M3, c3)

# --- scband reference (transcript-rebuilt; emitter-appended) ---
"""Pipeline reference for scband-single-gnnmodel-44504451121837 (READ-ONLY COPY).

The authoritative reference and input builder live on the scoring server;
editing this copy changes nothing except your own understanding.
"""

import jax, jax.numpy as jnp
import numpy as np

N = 10000
E = 320000
D = 128
H = 64
MLP = 128


def setup_inputs(seed: int = 0) -> dict:
    key = jax.random.key(seed)
    ks = jax.random.split(key, 16)
    x = jax.random.normal(ks[0], (N, D), dtype=jnp.float32)
    edge_index = jax.random.randint(ks[1], (2, E), 0, N, dtype=jnp.int32)
    def w(k, shape):
        return jax.random.normal(k, shape, dtype=jnp.float32) * 0.05
    return {
        "x": x,
        "W1": w(ks[2], (D, H)), "b1": jnp.zeros((H,), jnp.float32),
        "W2": w(ks[3], (H, H)), "b2": jnp.zeros((H,), jnp.float32),
        "W3": w(ks[4], (H, H)), "b3": jnp.zeros((H,), jnp.float32),
        "M1": w(ks[5], (H, MLP)), "c1": jnp.zeros((MLP,), jnp.float32),
        "M2": w(ks[6], (MLP, MLP // 2)), "c2": jnp.zeros((MLP // 2,), jnp.float32),
        "M3": w(ks[7], (MLP // 2, 1)), "c3": jnp.zeros((1,), jnp.float32),
        "edge_index": edge_index,
    }


def reference(x, W1, b1, W2, b2, W3, b3, M1, c1, M2, c2, M3, c3, edge_index):
    src = edge_index[0]
    dst = edge_index[1]
    ones = jnp.ones((E,), jnp.float32)
    deg_out = jnp.zeros((N,), jnp.float32).at[src].add(ones)
    deg_in = jnp.zeros((N,), jnp.float32).at[dst].add(ones)
    norm_src = jax.lax.rsqrt(jnp.clip(deg_out, 1.0, None))
    norm_dst = jax.lax.rsqrt(jnp.clip(deg_in, 1.0, None))

    def gcn_layer(h, W, b):
        # DGL GraphConv norm='both': D_dst^{-1/2} A D_src^{-1/2} (h W) + b, then ReLU
        h = h @ W
        m = (h * norm_src[:, None])[src]
        agg = jnp.zeros((N, h.shape[1]), h.dtype).at[dst].add(m)
        return jax.nn.relu(agg * norm_dst[:, None] + b)

    h = gcn_layer(x, W1, b1)
    h = gcn_layer(h, W2, b2)
    h = gcn_layer(h, W3, b3)
    # AvgPooling over single graph
    emb = jnp.mean(h, axis=0, keepdims=True)
    # MLP head (dropout = identity at inference)
    z = jax.nn.relu(emb @ M1 + c1)
    z = jax.nn.relu(z @ M2 + c2)
    return z @ M3 + c3

if __name__ == "__main__":
    import jax
    _d = setup_inputs()
    print(jax.jit(kernel)(*tuple(_d.values())))

</pallas_src>

<mosaic_0001>
#map = affine_map<(d0, d1) -> (0, 0)>
#map1 = affine_map<(d0, d1) -> (0, 0, 0)>
module attributes {stable_mosaic.version = 14 : i64} {
  func.func @_sc_agg_body(%arg0: i32, %arg1: i32, %arg2: memref<10000x64xf32, #tpu.memory_space<hbm>>, %arg3: memref<32x79x128xi32, #tpu.memory_space<hbm>>, %arg4: memref<32x79x128xi32, #tpu.memory_space<hbm>>, %arg5: memref<10112x64xf32, #tpu.memory_space<hbm>>, %arg6: memref<2x10112x64xf32, #tpu.memory_space<hbm>>, %arg7: memref<79x128xi32, #tpu.memory_space<vmem>>, %arg8: memref<79x128xi32, #tpu.memory_space<vmem>>, %arg9: memref<8x128x64xf32, #tpu.memory_space<vmem>>, %arg10: memref<10112x64xf32, #tpu.memory_space<vmem_shared>>, %arg11: memref<!tpu.dma_semaphore, #tpu.memory_space<semaphore_mem>>, %arg12: memref<!tpu.dma_semaphore, #tpu.memory_space<semaphore_mem>>, %arg13: memref<!tpu.dma_semaphore, #tpu.memory_space<semaphore_mem>>, %arg14: memref<!tpu.dma_semaphore, #tpu.memory_space<semaphore_mem>>, %arg15: memref<!tpu.dma_semaphore, #tpu.memory_space<semaphore_mem>>, %arg16: memref<!tpu.dma_semaphore, #tpu.memory_space<semaphore_mem>>, %arg17: memref<!tpu.dma_semaphore, #tpu.memory_space<semaphore_mem>>, %arg18: memref<!tpu.dma_semaphore, #tpu.memory_space<semaphore_mem>>) attributes {dimension_semantics = [#tpu.dimension_semantics<core_parallel>, #tpu.dimension_semantics<subcore_parallel>], iteration_bounds = array<i64: 2, 16>, scalar_prefetch = 0 : i64, scratch_operands = 12 : i64, tpu.core_type = #tpu.core_type<sc_vector_subcore>, window_params = [{transform_indices = #map}, {transform_indices = #map1}, {transform_indices = #map1}, {transform_indices = #map}, {transform_indices = #map1}]} {
    %mul3A = arith.constant 16 : i32
    %mul3A_0 = arith.muli %arg0, %mul3A : i32
    %add3A = arith.addi %mul3A_0, %arg1 : i32
    "tpu.region"() ({
      %run_scoped3A_205 = tpu.sem_alloc : memref<!tpu.dma_semaphore, #tpu.memory_space<semaphore_mem>>
      %dma_start3A_206 = arith.constant 0 : i32
      %dma_start3A_207 = arith.constant 0 : i32
      %dma_start3A_208 = tpu.memref_slice %arg3[%add3A, %dma_start3A_206, %dma_start3A_207] : memref<32x79x128xi32, #tpu.memory_space<hbm>> -> memref<1x79x128xi32, #tpu.memory_space<hbm>>
      %dma_start3A_209 = tpu.memref_squeeze %dma_start3A_208 : memref<1x79x128xi32, #tpu.memory_space<hbm>> -> memref<79x128xi32, #tpu.memory_space<hbm>>
      %dma_start3A_210 = arith.constant 0 : i32
      %dma_start3A_211 = arith.constant 0 : i32
      %dma_start3A_212 = tpu.memref_slice %arg3[%add3A, %dma_start3A_210, %dma_start3A_211] : memref<32x79x128xi32, #tpu.memory_space<hbm>> -> memref<1x79x128xi32, #tpu.memory_space<hbm>>
      %dma_start3A_213 = tpu.memref_squeeze %dma_start3A_212 : memref<1x79x128xi32, #tpu.memory_space<hbm>> -> memref<79x128xi32, #tpu.memory_space<hbm>>
      tpu.enqueue_dma source(%dma_start3A_213 : memref<79x128xi32, #tpu.memory_space<hbm>>) target(%arg7 : memref<79x128xi32, #tpu.memory_space<vmem>>) target_semaphore(%run_scoped3A_205 : memref<!tpu.dma_semaphore, #tpu.memory_space<semaphore_mem>>)
      %dma_wait3A_214 = arith.constant 0 : i32
      %dma_wait3A_215 = arith.constant 0 : i32
      %dma_wait3A_216 = tpu.memref_slice %arg3[%add3A, %dma_wait3A_214, %dma_wait3A_215] : memref<32x79x128xi32, #tpu.memory_space<hbm>> -> memref<1x79x128xi32, #tpu.memory_space<hbm>>
      %dma_wait3A_217 = tpu.memref_squeeze %dma_wait3A_216 : memref<1x79x128xi32, #tpu.memory_space<hbm>> -> memref<79x128xi32, #tpu.memory_space<hbm>>
      %dma_wait3A_218 = arith.constant 0 : i32
      %dma_wait3A_219 = arith.constant 0 : i32
      %dma_wait3A_220 = tpu.memref_slice %arg3[%add3A, %dma_wait3A_218, %dma_wait3A_219] : memref<32x79x128xi32, #tpu.memory_space<hbm>> -> memref<1x79x128xi32, #tpu.memory_space<hbm>>
      %dma_wait3A_221 = tpu.memref_squeeze %dma_wait3A_220 : memref<1x79x128xi32, #tpu.memory_space<hbm>> -> memref<79x128xi32, #tpu.memory_space<hbm>>
      tpu.wait_dma2 semaphore(%run_scoped3A_205 : memref<!tpu.dma_semaphore, #tpu.memory_space<semaphore_mem>>) src(%dma_wait3A_221 : memref<79x128xi32, #tpu.memory_space<hbm>>) dst(%arg7 : memref<79x128xi32, #tpu.memory_space<vmem>>)
      tpu.yield
    }) : () -> ()
    "tpu.region"() ({
      %run_scoped3A_205 = tpu.sem_alloc : memref<!tpu.dma_semaphore, #tpu.memory_space<semaphore_mem>>
      %dma_start3A_206 = arith.constant 0 : i32
      %dma_start3A_207 = arith.constant 0 : i32
      %dma_start3A_208 = tpu.memref_slice %arg4[%add3A, %dma_start3A_206, %dma_start3A_207] : memref<32x79x128xi32, #tpu.memory_space<hbm>> -> memref<1x79x128xi32, #tpu.memory_space<hbm>>
      %dma_start3A_209 = tpu.memref_squeeze %dma_start3A_208 : memref<1x79x128xi32, #tpu.memory_space<hbm>> -> memref<79x128xi32, #tpu.memory_space<hbm>>
      %dma_start3A_210 = arith.constant 0 : i32
      %dma_start3A_211 = arith.constant 0 : i32
      %dma_start3A_212 = tpu.memref_slice %arg4[%add3A, %dma_start3A_210, %dma_start3A_211] : memref<32x79x128xi32, #tpu.memory_space<hbm>> -> memref<1x79x128xi32, #tpu.memory_space<hbm>>
      %dma_start3A_213 = tpu.memref_squeeze %dma_start3A_212 : memref<1x79x128xi32, #tpu.memory_space<hbm>> -> memref<79x128xi32, #tpu.memory_space<hbm>>
      tpu.enqueue_dma source(%dma_start3A_213 : memref<79x128xi32, #tpu.memory_space<hbm>>) target(%arg8 : memref<79x128xi32, #tpu.memory_space<vmem>>) target_semaphore(%run_scoped3A_205 : memref<!tpu.dma_semaphore, #tpu.memory_space<semaphore_mem>>)
      %dma_wait3A_214 = arith.constant 0 : i32
      %dma_wait3A_215 = arith.constant 0 : i32
      %dma_wait3A_216 = tpu.memref_slice %arg4[%add3A, %dma_wait3A_214, %dma_wait3A_215] : memref<32x79x128xi32, #tpu.memory_space<hbm>> -> memref<1x79x128xi32, #tpu.memory_space<hbm>>
      %dma_wait3A_217 = tpu.memref_squeeze %dma_wait3A_216 : memref<1x79x128xi32, #tpu.memory_space<hbm>> -> memref<79x128xi32, #tpu.memory_space<hbm>>
      %dma_wait3A_218 = arith.constant 0 : i32
      %dma_wait3A_219 = arith.constant 0 : i32
      %dma_wait3A_220 = tpu.memref_slice %arg4[%add3A, %dma_wait3A_218, %dma_wait3A_219] : memref<32x79x128xi32, #tpu.memory_space<hbm>> -> memref<1x79x128xi32, #tpu.memory_space<hbm>>
      %dma_wait3A_221 = tpu.memref_squeeze %dma_wait3A_220 : memref<1x79x128xi32, #tpu.memory_space<hbm>> -> memref<79x128xi32, #tpu.memory_space<hbm>>
      tpu.wait_dma2 semaphore(%run_scoped3A_205 : memref<!tpu.dma_semaphore, #tpu.memory_space<semaphore_mem>>) src(%dma_wait3A_221 : memref<79x128xi32, #tpu.memory_space<hbm>>) dst(%arg8 : memref<79x128xi32, #tpu.memory_space<vmem>>)
      tpu.yield
    }) : () -> ()
    %mul3A_1 = arith.constant 632 : i32
    %mul3A_2 = arith.muli %arg1, %mul3A_1 : i32
    %mul3A_3 = arith.constant 632 : i32
    %mul3A_4 = arith.muli %arg1, %mul3A_3 : i32
    "tpu.region"() ({
      %run_scoped3A_205 = tpu.sem_alloc : memref<!tpu.dma_semaphore, #tpu.memory_space<semaphore_mem>>
      %dma_start3A_206 = arith.constant 0 : i32
      %dma_start3A_207 = tpu.memref_slice %arg10[%mul3A_4, %dma_start3A_206] : memref<10112x64xf32, #tpu.memory_space<vmem_shared>> -> memref<632x64xf32, #tpu.memory_space<vmem_shared>>
      %dma_start3A_208 = arith.constant 0 : i32
      %dma_start3A_209 = tpu.memref_slice %arg5[%mul3A_2, %dma_start3A_208] : memref<10112x64xf32, #tpu.memory_space<hbm>> -> memref<632x64xf32, #tpu.memory_space<hbm>>
      tpu.enqueue_dma source(%dma_start3A_209 : memref<632x64xf32, #tpu.memory_space<hbm>>) target(%dma_start3A_207 : memref<632x64xf32, #tpu.memory_space<vmem_shared>>) target_semaphore(%run_scoped3A_205 : memref<!tpu.dma_semaphore, #tpu.memory_space<semaphore_mem>>)
      %dma_wait3A_210 = arith.constant 0 : i32
      %dma_wait3A_211 = tpu.memref_slice %arg10[%mul3A_4, %dma_wait3A_210] : memref<10112x64xf32, #tpu.memory_space<vmem_shared>> -> memref<632x64xf32, #tpu.memory_space<vmem_shared>>
      %dma_wait3A_212 = arith.constant 0 : i32
      %dma_wait3A_213 = tpu.memref_slice %arg5[%mul3A_2, %dma_wait3A_212] : memref<10112x64xf32, #tpu.memory_space<hbm>> -> memref<632x64xf32, #tpu.memory_space<hbm>>
      tpu.wait_dma2 semaphore(%run_scoped3A_205 : memref<!tpu.dma_semaphore, #tpu.memory_space<semaphore_mem>>) src(%dma_wait3A_213 : memref<632x64xf32, #tpu.memory_space<hbm>>) dst(%dma_wait3A_211 : memref<632x64xf32, #tpu.memory_space<vmem_shared>>)
      tpu.yield
    }) : () -> ()
    %barrier3A = arith.constant 0 : index
    tpu.barrier barrier_id(%barrier3A)
    %dma_start3A = arith.constant 0 : i32
    %dma_start3A_5 = arith.constant 0 : i32
    %dma_start3A_6 = arith.constant 0 : i32
    %dma_start3A_7 = arith.constant 0 : i32
    %dma_start3A_8 = tpu.memref_slice %arg9[%dma_start3A_5, %dma_start3A_6, %dma_start3A_7] : memref<8x128x64xf32, #tpu.memory_space<vmem>> -> memref<1x128x64xf32, #tpu.memory_space<vmem>>
    %dma_start3A_9 = tpu.memref_squeeze %dma_start3A_8 : memref<1x128x64xf32, #tpu.memory_space<vmem>> -> memref<128x64xf32, #tpu.memory_space<vmem>>
    %dma_start3A_10 = arith.constant 0 : i32
    %dma_start3A_11 = tpu.memref_slice %arg7[%dma_start3A, %dma_start3A_10] : memref<79x128xi32, #tpu.memory_space<vmem>> -> memref<1x128xi32, #tpu.memory_space<vmem>>
    %dma_start3A_12 = tpu.memref_squeeze %dma_start3A_11 : memref<1x128xi32, #tpu.memory_space<vmem>> -> memref<128xi32, #tpu.memory_space<vmem>>
    %dma_start3A_13 = arith.constant 0 : i32
    %dma_start3A_14 = arith.constant 0 : i32
    %dma_start3A_15 = tpu.memref_slice %arg2[%dma_start3A_13, %dma_start3A_14] : memref<10000x64xf32, #tpu.memory_space<hbm>> -> memref<10000x64xf32, #tpu.memory_space<hbm>>
    tpu.enqueue_indirect_dma source(%dma_start3A_15 : memref<10000x64xf32, #tpu.memory_space<hbm>>) target(%dma_start3A_9 : memref<128x64xf32, #tpu.memory_space<vmem>>) offsets(%dma_start3A_12 : memref<128xi32, #tpu.memory_space<vmem>>) semaphore(%arg11 : memref<!tpu.dma_semaphore, #tpu.memory_space<semaphore_mem>>)
    %dma_start3A_16 = arith.constant 1 : i32
    %dma_start3A_17 = arith.constant 1 : i32
    %dma_start3A_18 = arith.constant 0 : i32
    %dma_start3A_19 = arith.constant 0 : i32
    %dma_start3A_20 = tpu.memref_slice %arg9[%dma_start3A_17, %dma_start3A_18, %dma_start3A_19] : memref<8x128x64xf32, #tpu.memory_space<vmem>> -> memref<1x128x64xf32, #tpu.memory_space<vmem>>
    %dma_start3A_21 = tpu.memref_squeeze %dma_start3A_20 : memref<1x128x64xf32, #tpu.memory_space<vmem>> -> memref<128x64xf32, #tpu.memory_space<vmem>>
    %dma_start3A_22 = arith.constant 0 : i32
    %dma_start3A_23 = tpu.memref_slice %arg7[%dma_start3A_16, %dma_start3A_22] : memref<79x128xi32, #tpu.memory_space<vmem>> -> memref<1x128xi32, #tpu.memory_space<vmem>>
    %dma_start3A_24 = tpu.memref_squeeze %dma_start3A_23 : memref<1x128xi32, #tpu.memory_space<vmem>> -> memref<128xi32, #tpu.memory_space<vmem>>
    %dma_start3A_25 = arith.constant 0 : i32
    %dma_start3A_26 = arith.constant 0 : i32
    %dma_start3A_27 = tpu.memref_slice %arg2[%dma_start3A_25, %dma_start3A_26] : memref<10000x64xf32, #tpu.memory_space<hbm>> -> memref<10000x64xf32, #tpu.memory_space<hbm>>
    tpu.enqueue_indirect_dma source(%dma_start3A_27 : memref<10000x64xf32, #tpu.memory_space<hbm>>) target(%dma_start3A_21 : memref<128x64xf32, #tpu.memory_space<vmem>>) offsets(%dma_start3A_24 : memref<128xi32, #tpu.memory_space<vmem>>) semaphore(%arg12 : memref<!tpu.dma_semaphore, #tpu.memory_space<semaphore_mem>>)
    %dma_start3A_28 = arith.constant 2 : i32
    %dma_start3A_29 = arith.constant 2 : i32
    %dma_start3A_30 = arith.constant 0 : i32
    %dma_start3A_31 = arith.constant 0 : i32
    %dma_start3A_32 = tpu.memref_slice %arg9[%dma_start3A_29, %dma_start3A_30, %dma_start3A_31] : memref<8x128x64xf32, #tpu.memory_space<vmem>> -> memref<1x128x64xf32, #tpu.memory_space<vmem>>
    %dma_start3A_33 = tpu.memref_squeeze %dma_start3A_32 : memref<1x128x64xf32, #tpu.memory_space<vmem>> -> memref<128x64xf32, #tpu.memory_space<vmem>>
    %dma_start3A_34 = arith.constant 0 : i32
    %dma_start3A_35 = tpu.memref_slice %arg7[%dma_start3A_28, %dma_start3A_34] : memref<79x128xi32, #tpu.memory_space<vmem>> -> memref<1x128xi32, #tpu.memory_space<vmem>>
    %dma_start3A_36 = tpu.memref_squeeze %dma_start3A_35 : memref<1x128xi32, #tpu.memory_space<vmem>> -> memref<128xi32, #tpu.memory_space<vmem>>
    %dma_start3A_37 = arith.constant 0 : i32
    %dma_start3A_38 = arith.constant 0 : i32
    %dma_start3A_39 = tpu.memref_slice %arg2[%dma_start3A_37, %dma_start3A_38] : memref<10000x64xf32, #tpu.memory_space<hbm>> -> memref<10000x64xf32, #tpu.memory_space<hbm>>
    tpu.enqueue_indirect_dma source(%dma_start3A_39 : memref<10000x64xf32, #tpu.memory_space<hbm>>) target(%dma_start3A_33 : memref<128x64xf32, #tpu.memory_space<vmem>>) offsets(%dma_start3A_36 : memref<128xi32, #tpu.memory_space<vmem>>) semaphore(%arg13 : memref<!tpu.dma_semaphore, #tpu.memory_space<semaphore_mem>>)
    %dma_start3A_40 = arith.constant 3 : i32
    %dma_start3A_41 = arith.constant 3 : i32
    %dma_start3A_42 = arith.constant 0 : i32
    %dma_start3A_43 = arith.constant 0 : i32
    %dma_start3A_44 = tpu.memref_slice %arg9[%dma_start3A_41, %dma_start3A_42, %dma_start3A_43] : memref<8x128x64xf32, #tpu.memory_space<vmem>> -> memref<1x128x64xf32, #tpu.memory_space<vmem>>
    %dma_start3A_45 = tpu.memref_squeeze %dma_start3A_44 : memref<1x128x64xf32, #tpu.memory_space<vmem>> -> memref<128x64xf32, #tpu.memory_space<vmem>>
    %dma_start3A_46 = arith.constant 0 : i32
    %dma_start3A_47 = tpu.memref_slice %arg7[%dma_start3A_40, %dma_start3A_46] : memref<79x128xi32, #tpu.memory_space<vmem>> -> memref<1x128xi32, #tpu.memory_space<vmem>>
    %dma_start3A_48 = tpu.memref_squeeze %dma_start3A_47 : memref<1x128xi32, #tpu.memory_space<vmem>> -> memref<128xi32, #tpu.memory_space<vmem>>
    %dma_start3A_49 = arith.constant 0 : i32
    %dma_start3A_50 = arith.constant 0 : i32
    %dma_start3A_51 = tpu.memref_slice %arg2[%dma_start3A_49, %dma_start3A_50] : memref<10000x64xf32, #tpu.memory_space<hbm>> -> memref<10000x64xf32, #tpu.memory_space<hbm>>
    tpu.enqueue_indirect_dma source(%dma_start3A_51 : memref<10000x64xf32, #tpu.memory_space<hbm>>) target(%dma_start3A_45 : memref<128x64xf32, #tpu.memory_space<vmem>>) offsets(%dma_start3A_48 : memref<128xi32, #tpu.memory_space<vmem>>) semaphore(%arg14 : memref<!tpu.dma_semaphore, #tpu.memory_space<semaphore_mem>>)
    %dma_start3A_52 = arith.constant 4 : i32
    %dma_start3A_53 = arith.constant 4 : i32
    %dma_start3A_54 = arith.constant 0 : i32
    %dma_start3A_55 = arith.constant 0 : i32
    %dma_start3A_56 = tpu.memref_slice %arg9[%dma_start3A_53, %dma_start3A_54, %dma_start3A_55] : memref<8x128x64xf32, #tpu.memory_space<vmem>> -> memref<1x128x64xf32, #tpu.memory_space<vmem>>
    %dma_start3A_57 = tpu.memref_squeeze %dma_start3A_56 : memref<1x128x64xf32, #tpu.memory_space<vmem>> -> memref<128x64xf32, #tpu.memory_space<vmem>>
    %dma_start3A_58 = arith.constant 0 : i32
    %dma_start3A_59 = tpu.memref_slice %arg7[%dma_start3A_52, %dma_start3A_58] : memref<79x128xi32, #tpu.memory_space<vmem>> -> memref<1x128xi32, #tpu.memory_space<vmem>>
    %dma_start3A_60 = tpu.memref_squeeze %dma_start3A_59 : memref<1x128xi32, #tpu.memory_space<vmem>> -> memref<128xi32, #tpu.memory_space<vmem>>
    %dma_start3A_61 = arith.constant 0 : i32
    %dma_start3A_62 = arith.constant 0 : i32
    %dma_start3A_63 = tpu.memref_slice %arg2[%dma_start3A_61, %dma_start3A_62] : memref<10000x64xf32, #tpu.memory_space<hbm>> -> memref<10000x64xf32, #tpu.memory_space<hbm>>
    tpu.enqueue_indirect_dma source(%dma_start3A_63 : memref<10000x64xf32, #tpu.memory_space<hbm>>) target(%dma_start3A_57 : memref<128x64xf32, #tpu.memory_space<vmem>>) offsets(%dma_start3A_60 : memref<128xi32, #tpu.memory_space<vmem>>) semaphore(%arg15 : memref<!tpu.dma_semaphore, #tpu.memory_space<semaphore_mem>>)
    %dma_start3A_64 = arith.constant 5 : i32
    %dma_start3A_65 = arith.constant 5 : i32
    %dma_start3A_66 = arith.constant 0 : i32
    %dma_start3A_67 = arith.constant 0 : i32
    %dma_start3A_68 = tpu.memref_slice %arg9[%dma_start3A_65, %dma_start3A_66, %dma_start3A_67] : memref<8x128x64xf32, #tpu.memory_space<vmem>> -> memref<1x128x64xf32, #tpu.memory_space<vmem>>
    %dma_start3A_69 = tpu.memref_squeeze %dma_start3A_68 : memref<1x128x64xf32, #tpu.memory_space<vmem>> -> memref<128x64xf32, #tpu.memory_space<vmem>>
    %dma_start3A_70 = arith.constant 0 : i32
    %dma_start3A_71 = tpu.memref_slice %arg7[%dma_start3A_64, %dma_start3A_70] : memref<79x128xi32, #tpu.memory_space<vmem>> -> memref<1x128xi32, #tpu.memory_space<vmem>>
    %dma_start3A_72 = tpu.memref_squeeze %dma_start3A_71 : memref<1x128xi32, #tpu.memory_space<vmem>> -> memref<128xi32, #tpu.memory_space<vmem>>
    %dma_start3A_73 = arith.constant 0 : i32
    %dma_start3A_74 = arith.constant 0 : i32
    %dma_start3A_75 = tpu.memref_slice %arg2[%dma_start3A_73, %dma_start3A_74] : memref<10000x64xf32, #tpu.memory_space<hbm>> -> memref<10000x64xf32, #tpu.memory_space<hbm>>
    tpu.enqueue_indirect_dma source(%dma_start3A_75 : memref<10000x64xf32, #tpu.memory_space<hbm>>) target(%dma_start3A_69 : memref<128x64xf32, #tpu.memory_space<vmem>>) offsets(%dma_start3A_72 : memref<128xi32, #tpu.memory_space<vmem>>) semaphore(%arg16 : memref<!tpu.dma_semaphore, #tpu.memory_space<semaphore_mem>>)
    %dma_start3A_76 = arith.constant 6 : i32
    %dma_start3A_77 = arith.constant 6 : i32
    %dma_start3A_78 = arith.constant 0 : i32
    %dma_start3A_79 = arith.constant 0 : i32
    %dma_start3A_80 = tpu.memref_slice %arg9[%dma_start3A_77, %dma_start3A_78, %dma_start3A_79] : memref<8x128x64xf32, #tpu.memory_space<vmem>> -> memref<1x128x64xf32, #tpu.memory_space<vmem>>
    %dma_start3A_81 = tpu.memref_squeeze %dma_start3A_80 : memref<1x128x64xf32, #tpu.memory_space<vmem>> -> memref<128x64xf32, #tpu.memory_space<vmem>>
    %dma_start3A_82 = arith.constant 0 : i32
    %dma_start3A_83 = tpu.memref_slice %arg7[%dma_start3A_76, %dma_start3A_82] : memref<79x128xi32, #tpu.memory_space<vmem>> -> memref<1x128xi32, #tpu.memory_space<vmem>>
    %dma_start3A_84 = tpu.memref_squeeze %dma_start3A_83 : memref<1x128xi32, #tpu.memory_space<vmem>> -> memref<128xi32, #tpu.memory_space<vmem>>
    %dma_start3A_85 = arith.constant 0 : i32
    %dma_start3A_86 = arith.constant 0 : i32
    %dma_start3A_87 = tpu.memref_slice %arg2[%dma_start3A_85, %dma_start3A_86] : memref<10000x64xf32, #tpu.memory_space<hbm>> -> memref<10000x64xf32, #tpu.memory_space<hbm>>
    tpu.enqueue_indirect_dma source(%dma_start3A_87 : memref<10000x64xf32, #tpu.memory_space<hbm>>) target(%dma_start3A_81 : memref<128x64xf32, #tpu.memory_space<vmem>>) offsets(%dma_start3A_84 : memref<128xi32, #tpu.memory_space<vmem>>) semaphore(%arg17 : memref<!tpu.dma_semaphore, #tpu.memory_space<semaphore_mem>>)
    %dma_start3A_88 = arith.constant 7 : i32
    %dma_start3A_89 = arith.constant 7 : i32
    %dma_start3A_90 = arith.constant 0 : i32
    %dma_start3A_91 = arith.constant 0 : i32
    %dma_start3A_92 = tpu.memref_slice %arg9[%dma_start3A_89, %dma_start3A_90, %dma_start3A_91] : memref<8x128x64xf32, #tpu.memory_space<vmem>> -> memref<1x128x64xf32, #tpu.memory_space<vmem>>
    %dma_start3A_93 = tpu.memref_squeeze %dma_start3A_92 : memref<1x128x64xf32, #tpu.memory_space<vmem>> -> memref<128x64xf32, #tpu.memory_space<vmem>>
    %dma_start3A_94 = arith.constant 0 : i32
    %dma_start3A_95 = tpu.memref_slice %arg7[%dma_start3A_88, %dma_start3A_94] : memref<79x128xi32, #tpu.memory_space<vmem>> -> memref<1x128xi32, #tpu.memory_space<vmem>>
    %dma_start3A_96 = tpu.memref_squeeze %dma_start3A_95 : memref<1x128xi32, #tpu.memory_space<vmem>> -> memref<128xi32, #tpu.memory_space<vmem>>
    %dma_start3A_97 = arith.constant 0 : i32
    %dma_start3A_98 = arith.constant 0 : i32
    %dma_start3A_99 = tpu.memref_slice %arg2[%dma_start3A_97, %dma_start3A_98] : memref<10000x64xf32, #tpu.memory_space<hbm>> -> memref<10000x64xf32, #tpu.memory_space<hbm>>
    tpu.enqueue_indirect_dma source(%dma_start3A_99 : memref<10000x64xf32, #tpu.memory_space<hbm>>) target(%dma_start3A_93 : memref<128x64xf32, #tpu.memory_space<vmem>>) offsets(%dma_start3A_96 : memref<128xi32, #tpu.memory_space<vmem>>) semaphore(%arg18 : memref<!tpu.dma_semaphore, #tpu.memory_space<semaphore_mem>>)
    %scan3A = arith.constant 0 : i32
    %scan3A_100 = arith.constant 9 : i32
    %scan3A_101 = arith.addi %scan3A, %scan3A_100 : i32
    %scan3A_102 = arith.constant 1 : i32
    scf.for %scan3A_205 = %scan3A to %scan3A_101 step %scan3A_102  : i32 {
      %mul3A_206 = arith.constant 8 : i32
      %mul3A_207 = arith.muli %scan3A_205, %mul3A_206 : i32
      %add3A_208 = arith.constant 0 : i32
      %add3A_209 = arith.addi %add3A_208, %mul3A_207 : i32
      %add3A_210 = arith.constant 0 : i32
      %add3A_211 = arith.addi %add3A_209, %add3A_210 : i32
      %dma_wait3A_212 = arith.constant 0 : i32
      %dma_wait3A_213 = arith.constant 0 : i32
      %dma_wait3A_214 = arith.constant 0 : i32
      %dma_wait3A_215 = tpu.memref_slice %arg9[%dma_wait3A_212, %dma_wait3A_213, %dma_wait3A_214] : memref<8x128x64xf32, #tpu.memory_space<vmem>> -> memref<1x128x64xf32, #tpu.memory_space<vmem>>
      %dma_wait3A_216 = tpu.memref_squeeze %dma_wait3A_215 : memref<1x128x64xf32, #tpu.memory_space<vmem>> -> memref<128x64xf32, #tpu.memory_space<vmem>>
      %dma_wait3A_217 = arith.constant 0 : i32
      %dma_wait3A_218 = tpu.memref_slice %arg7[%add3A_211, %dma_wait3A_217] : memref<79x128xi32, #tpu.memory_space<vmem>> -> memref<1x128xi32, #tpu.memory_space<vmem>>
      %dma_wait3A_219 = tpu.memref_squeeze %dma_wait3A_218 : memref<1x128xi32, #tpu.memory_space<vmem>> -> memref<128xi32, #tpu.memory_space<vmem>>
      %dma_wait3A_220 = arith.constant 0 : i32
      %dma_wait3A_221 = arith.constant 0 : i32
      %dma_wait3A_222 = tpu.memref_slice %arg2[%dma_wait3A_220, %dma_wait3A_221] : memref<10000x64xf32, #tpu.memory_space<hbm>> -> memref<10000x64xf32, #tpu.memory_space<hbm>>
      tpu.wait_indirect_dma semaphore(%arg11 : memref<!tpu.dma_semaphore, #tpu.memory_space<semaphore_mem>>) src(%dma_wait3A_222 : memref<10000x64xf32, #tpu.memory_space<hbm>>) dst(%dma_wait3A_216 : memref<128x64xf32, #tpu.memory_space<vmem>>)
      %run_scoped3A_223 = arith.constant 0 : i32
      "tpu.region"() ({
        %run_scoped3A_375 = tpu.sem_alloc : memref<!tpu.dma_semaphore, #tpu.memory_space<semaphore_mem>>
        %dma_start3A_376 = arith.constant 0 : i32
        %dma_start3A_377 = arith.constant 0 : i32
        %dma_start3A_378 = tpu.memref_slice %arg9[%run_scoped3A_223, %dma_start3A_376, %dma_start3A_377] : memref<8x128x64xf32, #tpu.memory_space<vmem>> -> memref<1x128x64xf32, #tpu.memory_space<vmem>>
        %dma_start3A_379 = tpu.memref_squeeze %dma_start3A_378 : memref<1x128x64xf32, #tpu.memory_space<vmem>> -> memref<128x64xf32, #tpu.memory_space<vmem>>
        %dma_start3A_380 = arith.constant 0 : i32
        %dma_start3A_381 = tpu.memref_slice %arg8[%add3A_211, %dma_start3A_380] : memref<79x128xi32, #tpu.memory_space<vmem>> -> memref<1x128xi32, #tpu.memory_space<vmem>>
        %dma_start3A_382 = tpu.memref_squeeze %dma_start3A_381 : memref<1x128xi32, #tpu.memory_space<vmem>> -> memref<128xi32, #tpu.memory_space<vmem>>
        %dma_start3A_383 = arith.constant 0 : i32
        %dma_start3A_384 = arith.constant 0 : i32
        %dma_start3A_385 = tpu.memref_slice %arg10[%dma_start3A_383, %dma_start3A_384] : memref<10112x64xf32, #tpu.memory_space<vmem_shared>> -> memref<10112x64xf32, #tpu.memory_space<vmem_shared>>
        tpu.enqueue_indirect_dma source(%dma_start3A_379 : memref<128x64xf32, #tpu.memory_space<vmem>>) target(%dma_start3A_385 : memref<10112x64xf32, #tpu.memory_space<vmem_shared>>) offsets(%dma_start3A_382 : memref<128xi32, #tpu.memory_space<vmem>>) semaphore(%run_scoped3A_375 : memref<!tpu.dma_semaphore, #tpu.memory_space<semaphore_mem>>) {add = true}
        %dma_wait3A_386 = arith.constant 0 : i32
        %dma_wait3A_387 = arith.constant 0 : i32
        %dma_wait3A_388 = tpu.memref_slice %arg9[%run_scoped3A_223, %dma_wait3A_386, %dma_wait3A_387] : memref<8x128x64xf32, #tpu.memory_space<vmem>> -> memref<1x128x64xf32, #tpu.memory_space<vmem>>
        %dma_wait3A_389 = tpu.memref_squeeze %dma_wait3A_388 : memref<1x128x64xf32, #tpu.memory_space<vmem>> -> memref<128x64xf32, #tpu.memory_space<vmem>>
        %dma_wait3A_390 = arith.constant 0 : i32
        %dma_wait3A_391 = tpu.memref_slice %arg8[%add3A_211, %dma_wait3A_390] : memref<79x128xi32, #tpu.memory_space<vmem>> -> memref<1x128xi32, #tpu.memory_space<vmem>>
        %dma_wait3A_392 = tpu.memref_squeeze %dma_wait3A_391 : memref<1x128xi32, #tpu.memory_space<vmem>> -> memref<128xi32, #tpu.memory_space<vmem>>
        %dma_wait3A_393 = arith.constant 0 : i32
        %dma_wait3A_394 = arith.constant 0 : i32
        %dma_wait3A_395 = tpu.memref_slice %arg10[%dma_wait3A_393, %dma_wait3A_394] : memref<10112x64xf32, #tpu.memory_space<vmem_shared>> -> memref<10112x64xf32, #tpu.memory_space<vmem_shared>>
        tpu.wait_indirect_dma semaphore(%run_scoped3A_375 : memref<!tpu.dma_semaphore, #tpu.memory_space<semaphore_mem>>) src(%dma_wait3A_389 : memref<128x64xf32, #tpu.memory_space<vmem>>) dst(%dma_wait3A_395 : memref<10112x64xf32, #tpu.memory_space<vmem_shared>>)
        tpu.yield
      }) : () -> ()
      %add3A_224 = arith.constant 8 : i32
      %add3A_225 = arith.addi %add3A_211, %add3A_224 : i32
      %lt3A = arith.constant 79 : i32
      %lt3A_226 = arith.cmpi slt, %add3A_225, %lt3A : i32
      %convert_element_type3A = arith.extui %lt3A_226 : i1 to i32
      %cond3A = arith.constant 0 : i32
      %cond3A_227 = arith.cmpi ne, %convert_element_type3A, %cond3A : i32
      scf.if %cond3A_227 {
        %add3A_375 = arith.constant 8 : i32
        %add3A_376 = arith.addi %add3A_211, %add3A_375 : i32
        %dma_start3A_377 = arith.constant 0 : i32
        %dma_start3A_378 = arith.constant 0 : i32
        %dma_start3A_379 = arith.constant 0 : i32
        %dma_start3A_380 = tpu.memref_slice %arg9[%dma_start3A_377, %dma_start3A_378, %dma_start3A_379] : memref<8x128x64xf32, #tpu.memory_space<vmem>> -> memref<1x128x64xf32, #tpu.memory_space<vmem>>
        %dma_start3A_381 = tpu.memref_squeeze %dma_start3A_380 : memref<1x128x64xf32, #tpu.memory_space<vmem>> -> memref<128x64xf32, #tpu.memory_space<vmem>>
        %dma_start3A_382 = arith.constant 0 : i32
        %dma_start3A_383 = tpu.memref_slice %arg7[%add3A_376, %dma_start3A_382] : memref<79x128xi32, #tpu.memory_space<vmem>> -> memref<1x128xi32, #tpu.memory_space<vmem>>
        %dma_start3A_384 = tpu.memref_squeeze %dma_start3A_383 : memref<1x128xi32, #tpu.memory_space<vmem>> -> memref<128xi32, #tpu.memory_space<vmem>>
        %dma_start3A_385 = arith.constant 0 : i32
        %dma_start3A_386 = arith.constant 0 : i32
        %dma_start3A_387 = tpu.memref_slice %arg2[%dma_start3A_385, %dma_start3A_386] : memref<10000x64xf32, #tpu.memory_space<hbm>> -> memref<10000x64xf32, #tpu.memory_space<hbm>>
        tpu.enqueue_indirect_dma source(%dma_start3A_387 : memref<10000x64xf32, #tpu.memory_space<hbm>>) target(%dma_start3A_381 : memref<128x64xf32, #tpu.memory_space<vmem>>) offsets(%dma_start3A_384 : memref<128xi32, #tpu.memory_space<vmem>>) semaphore(%arg11 : memref<!tpu.dma_semaphore, #tpu.memory_space<semaphore_mem>>)
      } else {
      }
      %add3A_228 = arith.constant 1 : i32
      %add3A_229 = arith.addi %add3A_209, %add3A_228 : i32
      %dma_wait3A_230 = arith.constant 1 : i32
      %dma_wait3A_231 = arith.constant 0 : i32
      %dma_wait3A_232 = arith.constant 0 : i32
      %dma_wait3A_233 = tpu.memref_slice %arg9[%dma_wait3A_230, %dma_wait3A_231, %dma_wait3A_232] : memref<8x128x64xf32, #tpu.memory_space<vmem>> -> memref<1x128x64xf32, #tpu.memory_space<vmem>>
      %dma_wait3A_234 = tpu.memref_squeeze %dma_wait3A_233 : memref<1x128x64xf32, #tpu.memory_space<vmem>> -> memref<128x64xf32, #tpu.memory_space<vmem>>
      %dma_wait3A_235 = arith.constant 0 : i32
      %dma_wait3A_236 = tpu.memref_slice %arg7[%add3A_229, %dma_wait3A_235] : memref<79x128xi32, #tpu.memory_space<vmem>> -> memref<1x128xi32, #tpu.memory_space<vmem>>
      %dma_wait3A_237 = tpu.memref_squeeze %dma_wait3A_236 : memref<1x128xi32, #tpu.memory_space<vmem>> -> memref<128xi32, #tpu.memory_space<vmem>>
      %dma_wait3A_238 = arith.constant 0 : i32
      %dma_wait3A_239 = arith.constant 0 : i32
      %dma_wait3A_240 = tpu.memref_slice %arg2[%dma_wait3A_238, %dma_wait3A_239] : memref<10000x64xf32, #tpu.memory_space<hbm>> -> memref<10000x64xf32, #tpu.memory_space<hbm>>
      tpu.wait_indirect_dma semaphore(%arg12 : memref<!tpu.dma_semaphore, #tpu.memory_space<semaphore_mem>>) src(%dma_wait3A_240 : memref<10000x64xf32, #tpu.memory_space<hbm>>) dst(%dma_wait3A_234 : memref<128x64xf32, #tpu.memory_space<vmem>>)
      %run_scoped3A_241 = arith.constant 1 : i32
      "tpu.region"() ({
        %run_scoped3A_375 = tpu.sem_alloc : memref<!tpu.dma_semaphore, #tpu.memory_space<semaphore_mem>>
        %dma_start3A_376 = arith.constant 0 : i32
        %dma_start3A_377 = arith.constant 0 : i32
        %dma_start3A_378 = tpu.memref_slice %arg9[%run_scoped3A_241, %dma_start3A_376, %dma_start3A_377] : memref<8x128x64xf32, #tpu.memory_space<vmem>> -> memref<1x128x64xf32, #tpu.memory_space<vmem>>
        %dma_start3A_379 = tpu.memref_squeeze %dma_start3A_378 : memref<1x128x64xf32, #tpu.memory_space<vmem>> -> memref<128x64xf32, #tpu.memory_space<vmem>>
        %dma_start3A_380 = arith.constant 0 : i32
        %dma_start3A_381 = tpu.memref_slice %arg8[%add3A_229, %dma_start3A_380] : memref<79x128xi32, #tpu.memory_space<vmem>> -> memref<1x128xi32, #tpu.memory_space<vmem>>
        %dma_start3A_382 = tpu.memref_squeeze %dma_start3A_381 : memref<1x128xi32, #tpu.memory_space<vmem>> -> memref<128xi32, #tpu.memory_space<vmem>>
        %dma_start3A_383 = arith.constant 0 : i32
        %dma_start3A_384 = arith.constant 0 : i32
        %dma_start3A_385 = tpu.memref_slice %arg10[%dma_start3A_383, %dma_start3A_384] : memref<10112x64xf32, #tpu.memory_space<vmem_shared>> -> memref<10112x64xf32, #tpu.memory_space<vmem_shared>>
        tpu.enqueue_indirect_dma source(%dma_start3A_379 : memref<128x64xf32, #tpu.memory_space<vmem>>) target(%dma_start3A_385 : memref<10112x64xf32, #tpu.memory_space<vmem_shared>>) offsets(%dma_start3A_382 : memref<128xi32, #tpu.memory_space<vmem>>) semaphore(%run_scoped3A_375 : memref<!tpu.dma_semaphore, #tpu.memory_space<semaphore_mem>>) {add = true}
        %dma_wait3A_386 = arith.constant 0 : i32
        %dma_wait3A_387 = arith.constant 0 : i32
        %dma_wait3A_388 = tpu.memref_slice %arg9[%run_scoped3A_241, %dma_wait3A_386, %dma_wait3A_387] : memref<8x128x64xf32, #tpu.memory_space<vmem>> -> memref<1x128x64xf32, #tpu.memory_space<vmem>>
        %dma_wait3A_389 = tpu.memref_squeeze %dma_wait3A_388 : memref<1x128x64xf32, #tpu.memory_space<vmem>> -> memref<128x64xf32, #tpu.memory_space<vmem>>
        %dma_wait3A_390 = arith.constant 0 : i32
        %dma_wait3A_391 = tpu.memref_slice %arg8[%add3A_229, %dma_wait3A_390] : memref<79x128xi32, #tpu.memory_space<vmem>> -> memref<1x128xi32, #tpu.memory_space<vmem>>
        %dma_wait3A_392 = tpu.memref_squeeze %dma_wait3A_391 : memref<1x128xi32, #tpu.memory_space<vmem>> -> memref<128xi32, #tpu.memory_space<vmem>>
        %dma_wait3A_393 = arith.constant 0 : i32
        %dma_wait3A_394 = arith.constant 0 : i32
        %dma_wait3A_395 = tpu.memref_slice %arg10[%dma_wait3A_393, %dma_wait3A_394] : memref<10112x64xf32, #tpu.memory_space<vmem_shared>> -> memref<10112x64xf32, #tpu.memory_space<vmem_shared>>
        tpu.wait_indirect_dma semaphore(%run_scoped3A_375 : memref<!tpu.dma_semaphore, #tpu.memory_space<semaphore_mem>>) src(%dma_wait3A_389 : memref<128x64xf32, #tpu.memory_space<vmem>>) dst(%dma_wait3A_395 : memref<10112x64xf32, #tpu.memory_space<vmem_shared>>)
        tpu.yield
      }) : () -> ()
      %add3A_242 = arith.constant 8 : i32
      %add3A_243 = arith.addi %add3A_229, %add3A_242 : i32
      %lt3A_244 = arith.constant 79 : i32
      %lt3A_245 = arith.cmpi slt, %add3A_243, %lt3A_244 : i32
      %convert_element_type3A_246 = arith.extui %lt3A_245 : i1 to i32
      %cond3A_247 = arith.constant 0 : i32
      %cond3A_248 = arith.cmpi ne, %convert_element_type3A_246, %cond3A_247 : i32
      scf.if %cond3A_248 {
        %add3A_375 = arith.constant 8 : i32
        %add3A_376 = arith.addi %add3A_229, %add3A_375 : i32
        %dma_start3A_377 = arith.constant 1 : i32
        %dma_start3A_378 = arith.constant 0 : i32
        %dma_start3A_379 = arith.constant 0 : i32
        %dma_start3A_380 = tpu.memref_slice %arg9[%dma_start3A_377, %dma_start3A_378, %dma_start3A_379] : memref<8x128x64xf32, #tpu.memory_space<vmem>> -> memref<1x128x64xf32, #tpu.memory_space<vmem>>
        %dma_start3A_381 = tpu.memref_squeeze %dma_start3A_380 : memref<1x128x64xf32, #tpu.memory_space<vmem>> -> memref<128x64xf32, #tpu.memory_space<vmem>>
        %dma_start3A_382 = arith.constant 0 : i32
        %dma_start3A_383 = tpu.memref_slice %arg7[%add3A_376, %dma_start3A_382] : memref<79x128xi32, #tpu.memory_space<vmem>> -> memref<1x128xi32, #tpu.memory_space<vmem>>
        %dma_start3A_384 = tpu.memref_squeeze %dma_start3A_383 : memref<1x128xi32, #tpu.memory_space<vmem>> -> memref<128xi32, #tpu.memory_space<vmem>>
        %dma_start3A_385 = arith.constant 0 : i32
        %dma_start3A_386 = arith.constant 0 : i32
        %dma_start3A_387 = tpu.memref_slice %arg2[%dma_start3A_385, %dma_start3A_386] : memref<10000x64xf32, #tpu.memory_space<hbm>> -> memref<10000x64xf32, #tpu.memory_space<hbm>>
        tpu.enqueue_indirect_dma source(%dma_start3A_387 : memref<10000x64xf32, #tpu.memory_space<hbm>>) target(%dma_start3A_381 : memref<128x64xf32, #tpu.memory_space<vmem>>) offsets(%dma_start3A_384 : memref<128xi32, #tpu.memory_space<vmem>>) semaphore(%arg12 : memref<!tpu.dma_semaphore, #tpu.memory_space<semaphore_mem>>)
      } else {
      }
      %add3A_249 = arith.constant 2 : i32
      %add3A_250 = arith.addi %add3A_209, %add3A_249 : i32
      %dma_wait3A_251 = arith.constant 2 : i32
      %dma_wait3A_252 = arith.constant 0 : i32
      %dma_wait3A_253 = arith.constant 0 : i32
      %dma_wait3A_254 = tpu.memref_slice %arg9[%dma_wait3A_251, %dma_wait3A_252, %dma_wait3A_253] : memref<8x128x64xf32, #tpu.memory_space<vmem>> -> memref<1x128x64xf32, #tpu.memory_space<vmem>>
      %dma_wait3A_255 = tpu.memref_squeeze %dma_wait3A_254 : memref<1x128x64xf32, #tpu.memory_space<vmem>> -> memref<128x64xf32, #tpu.memory_space<vmem>>
      %dma_wait3A_256 = arith.constant 0 : i32
      %dma_wait3A_257 = tpu.memref_slice %arg7[%add3A_250, %dma_wait3A_256] : memref<79x128xi32, #tpu.memory_space<vmem>> -> memref<1x128xi32, #tpu.memory_space<vmem>>
      %dma_wait3A_258 = tpu.memref_squeeze %dma_wait3A_257 : memref<1x128xi32, #tpu.memory_space<vmem>> -> memref<128xi32, #tpu.memory_space<vmem>>
      %dma_wait3A_259 = arith.constant 0 : i32
      %dma_wait3A_260 = arith.constant 0 : i32
      %dma_wait3A_261 = tpu.memref_slice %arg2[%dma_wait3A_259, %dma_wait3A_260] : memref<10000x64xf32, #tpu.memory_space<hbm>> -> memref<10000x64xf32, #tpu.memory_space<hbm>>
      tpu.wait_indirect_dma semaphore(%arg13 : memref<!tpu.dma_semaphore, #tpu.memory_space<semaphore_mem>>) src(%dma_wait3A_261 : memref<10000x64xf32, #tpu.memory_space<hbm>>) dst(%dma_wait3A_255 : memref<128x64xf32, #tpu.memory_space<vmem>>)
      %run_scoped3A_262 = arith.constant 2 : i32
      "tpu.region"() ({
        %run_scoped3A_375 = tpu.sem_alloc : memref<!tpu.dma_semaphore, #tpu.memory_space<semaphore_mem>>
        %dma_start3A_376 = arith.constant 0 : i32
        %dma_start3A_377 = arith.constant 0 : i32
        %dma_start3A_378 = tpu.memref_slice %arg9[%run_scoped3A_262, %dma_start3A_376, %dma_start3A_377] : memref<8x128x64xf32, #tpu.memory_space<vmem>> -> memref<1x128x64xf32, #tpu.memory_space<vmem>>
        %dma_start3A_379 = tpu.memref_squeeze %dma_start3A_378 : memref<1x128x64xf32, #tpu.memory_space<vmem>> -> memref<128x64xf32, #tpu.memory_space<vmem>>
        %dma_start3A_380 = arith.constant 0 : i32
        %dma_start3A_381 = tpu.memref_slice %arg8[%add3A_250, %dma_start3A_380] : memref<79x128xi32, #tpu.memory_space<vmem>> -> memref<1x128xi32, #tpu.memory_space<vmem>>
        %dma_start3A_382 = tpu.memref_squeeze %dma_start3A_381 : memref<1x128xi32, #tpu.memory_space<vmem>> -> memref<128xi32, #tpu.memory_space<vmem>>
        %dma_start3A_383 = arith.constant 0 : i32
        %dma_start3A_384 = arith.constant 0 : i32
        %dma_start3A_385 = tpu.memref_slice %arg10[%dma_start3A_383, %dma_start3A_384] : memref<10112x64xf32, #tpu.memory_space<vmem_shared>> -> memref<10112x64xf32, #tpu.memory_space<vmem_shared>>
        tpu.enqueue_indirect_dma source(%dma_start3A_379 : memref<128x64xf32, #tpu.memory_space<vmem>>) target(%dma_start3A_385 : memref<10112x64xf32, #tpu.memory_space<vmem_shared>>) offsets(%dma_start3A_382 : memref<128xi32, #tpu.memory_space<vmem>>) semaphore(%run_scoped3A_375 : memref<!tpu.dma_semaphore, #tpu.memory_space<semaphore_mem>>) {add = true}
        %dma_wait3A_386 = arith.constant 0 : i32
        %dma_wait3A_387 = arith.constant 0 : i32
        %dma_wait3A_388 = tpu.memref_slice %arg9[%run_scoped3A_262, %dma_wait3A_386, %dma_wait3A_387] : memref<8x128x64xf32, #tpu.memory_space<vmem>> -> memref<1x128x64xf32, #tpu.memory_space<vmem>>
        %dma_wait3A_389 = tpu.memref_squeeze %dma_wait3A_388 : memref<1x128x64xf32, #tpu.memory_space<vmem>> -> memref<128x64xf32, #tpu.memory_space<vmem>>
        %dma_wait3A_390 = arith.constant 0 : i32
        %dma_wait3A_391 = tpu.memref_slice %arg8[%add3A_250, %dma_wait3A_390] : memref<79x128xi32, #tpu.memory_space<vmem>> -> memref<1x128xi32, #tpu.memory_space<vmem>>
        %dma_wait3A_392 = tpu.memref_squeeze %dma_wait3A_391 : memref<1x128xi32, #tpu.memory_space<vmem>> -> memref<128xi32, #tpu.memory_space<vmem>>
        %dma_wait3A_393 = arith.constant 0 : i32
        %dma_wait3A_394 = arith.constant 0 : i32
        %dma_wait3A_395 = tpu.memref_slice %arg10[%dma_wait3A_393, %dma_wait3A_394] : memref<10112x64xf32, #tpu.memory_space<vmem_shared>> -> memref<10112x64xf32, #tpu.memory_space<vmem_shared>>
        tpu.wait_indirect_dma semaphore(%run_scoped3A_375 : memref<!tpu.dma_semaphore, #tpu.memory_space<semaphore_mem>>) src(%dma_wait3A_389 : memref<128x64xf32, #tpu.memory_space<vmem>>) dst(%dma_wait3A_395 : memref<10112x64xf32, #tpu.memory_space<vmem_shared>>)
        tpu.yield
      }) : () -> ()
      %add3A_263 = arith.constant 8 : i32
      %add3A_264 = arith.addi %add3A_250, %add3A_263 : i32
      %lt3A_265 = arith.constant 79 : i32
      %lt3A_266 = arith.cmpi slt, %add3A_264, %lt3A_265 : i32
      %convert_element_type3A_267 = arith.extui %lt3A_266 : i1 to i32
      %cond3A_268 = arith.constant 0 : i32
      %cond3A_269 = arith.cmpi ne, %convert_element_type3A_267, %cond3A_268 : i32
      scf.if %cond3A_269 {
        %add3A_375 = arith.constant 8 : i32
        %add3A_376 = arith.addi %add3A_250, %add3A_375 : i32
        %dma_start3A_377 = arith.constant 2 : i32
        %dma_start3A_378 = arith.constant 0 : i32
        %dma_start3A_379 = arith.constant 0 : i32
        %dma_start3A_380 = tpu.memref_slice %arg9[%dma_start3A_377, %dma_start3A_378, %dma_start3A_379] : memref<8x128x64xf32, #tpu.memory_space<vmem>> -> memref<1x128x64xf32, #tpu.memory_space<vmem>>
        %dma_start3A_381 = tpu.memref_squeeze %dma_start3A_380 : memref<1x128x64xf32, #tpu.memory_space<vmem>> -> memref<128x64xf32, #tpu.memory_space<vmem>>
        %dma_start3A_382 = arith.constant 0 : i32
        %dma_start3A_383 = tpu.memref_slice %arg7[%add3A_376, %dma_start3A_382] : memref<79x128xi32, #tpu.memory_space<vmem>> -> memref<1x128xi32, #tpu.memory_space<vmem>>
        %dma_start3A_384 = tpu.memref_squeeze %dma_start3A_383 : memref<1x128xi32, #tpu.memory_space<vmem>> -> memref<128xi32, #tpu.memory_space<vmem>>
        %dma_start3A_385 = arith.constant 0 : i32
        %dma_start3A_386 = arith.constant 0 : i32
        %dma_start3A_387 = tpu.memref_slice %arg2[%dma_start3A_385, %dma_start3A_386] : memref<10000x64xf32, #tpu.memory_space<hbm>> -> memref<10000x64xf32, #tpu.memory_space<hbm>>
        tpu.enqueue_indirect_dma source(%dma_start3A_387 : memref<10000x64xf32, #tpu.memory_space<hbm>>) target(%dma_start3A_381 : memref<128x64xf32, #tpu.memory_space<vmem>>) offsets(%dma_start3A_384 : memref<128xi32, #tpu.memory_space<vmem>>) semaphore(%arg13 : memref<!tpu.dma_semaphore, #tpu.memory_space<semaphore_mem>>)
      } else {
      }
      %add3A_270 = arith.constant 3 : i32
      %add3A_271 = arith.addi %add3A_209, %add3A_270 : i32
      %dma_wait3A_272 = arith.constant 3 : i32
      %dma_wait3A_273 = arith.constant 0 : i32
      %dma_wait3A_274 = arith.constant 0 : i32
      %dma_wait3A_275 = tpu.memref_slice %arg9[%dma_wait3A_272, %dma_wait3A_273, %dma_wait3A_274] : memref<8x128x64xf32, #tpu.memory_space<vmem>> -> memref<1x128x64xf32, #tpu.memory_space<vmem>>
      %dma_wait3A_276 = tpu.memref_squeeze %dma_wait3A_275 : memref<1x128x64xf32, #tpu.memory_space<vmem>> -> memref<128x64xf32, #tpu.memory_space<vmem>>
      %dma_wait3A_277 = arith.constant 0 : i32
      %dma_wait3A_278 = tpu.memref_slice %arg7[%add3A_271, %dma_wait3A_277] : memref<79x128xi32, #tpu.memory_space<vmem>> -> memref<1x128xi32, #tpu.memory_space<vmem>>
      %dma_wait3A_279 = tpu.memref_squeeze %dma_wait3A_278 : memref<1x128xi32, #tpu.memory_space<vmem>> -> memref<128xi32, #tpu.memory_space<vmem>>
      %dma_wait3A_280 = arith.constant 0 : i32
      %dma_wait3A_281 = arith.constant 0 : i32
      %dma_wait3A_282 = tpu.memref_slice %arg2[%dma_wait3A_280, %dma_wait3A_281] : memref<10000x64xf32, #tpu.memory_space<hbm>> -> memref<10000x64xf32, #tpu.memory_space<hbm>>
      tpu.wait_indirect_dma semaphore(%arg14 : memref<!tpu.dma_semaphore, #tpu.memory_space<semaphore_mem>>) src(%dma_wait3A_282 : memref<10000x64xf32, #tpu.memory_space<hbm>>) dst(%dma_wait3A_276 : memref<128x64xf32, #tpu.memory_space<vmem>>)
      %run_scoped3A_283 = arith.constant 3 : i32
      "tpu.region"() ({
        %run_scoped3A_375 = tpu.sem_alloc : memref<!tpu.dma_semaphore, #tpu.memory_space<semaphore_mem>>
        %dma_start3A_376 = arith.constant 0 : i32
        %dma_start3A_377 = arith.constant 0 : i32
        %dma_start3A_378 = tpu.memref_slice %arg9[%run_scoped3A_283, %dma_start3A_376, %dma_start3A_377] : memref<8x128x64xf32, #tpu.memory_space<vmem>> -> memref<1x128x64xf32, #tpu.memory_space<vmem>>
        %dma_start3A_379 = tpu.memref_squeeze %dma_start3A_378 : memref<1x128x64xf32, #tpu.memory_space<vmem>> -> memref<128x64xf32, #tpu.memory_space<vmem>>
        %dma_start3A_380 = arith.constant 0 : i32
        %dma_start3A_381 = tpu.memref_slice %arg8[%add3A_271, %dma_start3A_380] : memref<79x128xi32, #tpu.memory_space<vmem>> -> memref<1x128xi32, #tpu.memory_space<vmem>>
        %dma_start3A_382 = tpu.memref_squeeze %dma_start3A_381 : memref<1x128xi32, #tpu.memory_space<vmem>> -> memref<128xi32, #tpu.memory_space<vmem>>
        %dma_start3A_383 = arith.constant 0 : i32
        %dma_start3A_384 = arith.constant 0 : i32
        %dma_start3A_385 = tpu.memref_slice %arg10[%dma_start3A_383, %dma_start3A_384] : memref<10112x64xf32, #tpu.memory_space<vmem_shared>> -> memref<10112x64xf32, #tpu.memory_space<vmem_shared>>
        tpu.enqueue_indirect_dma source(%dma_start3A_379 : memref<128x64xf32, #tpu.memory_space<vmem>>) target(%dma_start3A_385 : memref<10112x64xf32, #tpu.memory_space<vmem_shared>>) offsets(%dma_start3A_382 : memref<128xi32, #tpu.memory_space<vmem>>) semaphore(%run_scoped3A_375 : memref<!tpu.dma_semaphore, #tpu.memory_space<semaphore_mem>>) {add = true}
        %dma_wait3A_386 = arith.constant 0 : i32
        %dma_wait3A_387 = arith.constant 0 : i32
        %dma_wait3A_388 = tpu.memref_slice %arg9[%run_scoped3A_283, %dma_wait3A_386, %dma_wait3A_387] : memref<8x128x64xf32, #tpu.memory_space<vmem>> -> memref<1x128x64xf32, #tpu.memory_space<vmem>>
        %dma_wait3A_389 = tpu.memref_squeeze %dma_wait3A_388 : memref<1x128x64xf32, #tpu.memory_space<vmem>> -> memref<128x64xf32, #tpu.memory_space<vmem>>
        %dma_wait3A_390 = arith.constant 0 : i32
        %dma_wait3A_391 = tpu.memref_slice %arg8[%add3A_271, %dma_wait3A_390] : memref<79x128xi32, #tpu.memory_space<vmem>> -> memref<1x128xi32, #tpu.memory_space<vmem>>
        %dma_wait3A_392 = tpu.memref_squeeze %dma_wait3A_391 : memref<1x128xi32, #tpu.memory_space<vmem>> -> memref<128xi32, #tpu.memory_space<vmem>>
        %dma_wait3A_393 = arith.constant 0 : i32
        %dma_wait3A_394 = arith.constant 0 : i32
        %dma_wait3A_395 = tpu.memref_slice %arg10[%dma_wait3A_393, %dma_wait3A_394] : memref<10112x64xf32, #tpu.memory_space<vmem_shared>> -> memref<10112x64xf32, #tpu.memory_space<vmem_shared>>
        tpu.wait_indirect_dma semaphore(%run_scoped3A_375 : memref<!tpu.dma_semaphore, #tpu.memory_space<semaphore_mem>>) src(%dma_wait3A_389 : memref<128x64xf32, #tpu.memory_space<vmem>>) dst(%dma_wait3A_395 : memref<10112x64xf32, #tpu.memory_space<vmem_shared>>)
        tpu.yield
      }) : () -> ()
      %add3A_284 = arith.constant 8 : i32
      %add3A_285 = arith.addi %add3A_271, %add3A_284 : i32
      %lt3A_286 = arith.constant 79 : i32
      %lt3A_287 = arith.cmpi slt, %add3A_285, %lt3A_286 : i32
      %convert_element_type3A_288 = arith.extui %lt3A_287 : i1 to i32
      %cond3A_289 = arith.constant 0 : i32
      %cond3A_290 = arith.cmpi ne, %convert_element_type3A_288, %cond3A_289 : i32
      scf.if %cond3A_290 {
        %add3A_375 = arith.constant 8 : i32
        %add3A_376 = arith.addi %add3A_271, %add3A_375 : i32
        %dma_start3A_377 = arith.constant 3 : i32
        %dma_start3A_378 = arith.constant 0 : i32
        %dma_start3A_379 = arith.constant 0 : i32
        %dma_start3A_380 = tpu.memref_slice %arg9[%dma_start3A_377, %dma_start3A_378, %dma_start3A_379] : memref<8x128x64xf32, #tpu.memory_space<vmem>> -> memref<1x128x64xf32, #tpu.memory_space<vmem>>
        %dma_start3A_381 = tpu.memref_squeeze %dma_start3A_380 : memref<1x128x64xf32, #tpu.memory_space<vmem>> -> memref<128x64xf32, #tpu.memory_space<vmem>>
        %dma_start3A_382 = arith.constant 0 : i32
        %dma_start3A_383 = tpu.memref_slice %arg7[%add3A_376, %dma_start3A_382] : memref<79x128xi32, #tpu.memory_space<vmem>> -> memref<1x128xi32, #tpu.memory_space<vmem>>
        %dma_start3A_384 = tpu.memref_squeeze %dma_start3A_383 : memref<1x128xi32, #tpu.memory_space<vmem>> -> memref<128xi32, #tpu.memory_space<vmem>>
        %dma_start3A_385 = arith.constant 0 : i32
        %dma_start3A_386 = arith.constant 0 : i32
        %dma_start3A_387 = tpu.memref_slice %arg2[%dma_start3A_385, %dma_start3A_386] : memref<10000x64xf32, #tpu.memory_space<hbm>> -> memref<10000x64xf32, #tpu.memory_space<hbm>>
        tpu.enqueue_indirect_dma source(%dma_start3A_387 : memref<10000x64xf32, #tpu.memory_space<hbm>>) target(%dma_start3A_381 : memref<128x64xf32, #tpu.memory_space<vmem>>) offsets(%dma_start3A_384 : memref<128xi32, #tpu.memory_space<vmem>>) semaphore(%arg14 : memref<!tpu.dma_semaphore, #tpu.memory_space<semaphore_mem>>)
      } else {
      }
      %add3A_291 = arith.constant 4 : i32
      %add3A_292 = arith.addi %add3A_209, %add3A_291 : i32
      %dma_wait3A_293 = arith.constant 4 : i32
      %dma_wait3A_294 = arith.constant 0 : i32
      %dma_wait3A_295 = arith.constant 0 : i32
      %dma_wait3A_296 = tpu.memref_slice %arg9[%dma_wait3A_293, %dma_wait3A_294, %dma_wait3A_295] : memref<8x128x64xf32, #tpu.memory_space<vmem>> -> memref<1x128x64xf32, #tpu.memory_space<vmem>>
      %dma_wait3A_297 = tpu.memref_squeeze %dma_wait3A_296 : memref<1x128x64xf32, #tpu.memory_space<vmem>> -> memref<128x64xf32, #tpu.memory_space<vmem>>
      %dma_wait3A_298 = arith.constant 0 : i32
      %dma_wait3A_299 = tpu.memref_slice %arg7[%add3A_292, %dma_wait3A_298] : memref<79x128xi32, #tpu.memory_space<vmem>> -> memref<1x128xi32, #tpu.memory_space<vmem>>
      %dma_wait3A_300 = tpu.memref_squeeze %dma_wait3A_299 : memref<1x128xi32, #tpu.memory_space<vmem>> -> memref<128xi32, #tpu.memory_space<vmem>>
      %dma_wait3A_301 = arith.constant 0 : i32
      %dma_wait3A_302 = arith.constant 0 : i32
      %dma_wait3A_303 = tpu.memref_slice %arg2[%dma_wait3A_301, %dma_wait3A_302] : memref<10000x64xf32, #tpu.memory_space<hbm>> -> memref<10000x64xf32, #tpu.memory_space<hbm>>
      tpu.wait_indirect_dma semaphore(%arg15 : memref<!tpu.dma_semaphore, #tpu.memory_space<semaphore_mem>>) src(%dma_wait3A_303 : memref<10000x64xf32, #tpu.memory_space<hbm>>) dst(%dma_wait3A_297 : memref<128x64xf32, #tpu.memory_space<vmem>>)
      %run_scoped3A_304 = arith.constant 4 : i32
      "tpu.region"() ({
        %run_scoped3A_375 = tpu.sem_alloc : memref<!tpu.dma_semaphore, #tpu.memory_space<semaphore_mem>>
        %dma_start3A_376 = arith.constant 0 : i32
        %dma_start3A_377 = arith.constant 0 : i32
        %dma_start3A_378 = tpu.memref_slice %arg9[%run_scoped3A_304, %dma_start3A_376, %dma_start3A_377] : memref<8x128x64xf32, #tpu.memory_space<vmem>> -> memref<1x128x64xf32, #tpu.memory_space<vmem>>
        %dma_start3A_379 = tpu.memref_squeeze %dma_start3A_378 : memref<1x128x64xf32, #tpu.memory_space<vmem>> -> memref<128x64xf32, #tpu.memory_space<vmem>>
        %dma_start3A_380 = arith.constant 0 : i32
        %dma_start3A_381 = tpu.memref_slice %arg8[%add3A_292, %dma_start3A_380] : memref<79x128xi32, #tpu.memory_space<vmem>> -> memref<1x128xi32, #tpu.memory_space<vmem>>
        %dma_start3A_382 = tpu.memref_squeeze %dma_start3A_381 : memref<1x128xi32, #tpu.memory_space<vmem>> -> memref<128xi32, #tpu.memory_space<vmem>>
        %dma_start3A_383 = arith.constant 0 : i32
        %dma_start3A_384 = arith.constant 0 : i32
        %dma_start3A_385 = tpu.memref_slice %arg10[%dma_start3A_383, %dma_start3A_384] : memref<10112x64xf32, #tpu.memory_space<vmem_shared>> -> memref<10112x64xf32, #tpu.memory_space<vmem_shared>>
        tpu.enqueue_indirect_dma source(%dma_start3A_379 : memref<128x64xf32, #tpu.memory_space<vmem>>) target(%dma_start3A_385 : memref<10112x64xf32, #tpu.memory_space<vmem_shared>>) offsets(%dma_start3A_382 : memref<128xi32, #tpu.memory_space<vmem>>) semaphore(%run_scoped3A_375 : memref<!tpu.dma_semaphore, #tpu.memory_space<semaphore_mem>>) {add = true}
        %dma_wait3A_386 = arith.constant 0 : i32
        %dma_wait3A_387 = arith.constant 0 : i32
        %dma_wait3A_388 = tpu.memref_slice %arg9[%run_scoped3A_304, %dma_wait3A_386, %dma_wait3A_387] : memref<8x128x64xf32, #tpu.memory_space<vmem>> -> memref<1x128x64xf32, #tpu.memory_space<vmem>>
        %dma_wait3A_389 = tpu.memref_squeeze %dma_wait3A_388 : memref<1x128x64xf32, #tpu.memory_space<vmem>> -> memref<128x64xf32, #tpu.memory_space<vmem>>
        %dma_wait3A_390 = arith.constant 0 : i32
        %dma_wait3A_391 = tpu.memref_slice %arg8[%add3A_292, %dma_wait3A_390] : memref<79x128xi32, #tpu.memory_space<vmem>> -> memref<1x128xi32, #tpu.memory_space<vmem>>
        %dma_wait3A_392 = tpu.memref_squeeze %dma_wait3A_391 : memref<1x128xi32, #tpu.memory_space<vmem>> -> memref<128xi32, #tpu.memory_space<vmem>>
        %dma_wait3A_393 = arith.constant 0 : i32
        %dma_wait3A_394 = arith.constant 0 : i32
        %dma_wait3A_395 = tpu.memref_slice %arg10[%dma_wait3A_393, %dma_wait3A_394] : memref<10112x64xf32, #tpu.memory_space<vmem_shared>> -> memref<10112x64xf32, #tpu.memory_space<vmem_shared>>
        tpu.wait_indirect_dma semaphore(%run_scoped3A_375 : memref<!tpu.dma_semaphore, #tpu.memory_space<semaphore_mem>>) src(%dma_wait3A_389 : memref<128x64xf32, #tpu.memory_space<vmem>>) dst(%dma_wait3A_395 : memref<10112x64xf32, #tpu.memory_space<vmem_shared>>)
        tpu.yield
      }) : () -> ()
      %add3A_305 = arith.constant 8 : i32
      %add3A_306 = arith.addi %add3A_292, %add3A_305 : i32
      %lt3A_307 = arith.constant 79 : i32
      %lt3A_308 = arith.cmpi slt, %add3A_306, %lt3A_307 : i32
      %convert_element_type3A_309 = arith.extui %lt3A_308 : i1 to i32
      %cond3A_310 = arith.constant 0 : i32
      %cond3A_311 = arith.cmpi ne, %convert_element_type3A_309, %cond3A_310 : i32
      scf.if %cond3A_311 {
        %add3A_375 = arith.constant 8 : i32
        %add3A_376 = arith.addi %add3A_292, %add3A_375 : i32
        %dma_start3A_377 = arith.constant 4 : i32
        %dma_start3A_378 = arith.constant 0 : i32
        %dma_start3A_379 = arith.constant 0 : i32
        %dma_start3A_380 = tpu.memref_slice %arg9[%dma_start3A_377, %dma_start3A_378, %dma_start3A_379] : memref<8x128x64xf32, #tpu.memory_space<vmem>> -> memref<1x128x64xf32, #tpu.memory_space<vmem>>
        %dma_start3A_381 = tpu.memref_squeeze %dma_start3A_380 : memref<1x128x64xf32, #tpu.memory_space<vmem>> -> memref<128x64xf32, #tpu.memory_space<vmem>>
        %dma_start3A_382 = arith.constant 0 : i32
        %dma_start3A_383 = tpu.memref_slice %arg7[%add3A_376, %dma_start3A_382] : memref<79x128xi32, #tpu.memory_space<vmem>> -> memref<1x128xi32, #tpu.memory_space<vmem>>
        %dma_start3A_384 = tpu.memref_squeeze %dma_start3A_383 : memref<1x128xi32, #tpu.memory_space<vmem>> -> memref<128xi32, #tpu.memory_space<vmem>>
        %dma_start3A_385 = arith.constant 0 : i32
        %dma_start3A_386 = arith.constant 0 : i32
        %dma_start3A_387 = tpu.memref_slice %arg2[%dma_start3A_385, %dma_start3A_386] : memref<10000x64xf32, #tpu.memory_space<hbm>> -> memref<10000x64xf32, #tpu.memory_space<hbm>>
        tpu.enqueue_indirect_dma source(%dma_start3A_387 : memref<10000x64xf32, #tpu.memory_space<hbm>>) target(%dma_start3A_381 : memref<128x64xf32, #tpu.memory_space<vmem>>) offsets(%dma_start3A_384 : memref<128xi32, #tpu.memory_space<vmem>>) semaphore(%arg15 : memref<!tpu.dma_semaphore, #tpu.memory_space<semaphore_mem>>)
      } else {
      }
      %add3A_312 = arith.constant 5 : i32
      %add3A_313 = arith.addi %add3A_209, %add3A_312 : i32
      %dma_wait3A_314 = arith.constant 5 : i32
      %dma_wait3A_315 = arith.constant 0 : i32
      %dma_wait3A_316 = arith.constant 0 : i32
      %dma_wait3A_317 = tpu.memref_slice %arg9[%dma_wait3A_314, %dma_wait3A_315, %dma_wait3A_316] : memref<8x128x64xf32, #tpu.memory_space<vmem>> -> memref<1x128x64xf32, #tpu.memory_space<vmem>>
      %dma_wait3A_318 = tpu.memref_squeeze %dma_wait3A_317 : memref<1x128x64xf32, #tpu.memory_space<vmem>> -> memref<128x64xf32, #tpu.memory_space<vmem>>
      %dma_wait3A_319 = arith.constant 0 : i32
      %dma_wait3A_320 = tpu.memref_slice %arg7[%add3A_313, %dma_wait3A_319] : memref<79x128xi32, #tpu.memory_space<vmem>> -> memref<1x128xi32, #tpu.memory_space<vmem>>
      %dma_wait3A_321 = tpu.memref_squeeze %dma_wait3A_320 : memref<1x128xi32, #tpu.memory_space<vmem>> -> memref<128xi32, #tpu.memory_space<vmem>>
      %dma_wait3A_322 = arith.constant 0 : i32
      %dma_wait3A_323 = arith.constant 0 : i32
      %dma_wait3A_324 = tpu.memref_slice %arg2[%dma_wait3A_322, %dma_wait3A_323] : memref<10000x64xf32, #tpu.memory_space<hbm>> -> memref<10000x64xf32, #tpu.memory_space<hbm>>
      tpu.wait_indirect_dma semaphore(%arg16 : memref<!tpu.dma_semaphore, #tpu.memory_space<semaphore_mem>>) src(%dma_wait3A_324 : memref<10000x64xf32, #tpu.memory_space<hbm>>) dst(%dma_wait3A_318 : memref<128x64xf32, #tpu.memory_space<vmem>>)
      %run_scoped3A_325 = arith.constant 5 : i32
      "tpu.region"() ({
        %run_scoped3A_375 = tpu.sem_alloc : memref<!tpu.dma_semaphore, #tpu.memory_space<semaphore_mem>>
        %dma_start3A_376 = arith.constant 0 : i32
        %dma_start3A_377 = arith.constant 0 : i32
        %dma_start3A_378 = tpu.memref_slice %arg9[%run_scoped3A_325, %dma_start3A_376, %dma_start3A_377] : memref<8x128x64xf32, #tpu.memory_space<vmem>> -> memref<1x128x64xf32, #tpu.memory_space<vmem>>
        %dma_start3A_379 = tpu.memref_squeeze %dma_start3A_378 : memref<1x128x64xf32, #tpu.memory_space<vmem>> -> memref<128x64xf32, #tpu.memory_space<vmem>>
        %dma_start3A_380 = arith.constant 0 : i32
        %dma_start3A_381 = tpu.memref_slice %arg8[%add3A_313, %dma_start3A_380] : memref<79x128xi32, #tpu.memory_space<vmem>> -> memref<1x128xi32, #tpu.memory_space<vmem>>
        %dma_start3A_382 = tpu.memref_squeeze %dma_start3A_381 : memref<1x128xi32, #tpu.memory_space<vmem>> -> memref<128xi32, #tpu.memory_space<vmem>>
        %dma_start3A_383 = arith.constant 0 : i32
        %dma_start3A_384 = arith.constant 0 : i32
        %dma_start3A_385 = tpu.memref_slice %arg10[%dma_start3A_383, %dma_start3A_384] : memref<10112x64xf32, #tpu.memory_space<vmem_shared>> -> memref<10112x64xf32, #tpu.memory_space<vmem_shared>>
        tpu.enqueue_indirect_dma source(%dma_start3A_379 : memref<128x64xf32, #tpu.memory_space<vmem>>) target(%dma_start3A_385 : memref<10112x64xf32, #tpu.memory_space<vmem_shared>>) offsets(%dma_start3A_382 : memref<128xi32, #tpu.memory_space<vmem>>) semaphore(%run_scoped3A_375 : memref<!tpu.dma_semaphore, #tpu.memory_space<semaphore_mem>>) {add = true}
        %dma_wait3A_386 = arith.constant 0 : i32
        %dma_wait3A_387 = arith.constant 0 : i32
        %dma_wait3A_388 = tpu.memref_slice %arg9[%run_scoped3A_325, %dma_wait3A_386, %dma_wait3A_387] : memref<8x128x64xf32, #tpu.memory_space<vmem>> -> memref<1x128x64xf32, #tpu.memory_space<vmem>>
        %dma_wait3A_389 = tpu.memref_squeeze %dma_wait3A_388 : memref<1x128x64xf32, #tpu.memory_space<vmem>> -> memref<128x64xf32, #tpu.memory_space<vmem>>
        %dma_wait3A_390 = arith.constant 0 : i32
        %dma_wait3A_391 = tpu.memref_slice %arg8[%add3A_313, %dma_wait3A_390] : memref<79x128xi32, #tpu.memory_space<vmem>> -> memref<1x128xi32, #tpu.memory_space<vmem>>
        %dma_wait3A_392 = tpu.memref_squeeze %dma_wait3A_391 : memref<1x128xi32, #tpu.memory_space<vmem>> -> memref<128xi32, #tpu.memory_space<vmem>>
        %dma_wait3A_393 = arith.constant 0 : i32
        %dma_wait3A_394 = arith.constant 0 : i32
        %dma_wait3A_395 = tpu.memref_slice %arg10[%dma_wait3A_393, %dma_wait3A_394] : memref<10112x64xf32, #tpu.memory_space<vmem_shared>> -> memref<10112x64xf32, #tpu.memory_space<vmem_shared>>
        tpu.wait_indirect_dma semaphore(%run_scoped3A_375 : memref<!tpu.dma_semaphore, #tpu.memory_space<semaphore_mem>>) src(%dma_wait3A_389 : memref<128x64xf32, #tpu.memory_space<vmem>>) dst(%dma_wait3A_395 : memref<10112x64xf32, #tpu.memory_space<vmem_shared>>)
        tpu.yield
      }) : () -> ()
      %add3A_326 = arith.constant 8 : i32
      %add3A_327 = arith.addi %add3A_313, %add3A_326 : i32
      %lt3A_328 = arith.constant 79 : i32
      %lt3A_329 = arith.cmpi slt, %add3A_327, %lt3A_328 : i32
      %convert_element_type3A_330 = arith.extui %lt3A_329 : i1 to i32
      %cond3A_331 = arith.constant 0 : i32
      %cond3A_332 = arith.cmpi ne, %convert_element_type3A_330, %cond3A_331 : i32
      scf.if %cond3A_332 {
        %add3A_375 = arith.constant 8 : i32
        %add3A_376 = arith.addi %add3A_313, %add3A_375 : i32
        %dma_start3A_377 = arith.constant 5 : i32
        %dma_start3A_378 = arith.constant 0 : i32
        %dma_start3A_379 = arith.constant 0 : i32
        %dma_start3A_380 = tpu.memref_slice %arg9[%dma_start3A_377, %dma_start3A_378, %dma_start3A_379] : memref<8x128x64xf32, #tpu.memory_space<vmem>> -> memref<1x128x64xf32, #tpu.memory_space<vmem>>
        %dma_start3A_381 = tpu.memref_squeeze %dma_start3A_380 : memref<1x128x64xf32, #tpu.memory_space<vmem>> -> memref<128x64xf32, #tpu.memory_space<vmem>>
        %dma_start3A_382 = arith.constant 0 : i32
        %dma_start3A_383 = tpu.memref_slice %arg7[%add3A_376, %dma_start3A_382] : memref<79x128xi32, #tpu.memory_space<vmem>> -> memref<1x128xi32, #tpu.memory_space<vmem>>
        %dma_start3A_384 = tpu.memref_squeeze %dma_start3A_383 : memref<1x128xi32, #tpu.memory_space<vmem>> -> memref<128xi32, #tpu.memory_space<vmem>>
        %dma_start3A_385 = arith.constant 0 : i32
        %dma_start3A_386 = arith.constant 0 : i32
        %dma_start3A_387 = tpu.memref_slice %arg2[%dma_start3A_385, %dma_start3A_386] : memref<10000x64xf32, #tpu.memory_space<hbm>> -> memref<10000x64xf32, #tpu.memory_space<hbm>>
        tpu.enqueue_indirect_dma source(%dma_start3A_387 : memref<10000x64xf32, #tpu.memory_space<hbm>>) target(%dma_start3A_381 : memref<128x64xf32, #tpu.memory_space<vmem>>) offsets(%dma_start3A_384 : memref<128xi32, #tpu.memory_space<vmem>>) semaphore(%arg16 : memref<!tpu.dma_semaphore, #tpu.memory_space<semaphore_mem>>)
      } else {
      }
      %add3A_333 = arith.constant 6 : i32
      %add3A_334 = arith.addi %add3A_209, %add3A_333 : i32
      %dma_wait3A_335 = arith.constant 6 : i32
      %dma_wait3A_336 = arith.constant 0 : i32
      %dma_wait3A_337 = arith.constant 0 : i32
      %dma_wait3A_338 = tpu.memref_slice %arg9[%dma_wait3A_335, %dma_wait3A_336, %dma_wait3A_337] : memref<8x128x64xf32, #tpu.memory_space<vmem>> -> memref<1x128x64xf32, #tpu.memory_space<vmem>>
      %dma_wait3A_339 = tpu.memref_squeeze %dma_wait3A_338 : memref<1x128x64xf32, #tpu.memory_space<vmem>> -> memref<128x64xf32, #tpu.memory_space<vmem>>
      %dma_wait3A_340 = arith.constant 0 : i32
      %dma_wait3A_341 = tpu.memref_slice %arg7[%add3A_334, %dma_wait3A_340] : memref<79x128xi32, #tpu.memory_space<vmem>> -> memref<1x128xi32, #tpu.memory_space<vmem>>
      %dma_wait3A_342 = tpu.memref_squeeze %dma_wait3A_341 : memref<1x128xi32, #tpu.memory_space<vmem>> -> memref<128xi32, #tpu.memory_space<vmem>>
      %dma_wait3A_343 = arith.constant 0 : i32
      %dma_wait3A_344 = arith.constant 0 : i32
      %dma_wait3A_345 = tpu.memref_slice %arg2[%dma_wait3A_343, %dma_wait3A_344] : memref<10000x64xf32, #tpu.memory_space<hbm>> -> memref<10000x64xf32, #tpu.memory_space<hbm>>
      tpu.wait_indirect_dma semaphore(%arg17 : memref<!tpu.dma_semaphore, #tpu.memory_space<semaphore_mem>>) src(%dma_wait3A_345 : memref<10000x64xf32, #tpu.memory_space<hbm>>) dst(%dma_wait3A_339 : memref<128x64xf32, #tpu.memory_space<vmem>>)
      %run_scoped3A_346 = arith.constant 6 : i32
      "tpu.region"() ({
        %run_scoped3A_375 = tpu.sem_alloc : memref<!tpu.dma_semaphore, #tpu.memory_space<semaphore_mem>>
        %dma_start3A_376 = arith.constant 0 : i32
        %dma_start3A_377 = arith.constant 0 : i32
        %dma_start3A_378 = tpu.memref_slice %arg9[%run_scoped3A_346, %dma_start3A_376, %dma_start3A_377] : memref<8x128x64xf32, #tpu.memory_space<vmem>> -> memref<1x128x64xf32, #tpu.memory_space<vmem>>
        %dma_start3A_379 = tpu.memref_squeeze %dma_start3A_378 : memref<1x128x64xf32, #tpu.memory_space<vmem>> -> memref<128x64xf32, #tpu.memory_space<vmem>>
        %dma_start3A_380 = arith.constant 0 : i32
        %dma_start3A_381 = tpu.memref_slice %arg8[%add3A_334, %dma_start3A_380] : memref<79x128xi32, #tpu.memory_space<vmem>> -> memref<1x128xi32, #tpu.memory_space<vmem>>
        %dma_start3A_382 = tpu.memref_squeeze %dma_start3A_381 : memref<1x128xi32, #tpu.memory_space<vmem>> -> memref<128xi32, #tpu.memory_space<vmem>>
        %dma_start3A_383 = arith.constant 0 : i32
        %dma_start3A_384 = arith.constant 0 : i32
        %dma_start3A_385 = tpu.memref_slice %arg10[%dma_start3A_383, %dma_start3A_384] : memref<10112x64xf32, #tpu.memory_space<vmem_shared>> -> memref<10112x64xf32, #tpu.memory_space<vmem_shared>>
        tpu.enqueue_indirect_dma source(%dma_start3A_379 : memref<128x64xf32, #tpu.memory_space<vmem>>) target(%dma_start3A_385 : memref<10112x64xf32, #tpu.memory_space<vmem_shared>>) offsets(%dma_start3A_382 : memref<128xi32, #tpu.memory_space<vmem>>) semaphore(%run_scoped3A_375 : memref<!tpu.dma_semaphore, #tpu.memory_space<semaphore_mem>>) {add = true}
        %dma_wait3A_386 = arith.constant 0 : i32
        %dma_wait3A_387 = arith.constant 0 : i32
        %dma_wait3A_388 = tpu.memref_slice %arg9[%run_scoped3A_346, %dma_wait3A_386, %dma_wait3A_387] : memref<8x128x64xf32, #tpu.memory_space<vmem>> -> memref<1x128x64xf32, #tpu.memory_space<vmem>>
        %dma_wait3A_389 = tpu.memref_squeeze %dma_wait3A_388 : memref<1x128x64xf32, #tpu.memory_space<vmem>> -> memref<128x64xf32, #tpu.memory_space<vmem>>
        %dma_wait3A_390 = arith.constant 0 : i32
        %dma_wait3A_391 = tpu.memref_slice %arg8[%add3A_334, %dma_wait3A_390] : memref<79x128xi32, #tpu.memory_space<vmem>> -> memref<1x128xi32, #tpu.memory_space<vmem>>
        %dma_wait3A_392 = tpu.memref_squeeze %dma_wait3A_391 : memref<1x128xi32, #tpu.memory_space<vmem>> -> memref<128xi32, #tpu.memory_space<vmem>>
        %dma_wait3A_393 = arith.constant 0 : i32
        %dma_wait3A_394 = arith.constant 0 : i32
        %dma_wait3A_395 = tpu.memref_slice %arg10[%dma_wait3A_393, %dma_wait3A_394] : memref<10112x64xf32, #tpu.memory_space<vmem_shared>> -> memref<10112x64xf32, #tpu.memory_space<vmem_shared>>
        tpu.wait_indirect_dma semaphore(%run_scoped3A_375 : memref<!tpu.dma_semaphore, #tpu.memory_space<semaphore_mem>>) src(%dma_wait3A_389 : memref<128x64xf32, #tpu.memory_space<vmem>>) dst(%dma_wait3A_395 : memref<10112x64xf32, #tpu.memory_space<vmem_shared>>)
        tpu.yield
      }) : () -> ()
      %add3A_347 = arith.constant 8 : i32
      %add3A_348 = arith.addi %add3A_334, %add3A_347 : i32
      %lt3A_349 = arith.constant 79 : i32
      %lt3A_350 = arith.cmpi slt, %add3A_348, %lt3A_349 : i32
      %convert_element_type3A_351 = arith.extui %lt3A_350 : i1 to i32
      %cond3A_352 = arith.constant 0 : i32
      %cond3A_353 = arith.cmpi ne, %convert_element_type3A_351, %cond3A_352 : i32
      scf.if %cond3A_353 {
        %add3A_375 = arith.constant 8 : i32
        %add3A_376 = arith.addi %add3A_334, %add3A_375 : i32
        %dma_start3A_377 = arith.constant 6 : i32
        %dma_start3A_378 = arith.constant 0 : i32
        %dma_start3A_379 = arith.constant 0 : i32
        %dma_start3A_380 = tpu.memref_slice %arg9[%dma_start3A_377, %dma_start3A_378, %dma_start3A_379] : memref<8x128x64xf32, #tpu.memory_space<vmem>> -> memref<1x128x64xf32, #tpu.memory_space<vmem>>
        %dma_start3A_381 = tpu.memref_squeeze %dma_start3A_380 : memref<1x128x64xf32, #tpu.memory_space<vmem>> -> memref<128x64xf32, #tpu.memory_space<vmem>>
        %dma_start3A_382 = arith.constant 0 : i32
        %dma_start3A_383 = tpu.memref_slice %arg7[%add3A_376, %dma_start3A_382] : memref<79x128xi32, #tpu.memory_space<vmem>> -> memref<1x128xi32, #tpu.memory_space<vmem>>
        %dma_start3A_384 = tpu.memref_squeeze %dma_start3A_383 : memref<1x128xi32, #tpu.memory_space<vmem>> -> memref<128xi32, #tpu.memory_space<vmem>>
        %dma_start3A_385 = arith.constant 0 : i32
        %dma_start3A_386 = arith.constant 0 : i32
        %dma_start3A_387 = tpu.memref_slice %arg2[%dma_start3A_385, %dma_start3A_386] : memref<10000x64xf32, #tpu.memory_space<hbm>> -> memref<10000x64xf32, #tpu.memory_space<hbm>>
        tpu.enqueue_indirect_dma source(%dma_start3A_387 : memref<10000x64xf32, #tpu.memory_space<hbm>>) target(%dma_start3A_381 : memref<128x64xf32, #tpu.memory_space<vmem>>) offsets(%dma_start3A_384 : memref<128xi32, #tpu.memory_space<vmem>>) semaphore(%arg17 : memref<!tpu.dma_semaphore, #tpu.memory_space<semaphore_mem>>)
      } else {
      }
      %add3A_354 = arith.constant 7 : i32
      %add3A_355 = arith.addi %add3A_209, %add3A_354 : i32
      %dma_wait3A_356 = arith.constant 7 : i32
      %dma_wait3A_357 = arith.constant 0 : i32
      %dma_wait3A_358 = arith.constant 0 : i32
      %dma_wait3A_359 = tpu.memref_slice %arg9[%dma_wait3A_356, %dma_wait3A_357, %dma_wait3A_358] : memref<8x128x64xf32, #tpu.memory_space<vmem>> -> memref<1x128x64xf32, #tpu.memory_space<vmem>>
      %dma_wait3A_360 = tpu.memref_squeeze %dma_wait3A_359 : memref<1x128x64xf32, #tpu.memory_space<vmem>> -> memref<128x64xf32, #tpu.memory_space<vmem>>
      %dma_wait3A_361 = arith.constant 0 : i32
      %dma_wait3A_362 = tpu.memref_slice %arg7[%add3A_355, %dma_wait3A_361] : memref<79x128xi32, #tpu.memory_space<vmem>> -> memref<1x128xi32, #tpu.memory_space<vmem>>
      %dma_wait3A_363 = tpu.memref_squeeze %dma_wait3A_362 : memref<1x128xi32, #tpu.memory_space<vmem>> -> memref<128xi32, #tpu.memory_space<vmem>>
      %dma_wait3A_364 = arith.constant 0 : i32
      %dma_wait3A_365 = arith.constant 0 : i32
      %dma_wait3A_366 = tpu.memref_slice %arg2[%dma_wait3A_364, %dma_wait3A_365] : memref<10000x64xf32, #tpu.memory_space<hbm>> -> memref<10000x64xf32, #tpu.memory_space<hbm>>
      tpu.wait_indirect_dma semaphore(%arg18 : memref<!tpu.dma_semaphore, #tpu.memory_space<semaphore_mem>>) src(%dma_wait3A_366 : memref<10000x64xf32, #tpu.memory_space<hbm>>) dst(%dma_wait3A_360 : memref<128x64xf32, #tpu.memory_space<vmem>>)
      %run_scoped3A_367 = arith.constant 7 : i32
      "tpu.region"() ({
        %run_scoped3A_375 = tpu.sem_alloc : memref<!tpu.dma_semaphore, #tpu.memory_space<semaphore_mem>>
        %dma_start3A_376 = arith.constant 0 : i32
        %dma_start3A_377 = arith.constant 0 : i32
        %dma_start3A_378 = tpu.memref_slice %arg9[%run_scoped3A_367, %dma_start3A_376, %dma_start3A_377] : memref<8x128x64xf32, #tpu.memory_space<vmem>> -> memref<1x128x64xf32, #tpu.memory_space<vmem>>
        %dma_start3A_379 = tpu.memref_squeeze %dma_start3A_378 : memref<1x128x64xf32, #tpu.memory_space<vmem>> -> memref<128x64xf32, #tpu.memory_space<vmem>>
        %dma_start3A_380 = arith.constant 0 : i32
        %dma_start3A_381 = tpu.memref_slice %arg8[%add3A_355, %dma_start3A_380] : memref<79x128xi32, #tpu.memory_space<vmem>> -> memref<1x128xi32, #tpu.memory_space<vmem>>
        %dma_start3A_382 = tpu.memref_squeeze %dma_start3A_381 : memref<1x128xi32, #tpu.memory_space<vmem>> -> memref<128xi32, #tpu.memory_space<vmem>>
        %dma_start3A_383 = arith.constant 0 : i32
        %dma_start3A_384 = arith.constant 0 : i32
        %dma_start3A_385 = tpu.memref_slice %arg10[%dma_start3A_383, %dma_start3A_384] : memref<10112x64xf32, #tpu.memory_space<vmem_shared>> -> memref<10112x64xf32, #tpu.memory_space<vmem_shared>>
        tpu.enqueue_indirect_dma source(%dma_start3A_379 : memref<128x64xf32, #tpu.memory_space<vmem>>) target(%dma_start3A_385 : memref<10112x64xf32, #tpu.memory_space<vmem_shared>>) offsets(%dma_start3A_382 : memref<128xi32, #tpu.memory_space<vmem>>) semaphore(%run_scoped3A_375 : memref<!tpu.dma_semaphore, #tpu.memory_space<semaphore_mem>>) {add = true}
        %dma_wait3A_386 = arith.constant 0 : i32
        %dma_wait3A_387 = arith.constant 0 : i32
        %dma_wait3A_388 = tpu.memref_slice %arg9[%run_scoped3A_367, %dma_wait3A_386, %dma_wait3A_387] : memref<8x128x64xf32, #tpu.memory_space<vmem>> -> memref<1x128x64xf32, #tpu.memory_space<vmem>>
        %dma_wait3A_389 = tpu.memref_squeeze %dma_wait3A_388 : memref<1x128x64xf32, #tpu.memory_space<vmem>> -> memref<128x64xf32, #tpu.memory_space<vmem>>
        %dma_wait3A_390 = arith.constant 0 : i32
        %dma_wait3A_391 = tpu.memref_slice %arg8[%add3A_355, %dma_wait3A_390] : memref<79x128xi32, #tpu.memory_space<vmem>> -> memref<1x128xi32, #tpu.memory_space<vmem>>
        %dma_wait3A_392 = tpu.memref_squeeze %dma_wait3A_391 : memref<1x128xi32, #tpu.memory_space<vmem>> -> memref<128xi32, #tpu.memory_space<vmem>>
        %dma_wait3A_393 = arith.constant 0 : i32
        %dma_wait3A_394 = arith.constant 0 : i32
        %dma_wait3A_395 = tpu.memref_slice %arg10[%dma_wait3A_393, %dma_wait3A_394] : memref<10112x64xf32, #tpu.memory_space<vmem_shared>> -> memref<10112x64xf32, #tpu.memory_space<vmem_shared>>
        tpu.wait_indirect_dma semaphore(%run_scoped3A_375 : memref<!tpu.dma_semaphore, #tpu.memory_space<semaphore_mem>>) src(%dma_wait3A_389 : memref<128x64xf32, #tpu.memory_space<vmem>>) dst(%dma_wait3A_395 : memref<10112x64xf32, #tpu.memory_space<vmem_shared>>)
        tpu.yield
      }) : () -> ()
      %add3A_368 = arith.constant 8 : i32
      %add3A_369 = arith.addi %add3A_355, %add3A_368 : i32
      %lt3A_370 = arith.constant 79 : i32
      %lt3A_371 = arith.cmpi slt, %add3A_369, %lt3A_370 : i32
      %convert_element_type3A_372 = arith.extui %lt3A_371 : i1 to i32
      %cond3A_373 = arith.constant 0 : i32
      %cond3A_374 = arith.cmpi ne, %convert_element_type3A_372, %cond3A_373 : i32
      scf.if %cond3A_374 {
        %add3A_375 = arith.constant 8 : i32
        %add3A_376 = arith.addi %add3A_355, %add3A_375 : i32
        %dma_start3A_377 = arith.constant 7 : i32
        %dma_start3A_378 = arith.constant 0 : i32
        %dma_start3A_379 = arith.constant 0 : i32
        %dma_start3A_380 = tpu.memref_slice %arg9[%dma_start3A_377, %dma_start3A_378, %dma_start3A_379] : memref<8x128x64xf32, #tpu.memory_space<vmem>> -> memref<1x128x64xf32, #tpu.memory_space<vmem>>
        %dma_start3A_381 = tpu.memref_squeeze %dma_start3A_380 : memref<1x128x64xf32, #tpu.memory_space<vmem>> -> memref<128x64xf32, #tpu.memory_space<vmem>>
        %dma_start3A_382 = arith.constant 0 : i32
        %dma_start3A_383 = tpu.memref_slice %arg7[%add3A_376, %dma_start3A_382] : memref<79x128xi32, #tpu.memory_space<vmem>> -> memref<1x128xi32, #tpu.memory_space<vmem>>
        %dma_start3A_384 = tpu.memref_squeeze %dma_start3A_383 : memref<1x128xi32, #tpu.memory_space<vmem>> -> memref<128xi32, #tpu.memory_space<vmem>>
        %dma_start3A_385 = arith.constant 0 : i32
        %dma_start3A_386 = arith.constant 0 : i32
        %dma_start3A_387 = tpu.memref_slice %arg2[%dma_start3A_385, %dma_start3A_386] : memref<10000x64xf32, #tpu.memory_space<hbm>> -> memref<10000x64xf32, #tpu.memory_space<hbm>>
        tpu.enqueue_indirect_dma source(%dma_start3A_387 : memref<10000x64xf32, #tpu.memory_space<hbm>>) target(%dma_start3A_381 : memref<128x64xf32, #tpu.memory_space<vmem>>) offsets(%dma_start3A_384 : memref<128xi32, #tpu.memory_space<vmem>>) semaphore(%arg18 : memref<!tpu.dma_semaphore, #tpu.memory_space<semaphore_mem>>)
      } else {
      }
    }
    %scan3A_103 = arith.constant 9 : i32
    %dma_wait3A = arith.constant 72 : i32
    %dma_wait3A_104 = arith.constant 0 : i32
    %dma_wait3A_105 = arith.constant 0 : i32
    %dma_wait3A_106 = arith.constant 0 : i32
    %dma_wait3A_107 = tpu.memref_slice %arg9[%dma_wait3A_104, %dma_wait3A_105, %dma_wait3A_106] : memref<8x128x64xf32, #tpu.memory_space<vmem>> -> memref<1x128x64xf32, #tpu.memory_space<vmem>>
    %dma_wait3A_108 = tpu.memref_squeeze %dma_wait3A_107 : memref<1x128x64xf32, #tpu.memory_space<vmem>> -> memref<128x64xf32, #tpu.memory_space<vmem>>
    %dma_wait3A_109 = arith.constant 0 : i32
    %dma_wait3A_110 = tpu.memref_slice %arg7[%dma_wait3A, %dma_wait3A_109] : memref<79x128xi32, #tpu.memory_space<vmem>> -> memref<1x128xi32, #tpu.memory_space<vmem>>
    %dma_wait3A_111 = tpu.memref_squeeze %dma_wait3A_110 : memref<1x128xi32, #tpu.memory_space<vmem>> -> memref<128xi32, #tpu.memory_space<vmem>>
    %dma_wait3A_112 = arith.constant 0 : i32
    %dma_wait3A_113 = arith.constant 0 : i32
    %dma_wait3A_114 = tpu.memref_slice %arg2[%dma_wait3A_112, %dma_wait3A_113] : memref<10000x64xf32, #tpu.memory_space<hbm>> -> memref<10000x64xf32, #tpu.memory_space<hbm>>
    tpu.wait_indirect_dma semaphore(%arg11 : memref<!tpu.dma_semaphore, #tpu.memory_space<semaphore_mem>>) src(%dma_wait3A_114 : memref<10000x64xf32, #tpu.memory_space<hbm>>) dst(%dma_wait3A_108 : memref<128x64xf32, #tpu.memory_space<vmem>>)
    %run_scoped3A = arith.constant 0 : i32
    %run_scoped3A_115 = arith.constant 72 : i32
    "tpu.region"() ({
      %run_scoped3A_205 = tpu.sem_alloc : memref<!tpu.dma_semaphore, #tpu.memory_space<semaphore_mem>>
      %dma_start3A_206 = arith.constant 0 : i32
      %dma_start3A_207 = arith.constant 0 : i32
      %dma_start3A_208 = tpu.memref_slice %arg9[%run_scoped3A, %dma_start3A_206, %dma_start3A_207] : memref<8x128x64xf32, #tpu.memory_space<vmem>> -> memref<1x128x64xf32, #tpu.memory_space<vmem>>
      %dma_start3A_209 = tpu.memref_squeeze %dma_start3A_208 : memref<1x128x64xf32, #tpu.memory_space<vmem>> -> memref<128x64xf32, #tpu.memory_space<vmem>>
      %dma_start3A_210 = arith.constant 0 : i32
      %dma_start3A_211 = tpu.memref_slice %arg8[%run_scoped3A_115, %dma_start3A_210] : memref<79x128xi32, #tpu.memory_space<vmem>> -> memref<1x128xi32, #tpu.memory_space<vmem>>
      %dma_start3A_212 = tpu.memref_squeeze %dma_start3A_211 : memref<1x128xi32, #tpu.memory_space<vmem>> -> memref<128xi32, #tpu.memory_space<vmem>>
      %dma_start3A_213 = arith.constant 0 : i32
      %dma_start3A_214 = arith.constant 0 : i32
      %dma_start3A_215 = tpu.memref_slice %arg10[%dma_start3A_213, %dma_start3A_214] : memref<10112x64xf32, #tpu.memory_space<vmem_shared>> -> memref<10112x64xf32, #tpu.memory_space<vmem_shared>>
      tpu.enqueue_indirect_dma source(%dma_start3A_209 : memref<128x64xf32, #tpu.memory_space<vmem>>) target(%dma_start3A_215 : memref<10112x64xf32, #tpu.memory_space<vmem_shared>>) offsets(%dma_start3A_212 : memref<128xi32, #tpu.memory_space<vmem>>) semaphore(%run_scoped3A_205 : memref<!tpu.dma_semaphore, #tpu.memory_space<semaphore_mem>>) {add = true}
      %dma_wait3A_216 = arith.constant 0 : i32
      %dma_wait3A_217 = arith.constant 0 : i32
      %dma_wait3A_218 = tpu.memref_slice %arg9[%run_scoped3A, %dma_wait3A_216, %dma_wait3A_217] : memref<8x128x64xf32, #tpu.memory_space<vmem>> -> memref<1x128x64xf32, #tpu.memory_space<vmem>>
      %dma_wait3A_219 = tpu.memref_squeeze %dma_wait3A_218 : memref<1x128x64xf32, #tpu.memory_space<vmem>> -> memref<128x64xf32, #tpu.memory_space<vmem>>
      %dma_wait3A_220 = arith.constant 0 : i32
      %dma_wait3A_221 = tpu.memref_slice %arg8[%run_scoped3A_115, %dma_wait3A_220] : memref<79x128xi32, #tpu.memory_space<vmem>> -> memref<1x128xi32, #tpu.memory_space<vmem>>
      %dma_wait3A_222 = tpu.memref_squeeze %dma_wait3A_221 : memref<1x128xi32, #tpu.memory_space<vmem>> -> memref<128xi32, #tpu.memory_space<vmem>>
      %dma_wait3A_223 = arith.constant 0 : i32
      %dma_wait3A_224 = arith.constant 0 : i32
      %dma_wait3A_225 = tpu.memref_slice %arg10[%dma_wait3A_223, %dma_wait3A_224] : memref<10112x64xf32, #tpu.memory_space<vmem_shared>> -> memref<10112x64xf32, #tpu.memory_space<vmem_shared>>
      tpu.wait_indirect_dma semaphore(%run_scoped3A_205 : memref<!tpu.dma_semaphore, #tpu.memory_space<semaphore_mem>>) src(%dma_wait3A_219 : memref<128x64xf32, #tpu.memory_space<vmem>>) dst(%dma_wait3A_225 : memref<10112x64xf32, #tpu.memory_space<vmem_shared>>)
      tpu.yield
    }) : () -> ()
    %dma_wait3A_116 = arith.constant 73 : i32
    %dma_wait3A_117 = arith.constant 1 : i32
    %dma_wait3A_118 = arith.constant 0 : i32
    %dma_wait3A_119 = arith.constant 0 : i32
    %dma_wait3A_120 = tpu.memref_slice %arg9[%dma_wait3A_117, %dma_wait3A_118, %dma_wait3A_119] : memref<8x128x64xf32, #tpu.memory_space<vmem>> -> memref<1x128x64xf32, #tpu.memory_space<vmem>>
    %dma_wait3A_121 = tpu.memref_squeeze %dma_wait3A_120 : memref<1x128x64xf32, #tpu.memory_space<vmem>> -> memref<128x64xf32, #tpu.memory_space<vmem>>
    %dma_wait3A_122 = arith.constant 0 : i32
    %dma_wait3A_123 = tpu.memref_slice %arg7[%dma_wait3A_116, %dma_wait3A_122] : memref<79x128xi32, #tpu.memory_space<vmem>> -> memref<1x128xi32, #tpu.memory_space<vmem>>
    %dma_wait3A_124 = tpu.memref_squeeze %dma_wait3A_123 : memref<1x128xi32, #tpu.memory_space<vmem>> -> memref<128xi32, #tpu.memory_space<vmem>>
    %dma_wait3A_125 = arith.constant 0 : i32
    %dma_wait3A_126 = arith.constant 0 : i32
    %dma_wait3A_127 = tpu.memref_slice %arg2[%dma_wait3A_125, %dma_wait3A_126] : memref<10000x64xf32, #tpu.memory_space<hbm>> -> memref<10000x64xf32, #tpu.memory_space<hbm>>
    tpu.wait_indirect_dma semaphore(%arg12 : memref<!tpu.dma_semaphore, #tpu.memory_space<semaphore_mem>>) src(%dma_wait3A_127 : memref<10000x64xf32, #tpu.memory_space<hbm>>) dst(%dma_wait3A_121 : memref<128x64xf32, #tpu.memory_space<vmem>>)
    %run_scoped3A_128 = arith.constant 1 : i32
    %run_scoped3A_129 = arith.constant 73 : i32
    "tpu.region"() ({
      %run_scoped3A_205 = tpu.sem_alloc : memref<!tpu.dma_semaphore, #tpu.memory_space<semaphore_mem>>
      %dma_start3A_206 = arith.constant 0 : i32
      %dma_start3A_207 = arith.constant 0 : i32
      %dma_start3A_208 = tpu.memref_slice %arg9[%run_scoped3A_128, %dma_start3A_206, %dma_start3A_207] : memref<8x128x64xf32, #tpu.memory_space<vmem>> -> memref<1x128x64xf32, #tpu.memory_space<vmem>>
      %dma_start3A_209 = tpu.memref_squeeze %dma_start3A_208 : memref<1x128x64xf32, #tpu.memory_space<vmem>> -> memref<128x64xf32, #tpu.memory_space<vmem>>
      %dma_start3A_210 = arith.constant 0 : i32
      %dma_start3A_211 = tpu.memref_slice %arg8[%run_scoped3A_129, %dma_start3A_210] : memref<79x128xi32, #tpu.memory_space<vmem>> -> memref<1x128xi32, #tpu.memory_space<vmem>>
      %dma_start3A_212 = tpu.memref_squeeze %dma_start3A_211 : memref<1x128xi32, #tpu.memory_space<vmem>> -> memref<128xi32, #tpu.memory_space<vmem>>
      %dma_start3A_213 = arith.constant 0 : i32
      %dma_start3A_214 = arith.constant 0 : i32
      %dma_start3A_215 = tpu.memref_slice %arg10[%dma_start3A_213, %dma_start3A_214] : memref<10112x64xf32, #tpu.memory_space<vmem_shared>> -> memref<10112x64xf32, #tpu.memory_space<vmem_shared>>
      tpu.enqueue_indirect_dma source(%dma_start3A_209 : memref<128x64xf32, #tpu.memory_space<vmem>>) target(%dma_start3A_215 : memref<10112x64xf32, #tpu.memory_space<vmem_shared>>) offsets(%dma_start3A_212 : memref<128xi32, #tpu.memory_space<vmem>>) semaphore(%run_scoped3A_205 : memref<!tpu.dma_semaphore, #tpu.memory_space<semaphore_mem>>) {add = true}
      %dma_wait3A_216 = arith.constant 0 : i32
      %dma_wait3A_217 = arith.constant 0 : i32
      %dma_wait3A_218 = tpu.memref_slice %arg9[%run_scoped3A_128, %dma_wait3A_216, %dma_wait3A_217] : memref<8x128x64xf32, #tpu.memory_space<vmem>> -> memref<1x128x64xf32, #tpu.memory_space<vmem>>
      %dma_wait3A_219 = tpu.memref_squeeze %dma_wait3A_218 : memref<1x128x64xf32, #tpu.memory_space<vmem>> -> memref<128x64xf32, #tpu.memory_space<vmem>>
      %dma_wait3A_220 = arith.constant 0 : i32
      %dma_wait3A_221 = tpu.memref_slice %arg8[%run_scoped3A_129, %dma_wait3A_220] : memref<79x128xi32, #tpu.memory_space<vmem>> -> memref<1x128xi32, #tpu.memory_space<vmem>>
      %dma_wait3A_222 = tpu.memref_squeeze %dma_wait3A_221 : memref<1x128xi32, #tpu.memory_space<vmem>> -> memref<128xi32, #tpu.memory_space<vmem>>
      %dma_wait3A_223 = arith.constant 0 : i32
      %dma_wait3A_224 = arith.constant 0 : i32
      %dma_wait3A_225 = tpu.memref_slice %arg10[%dma_wait3A_223, %dma_wait3A_224] : memref<10112x64xf32, #tpu.memory_space<vmem_shared>> -> memref<10112x64xf32, #tpu.memory_space<vmem_shared>>
      tpu.wait_indirect_dma semaphore(%run_scoped3A_205 : memref<!tpu.dma_semaphore, #tpu.memory_space<semaphore_mem>>) src(%dma_wait3A_219 : memref<128x64xf32, #tpu.memory_space<vmem>>) dst(%dma_wait3A_225 : memref<10112x64xf32, #tpu.memory_space<vmem_shared>>)
      tpu.yield
    }) : () -> ()
    %dma_wait3A_130 = arith.constant 74 : i32
    %dma_wait3A_131 = arith.constant 2 : i32
    %dma_wait3A_132 = arith.constant 0 : i32
    %dma_wait3A_133 = arith.constant 0 : i32
    %dma_wait3A_134 = tpu.memref_slice %arg9[%dma_wait3A_131, %dma_wait3A_132, %dma_wait3A_133] : memref<8x128x64xf32, #tpu.memory_space<vmem>> -> memref<1x128x64xf32, #tpu.memory_space<vmem>>
    %dma_wait3A_135 = tpu.memref_squeeze %dma_wait3A_134 : memref<1x128x64xf32, #tpu.memory_space<vmem>> -> memref<128x64xf32, #tpu.memory_space<vmem>>
    %dma_wait3A_136 = arith.constant 0 : i32
    %dma_wait3A_137 = tpu.memref_slice %arg7[%dma_wait3A_130, %dma_wait3A_136] : memref<79x128xi32, #tpu.memory_space<vmem>> -> memref<1x128xi32, #tpu.memory_space<vmem>>
    %dma_wait3A_138 = tpu.memref_squeeze %dma_wait3A_137 : memref<1x128xi32, #tpu.memory_space<vmem>> -> memref<128xi32, #tpu.memory_space<vmem>>
    %dma_wait3A_139 = arith.constant 0 : i32
    %dma_wait3A_140 = arith.constant 0 : i32
    %dma_wait3A_141 = tpu.memref_slice %arg2[%dma_wait3A_139, %dma_wait3A_140] : memref<10000x64xf32, #tpu.memory_space<hbm>> -> memref<10000x64xf32, #tpu.memory_space<hbm>>
    tpu.wait_indirect_dma semaphore(%arg13 : memref<!tpu.dma_semaphore, #tpu.memory_space<semaphore_mem>>) src(%dma_wait3A_141 : memref<10000x64xf32, #tpu.memory_space<hbm>>) dst(%dma_wait3A_135 : memref<128x64xf32, #tpu.memory_space<vmem>>)
    %run_scoped3A_142 = arith.constant 2 : i32
    %run_scoped3A_143 = arith.constant 74 : i32
    "tpu.region"() ({
      %run_scoped3A_205 = tpu.sem_alloc : memref<!tpu.dma_semaphore, #tpu.memory_space<semaphore_mem>>
      %dma_start3A_206 = arith.constant 0 : i32
      %dma_start3A_207 = arith.constant 0 : i32
      %dma_start3A_208 = tpu.memref_slice %arg9[%run_scoped3A_142, %dma_start3A_206, %dma_start3A_207] : memref<8x128x64xf32, #tpu.memory_space<vmem>> -> memref<1x128x64xf32, #tpu.memory_space<vmem>>
      %dma_start3A_209 = tpu.memref_squeeze %dma_start3A_208 : memref<1x128x64xf32, #tpu.memory_space<vmem>> -> memref<128x64xf32, #tpu.memory_space<vmem>>
      %dma_start3A_210 = arith.constant 0 : i32
      %dma_start3A_211 = tpu.memref_slice %arg8[%run_scoped3A_143, %dma_start3A_210] : memref<79x128xi32, #tpu.memory_space<vmem>> -> memref<1x128xi32, #tpu.memory_space<vmem>>
      %dma_start3A_212 = tpu.memref_squeeze %dma_start3A_211 : memref<1x128xi32, #tpu.memory_space<vmem>> -> memref<128xi32, #tpu.memory_space<vmem>>
      %dma_start3A_213 = arith.constant 0 : i32
      %dma_start3A_214 = arith.constant 0 : i32
      %dma_start3A_215 = tpu.memref_slice %arg10[%dma_start3A_213, %dma_start3A_214] : memref<10112x64xf32, #tpu.memory_space<vmem_shared>> -> memref<10112x64xf32, #tpu.memory_space<vmem_shared>>
      tpu.enqueue_indirect_dma source(%dma_start3A_209 : memref<128x64xf32, #tpu.memory_space<vmem>>) target(%dma_start3A_215 : memref<10112x64xf32, #tpu.memory_space<vmem_shared>>) offsets(%dma_start3A_212 : memref<128xi32, #tpu.memory_space<vmem>>) semaphore(%run_scoped3A_205 : memref<!tpu.dma_semaphore, #tpu.memory_space<semaphore_mem>>) {add = true}
      %dma_wait3A_216 = arith.constant 0 : i32
      %dma_wait3A_217 = arith.constant 0 : i32
      %dma_wait3A_218 = tpu.memref_slice %arg9[%run_scoped3A_142, %dma_wait3A_216, %dma_wait3A_217] : memref<8x128x64xf32, #tpu.memory_space<vmem>> -> memref<1x128x64xf32, #tpu.memory_space<vmem>>
      %dma_wait3A_219 = tpu.memref_squeeze %dma_wait3A_218 : memref<1x128x64xf32, #tpu.memory_space<vmem>> -> memref<128x64xf32, #tpu.memory_space<vmem>>
      %dma_wait3A_220 = arith.constant 0 : i32
      %dma_wait3A_221 = tpu.memref_slice %arg8[%run_scoped3A_143, %dma_wait3A_220] : memref<79x128xi32, #tpu.memory_space<vmem>> -> memref<1x128xi32, #tpu.memory_space<vmem>>
      %dma_wait3A_222 = tpu.memref_squeeze %dma_wait3A_221 : memref<1x128xi32, #tpu.memory_space<vmem>> -> memref<128xi32, #tpu.memory_space<vmem>>
      %dma_wait3A_223 = arith.constant 0 : i32
      %dma_wait3A_224 = arith.constant 0 : i32
      %dma_wait3A_225 = tpu.memref_slice %arg10[%dma_wait3A_223, %dma_wait3A_224] : memref<10112x64xf32, #tpu.memory_space<vmem_shared>> -> memref<10112x64xf32, #tpu.memory_space<vmem_shared>>
      tpu.wait_indirect_dma semaphore(%run_scoped3A_205 : memref<!tpu.dma_semaphore, #tpu.memory_space<semaphore_mem>>) src(%dma_wait3A_219 : memref<128x64xf32, #tpu.memory_space<vmem>>) dst(%dma_wait3A_225 : memref<10112x64xf32, #tpu.memory_space<vmem_shared>>)
      tpu.yield
    }) : () -> ()
    %dma_wait3A_144 = arith.constant 75 : i32
    %dma_wait3A_145 = arith.constant 3 : i32
    %dma_wait3A_146 = arith.constant 0 : i32
    %dma_wait3A_147 = arith.constant 0 : i32
    %dma_wait3A_148 = tpu.memref_slice %arg9[%dma_wait3A_145, %dma_wait3A_146, %dma_wait3A_147] : memref<8x128x64xf32, #tpu.memory_space<vmem>> -> memref<1x128x64xf32, #tpu.memory_space<vmem>>
    %dma_wait3A_149 = tpu.memref_squeeze %dma_wait3A_148 : memref<1x128x64xf32, #tpu.memory_space<vmem>> -> memref<128x64xf32, #tpu.memory_space<vmem>>
    %dma_wait3A_150 = arith.constant 0 : i32
    %dma_wait3A_151 = tpu.memref_slice %arg7[%dma_wait3A_144, %dma_wait3A_150] : memref<79x128xi32, #tpu.memory_space<vmem>> -> memref<1x128xi32, #tpu.memory_space<vmem>>
    %dma_wait3A_152 = tpu.memref_squeeze %dma_wait3A_151 : memref<1x128xi32, #tpu.memory_space<vmem>> -> memref<128xi32, #tpu.memory_space<vmem>>
    %dma_wait3A_153 = arith.constant 0 : i32
    %dma_wait3A_154 = arith.constant 0 : i32
    %dma_wait3A_155 = tpu.memref_slice %arg2[%dma_wait3A_153, %dma_wait3A_154] : memref<10000x64xf32, #tpu.memory_space<hbm>> -> memref<10000x64xf32, #tpu.memory_space<hbm>>
    tpu.wait_indirect_dma semaphore(%arg14 : memref<!tpu.dma_semaphore, #tpu.memory_space<semaphore_mem>>) src(%dma_wait3A_155 : memref<10000x64xf32, #tpu.memory_space<hbm>>) dst(%dma_wait3A_149 : memref<128x64xf32, #tpu.memory_space<vmem>>)
    %run_scoped3A_156 = arith.constant 3 : i32
    %run_scoped3A_157 = arith.constant 75 : i32
    "tpu.region"() ({
      %run_scoped3A_205 = tpu.sem_alloc : memref<!tpu.dma_semaphore, #tpu.memory_space<semaphore_mem>>
      %dma_start3A_206 = arith.constant 0 : i32
      %dma_start3A_207 = arith.constant 0 : i32
      %dma_start3A_208 = tpu.memref_slice %arg9[%run_scoped3A_156, %dma_start3A_206, %dma_start3A_207] : memref<8x128x64xf32, #tpu.memory_space<vmem>> -> memref<1x128x64xf32, #tpu.memory_space<vmem>>
      %dma_start3A_209 = tpu.memref_squeeze %dma_start3A_208 : memref<1x128x64xf32, #tpu.memory_space<vmem>> -> memref<128x64xf32, #tpu.memory_space<vmem>>
      %dma_start3A_210 = arith.constant 0 : i32
      %dma_start3A_211 = tpu.memref_slice %arg8[%run_scoped3A_157, %dma_start3A_210] : memref<79x128xi32, #tpu.memory_space<vmem>> -> memref<1x128xi32, #tpu.memory_space<vmem>>
      %dma_start3A_212 = tpu.memref_squeeze %dma_start3A_211 : memref<1x128xi32, #tpu.memory_space<vmem>> -> memref<128xi32, #tpu.memory_space<vmem>>
      %dma_start3A_213 = arith.constant 0 : i32
      %dma_start3A_214 = arith.constant 0 : i32
      %dma_start3A_215 = tpu.memref_slice %arg10[%dma_start3A_213, %dma_start3A_214] : memref<10112x64xf32, #tpu.memory_space<vmem_shared>> -> memref<10112x64xf32, #tpu.memory_space<vmem_shared>>
      tpu.enqueue_indirect_dma source(%dma_start3A_209 : memref<128x64xf32, #tpu.memory_space<vmem>>) target(%dma_start3A_215 : memref<10112x64xf32, #tpu.memory_space<vmem_shared>>) offsets(%dma_start3A_212 : memref<128xi32, #tpu.memory_space<vmem>>) semaphore(%run_scoped3A_205 : memref<!tpu.dma_semaphore, #tpu.memory_space<semaphore_mem>>) {add = true}
      %dma_wait3A_216 = arith.constant 0 : i32
      %dma_wait3A_217 = arith.constant 0 : i32
      %dma_wait3A_218 = tpu.memref_slice %arg9[%run_scoped3A_156, %dma_wait3A_216, %dma_wait3A_217] : memref<8x128x64xf32, #tpu.memory_space<vmem>> -> memref<1x128x64xf32, #tpu.memory_space<vmem>>
      %dma_wait3A_219 = tpu.memref_squeeze %dma_wait3A_218 : memref<1x128x64xf32, #tpu.memory_space<vmem>> -> memref<128x64xf32, #tpu.memory_space<vmem>>
      %dma_wait3A_220 = arith.constant 0 : i32
      %dma_wait3A_221 = tpu.memref_slice %arg8[%run_scoped3A_157, %dma_wait3A_220] : memref<79x128xi32, #tpu.memory_space<vmem>> -> memref<1x128xi32, #tpu.memory_space<vmem>>
      %dma_wait3A_222 = tpu.memref_squeeze %dma_wait3A_221 : memref<1x128xi32, #tpu.memory_space<vmem>> -> memref<128xi32, #tpu.memory_space<vmem>>
      %dma_wait3A_223 = arith.constant 0 : i32
      %dma_wait3A_224 = arith.constant 0 : i32
      %dma_wait3A_225 = tpu.memref_slice %arg10[%dma_wait3A_223, %dma_wait3A_224] : memref<10112x64xf32, #tpu.memory_space<vmem_shared>> -> memref<10112x64xf32, #tpu.memory_space<vmem_shared>>
      tpu.wait_indirect_dma semaphore(%run_scoped3A_205 : memref<!tpu.dma_semaphore, #tpu.memory_space<semaphore_mem>>) src(%dma_wait3A_219 : memref<128x64xf32, #tpu.memory_space<vmem>>) dst(%dma_wait3A_225 : memref<10112x64xf32, #tpu.memory_space<vmem_shared>>)
      tpu.yield
    }) : () -> ()
    %dma_wait3A_158 = arith.constant 76 : i32
    %dma_wait3A_159 = arith.constant 4 : i32
    %dma_wait3A_160 = arith.constant 0 : i32
    %dma_wait3A_161 = arith.constant 0 : i32
    %dma_wait3A_162 = tpu.memref_slice %arg9[%dma_wait3A_159, %dma_wait3A_160, %dma_wait3A_161] : memref<8x128x64xf32, #tpu.memory_space<vmem>> -> memref<1x128x64xf32, #tpu.memory_space<vmem>>
    %dma_wait3A_163 = tpu.memref_squeeze %dma_wait3A_162 : memref<1x128x64xf32, #tpu.memory_space<vmem>> -> memref<128x64xf32, #tpu.memory_space<vmem>>
    %dma_wait3A_164 = arith.constant 0 : i32
    %dma_wait3A_165 = tpu.memref_slice %arg7[%dma_wait3A_158, %dma_wait3A_164] : memref<79x128xi32, #tpu.memory_space<vmem>> -> memref<1x128xi32, #tpu.memory_space<vmem>>
    %dma_wait3A_166 = tpu.memref_squeeze %dma_wait3A_165 : memref<1x128xi32, #tpu.memory_space<vmem>> -> memref<128xi32, #tpu.memory_space<vmem>>
    %dma_wait3A_167 = arith.constant 0 : i32
    %dma_wait3A_168 = arith.constant 0 : i32
    %dma_wait3A_169 = tpu.memref_slice %arg2[%dma_wait3A_167, %dma_wait3A_168] : memref<10000x64xf32, #tpu.memory_space<hbm>> -> memref<10000x64xf32, #tpu.memory_space<hbm>>
    tpu.wait_indirect_dma semaphore(%arg15 : memref<!tpu.dma_semaphore, #tpu.memory_space<semaphore_mem>>) src(%dma_wait3A_169 : memref<10000x64xf32, #tpu.memory_space<hbm>>) dst(%dma_wait3A_163 : memref<128x64xf32, #tpu.memory_space<vmem>>)
    %run_scoped3A_170 = arith.constant 4 : i32
    %run_scoped3A_171 = arith.constant 76 : i32
    "tpu.region"() ({
      %run_scoped3A_205 = tpu.sem_alloc : memref<!tpu.dma_semaphore, #tpu.memory_space<semaphore_mem>>
      %dma_start3A_206 = arith.constant 0 : i32
      %dma_start3A_207 = arith.constant 0 : i32
      %dma_start3A_208 = tpu.memref_slice %arg9[%run_scoped3A_170, %dma_start3A_206, %dma_start3A_207] : memref<8x128x64xf32, #tpu.memory_space<vmem>> -> memref<1x128x64xf32, #tpu.memory_space<vmem>>
      %dma_start3A_209 = tpu.memref_squeeze %dma_start3A_208 : memref<1x128x64xf32, #tpu.memory_space<vmem>> -> memref<128x64xf32, #tpu.memory_space<vmem>>
      %dma_start3A_210 = arith.constant 0 : i32
      %dma_start3A_211 = tpu.memref_slice %arg8[%run_scoped3A_171, %dma_start3A_210] : memref<79x128xi32, #tpu.memory_space<vmem>> -> memref<1x128xi32, #tpu.memory_space<vmem>>
      %dma_start3A_212 = tpu.memref_squeeze %dma_start3A_211 : memref<1x128xi32, #tpu.memory_space<vmem>> -> memref<128xi32, #tpu.memory_space<vmem>>
      %dma_start3A_213 = arith.constant 0 : i32
      %dma_start3A_214 = arith.constant 0 : i32
      %dma_start3A_215 = tpu.memref_slice %arg10[%dma_start3A_213, %dma_start3A_214] : memref<10112x64xf32, #tpu.memory_space<vmem_shared>> -> memref<10112x64xf32, #tpu.memory_space<vmem_shared>>
      tpu.enqueue_indirect_dma source(%dma_start3A_209 : memref<128x64xf32, #tpu.memory_space<vmem>>) target(%dma_start3A_215 : memref<10112x64xf32, #tpu.memory_space<vmem_shared>>) offsets(%dma_start3A_212 : memref<128xi32, #tpu.memory_space<vmem>>) semaphore(%run_scoped3A_205 : memref<!tpu.dma_semaphore, #tpu.memory_space<semaphore_mem>>) {add = true}
      %dma_wait3A_216 = arith.constant 0 : i32
      %dma_wait3A_217 = arith.constant 0 : i32
      %dma_wait3A_218 = tpu.memref_slice %arg9[%run_scoped3A_170, %dma_wait3A_216, %dma_wait3A_217] : memref<8x128x64xf32, #tpu.memory_space<vmem>> -> memref<1x128x64xf32, #tpu.memory_space<vmem>>
      %dma_wait3A_219 = tpu.memref_squeeze %dma_wait3A_218 : memref<1x128x64xf32, #tpu.memory_space<vmem>> -> memref<128x64xf32, #tpu.memory_space<vmem>>
      %dma_wait3A_220 = arith.constant 0 : i32
      %dma_wait3A_221 = tpu.memref_slice %arg8[%run_scoped3A_171, %dma_wait3A_220] : memref<79x128xi32, #tpu.memory_space<vmem>> -> memref<1x128xi32, #tpu.memory_space<vmem>>
      %dma_wait3A_222 = tpu.memref_squeeze %dma_wait3A_221 : memref<1x128xi32, #tpu.memory_space<vmem>> -> memref<128xi32, #tpu.memory_space<vmem>>
      %dma_wait3A_223 = arith.constant 0 : i32
      %dma_wait3A_224 = arith.constant 0 : i32
      %dma_wait3A_225 = tpu.memref_slice %arg10[%dma_wait3A_223, %dma_wait3A_224] : memref<10112x64xf32, #tpu.memory_space<vmem_shared>> -> memref<10112x64xf32, #tpu.memory_space<vmem_shared>>
      tpu.wait_indirect_dma semaphore(%run_scoped3A_205 : memref<!tpu.dma_semaphore, #tpu.memory_space<semaphore_mem>>) src(%dma_wait3A_219 : memref<128x64xf32, #tpu.memory_space<vmem>>) dst(%dma_wait3A_225 : memref<10112x64xf32, #tpu.memory_space<vmem_shared>>)
      tpu.yield
    }) : () -> ()
    %dma_wait3A_172 = arith.constant 77 : i32
    %dma_wait3A_173 = arith.constant 5 : i32
    %dma_wait3A_174 = arith.constant 0 : i32
    %dma_wait3A_175 = arith.constant 0 : i32
    %dma_wait3A_176 = tpu.memref_slice %arg9[%dma_wait3A_173, %dma_wait3A_174, %dma_wait3A_175] : memref<8x128x64xf32, #tpu.memory_space<vmem>> -> memref<1x128x64xf32, #tpu.memory_space<vmem>>
    %dma_wait3A_177 = tpu.memref_squeeze %dma_wait3A_176 : memref<1x128x64xf32, #tpu.memory_space<vmem>> -> memref<128x64xf32, #tpu.memory_space<vmem>>
    %dma_wait3A_178 = arith.constant 0 : i32
    %dma_wait3A_179 = tpu.memref_slice %arg7[%dma_wait3A_172, %dma_wait3A_178] : memref<79x128xi32, #tpu.memory_space<vmem>> -> memref<1x128xi32, #tpu.memory_space<vmem>>
    %dma_wait3A_180 = tpu.memref_squeeze %dma_wait3A_179 : memref<1x128xi32, #tpu.memory_space<vmem>> -> memref<128xi32, #tpu.memory_space<vmem>>
    %dma_wait3A_181 = arith.constant 0 : i32
    %dma_wait3A_182 = arith.constant 0 : i32
    %dma_wait3A_183 = tpu.memref_slice %arg2[%dma_wait3A_181, %dma_wait3A_182] : memref<10000x64xf32, #tpu.memory_space<hbm>> -> memref<10000x64xf32, #tpu.memory_space<hbm>>
    tpu.wait_indirect_dma semaphore(%arg16 : memref<!tpu.dma_semaphore, #tpu.memory_space<semaphore_mem>>) src(%dma_wait3A_183 : memref<10000x64xf32, #tpu.memory_space<hbm>>) dst(%dma_wait3A_177 : memref<128x64xf32, #tpu.memory_space<vmem>>)
    %run_scoped3A_184 = arith.constant 5 : i32
    %run_scoped3A_185 = arith.constant 77 : i32
    "tpu.region"() ({
      %run_scoped3A_205 = tpu.sem_alloc : memref<!tpu.dma_semaphore, #tpu.memory_space<semaphore_mem>>
      %dma_start3A_206 = arith.constant 0 : i32
      %dma_start3A_207 = arith.constant 0 : i32
      %dma_start3A_208 = tpu.memref_slice %arg9[%run_scoped3A_184, %dma_start3A_206, %dma_start3A_207] : memref<8x128x64xf32, #tpu.memory_space<vmem>> -> memref<1x128x64xf32, #tpu.memory_space<vmem>>
      %dma_start3A_209 = tpu.memref_squeeze %dma_start3A_208 : memref<1x128x64xf32, #tpu.memory_space<vmem>> -> memref<128x64xf32, #tpu.memory_space<vmem>>
      %dma_start3A_210 = arith.constant 0 : i32
      %dma_start3A_211 = tpu.memref_slice %arg8[%run_scoped3A_185, %dma_start3A_210] : memref<79x128xi32, #tpu.memory_space<vmem>> -> memref<1x128xi32, #tpu.memory_space<vmem>>
      %dma_start3A_212 = tpu.memref_squeeze %dma_start3A_211 : memref<1x128xi32, #tpu.memory_space<vmem>> -> memref<128xi32, #tpu.memory_space<vmem>>
      %dma_start3A_213 = arith.constant 0 : i32
      %dma_start3A_214 = arith.constant 0 : i32
      %dma_start3A_215 = tpu.memref_slice %arg10[%dma_start3A_213, %dma_start3A_214] : memref<10112x64xf32, #tpu.memory_space<vmem_shared>> -> memref<10112x64xf32, #tpu.memory_space<vmem_shared>>
      tpu.enqueue_indirect_dma source(%dma_start3A_209 : memref<128x64xf32, #tpu.memory_space<vmem>>) target(%dma_start3A_215 : memref<10112x64xf32, #tpu.memory_space<vmem_shared>>) offsets(%dma_start3A_212 : memref<128xi32, #tpu.memory_space<vmem>>) semaphore(%run_scoped3A_205 : memref<!tpu.dma_semaphore, #tpu.memory_space<semaphore_mem>>) {add = true}
      %dma_wait3A_216 = arith.constant 0 : i32
      %dma_wait3A_217 = arith.constant 0 : i32
      %dma_wait3A_218 = tpu.memref_slice %arg9[%run_scoped3A_184, %dma_wait3A_216, %dma_wait3A_217] : memref<8x128x64xf32, #tpu.memory_space<vmem>> -> memref<1x128x64xf32, #tpu.memory_space<vmem>>
      %dma_wait3A_219 = tpu.memref_squeeze %dma_wait3A_218 : memref<1x128x64xf32, #tpu.memory_space<vmem>> -> memref<128x64xf32, #tpu.memory_space<vmem>>
      %dma_wait3A_220 = arith.constant 0 : i32
      %dma_wait3A_221 = tpu.memref_slice %arg8[%run_scoped3A_185, %dma_wait3A_220] : memref<79x128xi32, #tpu.memory_space<vmem>> -> memref<1x128xi32, #tpu.memory_space<vmem>>
      %dma_wait3A_222 = tpu.memref_squeeze %dma_wait3A_221 : memref<1x128xi32, #tpu.memory_space<vmem>> -> memref<128xi32, #tpu.memory_space<vmem>>
      %dma_wait3A_223 = arith.constant 0 : i32
      %dma_wait3A_224 = arith.constant 0 : i32
      %dma_wait3A_225 = tpu.memref_slice %arg10[%dma_wait3A_223, %dma_wait3A_224] : memref<10112x64xf32, #tpu.memory_space<vmem_shared>> -> memref<10112x64xf32, #tpu.memory_space<vmem_shared>>
      tpu.wait_indirect_dma semaphore(%run_scoped3A_205 : memref<!tpu.dma_semaphore, #tpu.memory_space<semaphore_mem>>) src(%dma_wait3A_219 : memref<128x64xf32, #tpu.memory_space<vmem>>) dst(%dma_wait3A_225 : memref<10112x64xf32, #tpu.memory_space<vmem_shared>>)
      tpu.yield
    }) : () -> ()
    %dma_wait3A_186 = arith.constant 78 : i32
    %dma_wait3A_187 = arith.constant 6 : i32
    %dma_wait3A_188 = arith.constant 0 : i32
    %dma_wait3A_189 = arith.constant 0 : i32
    %dma_wait3A_190 = tpu.memref_slice %arg9[%dma_wait3A_187, %dma_wait3A_188, %dma_wait3A_189] : memref<8x128x64xf32, #tpu.memory_space<vmem>> -> memref<1x128x64xf32, #tpu.memory_space<vmem>>
    %dma_wait3A_191 = tpu.memref_squeeze %dma_wait3A_190 : memref<1x128x64xf32, #tpu.memory_space<vmem>> -> memref<128x64xf32, #tpu.memory_space<vmem>>
    %dma_wait3A_192 = arith.constant 0 : i32
    %dma_wait3A_193 = tpu.memref_slice %arg7[%dma_wait3A_186, %dma_wait3A_192] : memref<79x128xi32, #tpu.memory_space<vmem>> -> memref<1x128xi32, #tpu.memory_space<vmem>>
    %dma_wait3A_194 = tpu.memref_squeeze %dma_wait3A_193 : memref<1x128xi32, #tpu.memory_space<vmem>> -> memref<128xi32, #tpu.memory_space<vmem>>
    %dma_wait3A_195 = arith.constant 0 : i32
    %dma_wait3A_196 = arith.constant 0 : i32
    %dma_wait3A_197 = tpu.memref_slice %arg2[%dma_wait3A_195, %dma_wait3A_196] : memref<10000x64xf32, #tpu.memory_space<hbm>> -> memref<10000x64xf32, #tpu.memory_space<hbm>>
    tpu.wait_indirect_dma semaphore(%arg17 : memref<!tpu.dma_semaphore, #tpu.memory_space<semaphore_mem>>) src(%dma_wait3A_197 : memref<10000x64xf32, #tpu.memory_space<hbm>>) dst(%dma_wait3A_191 : memref<128x64xf32, #tpu.memory_space<vmem>>)
    %run_scoped3A_198 = arith.constant 6 : i32
    %run_scoped3A_199 = arith.constant 78 : i32
    "tpu.region"() ({
      %run_scoped3A_205 = tpu.sem_alloc : memref<!tpu.dma_semaphore, #tpu.memory_space<semaphore_mem>>
      %dma_start3A_206 = arith.constant 0 : i32
      %dma_start3A_207 = arith.constant 0 : i32
      %dma_start3A_208 = tpu.memref_slice %arg9[%run_scoped3A_198, %dma_start3A_206, %dma_start3A_207] : memref<8x128x64xf32, #tpu.memory_space<vmem>> -> memref<1x128x64xf32, #tpu.memory_space<vmem>>
      %dma_start3A_209 = tpu.memref_squeeze %dma_start3A_208 : memref<1x128x64xf32, #tpu.memory_space<vmem>> -> memref<128x64xf32, #tpu.memory_space<vmem>>
      %dma_start3A_210 = arith.constant 0 : i32
      %dma_start3A_211 = tpu.memref_slice %arg8[%run_scoped3A_199, %dma_start3A_210] : memref<79x128xi32, #tpu.memory_space<vmem>> -> memref<1x128xi32, #tpu.memory_space<vmem>>
      %dma_start3A_212 = tpu.memref_squeeze %dma_start3A_211 : memref<1x128xi32, #tpu.memory_space<vmem>> -> memref<128xi32, #tpu.memory_space<vmem>>
      %dma_start3A_213 = arith.constant 0 : i32
      %dma_start3A_214 = arith.constant 0 : i32
      %dma_start3A_215 = tpu.memref_slice %arg10[%dma_start3A_213, %dma_start3A_214] : memref<10112x64xf32, #tpu.memory_space<vmem_shared>> -> memref<10112x64xf32, #tpu.memory_space<vmem_shared>>
      tpu.enqueue_indirect_dma source(%dma_start3A_209 : memref<128x64xf32, #tpu.memory_space<vmem>>) target(%dma_start3A_215 : memref<10112x64xf32, #tpu.memory_space<vmem_shared>>) offsets(%dma_start3A_212 : memref<128xi32, #tpu.memory_space<vmem>>) semaphore(%run_scoped3A_205 : memref<!tpu.dma_semaphore, #tpu.memory_space<semaphore_mem>>) {add = true}
      %dma_wait3A_216 = arith.constant 0 : i32
      %dma_wait3A_217 = arith.constant 0 : i32
      %dma_wait3A_218 = tpu.memref_slice %arg9[%run_scoped3A_198, %dma_wait3A_216, %dma_wait3A_217] : memref<8x128x64xf32, #tpu.memory_space<vmem>> -> memref<1x128x64xf32, #tpu.memory_space<vmem>>
      %dma_wait3A_219 = tpu.memref_squeeze %dma_wait3A_218 : memref<1x128x64xf32, #tpu.memory_space<vmem>> -> memref<128x64xf32, #tpu.memory_space<vmem>>
      %dma_wait3A_220 = arith.constant 0 : i32
      %dma_wait3A_221 = tpu.memref_slice %arg8[%run_scoped3A_199, %dma_wait3A_220] : memref<79x128xi32, #tpu.memory_space<vmem>> -> memref<1x128xi32, #tpu.memory_space<vmem>>
      %dma_wait3A_222 = tpu.memref_squeeze %dma_wait3A_221 : memref<1x128xi32, #tpu.memory_space<vmem>> -> memref<128xi32, #tpu.memory_space<vmem>>
      %dma_wait3A_223 = arith.constant 0 : i32
      %dma_wait3A_224 = arith.constant 0 : i32
      %dma_wait3A_225 = tpu.memref_slice %arg10[%dma_wait3A_223, %dma_wait3A_224] : memref<10112x64xf32, #tpu.memory_space<vmem_shared>> -> memref<10112x64xf32, #tpu.memory_space<vmem_shared>>
      tpu.wait_indirect_dma semaphore(%run_scoped3A_205 : memref<!tpu.dma_semaphore, #tpu.memory_space<semaphore_mem>>) src(%dma_wait3A_219 : memref<128x64xf32, #tpu.memory_space<vmem>>) dst(%dma_wait3A_225 : memref<10112x64xf32, #tpu.memory_space<vmem_shared>>)
      tpu.yield
    }) : () -> ()
    %barrier3A_200 = arith.constant 0 : index
    tpu.barrier barrier_id(%barrier3A_200)
    %mul3A_201 = arith.constant 632 : i32
    %mul3A_202 = arith.muli %arg1, %mul3A_201 : i32
    %mul3A_203 = arith.constant 632 : i32
    %mul3A_204 = arith.muli %arg1, %mul3A_203 : i32
    "tpu.region"() ({
      %run_scoped3A_205 = tpu.sem_alloc : memref<!tpu.dma_semaphore, #tpu.memory_space<semaphore_mem>>
      %dma_start3A_206 = arith.constant 0 : i32
      %dma_start3A_207 = tpu.memref_slice %arg6[%arg0, %mul3A_204, %dma_start3A_206] : memref<2x10112x64xf32, #tpu.memory_space<hbm>> -> memref<1x632x64xf32, #tpu.memory_space<hbm>>
      %dma_start3A_208 = tpu.memref_squeeze %dma_start3A_207 : memref<1x632x64xf32, #tpu.memory_space<hbm>> -> memref<632x64xf32, #tpu.memory_space<hbm>>
      %dma_start3A_209 = arith.constant 0 : i32
      %dma_start3A_210 = tpu.memref_slice %arg10[%mul3A_202, %dma_start3A_209] : memref<10112x64xf32, #tpu.memory_space<vmem_shared>> -> memref<632x64xf32, #tpu.memory_space<vmem_shared>>
      tpu.enqueue_dma source(%dma_start3A_210 : memref<632x64xf32, #tpu.memory_space<vmem_shared>>) target(%dma_start3A_208 : memref<632x64xf32, #tpu.memory_space<hbm>>) target_semaphore(%run_scoped3A_205 : memref<!tpu.dma_semaphore, #tpu.memory_space<semaphore_mem>>)
      %dma_wait3A_211 = arith.constant 0 : i32
      %dma_wait3A_212 = tpu.memref_slice %arg6[%arg0, %mul3A_204, %dma_wait3A_211] : memref<2x10112x64xf32, #tpu.memory_space<hbm>> -> memref<1x632x64xf32, #tpu.memory_space<hbm>>
      %dma_wait3A_213 = tpu.memref_squeeze %dma_wait3A_212 : memref<1x632x64xf32, #tpu.memory_space<hbm>> -> memref<632x64xf32, #tpu.memory_space<hbm>>
      %dma_wait3A_214 = arith.constant 0 : i32
      %dma_wait3A_215 = tpu.memref_slice %arg10[%mul3A_202, %dma_wait3A_214] : memref<10112x64xf32, #tpu.memory_space<vmem_shared>> -> memref<632x64xf32, #tpu.memory_space<vmem_shared>>
      tpu.wait_dma2 semaphore(%run_scoped3A_205 : memref<!tpu.dma_semaphore, #tpu.memory_space<semaphore_mem>>) src(%dma_wait3A_215 : memref<632x64xf32, #tpu.memory_space<vmem_shared>>) dst(%dma_wait3A_213 : memref<632x64xf32, #tpu.memory_space<hbm>>)
      tpu.yield
    }) : () -> ()
    return
  }
}

#map = affine_map<(d0, d1) -> (0, 0, 0)>
#map1 = affine_map<(d0, d1) -> (0, 0)>
#map2 = affine_map<(d0, d1) -> (0, 0, 0, 0)>
module attributes {stable_mosaic.version = 14 : i64} {
  func.func @_sc_deg_body(%arg0: i32, %arg1: i32, %arg2: memref<32x79x128xi32, #tpu.memory_space<hbm>>, %arg3: memref<32x79x128xi32, #tpu.memory_space<hbm>>, %arg4: memref<128x8xf32, #tpu.memory_space<hbm>>, %arg5: memref<10112x8xf32, #tpu.memory_space<hbm>>, %arg6: memref<2x2x10112x8xf32, #tpu.memory_space<hbm>>, %arg7: memref<79x128xi32, #tpu.memory_space<vmem>>, %arg8: memref<79x128xi32, #tpu.memory_space<vmem>>, %arg9: memref<128x8xf32, #tpu.memory_space<vmem>>, %arg10: memref<10112x8xf32, #tpu.memory_space<vmem_shared>>, %arg11: memref<10112x8xf32, #tpu.memory_space<vmem_shared>>) attributes {dimension_semantics = [#tpu.dimension_semantics<core_parallel>, #tpu.dimension_semantics<subcore_parallel>], iteration_bounds = array<i64: 2, 16>, scalar_prefetch = 0 : i64, scratch_operands = 5 : i64, tpu.core_type = #tpu.core_type<sc_vector_subcore>, window_params = [{transform_indices = #map}, {transform_indices = #map}, {transform_indices = #map1}, {transform_indices = #map1}, {transform_indices = #map2}]} {
    %mul3A = arith.constant 16 : i32
    %mul3A_0 = arith.muli %arg0, %mul3A : i32
    %add3A = arith.addi %mul3A_0, %arg1 : i32
    "tpu.region"() ({
      %run_scoped3A_24 = tpu.sem_alloc : memref<!tpu.dma_semaphore, #tpu.memory_space<semaphore_mem>>
      %dma_start3A = arith.constant 0 : i32
      %dma_start3A_25 = arith.constant 0 : i32
      %dma_start3A_26 = tpu.memref_slice %arg2[%add3A, %dma_start3A, %dma_start3A_25] : memref<32x79x128xi32, #tpu.memory_space<hbm>> -> memref<1x79x128xi32, #tpu.memory_space<hbm>>
      %dma_start3A_27 = tpu.memref_squeeze %dma_start3A_26 : memref<1x79x128xi32, #tpu.memory_space<hbm>> -> memref<79x128xi32, #tpu.memory_space<hbm>>
      %dma_start3A_28 = arith.constant 0 : i32
      %dma_start3A_29 = arith.constant 0 : i32
      %dma_start3A_30 = tpu.memref_slice %arg2[%add3A, %dma_start3A_28, %dma_start3A_29] : memref<32x79x128xi32, #tpu.memory_space<hbm>> -> memref<1x79x128xi32, #tpu.memory_space<hbm>>
      %dma_start3A_31 = tpu.memref_squeeze %dma_start3A_30 : memref<1x79x128xi32, #tpu.memory_space<hbm>> -> memref<79x128xi32, #tpu.memory_space<hbm>>
      tpu.enqueue_dma source(%dma_start3A_31 : memref<79x128xi32, #tpu.memory_space<hbm>>) target(%arg7 : memref<79x128xi32, #tpu.memory_space<vmem>>) target_semaphore(%run_scoped3A_24 : memref<!tpu.dma_semaphore, #tpu.memory_space<semaphore_mem>>)
      %dma_wait3A = arith.constant 0 : i32
      %dma_wait3A_32 = arith.constant 0 : i32
      %dma_wait3A_33 = tpu.memref_slice %arg2[%add3A, %dma_wait3A, %dma_wait3A_32] : memref<32x79x128xi32, #tpu.memory_space<hbm>> -> memref<1x79x128xi32, #tpu.memory_space<hbm>>
      %dma_wait3A_34 = tpu.memref_squeeze %dma_wait3A_33 : memref<1x79x128xi32, #tpu.memory_space<hbm>> -> memref<79x128xi32, #tpu.memory_space<hbm>>
      %dma_wait3A_35 = arith.constant 0 : i32
      %dma_wait3A_36 = arith.constant 0 : i32
      %dma_wait3A_37 = tpu.memref_slice %arg2[%add3A, %dma_wait3A_35, %dma_wait3A_36] : memref<32x79x128xi32, #tpu.memory_space<hbm>> -> memref<1x79x128xi32, #tpu.memory_space<hbm>>
      %dma_wait3A_38 = tpu.memref_squeeze %dma_wait3A_37 : memref<1x79x128xi32, #tpu.memory_space<hbm>> -> memref<79x128xi32, #tpu.memory_space<hbm>>
      tpu.wait_dma2 semaphore(%run_scoped3A_24 : memref<!tpu.dma_semaphore, #tpu.memory_space<semaphore_mem>>) src(%dma_wait3A_38 : memref<79x128xi32, #tpu.memory_space<hbm>>) dst(%arg7 : memref<79x128xi32, #tpu.memory_space<vmem>>)
      tpu.yield
    }) : () -> ()
    "tpu.region"() ({
      %run_scoped3A_24 = tpu.sem_alloc : memref<!tpu.dma_semaphore, #tpu.memory_space<semaphore_mem>>
      %dma_start3A = arith.constant 0 : i32
      %dma_start3A_25 = arith.constant 0 : i32
      %dma_start3A_26 = tpu.memref_slice %arg3[%add3A, %dma_start3A, %dma_start3A_25] : memref<32x79x128xi32, #tpu.memory_space<hbm>> -> memref<1x79x128xi32, #tpu.memory_space<hbm>>
      %dma_start3A_27 = tpu.memref_squeeze %dma_start3A_26 : memref<1x79x128xi32, #tpu.memory_space<hbm>> -> memref<79x128xi32, #tpu.memory_space<hbm>>
      %dma_start3A_28 = arith.constant 0 : i32
      %dma_start3A_29 = arith.constant 0 : i32
      %dma_start3A_30 = tpu.memref_slice %arg3[%add3A, %dma_start3A_28, %dma_start3A_29] : memref<32x79x128xi32, #tpu.memory_space<hbm>> -> memref<1x79x128xi32, #tpu.memory_space<hbm>>
      %dma_start3A_31 = tpu.memref_squeeze %dma_start3A_30 : memref<1x79x128xi32, #tpu.memory_space<hbm>> -> memref<79x128xi32, #tpu.memory_space<hbm>>
      tpu.enqueue_dma source(%dma_start3A_31 : memref<79x128xi32, #tpu.memory_space<hbm>>) target(%arg8 : memref<79x128xi32, #tpu.memory_space<vmem>>) target_semaphore(%run_scoped3A_24 : memref<!tpu.dma_semaphore, #tpu.memory_space<semaphore_mem>>)
      %dma_wait3A = arith.constant 0 : i32
      %dma_wait3A_32 = arith.constant 0 : i32
      %dma_wait3A_33 = tpu.memref_slice %arg3[%add3A, %dma_wait3A, %dma_wait3A_32] : memref<32x79x128xi32, #tpu.memory_space<hbm>> -> memref<1x79x128xi32, #tpu.memory_space<hbm>>
      %dma_wait3A_34 = tpu.memref_squeeze %dma_wait3A_33 : memref<1x79x128xi32, #tpu.memory_space<hbm>> -> memref<79x128xi32, #tpu.memory_space<hbm>>
      %dma_wait3A_35 = arith.constant 0 : i32
      %dma_wait3A_36 = arith.constant 0 : i32
      %dma_wait3A_37 = tpu.memref_slice %arg3[%add3A, %dma_wait3A_35, %dma_wait3A_36] : memref<32x79x128xi32, #tpu.memory_space<hbm>> -> memref<1x79x128xi32, #tpu.memory_space<hbm>>
      %dma_wait3A_38 = tpu.memref_squeeze %dma_wait3A_37 : memref<1x79x128xi32, #tpu.memory_space<hbm>> -> memref<79x128xi32, #tpu.memory_space<hbm>>
      tpu.wait_dma2 semaphore(%run_scoped3A_24 : memref<!tpu.dma_semaphore, #tpu.memory_space<semaphore_mem>>) src(%dma_wait3A_38 : memref<79x128xi32, #tpu.memory_space<hbm>>) dst(%arg8 : memref<79x128xi32, #tpu.memory_space<vmem>>)
      tpu.yield
    }) : () -> ()
    "tpu.region"() ({
      %run_scoped3A_24 = tpu.sem_alloc : memref<!tpu.dma_semaphore, #tpu.memory_space<semaphore_mem>>
      tpu.enqueue_dma source(%arg4 : memref<128x8xf32, #tpu.memory_space<hbm>>) target(%arg9 : memref<128x8xf32, #tpu.memory_space<vmem>>) target_semaphore(%run_scoped3A_24 : memref<!tpu.dma_semaphore, #tpu.memory_space<semaphore_mem>>)
      tpu.wait_dma2 semaphore(%run_scoped3A_24 : memref<!tpu.dma_semaphore, #tpu.memory_space<semaphore_mem>>) src(%arg4 : memref<128x8xf32, #tpu.memory_space<hbm>>) dst(%arg9 : memref<128x8xf32, #tpu.memory_space<vmem>>)
      tpu.yield
    }) : () -> ()
    %mul3A_1 = arith.constant 632 : i32
    %mul3A_2 = arith.muli %arg1, %mul3A_1 : i32
    %mul3A_3 = arith.constant 632 : i32
    %mul3A_4 = arith.muli %arg1, %mul3A_3 : i32
    "tpu.region"() ({
      %run_scoped3A_24 = tpu.sem_alloc : memref<!tpu.dma_semaphore, #tpu.memory_space<semaphore_mem>>
      %dma_start3A = arith.constant 0 : i32
      %dma_start3A_25 = tpu.memref_slice %arg10[%mul3A_4, %dma_start3A] : memref<10112x8xf32, #tpu.memory_space<vmem_shared>> -> memref<632x8xf32, #tpu.memory_space<vmem_shared>>
      %dma_start3A_26 = arith.constant 0 : i32
      %dma_start3A_27 = tpu.memref_slice %arg5[%mul3A_2, %dma_start3A_26] : memref<10112x8xf32, #tpu.memory_space<hbm>> -> memref<632x8xf32, #tpu.memory_space<hbm>>
      tpu.enqueue_dma source(%dma_start3A_27 : memref<632x8xf32, #tpu.memory_space<hbm>>) target(%dma_start3A_25 : memref<632x8xf32, #tpu.memory_space<vmem_shared>>) target_semaphore(%run_scoped3A_24 : memref<!tpu.dma_semaphore, #tpu.memory_space<semaphore_mem>>)
      %dma_wait3A = arith.constant 0 : i32
      %dma_wait3A_28 = tpu.memref_slice %arg10[%mul3A_4, %dma_wait3A] : memref<10112x8xf32, #tpu.memory_space<vmem_shared>> -> memref<632x8xf32, #tpu.memory_space<vmem_shared>>
      %dma_wait3A_29 = arith.constant 0 : i32
      %dma_wait3A_30 = tpu.memref_slice %arg5[%mul3A_2, %dma_wait3A_29] : memref<10112x8xf32, #tpu.memory_space<hbm>> -> memref<632x8xf32, #tpu.memory_space<hbm>>
      tpu.wait_dma2 semaphore(%run_scoped3A_24 : memref<!tpu.dma_semaphore, #tpu.memory_space<semaphore_mem>>) src(%dma_wait3A_30 : memref<632x8xf32, #tpu.memory_space<hbm>>) dst(%dma_wait3A_28 : memref<632x8xf32, #tpu.memory_space<vmem_shared>>)
      tpu.yield
    }) : () -> ()
    %mul3A_5 = arith.constant 632 : i32
    %mul3A_6 = arith.muli %arg1, %mul3A_5 : i32
    %mul3A_7 = arith.constant 632 : i32
    %mul3A_8 = arith.muli %arg1, %mul3A_7 : i32
    "tpu.region"() ({
      %run_scoped3A_24 = tpu.sem_alloc : memref<!tpu.dma_semaphore, #tpu.memory_space<semaphore_mem>>
      %dma_start3A = arith.constant 0 : i32
      %dma_start3A_25 = tpu.memref_slice %arg11[%mul3A_8, %dma_start3A] : memref<10112x8xf32, #tpu.memory_space<vmem_shared>> -> memref<632x8xf32, #tpu.memory_space<vmem_shared>>
      %dma_start3A_26 = arith.constant 0 : i32
      %dma_start3A_27 = tpu.memref_slice %arg5[%mul3A_6, %dma_start3A_26] : memref<10112x8xf32, #tpu.memory_space<hbm>> -> memref<632x8xf32, #tpu.memory_space<hbm>>
      tpu.enqueue_dma source(%dma_start3A_27 : memref<632x8xf32, #tpu.memory_space<hbm>>) target(%dma_start3A_25 : memref<632x8xf32, #tpu.memory_space<vmem_shared>>) target_semaphore(%run_scoped3A_24 : memref<!tpu.dma_semaphore, #tpu.memory_space<semaphore_mem>>)
      %dma_wait3A = arith.constant 0 : i32
      %dma_wait3A_28 = tpu.memref_slice %arg11[%mul3A_8, %dma_wait3A] : memref<10112x8xf32, #tpu.memory_space<vmem_shared>> -> memref<632x8xf32, #tpu.memory_space<vmem_shared>>
      %dma_wait3A_29 = arith.constant 0 : i32
      %dma_wait3A_30 = tpu.memref_slice %arg5[%mul3A_6, %dma_wait3A_29] : memref<10112x8xf32, #tpu.memory_space<hbm>> -> memref<632x8xf32, #tpu.memory_space<hbm>>
      tpu.wait_dma2 semaphore(%run_scoped3A_24 : memref<!tpu.dma_semaphore, #tpu.memory_space<semaphore_mem>>) src(%dma_wait3A_30 : memref<632x8xf32, #tpu.memory_space<hbm>>) dst(%dma_wait3A_28 : memref<632x8xf32, #tpu.memory_space<vmem_shared>>)
      tpu.yield
    }) : () -> ()
    %barrier3A = arith.constant 0 : index
    tpu.barrier barrier_id(%barrier3A)
    %scan3A = arith.constant 0 : i32
    %scan3A_9 = arith.constant 0 : i32
    %scan3A_10 = arith.constant 79 : i32
    %scan3A_11 = arith.addi %scan3A_9, %scan3A_10 : i32
    %scan3A_12 = arith.constant 1 : i32
    scf.for %scan3A_24 = %scan3A_9 to %scan3A_11 step %scan3A_12  : i32 {
      "tpu.region"() ({
        %run_scoped3A_25 = tpu.sem_alloc : memref<!tpu.dma_semaphore, #tpu.memory_space<semaphore_mem>>
        %dma_start3A = arith.constant 0 : i32
        %dma_start3A_26 = tpu.memref_slice %arg7[%scan3A_24, %dma_start3A] : memref<79x128xi32, #tpu.memory_space<vmem>> -> memref<1x128xi32, #tpu.memory_space<vmem>>
        %dma_start3A_27 = tpu.memref_squeeze %dma_start3A_26 : memref<1x128xi32, #tpu.memory_space<vmem>> -> memref<128xi32, #tpu.memory_space<vmem>>
        %dma_start3A_28 = arith.constant 0 : i32
        %dma_start3A_29 = arith.constant 0 : i32
        %dma_start3A_30 = tpu.memref_slice %arg10[%dma_start3A_28, %dma_start3A_29] : memref<10112x8xf32, #tpu.memory_space<vmem_shared>> -> memref<10112x8xf32, #tpu.memory_space<vmem_shared>>
        tpu.enqueue_indirect_dma source(%arg9 : memref<128x8xf32, #tpu.memory_space<vmem>>) target(%dma_start3A_30 : memref<10112x8xf32, #tpu.memory_space<vmem_shared>>) offsets(%dma_start3A_27 : memref<128xi32, #tpu.memory_space<vmem>>) semaphore(%run_scoped3A_25 : memref<!tpu.dma_semaphore, #tpu.memory_space<semaphore_mem>>) {add = true}
        %dma_wait3A = arith.constant 0 : i32
        %dma_wait3A_31 = tpu.memref_slice %arg7[%scan3A_24, %dma_wait3A] : memref<79x128xi32, #tpu.memory_space<vmem>> -> memref<1x128xi32, #tpu.memory_space<vmem>>
        %dma_wait3A_32 = tpu.memref_squeeze %dma_wait3A_31 : memref<1x128xi32, #tpu.memory_space<vmem>> -> memref<128xi32, #tpu.memory_space<vmem>>
        %dma_wait3A_33 = arith.constant 0 : i32
        %dma_wait3A_34 = arith.constant 0 : i32
        %dma_wait3A_35 = tpu.memref_slice %arg10[%dma_wait3A_33, %dma_wait3A_34] : memref<10112x8xf32, #tpu.memory_space<vmem_shared>> -> memref<10112x8xf32, #tpu.memory_space<vmem_shared>>
        tpu.wait_indirect_dma semaphore(%run_scoped3A_25 : memref<!tpu.dma_semaphore, #tpu.memory_space<semaphore_mem>>) src(%arg9 : memref<128x8xf32, #tpu.memory_space<vmem>>) dst(%dma_wait3A_35 : memref<10112x8xf32, #tpu.memory_space<vmem_shared>>)
        tpu.yield
      }) : () -> ()
      "tpu.region"() ({
        %run_scoped3A_25 = tpu.sem_alloc : memref<!tpu.dma_semaphore, #tpu.memory_space<semaphore_mem>>
        %dma_start3A = arith.constant 0 : i32
        %dma_start3A_26 = tpu.memref_slice %arg8[%scan3A_24, %dma_start3A] : memref<79x128xi32, #tpu.memory_space<vmem>> -> memref<1x128xi32, #tpu.memory_space<vmem>>
        %dma_start3A_27 = tpu.memref_squeeze %dma_start3A_26 : memref<1x128xi32, #tpu.memory_space<vmem>> -> memref<128xi32, #tpu.memory_space<vmem>>
        %dma_start3A_28 = arith.constant 0 : i32
        %dma_start3A_29 = arith.constant 0 : i32
        %dma_start3A_30 = tpu.memref_slice %arg11[%dma_start3A_28, %dma_start3A_29] : memref<10112x8xf32, #tpu.memory_space<vmem_shared>> -> memref<10112x8xf32, #tpu.memory_space<vmem_shared>>
        tpu.enqueue_indirect_dma source(%arg9 : memref<128x8xf32, #tpu.memory_space<vmem>>) target(%dma_start3A_30 : memref<10112x8xf32, #tpu.memory_space<vmem_shared>>) offsets(%dma_start3A_27 : memref<128xi32, #tpu.memory_space<vmem>>) semaphore(%run_scoped3A_25 : memref<!tpu.dma_semaphore, #tpu.memory_space<semaphore_mem>>) {add = true}
        %dma_wait3A = arith.constant 0 : i32
        %dma_wait3A_31 = tpu.memref_slice %arg8[%scan3A_24, %dma_wait3A] : memref<79x128xi32, #tpu.memory_space<vmem>> -> memref<1x128xi32, #tpu.memory_space<vmem>>
        %dma_wait3A_32 = tpu.memref_squeeze %dma_wait3A_31 : memref<1x128xi32, #tpu.memory_space<vmem>> -> memref<128xi32, #tpu.memory_space<vmem>>
        %dma_wait3A_33 = arith.constant 0 : i32
        %dma_wait3A_34 = arith.constant 0 : i32
        %dma_wait3A_35 = tpu.memref_slice %arg11[%dma_wait3A_33, %dma_wait3A_34] : memref<10112x8xf32, #tpu.memory_space<vmem_shared>> -> memref<10112x8xf32, #tpu.memory_space<vmem_shared>>
        tpu.wait_indirect_dma semaphore(%run_scoped3A_25 : memref<!tpu.dma_semaphore, #tpu.memory_space<semaphore_mem>>) src(%arg9 : memref<128x8xf32, #tpu.memory_space<vmem>>) dst(%dma_wait3A_35 : memref<10112x8xf32, #tpu.memory_space<vmem_shared>>)
        tpu.yield
      }) : () -> ()
    }
    %scan3A_13 = arith.constant 79 : i32
    %barrier3A_14 = arith.constant 0 : index
    tpu.barrier barrier_id(%barrier3A_14)
    %mul3A_15 = arith.constant 632 : i32
    %mul3A_16 = arith.muli %arg1, %mul3A_15 : i32
    %mul3A_17 = arith.constant 632 : i32
    %mul3A_18 = arith.muli %arg1, %mul3A_17 : i32
    %run_scoped3A = arith.constant 0 : i32
    "tpu.region"() ({
      %run_scoped3A_24 = tpu.sem_alloc : memref<!tpu.dma_semaphore, #tpu.memory_space<semaphore_mem>>
      %dma_start3A = arith.constant 0 : i32
      %dma_start3A_25 = tpu.memref_slice %arg6[%arg0, %run_scoped3A, %mul3A_18, %dma_start3A] : memref<2x2x10112x8xf32, #tpu.memory_space<hbm>> -> memref<1x1x632x8xf32, #tpu.memory_space<hbm>>
      %dma_start3A_26 = tpu.memref_squeeze %dma_start3A_25 : memref<1x1x632x8xf32, #tpu.memory_space<hbm>> -> memref<632x8xf32, #tpu.memory_space<hbm>>
      %dma_start3A_27 = arith.constant 0 : i32
      %dma_start3A_28 = tpu.memref_slice %arg10[%mul3A_16, %dma_start3A_27] : memref<10112x8xf32, #tpu.memory_space<vmem_shared>> -> memref<632x8xf32, #tpu.memory_space<vmem_shared>>
      tpu.enqueue_dma source(%dma_start3A_28 : memref<632x8xf32, #tpu.memory_space<vmem_shared>>) target(%dma_start3A_26 : memref<632x8xf32, #tpu.memory_space<hbm>>) target_semaphore(%run_scoped3A_24 : memref<!tpu.dma_semaphore, #tpu.memory_space<semaphore_mem>>)
      %dma_wait3A = arith.constant 0 : i32
      %dma_wait3A_29 = tpu.memref_slice %arg6[%arg0, %run_scoped3A, %mul3A_18, %dma_wait3A] : memref<2x2x10112x8xf32, #tpu.memory_space<hbm>> -> memref<1x1x632x8xf32, #tpu.memory_space<hbm>>
      %dma_wait3A_30 = tpu.memref_squeeze %dma_wait3A_29 : memref<1x1x632x8xf32, #tpu.memory_space<hbm>> -> memref<632x8xf32, #tpu.memory_space<hbm>>
      %dma_wait3A_31 = arith.constant 0 : i32
      %dma_wait3A_32 = tpu.memref_slice %arg10[%mul3A_16, %dma_wait3A_31] : memref<10112x8xf32, #tpu.memory_space<vmem_shared>> -> memref<632x8xf32, #tpu.memory_space<vmem_shared>>
      tpu.wait_dma2 semaphore(%run_scoped3A_24 : memref<!tpu.dma_semaphore, #tpu.memory_space<semaphore_mem>>) src(%dma_wait3A_32 : memref<632x8xf32, #tpu.memory_space<vmem_shared>>) dst(%dma_wait3A_30 : memref<632x8xf32, #tpu.memory_space<hbm>>)
      tpu.yield
    }) : () -> ()
    %mul3A_19 = arith.constant 632 : i32
    %mul3A_20 = arith.muli %arg1, %mul3A_19 : i32
    %mul3A_21 = arith.constant 632 : i32
    %mul3A_22 = arith.muli %arg1, %mul3A_21 : i32
    %run_scoped3A_23 = arith.constant 1 : i32
    "tpu.region"() ({
      %run_scoped3A_24 = tpu.sem_alloc : memref<!tpu.dma_semaphore, #tpu.memory_space<semaphore_mem>>
      %dma_start3A = arith.constant 0 : i32
      %dma_start3A_25 = tpu.memref_slice %arg6[%arg0, %run_scoped3A_23, %mul3A_22, %dma_start3A] : memref<2x2x10112x8xf32, #tpu.memory_space<hbm>> -> memref<1x1x632x8xf32, #tpu.memory_space<hbm>>
      %dma_start3A_26 = tpu.memref_squeeze %dma_start3A_25 : memref<1x1x632x8xf32, #tpu.memory_space<hbm>> -> memref<632x8xf32, #tpu.memory_space<hbm>>
      %dma_start3A_27 = arith.constant 0 : i32
      %dma_start3A_28 = tpu.memref_slice %arg11[%mul3A_20, %dma_start3A_27] : memref<10112x8xf32, #tpu.memory_space<vmem_shared>> -> memref<632x8xf32, #tpu.memory_space<vmem_shared>>
      tpu.enqueue_dma source(%dma_start3A_28 : memref<632x8xf32, #tpu.memory_space<vmem_shared>>) target(%dma_start3A_26 : memref<632x8xf32, #tpu.memory_space<hbm>>) target_semaphore(%run_scoped3A_24 : memref<!tpu.dma_semaphore, #tpu.memory_space<semaphore_mem>>)
      %dma_wait3A = arith.constant 0 : i32
      %dma_wait3A_29 = tpu.memref_slice %arg6[%arg0, %run_scoped3A_23, %mul3A_22, %dma_wait3A] : memref<2x2x10112x8xf32, #tpu.memory_space<hbm>> -> memref<1x1x632x8xf32, #tpu.memory_space<hbm>>
      %dma_wait3A_30 = tpu.memref_squeeze %dma_wait3A_29 : memref<1x1x632x8xf32, #tpu.memory_space<hbm>> -> memref<632x8xf32, #tpu.memory_space<hbm>>
      %dma_wait3A_31 = arith.constant 0 : i32
      %dma_wait3A_32 = tpu.memref_slice %arg11[%mul3A_20, %dma_wait3A_31] : memref<10112x8xf32, #tpu.memory_space<vmem_shared>> -> memref<632x8xf32, #tpu.memory_space<vmem_shared>>
      tpu.wait_dma2 semaphore(%run_scoped3A_24 : memref<!tpu.dma_semaphore, #tpu.memory_space<semaphore_mem>>) src(%dma_wait3A_32 : memref<632x8xf32, #tpu.memory_space<vmem_shared>>) dst(%dma_wait3A_30 : memref<632x8xf32, #tpu.memory_space<hbm>>)
      tpu.yield
    }) : () -> ()
    return
  }
}

#map = affine_map<(d0, d1) -> (0, 0)>
#map1 = affine_map<(d0, d1) -> (0, 0, 0)>
module attributes {stable_mosaic.version = 14 : i64} {
  func.func @_sc_agg_body(%arg0: i32, %arg1: i32, %arg2: memref<10000x64xf32, #tpu.memory_space<hbm>>, %arg3: memref<32x79x128xi32, #tpu.memory_space<hbm>>, %arg4: memref<32x79x128xi32, #tpu.memory_space<hbm>>, %arg5: memref<10112x64xf32, #tpu.memory_space<hbm>>, %arg6: memref<2x10112x64xf32, #tpu.memory_space<hbm>>, %arg7: memref<79x128xi32, #tpu.memory_space<vmem>>, %arg8: memref<79x128xi32, #tpu.memory_space<vmem>>, %arg9: memref<8x128x64xf32, #tpu.memory_space<vmem>>, %arg10: memref<10112x64xf32, #tpu.memory_space<vmem_shared>>, %arg11: memref<!tpu.dma_semaphore, #tpu.memory_space<semaphore_mem>>, %arg12: memref<!tpu.dma_semaphore, #tpu.memory_space<semaphore_mem>>, %arg13: memref<!tpu.dma_semaphore, #tpu.memory_space<semaphore_mem>>, %arg14: memref<!tpu.dma_semaphore, #tpu.memory_space<semaphore_mem>>, %arg15: memref<!tpu.dma_semaphore, #tpu.memory_space<semaphore_mem>>, %arg16: memref<!tpu.dma_semaphore, #tpu.memory_space<semaphore_mem>>, %arg17: memref<!tpu.dma_semaphore, #tpu.memory_space<semaphore_mem>>, %arg18: memref<!tpu.dma_semaphore, #tpu.memory_space<semaphore_mem>>) attributes {dimension_semantics = [#tpu.dimension_semantics<core_parallel>, #tpu.dimension_semantics<subcore_parallel>], iteration_bounds = array<i64: 2, 16>, scalar_prefetch = 0 : i64, scratch_operands = 12 : i64, tpu.core_type = #tpu.core_type<sc_vector_subcore>, window_params = [{transform_indices = #map}, {transform_indices = #map1}, {transform_indices = #map1}, {transform_indices = #map}, {transform_indices = #map1}]} {
    %mul3A = arith.constant 16 : i32
    %mul3A_0 = arith.muli %arg0, %mul3A : i32
    %add3A = arith.addi %mul3A_0, %arg1 : i32
    "tpu.region"() ({
      %run_scoped3A_205 = tpu.sem_alloc : memref<!tpu.dma_semaphore, #tpu.memory_space<semaphore_mem>>
      %dma_start3A_206 = arith.constant 0 : i32
      %dma_start3A_207 = arith.constant 0 : i32
      %dma_start3A_208 = tpu.memref_slice %arg3[%add3A, %dma_start3A_206, %dma_start3A_207] : memref<32x79x128xi32, #tpu.memory_space<hbm>> -> memref<1x79x128xi32, #tpu.memory_space<hbm>>
      %dma_start3A_209 = tpu.memref_squeeze %dma_start3A_208 : memref<1x79x128xi32, #tpu.memory_space<hbm>> -> memref<79x128xi32, #tpu.memory_space<hbm>>
      %dma_start3A_210 = arith.constant 0 : i32
      %dma_start3A_211 = arith.constant 0 : i32
      %dma_start3A_212 = tpu.memref_slice %arg3[%add3A, %dma_start3A_210, %dma_start3A_211] : memref<32x79x128xi32, #tpu.memory_space<hbm>> -> memref<1x79x128xi32, #tpu.memory_space<hbm>>
      %dma_start3A_213 = tpu.memref_squeeze %dma_start3A_212 : memref<1x79x128xi32, #tpu.memory_space<hbm>> -> memref<79x128xi32, #tpu.memory_space<hbm>>
      tpu.enqueue_dma source(%dma_start3A_213 : memref<79x128xi32, #tpu.memory_space<hbm>>) target(%arg7 : memref<79x128xi32, #tpu.memory_space<vmem>>) target_semaphore(%run_scoped3A_205 : memref<!tpu.dma_semaphore, #tpu.memory_space<semaphore_mem>>)
      %dma_wait3A_214 = arith.constant 0 : i32
      %dma_wait3A_215 = arith.constant 0 : i32
      %dma_wait3A_216 = tpu.memref_slice %arg3[%add3A, %dma_wait3A_214, %dma_wait3A_215] : memref<32x79x128xi32, #tpu.memory_space<hbm>> -> memref<1x79x128xi32, #tpu.memory_space<hbm>>
      %dma_wait3A_217 = tpu.memref_squeeze %dma_wait3A_216 : memref<1x79x128xi32, #tpu.memory_space<hbm>> -> memref<79x128xi32, #tpu.memory_space<hbm>>
      %dma_wait3A_218 = arith.constant 0 : i32
      %dma_wait3A_219 = arith.constant 0 : i32
      %dma_wait3A_220 = tpu.memref_slice %arg3[%add3A, %dma_wait3A_218, %dma_wait3A_219] : memref<32x79x128xi32, #tpu.memory_space<hbm>> -> memref<1x79x128xi32, #tpu.memory_space<hbm>>
      %dma_wait3A_221 = tpu.memref_squeeze %dma_wait3A_220 : memref<1x79x128xi32, #tpu.memory_space<hbm>> -> memref<79x128xi32, #tpu.memory_space<hbm>>
      tpu.wait_dma2 semaphore(%run_scoped3A_205 : memref<!tpu.dma_semaphore, #tpu.memory_space<semaphore_mem>>) src(%dma_wait3A_221 : memref<79x128xi32, #tpu.memory_space<hbm>>) dst(%arg7 : memref<79x128xi32, #tpu.memory_space<vmem>>)
      tpu.yield
    }) : () -> ()
    "tpu.region"() ({
      %run_scoped3A_205 = tpu.sem_alloc : memref<!tpu.dma_semaphore, #tpu.memory_space<semaphore_mem>>
      %dma_start3A_206 = arith.constant 0 : i32
      %dma_start3A_207 = arith.constant 0 : i32
      %dma_start3A_208 = tpu.memref_slice %arg4[%add3A, %dma_start3A_206, %dma_start3A_207] : memref<32x79x128xi32, #tpu.memory_space<hbm>> -> memref<1x79x128xi32, #tpu.memory_space<hbm>>
      %dma_start3A_209 = tpu.memref_squeeze %dma_start3A_208 : memref<1x79x128xi32, #tpu.memory_space<hbm>> -> memref<79x128xi32, #tpu.memory_space<hbm>>
      %dma_start3A_210 = arith.constant 0 : i32
      %dma_start3A_211 = arith.constant 0 : i32
      %dma_start3A_212 = tpu.memref_slice %arg4[%add3A, %dma_start3A_210, %dma_start3A_211] : memref<32x79x128xi32, #tpu.memory_space<hbm>> -> memref<1x79x128xi32, #tpu.memory_space<hbm>>
      %dma_start3A_213 = tpu.memref_squeeze %dma_start3A_212 : memref<1x79x128xi32, #tpu.memory_space<hbm>> -> memref<79x128xi32, #tpu.memory_space<hbm>>
      tpu.enqueue_dma source(%dma_start3A_213 : memref<79x128xi32, #tpu.memory_space<hbm>>) target(%arg8 : memref<79x128xi32, #tpu.memory_space<vmem>>) target_semaphore(%run_scoped3A_205 : memref<!tpu.dma_semaphore, #tpu.memory_space<semaphore_mem>>)
      %dma_wait3A_214 = arith.constant 0 : i32
      %dma_wait3A_215 = arith.constant 0 : i32
      %dma_wait3A_216 = tpu.memref_slice %arg4[%add3A, %dma_wait3A_214, %dma_wait3A_215] : memref<32x79x128xi32, #tpu.memory_space<hbm>> -> memref<1x79x128xi32, #tpu.memory_space<hbm>>
      %dma_wait3A_217 = tpu.memref_squeeze %dma_wait3A_216 : memref<1x79x128xi32, #tpu.memory_space<hbm>> -> memref<79x128xi32, #tpu.memory_space<hbm>>
      %dma_wait3A_218 = arith.constant 0 : i32
      %dma_wait3A_219 = arith.constant 0 : i32
      %dma_wait3A_220 = tpu.memref_slice %arg4[%add3A, %dma_wait3A_218, %dma_wait3A_219] : memref<32x79x128xi32, #tpu.memory_space<hbm>> -> memref<1x79x128xi32, #tpu.memory_space<hbm>>
      %dma_wait3A_221 = tpu.memref_squeeze %dma_wait3A_220 : memref<1x79x128xi32, #tpu.memory_space<hbm>> -> memref<79x128xi32, #tpu.memory_space<hbm>>
      tpu.wait_dma2 semaphore(%run_scoped3A_205 : memref<!tpu.dma_semaphore, #tpu.memory_space<semaphore_mem>>) src(%dma_wait3A_221 : memref<79x128xi32, #tpu.memory_space<hbm>>) dst(%arg8 : memref<79x128xi32, #tpu.memory_space<vmem>>)
      tpu.yield
    }) : () -> ()
    %mul3A_1 = arith.constant 632 : i32
    %mul3A_2 = arith.muli %arg1, %mul3A_1 : i32
    %mul3A_3 = arith.constant 632 : i32
    %mul3A_4 = arith.muli %arg1, %mul3A_3 : i32
    "tpu.region"() ({
      %run_scoped3A_205 = tpu.sem_alloc : memref<!tpu.dma_semaphore, #tpu.memory_space<semaphore_mem>>
      %dma_start3A_206 = arith.constant 0 : i32
      %dma_start3A_207 = tpu.memref_slice %arg10[%mul3A_4, %dma_start3A_206] : memref<10112x64xf32, #tpu.memory_space<vmem_shared>> -> memref<632x64xf32, #tpu.memory_space<vmem_shared>>
      %dma_start3A_208 = arith.constant 0 : i32
      %dma_start3A_209 = tpu.memref_slice %arg5[%mul3A_2, %dma_start3A_208] : memref<10112x64xf32, #tpu.memory_space<hbm>> -> memref<632x64xf32, #tpu.memory_space<hbm>>
      tpu.enqueue_dma source(%dma_start3A_209 : memref<632x64xf32, #tpu.memory_space<hbm>>) target(%dma_start3A_207 : memref<632x64xf32, #tpu.memory_space<vmem_shared>>) target_semaphore(%run_scoped3A_205 : memref<!tpu.dma_semaphore, #tpu.memory_space<semaphore_mem>>)
      %dma_wait3A_210 = arith.constant 0 : i32
      %dma_wait3A_211 = tpu.memref_slice %arg10[%mul3A_4, %dma_wait3A_210] : memref<10112x64xf32, #tpu.memory_space<vmem_shared>> -> memref<632x64xf32, #tpu.memory_space<vmem_shared>>
      %dma_wait3A_212 = arith.constant 0 : i32
      %dma_wait3A_213 = tpu.memref_slice %arg5[%mul3A_2, %dma_wait3A_212] : memref<10112x64xf32, #tpu.memory_space<hbm>> -> memref<632x64xf32, #tpu.memory_space<hbm>>
      tpu.wait_dma2 semaphore(%run_scoped3A_205 : memref<!tpu.dma_semaphore, #tpu.memory_space<semaphore_mem>>) src(%dma_wait3A_213 : memref<632x64xf32, #tpu.memory_space<hbm>>) dst(%dma_wait3A_211 : memref<632x64xf32, #tpu.memory_space<vmem_shared>>)
      tpu.yield
    }) : () -> ()
    %barrier3A = arith.constant 0 : index
    tpu.barrier barrier_id(%barrier3A)
    %dma_start3A = arith.constant 0 : i32
    %dma_start3A_5 = arith.constant 0 : i32
    %dma_start3A_6 = arith.constant 0 : i32
    %dma_start3A_7 = arith.constant 0 : i32
    %dma_start3A_8 = tpu.memref_slice %arg9[%dma_start3A_5, %dma_start3A_6, %dma_start3A_7] : memref<8x128x64xf32, #tpu.memory_space<vmem>> -> memref<1x128x64xf32, #tpu.memory_space<vmem>>
    %dma_start3A_9 = tpu.memref_squeeze %dma_start3A_8 : memref<1x128x64xf32, #tpu.memory_space<vmem>> -> memref<128x64xf32, #tpu.memory_space<vmem>>
    %dma_start3A_10 = arith.constant 0 : i32
    %dma_start3A_11 = tpu.memref_slice %arg7[%dma_start3A, %dma_start3A_10] : memref<79x128xi32, #tpu.memory_space<vmem>> -> memref<1x128xi32, #tpu.memory_space<vmem>>
    %dma_start3A_12 = tpu.memref_squeeze %dma_start3A_11 : memref<1x128xi32, #tpu.memory_space<vmem>> -> memref<128xi32, #tpu.memory_space<vmem>>
    %dma_start3A_13 = arith.constant 0 : i32
    %dma_start3A_14 = arith.constant 0 : i32
    %dma_start3A_15 = tpu.memref_slice %arg2[%dma_start3A_13, %dma_start3A_14] : memref<10000x64xf32, #tpu.memory_space<hbm>> -> memref<10000x64xf32, #tpu.memory_space<hbm>>
    tpu.enqueue_indirect_dma source(%dma_start3A_15 : memref<10000x64xf32, #tpu.memory_space<hbm>>) target(%dma_start3A_9 : memref<128x64xf32, #tpu.memory_space<vmem>>) offsets(%dma_start3A_12 : memref<128xi32, #tpu.memory_space<vmem>>) semaphore(%arg11 : memref<!tpu.dma_semaphore, #tpu.memory_space<semaphore_mem>>)
    %dma_start3A_16 = arith.constant 1 : i32
    %dma_start3A_17 = arith.constant 1 : i32
    %dma_start3A_18 = arith.constant 0 : i32
    %dma_start3A_19 = arith.constant 0 : i32
    %dma_start3A_20 = tpu.memref_slice %arg9[%dma_start3A_17, %dma_start3A_18, %dma_start3A_19] : memref<8x128x64xf32, #tpu.memory_space<vmem>> -> memref<1x128x64xf32, #tpu.memory_space<vmem>>
    %dma_start3A_21 = tpu.memref_squeeze %dma_start3A_20 : memref<1x128x64xf32, #tpu.memory_space<vmem>> -> memref<128x64xf32, #tpu.memory_space<vmem>>
    %dma_start3A_22 = arith.constant 0 : i32
    %dma_start3A_23 = tpu.memref_slice %arg7[%dma_start3A_16, %dma_start3A_22] : memref<79x128xi32, #tpu.memory_space<vmem>> -> memref<1x128xi32, #tpu.memory_space<vmem>>
    %dma_start3A_24 = tpu.memref_squeeze %dma_start3A_23 : memref<1x128xi32, #tpu.memory_space<vmem>> -> memref<128xi32, #tpu.memory_space<vmem>>
    %dma_start3A_25 = arith.constant 0 : i32
    %dma_start3A_26 = arith.constant 0 : i32
    %dma_start3A_27 = tpu.memref_slice %arg2[%dma_start3A_25, %dma_start3A_26] : memref<10000x64xf32, #tpu.memory_space<hbm>> -> memref<10000x64xf32, #tpu.memory_space<hbm>>
    tpu.enqueue_indirect_dma source(%dma_start3A_27 : memref<10000x64xf32, #tpu.memory_space<hbm>>) target(%dma_start3A_21 : memref<128x64xf32, #tpu.memory_space<vmem>>) offsets(%dma_start3A_24 : memref<128xi32, #tpu.memory_space<vmem>>) semaphore(%arg12 : memref<!tpu.dma_semaphore, #tpu.memory_space<semaphore_mem>>)
    %dma_start3A_28 = arith.constant 2 : i32
    %dma_start3A_29 = arith.constant 2 : i32
    %dma_start3A_30 = arith.constant 0 : i32
    %dma_start3A_31 = arith.constant 0 : i32
    %dma_start3A_32 = tpu.memref_slice %arg9[%dma_start3A_29, %dma_start3A_30, %dma_start3A_31] : memref<8x128x64xf32, #tpu.memory_space<vmem>> -> memref<1x128x64xf32, #tpu.memory_space<vmem>>
    %dma_start3A_33 = tpu.memref_squeeze %dma_start3A_32 : memref<1x128x64xf32, #tpu.memory_space<vmem>> -> memref<128x64xf32, #tpu.memory_space<vmem>>
    %dma_start3A_34 = arith.constant 0 : i32
    %dma_start3A_35 = tpu.memref_slice %arg7[%dma_start3A_28, %dma_start3A_34] : memref<79x128xi32, #tpu.memory_space<vmem>> -> memref<1x128xi32, #tpu.memory_space<vmem>>
    %dma_start3A_36 = tpu.memref_squeeze %dma_start3A_35 : memref<1x128xi32, #tpu.memory_space<vmem>> -> memref<128xi32, #tpu.memory_space<vmem>>
    %dma_start3A_37 = arith.constant 0 : i32
    %dma_start3A_38 = arith.constant 0 : i32
    %dma_start3A_39 = tpu.memref_slice %arg2[%dma_start3A_37, %dma_start3A_38] : memref<10000x64xf32, #tpu.memory_space<hbm>> -> memref<10000x64xf32, #tpu.memory_space<hbm>>
    tpu.enqueue_indirect_dma source(%dma_start3A_39 : memref<10000x64xf32, #tpu.memory_space<hbm>>) target(%dma_start3A_33 : memref<128x64xf32, #tpu.memory_space<vmem>>) offsets(%dma_start3A_36 : memref<128xi32, #tpu.memory_space<vmem>>) semaphore(%arg13 : memref<!tpu.dma_semaphore, #tpu.memory_space<semaphore_mem>>)
    %dma_start3A_40 = arith.constant 3 : i32
    %dma_start3A_41 = arith.constant 3 : i32
    %dma_start3A_42 = arith.constant 0 : i32
    %dma_start3A_43 = arith.constant 0 : i32
    %dma_start3A_44 = tpu.memref_slice %arg9[%dma_start3A_41, %dma_start3A_42, %dma_start3A_43] : memref<8x128x64xf32, #tpu.memory_space<vmem>> -> memref<1x128x64xf32, #tpu.memory_space<vmem>>
    %dma_start3A_45 = tpu.memref_squeeze %dma_start3A_44 : memref<1x128x64xf32, #tpu.memory_space<vmem>> -> memref<128x64xf32, #tpu.memory_space<vmem>>
    %dma_start3A_46 = arith.constant 0 : i32
    %dma_start3A_47 = tpu.memref_slice %arg7[%dma_start3A_40, %dma_start3A_46] : memref<79x128xi32, #tpu.memory_space<vmem>> -> memref<1x128xi32, #tpu.memory_space<vmem>>
    %dma_start3A_48 = tpu.memref_squeeze %dma_start3A_47 : memref<1x128xi32, #tpu.memory_space<vmem>> -> memref<128xi32, #tpu.memory_space<vmem>>
    %dma_start3A_49 = arith.constant 0 : i32
    %dma_start3A_50 = arith.constant 0 : i32
    %dma_start3A_51 = tpu.memref_slice %arg2[%dma_start3A_49, %dma_start3A_50] : memref<10000x64xf32, #tpu.memory_space<hbm>> -> memref<10000x64xf32, #tpu.memory_space<hbm>>
    tpu.enqueue_indirect_dma source(%dma_start3A_51 : memref<10000x64xf32, #tpu.memory_space<hbm>>) target(%dma_start3A_45 : memref<128x64xf32, #tpu.memory_space<vmem>>) offsets(%dma_start3A_48 : memref<128xi32, #tpu.memory_space<vmem>>) semaphore(%arg14 : memref<!tpu.dma_semaphore, #tpu.memory_space<semaphore_mem>>)
    %dma_start3A_52 = arith.constant 4 : i32
    %dma_start3A_53 = arith.constant 4 : i32
    %dma_start3A_54 = arith.constant 0 : i32
    %dma_start3A_55 = arith.constant 0 : i32
    %dma_start3A_56 = tpu.memref_slice %arg9[%dma_start3A_53, %dma_start3A_54, %dma_start3A_55] : memref<8x128x64xf32, #tpu.memory_space<vmem>> -> memref<1x128x64xf32, #tpu.memory_space<vmem>>
    %dma_start3A_57 = tpu.memref_squeeze %dma_start3A_56 : memref<1x128x64xf32, #tpu.memory_space<vmem>> -> memref<128x64xf32, #tpu.memory_space<vmem>>
    %dma_start3A_58 = arith.constant 0 : i32
    %dma_start3A_59 = tpu.memref_slice %arg7[%dma_start3A_52, %dma_start3A_58] : memref<79x128xi32, #tpu.memory_space<vmem>> -> memref<1x128xi32, #tpu.memory_space<vmem>>
    %dma_start3A_60 = tpu.memref_squeeze %dma_start3A_59 : memref<1x128xi32, #tpu.memory_space<vmem>> -> memref<128xi32, #tpu.memory_space<vmem>>
    %dma_start3A_61 = arith.constant 0 : i32
    %dma_start3A_62 = arith.constant 0 : i32
    %dma_start3A_63 = tpu.memref_slice %arg2[%dma_start3A_61, %dma_start3A_62] : memref<10000x64xf32, #tpu.memory_space<hbm>> -> memref<10000x64xf32, #tpu.memory_space<hbm>>
    tpu.enqueue_indirect_dma source(%dma_start3A_63 : memref<10000x64xf32, #tpu.memory_space<hbm>>) target(%dma_start3A_57 : memref<128x64xf32, #tpu.memory_space<vmem>>) offsets(%dma_start3A_60 : memref<128xi32, #tpu.memory_space<vmem>>) semaphore(%arg15 : memref<!tpu.dma_semaphore, #tpu.memory_space<semaphore_mem>>)
    %dma_start3A_64 = arith.constant 5 : i32
    %dma_start3A_65 = arith.constant 5 : i32
    %dma_start3A_66 = arith.constant 0 : i32
    %dma_start3A_67 = arith.constant 0 : i32
    %dma_start3A_68 = tpu.memref_slice %arg9[%dma_start3A_65, %dma_start3A_66, %dma_start3A_67] : memref<8x128x64xf32, #tpu.memory_space<vmem>> -> memref<1x128x64xf32, #tpu.memory_space<vmem>>
    %dma_start3A_69 = tpu.memref_squeeze %dma_start3A_68 : memref<1x128x64xf32, #tpu.memory_space<vmem>> -> memref<128x64xf32, #tpu.memory_space<vmem>>
    %dma_start3A_70 = arith.constant 0 : i32
    %dma_start3A_71 = tpu.memref_slice %arg7[%dma_start3A_64, %dma_start3A_70] : memref<79x128xi32, #tpu.memory_space<vmem>> -> memref<1x128xi32, #tpu.memory_space<vmem>>
    %dma_start3A_72 = tpu.memref_squeeze %dma_start3A_71 : memref<1x128xi32, #tpu.memory_space<vmem>> -> memref<128xi32, #tpu.memory_space<vmem>>
    %dma_start3A_73 = arith.constant 0 : i32
    %dma_start3A_74 = arith.constant 0 : i32
    %dma_start3A_75 = tpu.memref_slice %arg2[%dma_start3A_73, %dma_start3A_74] : memref<10000x64xf32, #tpu.memory_space<hbm>> -> memref<10000x64xf32, #tpu.memory_space<hbm>>
    tpu.enqueue_indirect_dma source(%dma_start3A_75 : memref<10000x64xf32, #tpu.memory_space<hbm>>) target(%dma_start3A_69 : memref<128x64xf32, #tpu.memory_space<vmem>>) offsets(%dma_start3A_72 : memref<128xi32, #tpu.memory_space<vmem>>) semaphore(%arg16 : memref<!tpu.dma_semaphore, #tpu.memory_space<semaphore_mem>>)
    %dma_start3A_76 = arith.constant 6 : i32
    %dma_start3A_77 = arith.constant 6 : i32
    %dma_start3A_78 = arith.constant 0 : i32
    %dma_start3A_79 = arith.constant 0 : i32
    %dma_start3A_80 = tpu.memref_slice %arg9[%dma_start3A_77, %dma_start3A_78, %dma_start3A_79] : memref<8x128x64xf32, #tpu.memory_space<vmem>> -> memref<1x128x64xf32, #tpu.memory_space<vmem>>
    %dma_start3A_81 = tpu.memref_squeeze %dma_start3A_80 : memref<1x128x64xf32, #tpu.memory_space<vmem>> -> memref<128x64xf32, #tpu.memory_space<vmem>>
    %dma_start3A_82 = arith.constant 0 : i32
    %dma_start3A_83 = tpu.memref_slice %arg7[%dma_start3A_76, %dma_start3A_82] : memref<79x128xi32, #tpu.memory_space<vmem>> -> memref<1x128xi32, #tpu.memory_space<vmem>>
    %dma_start3A_84 = tpu.memref_squeeze %dma_start3A_83 : memref<1x128xi32, #tpu.memory_space<vmem>> -> memref<128xi32, #tpu.memory_space<vmem>>
    %dma_start3A_85 = arith.constant 0 : i32
    %dma_start3A_86 = arith.constant 0 : i32
    %dma_start3A_87 = tpu.memref_slice %arg2[%dma_start3A_85, %dma_start3A_86] : memref<10000x64xf32, #tpu.memory_space<hbm>> -> memref<10000x64xf32, #tpu.memory_space<hbm>>
    tpu.enqueue_indirect_dma source(%dma_start3A_87 : memref<10000x64xf32, #tpu.memory_space<hbm>>) target(%dma_start3A_81 : memref<128x64xf32, #tpu.memory_space<vmem>>) offsets(%dma_start3A_84 : memref<128xi32, #tpu.memory_space<vmem>>) semaphore(%arg17 : memref<!tpu.dma_semaphore, #tpu.memory_space<semaphore_mem>>)
    %dma_start3A_88 = arith.constant 7 : i32
    %dma_start3A_89 = arith.constant 7 : i32
    %dma_start3A_90 = arith.constant 0 : i32
    %dma_start3A_91 = arith.constant 0 : i32
    %dma_start3A_92 = tpu.memref_slice %arg9[%dma_start3A_89, %dma_start3A_90, %dma_start3A_91] : memref<8x128x64xf32, #tpu.memory_space<vmem>> -> memref<1x128x64xf32, #tpu.memory_space<vmem>>
    %dma_start3A_93 = tpu.memref_squeeze %dma_start3A_92 : memref<1x128x64xf32, #tpu.memory_space<vmem>> -> memref<128x64xf32, #tpu.memory_space<vmem>>
    %dma_start3A_94 = arith.constant 0 : i32
    %dma_start3A_95 = tpu.memref_slice %arg7[%dma_start3A_88, %dma_start3A_94] : memref<79x128xi32, #tpu.memory_space<vmem>> -> memref<1x128xi32, #tpu.memory_space<vmem>>
    %dma_start3A_96 = tpu.memref_squeeze %dma_start3A_95 : memref<1x128xi32, #tpu.memory_space<vmem>> -> memref<128xi32, #tpu.memory_space<vmem>>
    %dma_start3A_97 = arith.constant 0 : i32
    %dma_start3A_98 = arith.constant 0 : i32
    %dma_start3A_99 = tpu.memref_slice %arg2[%dma_start3A_97, %dma_start3A_98] : memref<10000x64xf32, #tpu.memory_space<hbm>> -> memref<10000x64xf32, #tpu.memory_space<hbm>>
    tpu.enqueue_indirect_dma source(%dma_start3A_99 : memref<10000x64xf32, #tpu.memory_space<hbm>>) target(%dma_start3A_93 : memref<128x64xf32, #tpu.memory_space<vmem>>) offsets(%dma_start3A_96 : memref<128xi32, #tpu.memory_space<vmem>>) semaphore(%arg18 : memref<!tpu.dma_semaphore, #tpu.memory_space<semaphore_mem>>)
    %scan3A = arith.constant 0 : i32
    %scan3A_100 = arith.constant 9 : i32
    %scan3A_101 = arith.addi %scan3A, %scan3A_100 : i32
    %scan3A_102 = arith.constant 1 : i32
    scf.for %scan3A_205 = %scan3A to %scan3A_101 step %scan3A_102  : i32 {
      %mul3A_206 = arith.constant 8 : i32
      %mul3A_207 = arith.muli %scan3A_205, %mul3A_206 : i32
      %add3A_208 = arith.constant 0 : i32
      %add3A_209 = arith.addi %add3A_208, %mul3A_207 : i32
      %add3A_210 = arith.constant 0 : i32
      %add3A_211 = arith.addi %add3A_209, %add3A_210 : i32
      %dma_wait3A_212 = arith.constant 0 : i32
      %dma_wait3A_213 = arith.constant 0 : i32
      %dma_wait3A_214 = arith.constant 0 : i32
      %dma_wait3A_215 = tpu.memref_slice %arg9[%dma_wait3A_212, %dma_wait3A_213, %dma_wait3A_214] : memref<8x128x64xf32, #tpu.memory_space<vmem>> -> memref<1x128x64xf32, #tpu.memory_space<vmem>>
      %dma_wait3A_216 = tpu.memref_squeeze %dma_wait3A_215 : memref<1x128x64xf32, #tpu.memory_space<vmem>> -> memref<128x64xf32, #tpu.memory_space<vmem>>
      %dma_wait3A_217 = arith.constant 0 : i32
      %dma_wait3A_218 = tpu.memref_slice %arg7[%add3A_211, %dma_wait3A_217] : memref<79x128xi32, #tpu.memory_space<vmem>> -> memref<1x128xi32, #tpu.memory_space<vmem>>
      %dma_wait3A_219 = tpu.memref_squeeze %dma_wait3A_218 : memref<1x128xi32, #tpu.memory_space<vmem>> -> memref<128xi32, #tpu.memory_space<vmem>>
      %dma_wait3A_220 = arith.constant 0 : i32
      %dma_wait3A_221 = arith.constant 0 : i32
      %dma_wait3A_222 = tpu.memref_slice %arg2[%dma_wait3A_220, %dma_wait3A_221] : memref<10000x64xf32, #tpu.memory_space<hbm>> -> memref<10000x64xf32, #tpu.memory_space<hbm>>
      tpu.wait_indirect_dma semaphore(%arg11 : memref<!tpu.dma_semaphore, #tpu.memory_space<semaphore_mem>>) src(%dma_wait3A_222 : memref<10000x64xf32, #tpu.memory_space<hbm>>) dst(%dma_wait3A_216 : memref<128x64xf32, #tpu.memory_space<vmem>>)
      %run_scoped3A_223 = arith.constant 0 : i32
      "tpu.region"() ({
        %run_scoped3A_375 = tpu.sem_alloc : memref<!tpu.dma_semaphore, #tpu.memory_space<semaphore_mem>>
        %dma_start3A_376 = arith.constant 0 : i32
        %dma_start3A_377 = arith.constant 0 : i32
        %dma_start3A_378 = tpu.memref_slice %arg9[%run_scoped3A_223, %dma_start3A_376, %dma_start3A_377] : memref<8x128x64xf32, #tpu.memory_space<vmem>> -> memref<1x128x64xf32, #tpu.memory_space<vmem>>
        %dma_start3A_379 = tpu.memref_squeeze %dma_start3A_378 : memref<1x128x64xf32, #tpu.memory_space<vmem>> -> memref<128x64xf32, #tpu.memory_space<vmem>>
        %dma_start3A_380 = arith.constant 0 : i32
        %dma_start3A_381 = tpu.memref_slice %arg8[%add3A_211, %dma_start3A_380] : memref<79x128xi32, #tpu.memory_space<vmem>> -> memref<1x128xi32, #tpu.memory_space<vmem>>
        %dma_start3A_382 = tpu.memref_squeeze %dma_start3A_381 : memref<1x128xi32, #tpu.memory_space<vmem>> -> memref<128xi32, #tpu.memory_space<vmem>>
        %dma_start3A_383 = arith.constant 0 : i32
        %dma_start3A_384 = arith.constant 0 : i32
        %dma_start3A_385 = tpu.memref_slice %arg10[%dma_start3A_383, %dma_start3A_384] : memref<10112x64xf32, #tpu.memory_space<vmem_shared>> -> memref<10112x64xf32, #tpu.memory_space<vmem_shared>>
        tpu.enqueue_indirect_dma source(%dma_start3A_379 : memref<128x64xf32, #tpu.memory_space<vmem>>) target(%dma_start3A_385 : memref<10112x64xf32, #tpu.memory_space<vmem_shared>>) offsets(%dma_start3A_382 : memref<128xi32, #tpu.memory_space<vmem>>) semaphore(%run_scoped3A_375 : memref<!tpu.dma_semaphore, #tpu.memory_space<semaphore_mem>>) {add = true}
        %dma_wait3A_386 = arith.constant 0 : i32
        %dma_wait3A_387 = arith.constant 0 : i32
        %dma_wait3A_388 = tpu.memref_slice %arg9[%run_scoped3A_223, %dma_wait3A_386, %dma_wait3A_387] : memref<8x128x64xf32, #tpu.memory_space<vmem>> -> memref<1x128x64xf32, #tpu.memory_space<vmem>>
        %dma_wait3A_389 = tpu.memref_squeeze %dma_wait3A_388 : memref<1x128x64xf32, #tpu.memory_space<vmem>> -> memref<128x64xf32, #tpu.memory_space<vmem>>
        %dma_wait3A_390 = arith.constant 0 : i32
        %dma_wait3A_391 = tpu.memref_slice %arg8[%add3A_211, %dma_wait3A_390] : memref<79x128xi32, #tpu.memory_space<vmem>> -> memref<1x128xi32, #tpu.memory_space<vmem>>
        %dma_wait3A_392 = tpu.memref_squeeze %dma_wait3A_391 : memref<1x128xi32, #tpu.memory_space<vmem>> -> memref<128xi32, #tpu.memory_space<vmem>>
        %dma_wait3A_393 = arith.constant 0 : i32
        %dma_wait3A_394 = arith.constant 0 : i32
        %dma_wait3A_395 = tpu.memref_slice %arg10[%dma_wait3A_393, %dma_wait3A_394] : memref<10112x64xf32, #tpu.memory_space<vmem_shared>> -> memref<10112x64xf32, #tpu.memory_space<vmem_shared>>
        tpu.wait_indirect_dma semaphore(%run_scoped3A_375 : memref<!tpu.dma_semaphore, #tpu.memory_space<semaphore_mem>>) src(%dma_wait3A_389 : memref<128x64xf32, #tpu.memory_space<vmem>>) dst(%dma_wait3A_395 : memref<10112x64xf32, #tpu.memory_space<vmem_shared>>)
        tpu.yield
      }) : () -> ()
      %add3A_224 = arith.constant 8 : i32
      %add3A_225 = arith.addi %add3A_211, %add3A_224 : i32
      %lt3A = arith.constant 79 : i32
      %lt3A_226 = arith.cmpi slt, %add3A_225, %lt3A : i32
      %convert_element_type3A = arith.extui %lt3A_226 : i1 to i32
      %cond3A = arith.constant 0 : i32
      %cond3A_227 = arith.cmpi ne, %convert_element_type3A, %cond3A : i32
      scf.if %cond3A_227 {
        %add3A_375 = arith.constant 8 : i32
        %add3A_376 = arith.addi %add3A_211, %add3A_375 : i32
        %dma_start3A_377 = arith.constant 0 : i32
        %dma_start3A_378 = arith.constant 0 : i32
        %dma_start3A_379 = arith.constant 0 : i32
        %dma_start3A_380 = tpu.memref_slice %arg9[%dma_start3A_377, %dma_start3A_378, %dma_start3A_379] : memref<8x128x64xf32, #tpu.memory_space<vmem>> -> memref<1x128x64xf32, #tpu.memory_space<vmem>>
        %dma_start3A_381 = tpu.memref_squeeze %dma_start3A_380 : memref<1x128x64xf32, #tpu.memory_space<vmem>> -> memref<128x64xf32, #tpu.memory_space<vmem>>
        %dma_start3A_382 = arith.constant 0 : i32
        %dma_start3A_383 = tpu.memref_slice %arg7[%add3A_376, %dma_start3A_382] : memref<79x128xi32, #tpu.memory_space<vmem>> -> memref<1x128xi32, #tpu.memory_space<vmem>>
        %dma_start3A_384 = tpu.memref_squeeze %dma_start3A_383 : memref<1x128xi32, #tpu.memory_space<vmem>> -> memref<128xi32, #tpu.memory_space<vmem>>
        %dma_start3A_385 = arith.constant 0 : i32
        %dma_start3A_386 = arith.constant 0 : i32
        %dma_start3A_387 = tpu.memref_slice %arg2[%dma_start3A_385, %dma_start3A_386] : memref<10000x64xf32, #tpu.memory_space<hbm>> -> memref<10000x64xf32, #tpu.memory_space<hbm>>
        tpu.enqueue_indirect_dma source(%dma_start3A_387 : memref<10000x64xf32, #tpu.memory_space<hbm>>) target(%dma_start3A_381 : memref<128x64xf32, #tpu.memory_space<vmem>>) offsets(%dma_start3A_384 : memref<128xi32, #tpu.memory_space<vmem>>) semaphore(%arg11 : memref<!tpu.dma_semaphore, #tpu.memory_space<semaphore_mem>>)
      } else {
      }
      %add3A_228 = arith.constant 1 : i32
      %add3A_229 = arith.addi %add3A_209, %add3A_228 : i32
      %dma_wait3A_230 = arith.constant 1 : i32
      %dma_wait3A_231 = arith.constant 0 : i32
      %dma_wait3A_232 = arith.constant 0 : i32
      %dma_wait3A_233 = tpu.memref_slice %arg9[%dma_wait3A_230, %dma_wait3A_231, %dma_wait3A_232] : memref<8x128x64xf32, #tpu.memory_space<vmem>> -> memref<1x128x64xf32, #tpu.memory_space<vmem>>
      %dma_wait3A_234 = tpu.memref_squeeze %dma_wait3A_233 : memref<1x128x64xf32, #tpu.memory_space<vmem>> -> memref<128x64xf32, #tpu.memory_space<vmem>>
      %dma_wait3A_235 = arith.constant 0 : i32
      %dma_wait3A_236 = tpu.memref_slice %arg7[%add3A_229, %dma_wait3A_235] : memref<79x128xi32, #tpu.memory_space<vmem>> -> memref<1x128xi32, #tpu.memory_space<vmem>>
      %dma_wait3A_237 = tpu.memref_squeeze %dma_wait3A_236 : memref<1x128xi32, #tpu.memory_space<vmem>> -> memref<128xi32, #tpu.memory_space<vmem>>
      %dma_wait3A_238 = arith.constant 0 : i32
      %dma_wait3A_239 = arith.constant 0 : i32
      %dma_wait3A_240 = tpu.memref_slice %arg2[%dma_wait3A_238, %dma_wait3A_239] : memref<10000x64xf32, #tpu.memory_space<hbm>> -> memref<10000x64xf32, #tpu.memory_space<hbm>>
      tpu.wait_indirect_dma semaphore(%arg12 : memref<!tpu.dma_semaphore, #tpu.memory_space<semaphore_mem>>) src(%dma_wait3A_240 : memref<10000x64xf32, #tpu.memory_space<hbm>>) dst(%dma_wait3A_234 : memref<128x64xf32, #tpu.memory_space<vmem>>)
      %run_scoped3A_241 = arith.constant 1 : i32
      "tpu.region"() ({
        %run_scoped3A_375 = tpu.sem_alloc : memref<!tpu.dma_semaphore, #tpu.memory_space<semaphore_mem>>
        %dma_start3A_376 = arith.constant 0 : i32
        %dma_start3A_377 = arith.constant 0 : i32
        %dma_start3A_378 = tpu.memref_slice %arg9[%run_scoped3A_241, %dma_start3A_376, %dma_start3A_377] : memref<8x128x64xf32, #tpu.memory_space<vmem>> -> memref<1x128x64xf32, #tpu.memory_space<vmem>>
        %dma_start3A_379 = tpu.memref_squeeze %dma_start3A_378 : memref<1x128x64xf32, #tpu.memory_space<vmem>> -> memref<128x64xf32, #tpu.memory_space<vmem>>
        %dma_start3A_380 = arith.constant 0 : i32
        %dma_start3A_381 = tpu.memref_slice %arg8[%add3A_229, %dma_start3A_380] : memref<79x128xi32, #tpu.memory_space<vmem>> -> memref<1x128xi32, #tpu.memory_space<vmem>>
        %dma_start3A_382 = tpu.memref_squeeze %dma_start3A_381 : memref<1x128xi32, #tpu.memory_space<vmem>> -> memref<128xi32, #tpu.memory_space<vmem>>
        %dma_start3A_383 = arith.constant 0 : i32
        %dma_start3A_384 = arith.constant 0 : i32
        %dma_start3A_385 = tpu.memref_slice %arg10[%dma_start3A_383, %dma_start3A_384] : memref<10112x64xf32, #tpu.memory_space<vmem_shared>> -> memref<10112x64xf32, #tpu.memory_space<vmem_shared>>
        tpu.enqueue_indirect_dma source(%dma_start3A_379 : memref<128x64xf32, #tpu.memory_space<vmem>>) target(%dma_start3A_385 : memref<10112x64xf32, #tpu.memory_space<vmem_shared>>) offsets(%dma_start3A_382 : memref<128xi32, #tpu.memory_space<vmem>>) semaphore(%run_scoped3A_375 : memref<!tpu.dma_semaphore, #tpu.memory_space<semaphore_mem>>) {add = true}
        %dma_wait3A_386 = arith.constant 0 : i32
        %dma_wait3A_387 = arith.constant 0 : i32
        %dma_wait3A_388 = tpu.memref_slice %arg9[%run_scoped3A_241, %dma_wait3A_386, %dma_wait3A_387] : memref<8x128x64xf32, #tpu.memory_space<vmem>> -> memref<1x128x64xf32, #tpu.memory_space<vmem>>
        %dma_wait3A_389 = tpu.memref_squeeze %dma_wait3A_388 : memref<1x128x64xf32, #tpu.memory_space<vmem>> -> memref<128x64xf32, #tpu.memory_space<vmem>>
        %dma_wait3A_390 = arith.constant 0 : i32
        %dma_wait3A_391 = tpu.memref_slice %arg8[%add3A_229, %dma_wait3A_390] : memref<79x128xi32, #tpu.memory_space<vmem>> -> memref<1x128xi32, #tpu.memory_space<vmem>>
        %dma_wait3A_392 = tpu.memref_squeeze %dma_wait3A_391 : memref<1x128xi32, #tpu.memory_space<vmem>> -> memref<128xi32, #tpu.memory_space<vmem>>
        %dma_wait3A_393 = arith.constant 0 : i32
        %dma_wait3A_394 = arith.constant 0 : i32
        %dma_wait3A_395 = tpu.memref_slice %arg10[%dma_wait3A_393, %dma_wait3A_394] : memref<10112x64xf32, #tpu.memory_space<vmem_shared>> -> memref<10112x64xf32, #tpu.memory_space<vmem_shared>>
        tpu.wait_indirect_dma semaphore(%run_scoped3A_375 : memref<!tpu.dma_semaphore, #tpu.memory_space<semaphore_mem>>) src(%dma_wait3A_389 : memref<128x64xf32, #tpu.memory_space<vmem>>) dst(%dma_wait3A_395 : memref<10112x64xf32, #tpu.memory_space<vmem_shared>>)
        tpu.yield
      }) : () -> ()
      %add3A_242 = arith.constant 8 : i32
      %add3A_243 = arith.addi %add3A_229, %add3A_242 : i32
      %lt3A_244 = arith.constant 79 : i32
      %lt3A_245 = arith.cmpi slt, %add3A_243, %lt3A_244 : i32
      %convert_element_type3A_246 = arith.extui %lt3A_245 : i1 to i32
      %cond3A_247 = arith.constant 0 : i32
      %cond3A_248 = arith.cmpi ne, %convert_element_type3A_246, %cond3A_247 : i32
      scf.if %cond3A_248 {
        %add3A_375 = arith.constant 8 : i32
        %add3A_376 = arith.addi %add3A_229, %add3A_375 : i32
        %dma_start3A_377 = arith.constant 1 : i32
        %dma_start3A_378 = arith.constant 0 : i32
        %dma_start3A_379 = arith.constant 0 : i32
        %dma_start3A_380 = tpu.memref_slice %arg9[%dma_start3A_377, %dma_start3A_378, %dma_start3A_379] : memref<8x128x64xf32, #tpu.memory_space<vmem>> -> memref<1x128x64xf32, #tpu.memory_space<vmem>>
        %dma_start3A_381 = tpu.memref_squeeze %dma_start3A_380 : memref<1x128x64xf32, #tpu.memory_space<vmem>> -> memref<128x64xf32, #tpu.memory_space<vmem>>
        %dma_start3A_382 = arith.constant 0 : i32
        %dma_start3A_383 = tpu.memref_slice %arg7[%add3A_376, %dma_start3A_382] : memref<79x128xi32, #tpu.memory_space<vmem>> -> memref<1x128xi32, #tpu.memory_space<vmem>>
        %dma_start3A_384 = tpu.memref_squeeze %dma_start3A_383 : memref<1x128xi32, #tpu.memory_space<vmem>> -> memref<128xi32, #tpu.memory_space<vmem>>
        %dma_start3A_385 = arith.constant 0 : i32
        %dma_start3A_386 = arith.constant 0 : i32
        %dma_start3A_387 = tpu.memref_slice %arg2[%dma_start3A_385, %dma_start3A_386] : memref<10000x64xf32, #tpu.memory_space<hbm>> -> memref<10000x64xf32, #tpu.memory_space<hbm>>
        tpu.enqueue_indirect_dma source(%dma_start3A_387 : memref<10000x64xf32, #tpu.memory_space<hbm>>) target(%dma_start3A_381 : memref<128x64xf32, #tpu.memory_space<vmem>>) offsets(%dma_start3A_384 : memref<128xi32, #tpu.memory_space<vmem>>) semaphore(%arg12 : memref<!tpu.dma_semaphore, #tpu.memory_space<semaphore_mem>>)
      } else {
      }
      %add3A_249 = arith.constant 2 : i32
      %add3A_250 = arith.addi %add3A_209, %add3A_249 : i32
      %dma_wait3A_251 = arith.constant 2 : i32
      %dma_wait3A_252 = arith.constant 0 : i32
      %dma_wait3A_253 = arith.constant 0 : i32
      %dma_wait3A_254 = tpu.memref_slice %arg9[%dma_wait3A_251, %dma_wait3A_252, %dma_wait3A_253] : memref<8x128x64xf32, #tpu.memory_space<vmem>> -> memref<1x128x64xf32, #tpu.memory_space<vmem>>
      %dma_wait3A_255 = tpu.memref_squeeze %dma_wait3A_254 : memref<1x128x64xf32, #tpu.memory_space<vmem>> -> memref<128x64xf32, #tpu.memory_space<vmem>>
      %dma_wait3A_256 = arith.constant 0 : i32
      %dma_wait3A_257 = tpu.memref_slice %arg7[%add3A_250, %dma_wait3A_256] : memref<79x128xi32, #tpu.memory_space<vmem>> -> memref<1x128xi32, #tpu.memory_space<vmem>>
      %dma_wait3A_258 = tpu.memref_squeeze %dma_wait3A_257 : memref<1x128xi32, #tpu.memory_space<vmem>> -> memref<128xi32, #tpu.memory_space<vmem>>
      %dma_wait3A_259 = arith.constant 0 : i32
      %dma_wait3A_260 = arith.constant 0 : i32
      %dma_wait3A_261 = tpu.memref_slice %arg2[%dma_wait3A_259, %dma_wait3A_260] : memref<10000x64xf32, #tpu.memory_space<hbm>> -> memref<10000x64xf32, #tpu.memory_space<hbm>>
      tpu.wait_indirect_dma semaphore(%arg13 : memref<!tpu.dma_semaphore, #tpu.memory_space<semaphore_mem>>) src(%dma_wait3A_261 : memref<10000x64xf32, #tpu.memory_space<hbm>>) dst(%dma_wait3A_255 : memref<128x64xf32, #tpu.memory_space<vmem>>)
      %run_scoped3A_262 = arith.constant 2 : i32
      "tpu.region"() ({
        %run_scoped3A_375 = tpu.sem_alloc : memref<!tpu.dma_semaphore, #tpu.memory_space<semaphore_mem>>
        %dma_start3A_376 = arith.constant 0 : i32
        %dma_start3A_377 = arith.constant 0 : i32
        %dma_start3A_378 = tpu.memref_slice %arg9[%run_scoped3A_262, %dma_start3A_376, %dma_start3A_377] : memref<8x128x64xf32, #tpu.memory_space<vmem>> -> memref<1x128x64xf32, #tpu.memory_space<vmem>>
        %dma_start3A_379 = tpu.memref_squeeze %dma_start3A_378 : memref<1x128x64xf32, #tpu.memory_space<vmem>> -> memref<128x64xf32, #tpu.memory_space<vmem>>
        %dma_start3A_380 = arith.constant 0 : i32
        %dma_start3A_381 = tpu.memref_slice %arg8[%add3A_250, %dma_start3A_380] : memref<79x128xi32, #tpu.memory_space<vmem>> -> memref<1x128xi32, #tpu.memory_space<vmem>>
        %dma_start3A_382 = tpu.memref_squeeze %dma_start3A_381 : memref<1x128xi32, #tpu.memory_space<vmem>> -> memref<128xi32, #tpu.memory_space<vmem>>
        %dma_start3A_383 = arith.constant 0 : i32
        %dma_start3A_384 = arith.constant 0 : i32
        %dma_start3A_385 = tpu.memref_slice %arg10[%dma_start3A_383, %dma_start3A_384] : memref<10112x64xf32, #tpu.memory_space<vmem_shared>> -> memref<10112x64xf32, #tpu.memory_space<vmem_shared>>
        tpu.enqueue_indirect_dma source(%dma_start3A_379 : memref<128x64xf32, #tpu.memory_space<vmem>>) target(%dma_start3A_385 : memref<10112x64xf32, #tpu.memory_space<vmem_shared>>) offsets(%dma_start3A_382 : memref<128xi32, #tpu.memory_space<vmem>>) semaphore(%run_scoped3A_375 : memref<!tpu.dma_semaphore, #tpu.memory_space<semaphore_mem>>) {add = true}
        %dma_wait3A_386 = arith.constant 0 : i32
        %dma_wait3A_387 = arith.constant 0 : i32
        %dma_wait3A_388 = tpu.memref_slice %arg9[%run_scoped3A_262, %dma_wait3A_386, %dma_wait3A_387] : memref<8x128x64xf32, #tpu.memory_space<vmem>> -> memref<1x128x64xf32, #tpu.memory_space<vmem>>
        %dma_wait3A_389 = tpu.memref_squeeze %dma_wait3A_388 : memref<1x128x64xf32, #tpu.memory_space<vmem>> -> memref<128x64xf32, #tpu.memory_space<vmem>>
        %dma_wait3A_390 = arith.constant 0 : i32
        %dma_wait3A_391 = tpu.memref_slice %arg8[%add3A_250, %dma_wait3A_390] : memref<79x128xi32, #tpu.memory_space<vmem>> -> memref<1x128xi32, #tpu.memory_space<vmem>>
        %dma_wait3A_392 = tpu.memref_squeeze %dma_wait3A_391 : memref<1x128xi32, #tpu.memory_space<vmem>> -> memref<128xi32, #tpu.memory_space<vmem>>
        %dma_wait3A_393 = arith.constant 0 : i32
        %dma_wait3A_394 = arith.constant 0 : i32
        %dma_wait3A_395 = tpu.memref_slice %arg10[%dma_wait3A_393, %dma_wait3A_394] : memref<10112x64xf32, #tpu.memory_space<vmem_shared>> -> memref<10112x64xf32, #tpu.memory_space<vmem_shared>>
        tpu.wait_indirect_dma semaphore(%run_scoped3A_375 : memref<!tpu.dma_semaphore, #tpu.memory_space<semaphore_mem>>) src(%dma_wait3A_389 : memref<128x64xf32, #tpu.memory_space<vmem>>) dst(%dma_wait3A_395 : memref<10112x64xf32, #tpu.memory_space<vmem_shared>>)
        tpu.yield
      }) : () -> ()
      %add3A_263 = arith.constant 8 : i32
      %add3A_264 = arith.addi %add3A_250, %add3A_263 : i32
      %lt3A_265 = arith.constant 79 : i32
      %lt3A_266 = arith.cmpi slt, %add3A_264, %lt3A_265 : i32
      %convert_element_type3A_267 = arith.extui %lt3A_266 : i1 to i32
      %cond3A_268 = arith.constant 0 : i32
      %cond3A_269 = arith.cmpi ne, %convert_element_type3A_267, %cond3A_268 : i32
      scf.if %cond3A_269 {
        %add3A_375 = arith.constant 8 : i32
        %add3A_376 = arith.addi %add3A_250, %add3A_375 : i32
        %dma_start3A_377 = arith.constant 2 : i32
        %dma_start3A_378 = arith.constant 0 : i32
        %dma_start3A_379 = arith.constant 0 : i32
        %dma_start3A_380 = tpu.memref_slice %arg9[%dma_start3A_377, %dma_start3A_378, %dma_start3A_379] : memref<8x128x64xf32, #tpu.memory_space<vmem>> -> memref<1x128x64xf32, #tpu.memory_space<vmem>>
        %dma_start3A_381 = tpu.memref_squeeze %dma_start3A_380 : memref<1x128x64xf32, #tpu.memory_space<vmem>> -> memref<128x64xf32, #tpu.memory_space<vmem>>
        %dma_start3A_382 = arith.constant 0 : i32
        %dma_start3A_383 = tpu.memref_slice %arg7[%add3A_376, %dma_start3A_382] : memref<79x128xi32, #tpu.memory_space<vmem>> -> memref<1x128xi32, #tpu.memory_space<vmem>>
        %dma_start3A_384 = tpu.memref_squeeze %dma_start3A_383 : memref<1x128xi32, #tpu.memory_space<vmem>> -> memref<128xi32, #tpu.memory_space<vmem>>
        %dma_start3A_385 = arith.constant 0 : i32
        %dma_start3A_386 = arith.constant 0 : i32
        %dma_start3A_387 = tpu.memref_slice %arg2[%dma_start3A_385, %dma_start3A_386] : memref<10000x64xf32, #tpu.memory_space<hbm>> -> memref<10000x64xf32, #tpu.memory_space<hbm>>
        tpu.enqueue_indirect_dma source(%dma_start3A_387 : memref<10000x64xf32, #tpu.memory_space<hbm>>) target(%dma_start3A_381 : memref<128x64xf32, #tpu.memory_space<vmem>>) offsets(%dma_start3A_384 : memref<128xi32, #tpu.memory_space<vmem>>) semaphore(%arg13 : memref<!tpu.dma_semaphore, #tpu.memory_space<semaphore_mem>>)
      } else {
      }
      %add3A_270 = arith.constant 3 : i32
      %add3A_271 = arith.addi %add3A_209, %add3A_270 : i32
      %dma_wait3A_272 = arith.constant 3 : i32
      %dma_wait3A_273 = arith.constant 0 : i32
      %dma_wait3A_274 = arith.constant 0 : i32
      %dma_wait3A_275 = tpu.memref_slice %arg9[%dma_wait3A_272, %dma_wait3A_273, %dma_wait3A_274] : memref<8x128x64xf32, #tpu.memory_space<vmem>> -> memref<1x128x64xf32, #tpu.memory_space<vmem>>
      %dma_wait3A_276 = tpu.memref_squeeze %dma_wait3A_275 : memref<1x128x64xf32, #tpu.memory_space<vmem>> -> memref<128x64xf32, #tpu.memory_space<vmem>>
      %dma_wait3A_277 = arith.constant 0 : i32
      %dma_wait3A_278 = tpu.memref_slice %arg7[%add3A_271, %dma_wait3A_277] : memref<79x128xi32, #tpu.memory_space<vmem>> -> memref<1x128xi32, #tpu.memory_space<vmem>>
      %dma_wait3A_279 = tpu.memref_squeeze %dma_wait3A_278 : memref<1x128xi32, #tpu.memory_space<vmem>> -> memref<128xi32, #tpu.memory_space<vmem>>
      %dma_wait3A_280 = arith.constant 0 : i32
      %dma_wait3A_281 = arith.constant 0 : i32
      %dma_wait3A_282 = tpu.memref_slice %arg2[%dma_wait3A_280, %dma_wait3A_281] : memref<10000x64xf32, #tpu.memory_space<hbm>> -> memref<10000x64xf32, #tpu.memory_space<hbm>>
      tpu.wait_indirect_dma semaphore(%arg14 : memref<!tpu.dma_semaphore, #tpu.memory_space<semaphore_mem>>) src(%dma_wait3A_282 : memref<10000x64xf32, #tpu.memory_space<hbm>>) dst(%dma_wait3A_276 : memref<128x64xf32, #tpu.memory_space<vmem>>)
      %run_scoped3A_283 = arith.constant 3 : i32
      "tpu.region"() ({
        %run_scoped3A_375 = tpu.sem_alloc : memref<!tpu.dma_semaphore, #tpu.memory_space<semaphore_mem>>
        %dma_start3A_376 = arith.constant 0 : i32
        %dma_start3A_377 = arith.constant 0 : i32
        %dma_start3A_378 = tpu.memref_slice %arg9[%run_scoped3A_283, %dma_start3A_376, %dma_start3A_377] : memref<8x128x64xf32, #tpu.memory_space<vmem>> -> memref<1x128x64xf32, #tpu.memory_space<vmem>>
        %dma_start3A_379 = tpu.memref_squeeze %dma_start3A_378 : memref<1x128x64xf32, #tpu.memory_space<vmem>> -> memref<128x64xf32, #tpu.memory_space<vmem>>
        %dma_start3A_380 = arith.constant 0 : i32
        %dma_start3A_381 = tpu.memref_slice %arg8[%add3A_271, %dma_start3A_380] : memref<79x128xi32, #tpu.memory_space<vmem>> -> memref<1x128xi32, #tpu.memory_space<vmem>>
        %dma_start3A_382 = tpu.memref_squeeze %dma_start3A_381 : memref<1x128xi32, #tpu.memory_space<vmem>> -> memref<128xi32, #tpu.memory_space<vmem>>
        %dma_start3A_383 = arith.constant 0 : i32
        %dma_start3A_384 = arith.constant 0 : i32
        %dma_start3A_385 = tpu.memref_slice %arg10[%dma_start3A_383, %dma_start3A_384] : memref<10112x64xf32, #tpu.memory_space<vmem_shared>> -> memref<10112x64xf32, #tpu.memory_space<vmem_shared>>
        tpu.enqueue_indirect_dma source(%dma_start3A_379 : memref<128x64xf32, #tpu.memory_space<vmem>>) target(%dma_start3A_385 : memref<10112x64xf32, #tpu.memory_space<vmem_shared>>) offsets(%dma_start3A_382 : memref<128xi32, #tpu.memory_space<vmem>>) semaphore(%run_scoped3A_375 : memref<!tpu.dma_semaphore, #tpu.memory_space<semaphore_mem>>) {add = true}
        %dma_wait3A_386 = arith.constant 0 : i32
        %dma_wait3A_387 = arith.constant 0 : i32
        %dma_wait3A_388 = tpu.memref_slice %arg9[%run_scoped3A_283, %dma_wait3A_386, %dma_wait3A_387] : memref<8x128x64xf32, #tpu.memory_space<vmem>> -> memref<1x128x64xf32, #tpu.memory_space<vmem>>
        %dma_wait3A_389 = tpu.memref_squeeze %dma_wait3A_388 : memref<1x128x64xf32, #tpu.memory_space<vmem>> -> memref<128x64xf32, #tpu.memory_space<vmem>>
        %dma_wait3A_390 = arith.constant 0 : i32
        %dma_wait3A_391 = tpu.memref_slice %arg8[%add3A_271, %dma_wait3A_390] : memref<79x128xi32, #tpu.memory_space<vmem>> -> memref<1x128xi32, #tpu.memory_space<vmem>>
        %dma_wait3A_392 = tpu.memref_squeeze %dma_wait3A_391 : memref<1x128xi32, #tpu.memory_space<vmem>> -> memref<128xi32, #tpu.memory_space<vmem>>
        %dma_wait3A_393 = arith.constant 0 : i32
        %dma_wait3A_394 = arith.constant 0 : i32
        %dma_wait3A_395 = tpu.memref_slice %arg10[%dma_wait3A_393, %dma_wait3A_394] : memref<10112x64xf32, #tpu.memory_space<vmem_shared>> -> memref<10112x64xf32, #tpu.memory_space<vmem_shared>>
        tpu.wait_indirect_dma semaphore(%run_scoped3A_375 : memref<!tpu.dma_semaphore, #tpu.memory_space<semaphore_mem>>) src(%dma_wait3A_389 : memref<128x64xf32, #tpu.memory_space<vmem>>) dst(%dma_wait3A_395 : memref<10112x64xf32, #tpu.memory_space<vmem_shared>>)
        tpu.yield
      }) : () -> ()
      %add3A_284 = arith.constant 8 : i32
      %add3A_285 = arith.addi %add3A_271, %add3A_284 : i32
      %lt3A_286 = arith.constant 79 : i32
      %lt3A_287 = arith.cmpi slt, %add3A_285, %lt3A_286 : i32
      %convert_element_type3A_288 = arith.extui %lt3A_287 : i1 to i32
      %cond3A_289 = arith.constant 0 : i32
      %cond3A_290 = arith.cmpi ne, %convert_element_type3A_288, %cond3A_289 : i32
      scf.if %cond3A_290 {
        %add3A_375 = arith.constant 8 : i32
        %add3A_376 = arith.addi %add3A_271, %add3A_375 : i32
        %dma_start3A_377 = arith.constant 3 : i32
        %dma_start3A_378 = arith.constant 0 : i32
        %dma_start3A_379 = arith.constant 0 : i32
        %dma_start3A_380 = tpu.memref_slice %arg9[%dma_start3A_377, %dma_start3A_378, %dma_start3A_379] : memref<8x128x64xf32, #tpu.memory_space<vmem>> -> memref<1x128x64xf32, #tpu.memory_space<vmem>>
        %dma_start3A_381 = tpu.memref_squeeze %dma_start3A_380 : memref<1x128x64xf32, #tpu.memory_space<vmem>> -> memref<128x64xf32, #tpu.memory_space<vmem>>
        %dma_start3A_382 = arith.constant 0 : i32
        %dma_start3A_383 = tpu.memref_slice %arg7[%add3A_376, %dma_start3A_382] : memref<79x128xi32, #tpu.memory_space<vmem>> -> memref<1x128xi32, #tpu.memory_space<vmem>>
        %dma_start3A_384 = tpu.memref_squeeze %dma_start3A_383 : memref<1x128xi32, #tpu.memory_space<vmem>> -> memref<128xi32, #tpu.memory_space<vmem>>
        %dma_start3A_385 = arith.constant 0 : i32
        %dma_start3A_386 = arith.constant 0 : i32
        %dma_start3A_387 = tpu.memref_slice %arg2[%dma_start3A_385, %dma_start3A_386] : memref<10000x64xf32, #tpu.memory_space<hbm>> -> memref<10000x64xf32, #tpu.memory_space<hbm>>
        tpu.enqueue_indirect_dma source(%dma_start3A_387 : memref<10000x64xf32, #tpu.memory_space<hbm>>) target(%dma_start3A_381 : memref<128x64xf32, #tpu.memory_space<vmem>>) offsets(%dma_start3A_384 : memref<128xi32, #tpu.memory_space<vmem>>) semaphore(%arg14 : memref<!tpu.dma_semaphore, #tpu.memory_space<semaphore_mem>>)
      } else {
      }
      %add3A_291 = arith.constant 4 : i32
      %add3A_292 = arith.addi %add3A_209, %add3A_291 : i32
      %dma_wait3A_293 = arith.constant 4 : i32
      %dma_wait3A_294 = arith.constant 0 : i32
      %dma_wait3A_295 = arith.constant 0 : i32
      %dma_wait3A_296 = tpu.memref_slice %arg9[%dma_wait3A_293, %dma_wait3A_294, %dma_wait3A_295] : memref<8x128x64xf32, #tpu.memory_space<vmem>> -> memref<1x128x64xf32, #tpu.memory_space<vmem>>
      %dma_wait3A_297 = tpu.memref_squeeze %dma_wait3A_296 : memref<1x128x64xf32, #tpu.memory_space<vmem>> -> memref<128x64xf32, #tpu.memory_space<vmem>>
      %dma_wait3A_298 = arith.constant 0 : i32
      %dma_wait3A_299 = tpu.memref_slice %arg7[%add3A_292, %dma_wait3A_298] : memref<79x128xi32, #tpu.memory_space<vmem>> -> memref<1x128xi32, #tpu.memory_space<vmem>>
      %dma_wait3A_300 = tpu.memref_squeeze %dma_wait3A_299 : memref<1x128xi32, #tpu.memory_space<vmem>> -> memref<128xi32, #tpu.memory_space<vmem>>
      %dma_wait3A_301 = arith.constant 0 : i32
      %dma_wait3A_302 = arith.constant 0 : i32
      %dma_wait3A_303 = tpu.memref_slice %arg2[%dma_wait3A_301, %dma_wait3A_302] : memref<10000x64xf32, #tpu.memory_space<hbm>> -> memref<10000x64xf32, #tpu.memory_space<hbm>>
      tpu.wait_indirect_dma semaphore(%arg15 : memref<!tpu.dma_semaphore, #tpu.memory_space<semaphore_mem>>) src(%dma_wait3A_303 : memref<10000x64xf32, #tpu.memory_space<hbm>>) dst(%dma_wait3A_297 : memref<128x64xf32, #tpu.memory_space<vmem>>)
      %run_scoped3A_304 = arith.constant 4 : i32
      "tpu.region"() ({
        %run_scoped3A_375 = tpu.sem_alloc : memref<!tpu.dma_semaphore, #tpu.memory_space<semaphore_mem>>
        %dma_start3A_376 = arith.constant 0 : i32
        %dma_start3A_377 = arith.constant 0 : i32
        %dma_start3A_378 = tpu.memref_slice %arg9[%run_scoped3A_304, %dma_start3A_376, %dma_start3A_377] : memref<8x128x64xf32, #tpu.memory_space<vmem>> -> memref<1x128x64xf32, #tpu.memory_space<vmem>>
        %dma_start3A_379 = tpu.memref_squeeze %dma_start3A_378 : memref<1x128x64xf32, #tpu.memory_space<vmem>> -> memref<128x64xf32, #tpu.memory_space<vmem>>
        %dma_start3A_380 = arith.constant 0 : i32
        %dma_start3A_381 = tpu.memref_slice %arg8[%add3A_292, %dma_start3A_380] : memref<79x128xi32, #tpu.memory_space<vmem>> -> memref<1x128xi32, #tpu.memory_space<vmem>>
        %dma_start3A_382 = tpu.memref_squeeze %dma_start3A_381 : memref<1x128xi32, #tpu.memory_space<vmem>> -> memref<128xi32, #tpu.memory_space<vmem>>
        %dma_start3A_383 = arith.constant 0 : i32
        %dma_start3A_384 = arith.constant 0 : i32
        %dma_start3A_385 = tpu.memref_slice %arg10[%dma_start3A_383, %dma_start3A_384] : memref<10112x64xf32, #tpu.memory_space<vmem_shared>> -> memref<10112x64xf32, #tpu.memory_space<vmem_shared>>
        tpu.enqueue_indirect_dma source(%dma_start3A_379 : memref<128x64xf32, #tpu.memory_space<vmem>>) target(%dma_start3A_385 : memref<10112x64xf32, #tpu.memory_space<vmem_shared>>) offsets(%dma_start3A_382 : memref<128xi32, #tpu.memory_space<vmem>>) semaphore(%run_scoped3A_375 : memref<!tpu.dma_semaphore, #tpu.memory_space<semaphore_mem>>) {add = true}
        %dma_wait3A_386 = arith.constant 0 : i32
        %dma_wait3A_387 = arith.constant 0 : i32
        %dma_wait3A_388 = tpu.memref_slice %arg9[%run_scoped3A_304, %dma_wait3A_386, %dma_wait3A_387] : memref<8x128x64xf32, #tpu.memory_space<vmem>> -> memref<1x128x64xf32, #tpu.memory_space<vmem>>
        %dma_wait3A_389 = tpu.memref_squeeze %dma_wait3A_388 : memref<1x128x64xf32, #tpu.memory_space<vmem>> -> memref<128x64xf32, #tpu.memory_space<vmem>>
        %dma_wait3A_390 = arith.constant 0 : i32
        %dma_wait3A_391 = tpu.memref_slice %arg8[%add3A_292, %dma_wait3A_390] : memref<79x128xi32, #tpu.memory_space<vmem>> -> memref<1x128xi32, #tpu.memory_space<vmem>>
        %dma_wait3A_392 = tpu.memref_squeeze %dma_wait3A_391 : memref<1x128xi32, #tpu.memory_space<vmem>> -> memref<128xi32, #tpu.memory_space<vmem>>
        %dma_wait3A_393 = arith.constant 0 : i32
        %dma_wait3A_394 = arith.constant 0 : i32
        %dma_wait3A_395 = tpu.memref_slice %arg10[%dma_wait3A_393, %dma_wait3A_394] : memref<10112x64xf32, #tpu.memory_space<vmem_shared>> -> memref<10112x64xf32, #tpu.memory_space<vmem_shared>>
        tpu.wait_indirect_dma semaphore(%run_scoped3A_375 : memref<!tpu.dma_semaphore, #tpu.memory_space<semaphore_mem>>) src(%dma_wait3A_389 : memref<128x64xf32, #tpu.memory_space<vmem>>) dst(%dma_wait3A_395 : memref<10112x64xf32, #tpu.memory_space<vmem_shared>>)
        tpu.yield
      }) : () -> ()
      %add3A_305 = arith.constant 8 : i32
      %add3A_306 = arith.addi %add3A_292, %add3A_305 : i32
      %lt3A_307 = arith.constant 79 : i32
      %lt3A_308 = arith.cmpi slt, %add3A_306, %lt3A_307 : i32
      %convert_element_type3A_309 = arith.extui %lt3A_308 : i1 to i32
      %cond3A_310 = arith.constant 0 : i32
      %cond3A_311 = arith.cmpi ne, %convert_element_type3A_309, %cond3A_310 : i32
      scf.if %cond3A_311 {
        %add3A_375 = arith.constant 8 : i32
        %add3A_376 = arith.addi %add3A_292, %add3A_375 : i32
        %dma_start3A_377 = arith.constant 4 : i32
        %dma_start3A_378 = arith.constant 0 : i32
        %dma_start3A_379 = arith.constant 0 : i32
        %dma_start3A_380 = tpu.memref_slice %arg9[%dma_start3A_377, %dma_start3A_378, %dma_start3A_379] : memref<8x128x64xf32, #tpu.memory_space<vmem>> -> memref<1x128x64xf32, #tpu.memory_space<vmem>>
        %dma_start3A_381 = tpu.memref_squeeze %dma_start3A_380 : memref<1x128x64xf32, #tpu.memory_space<vmem>> -> memref<128x64xf32, #tpu.memory_space<vmem>>
        %dma_start3A_382 = arith.constant 0 : i32
        %dma_start3A_383 = tpu.memref_slice %arg7[%add3A_376, %dma_start3A_382] : memref<79x128xi32, #tpu.memory_space<vmem>> -> memref<1x128xi32, #tpu.memory_space<vmem>>
        %dma_start3A_384 = tpu.memref_squeeze %dma_start3A_383 : memref<1x128xi32, #tpu.memory_space<vmem>> -> memref<128xi32, #tpu.memory_space<vmem>>
        %dma_start3A_385 = arith.constant 0 : i32
        %dma_start3A_386 = arith.constant 0 : i32
        %dma_start3A_387 = tpu.memref_slice %arg2[%dma_start3A_385, %dma_start3A_386] : memref<10000x64xf32, #tpu.memory_space<hbm>> -> memref<10000x64xf32, #tpu.memory_space<hbm>>
        tpu.enqueue_indirect_dma source(%dma_start3A_387 : memref<10000x64xf32, #tpu.memory_space<hbm>>) target(%dma_start3A_381 : memref<128x64xf32, #tpu.memory_space<vmem>>) offsets(%dma_start3A_384 : memref<128xi32, #tpu.memory_space<vmem>>) semaphore(%arg15 : memref<!tpu.dma_semaphore, #tpu.memory_space<semaphore_mem>>)
      } else {
      }
      %add3A_312 = arith.constant 5 : i32
      %add3A_313 = arith.addi %add3A_209, %add3A_312 : i32
      %dma_wait3A_314 = arith.constant 5 : i32
      %dma_wait3A_315 = arith.constant 0 : i32
      %dma_wait3A_316 = arith.constant 0 : i32
      %dma_wait3A_317 = tpu.memref_slice %arg9[%dma_wait3A_314, %dma_wait3A_315, %dma_wait3A_316] : memref<8x128x64xf32, #tpu.memory_space<vmem>> -> memref<1x128x64xf32, #tpu.memory_space<vmem>>
      %dma_wait3A_318 = tpu.memref_squeeze %dma_wait3A_317 : memref<1x128x64xf32, #tpu.memory_space<vmem>> -> memref<128x64xf32, #tpu.memory_space<vmem>>
      %dma_wait3A_319 = arith.constant 0 : i32
      %dma_wait3A_320 = tpu.memref_slice %arg7[%add3A_313, %dma_wait3A_319] : memref<79x128xi32, #tpu.memory_space<vmem>> -> memref<1x128xi32, #tpu.memory_space<vmem>>
      %dma_wait3A_321 = tpu.memref_squeeze %dma_wait3A_320 : memref<1x128xi32, #tpu.memory_space<vmem>> -> memref<128xi32, #tpu.memory_space<vmem>>
      %dma_wait3A_322 = arith.constant 0 : i32
      %dma_wait3A_323 = arith.constant 0 : i32
      %dma_wait3A_324 = tpu.memref_slice %arg2[%dma_wait3A_322, %dma_wait3A_323] : memref<10000x64xf32, #tpu.memory_space<hbm>> -> memref<10000x64xf32, #tpu.memory_space<hbm>>
      tpu.wait_indirect_dma semaphore(%arg16 : memref<!tpu.dma_semaphore, #tpu.memory_space<semaphore_mem>>) src(%dma_wait3A_324 : memref<10000x64xf32, #tpu.memory_space<hbm>>) dst(%dma_wait3A_318 : memref<128x64xf32, #tpu.memory_space<vmem>>)
      %run_scoped3A_325 = arith.constant 5 : i32
      "tpu.region"() ({
        %run_scoped3A_375 = tpu.sem_alloc : memref<!tpu.dma_semaphore, #tpu.memory_space<semaphore_mem>>
        %dma_start3A_376 = arith.constant 0 : i32
        %dma_start3A_377 = arith.constant 0 : i32
        %dma_start3A_378 = tpu.memref_slice %arg9[%run_scoped3A_325, %dma_start3A_376, %dma_start3A_377] : memref<8x128x64xf32, #tpu.memory_space<vmem>> -> memref<1x128x64xf32, #tpu.memory_space<vmem>>
        %dma_start3A_379 = tpu.memref_squeeze %dma_start3A_378 : memref<1x128x64xf32, #tpu.memory_space<vmem>> -> memref<128x64xf32, #tpu.memory_space<vmem>>
        %dma_start3A_380 = arith.constant 0 : i32
        %dma_start3A_381 = tpu.memref_slice %arg8[%add3A_313, %dma_start3A_380] : memref<79x128xi32, #tpu.memory_space<vmem>> -> memref<1x128xi32, #tpu.memory_space<vmem>>
        %dma_start3A_382 = tpu.memref_squeeze %dma_start3A_381 : memref<1x128xi32, #tpu.memory_space<vmem>> -> memref<128xi32, #tpu.memory_space<vmem>>
        %dma_start3A_383 = arith.constant 0 : i32
        %dma_start3A_384 = arith.constant 0 : i32
        %dma_start3A_385 = tpu.memref_slice %arg10[%dma_start3A_383, %dma_start3A_384] : memref<10112x64xf32, #tpu.memory_space<vmem_shared>> -> memref<10112x64xf32, #tpu.memory_space<vmem_shared>>
        tpu.enqueue_indirect_dma source(%dma_start3A_379 : memref<128x64xf32, #tpu.memory_space<vmem>>) target(%dma_start3A_385 : memref<10112x64xf32, #tpu.memory_space<vmem_shared>>) offsets(%dma_start3A_382 : memref<128xi32, #tpu.memory_space<vmem>>) semaphore(%run_scoped3A_375 : memref<!tpu.dma_semaphore, #tpu.memory_space<semaphore_mem>>) {add = true}
        %dma_wait3A_386 = arith.constant 0 : i32
        %dma_wait3A_387 = arith.constant 0 : i32
        %dma_wait3A_388 = tpu.memref_slice %arg9[%run_scoped3A_325, %dma_wait3A_386, %dma_wait3A_387] : memref<8x128x64xf32, #tpu.memory_space<vmem>> -> memref<1x128x64xf32, #tpu.memory_space<vmem>>
        %dma_wait3A_389 = tpu.memref_squeeze %dma_wait3A_388 : memref<1x128x64xf32, #tpu.memory_space<vmem>> -> memref<128x64xf32, #tpu.memory_space<vmem>>
        %dma_wait3A_390 = arith.constant 0 : i32
        %dma_wait3A_391 = tpu.memref_slice %arg8[%add3A_313, %dma_wait3A_390] : memref<79x128xi32, #tpu.memory_space<vmem>> -> memref<1x128xi32, #tpu.memory_space<vmem>>
        %dma_wait3A_392 = tpu.memref_squeeze %dma_wait3A_391 : memref<1x128xi32, #tpu.memory_space<vmem>> -> memref<128xi32, #tpu.memory_space<vmem>>
        %dma_wait3A_393 = arith.constant 0 : i32
        %dma_wait3A_394 = arith.constant 0 : i32
        %dma_wait3A_395 = tpu.memref_slice %arg10[%dma_wait3A_393, %dma_wait3A_394] : memref<10112x64xf32, #tpu.memory_space<vmem_shared>> -> memref<10112x64xf32, #tpu.memory_space<vmem_shared>>
        tpu.wait_indirect_dma semaphore(%run_scoped3A_375 : memref<!tpu.dma_semaphore, #tpu.memory_space<semaphore_mem>>) src(%dma_wait3A_389 : memref<128x64xf32, #tpu.memory_space<vmem>>) dst(%dma_wait3A_395 : memref<10112x64xf32, #tpu.memory_space<vmem_shared>>)
        tpu.yield
      }) : () -> ()
      %add3A_326 = arith.constant 8 : i32
      %add3A_327 = arith.addi %add3A_313, %add3A_326 : i32
      %lt3A_328 = arith.constant 79 : i32
      %lt3A_329 = arith.cmpi slt, %add3A_327, %lt3A_328 : i32
      %convert_element_type3A_330 = arith.extui %lt3A_329 : i1 to i32
      %cond3A_331 = arith.constant 0 : i32
      %cond3A_332 = arith.cmpi ne, %convert_element_type3A_330, %cond3A_331 : i32
      scf.if %cond3A_332 {
        %add3A_375 = arith.constant 8 : i32
        %add3A_376 = arith.addi %add3A_313, %add3A_375 : i32
        %dma_start3A_377 = arith.constant 5 : i32
        %dma_start3A_378 = arith.constant 0 : i32
        %dma_start3A_379 = arith.constant 0 : i32
        %dma_start3A_380 = tpu.memref_slice %arg9[%dma_start3A_377, %dma_start3A_378, %dma_start3A_379] : memref<8x128x64xf32, #tpu.memory_space<vmem>> -> memref<1x128x64xf32, #tpu.memory_space<vmem>>
        %dma_start3A_381 = tpu.memref_squeeze %dma_start3A_380 : memref<1x128x64xf32, #tpu.memory_space<vmem>> -> memref<128x64xf32, #tpu.memory_space<vmem>>
        %dma_start3A_382 = arith.constant 0 : i32
        %dma_start3A_383 = tpu.memref_slice %arg7[%add3A_376, %dma_start3A_382] : memref<79x128xi32, #tpu.memory_space<vmem>> -> memref<1x128xi32, #tpu.memory_space<vmem>>
        %dma_start3A_384 = tpu.memref_squeeze %dma_start3A_383 : memref<1x128xi32, #tpu.memory_space<vmem>> -> memref<128xi32, #tpu.memory_space<vmem>>
        %dma_start3A_385 = arith.constant 0 : i32
        %dma_start3A_386 = arith.constant 0 : i32
        %dma_start3A_387 = tpu.memref_slice %arg2[%dma_start3A_385, %dma_start3A_386] : memref<10000x64xf32, #tpu.memory_space<hbm>> -> memref<10000x64xf32, #tpu.memory_space<hbm>>
        tpu.enqueue_indirect_dma source(%dma_start3A_387 : memref<10000x64xf32, #tpu.memory_space<hbm>>) target(%dma_start3A_381 : memref<128x64xf32, #tpu.memory_space<vmem>>) offsets(%dma_start3A_384 : memref<128xi32, #tpu.memory_space<vmem>>) semaphore(%arg16 : memref<!tpu.dma_semaphore, #tpu.memory_space<semaphore_mem>>)
      } else {
      }
      %add3A_333 = arith.constant 6 : i32
      %add3A_334 = arith.addi %add3A_209, %add3A_333 : i32
      %dma_wait3A_335 = arith.constant 6 : i32
      %dma_wait3A_336 = arith.constant 0 : i32
      %dma_wait3A_337 = arith.constant 0 : i32
      %dma_wait3A_338 = tpu.memref_slice %arg9[%dma_wait3A_335, %dma_wait3A_336, %dma_wait3A_337] : memref<8x128x64xf32, #tpu.memory_space<vmem>> -> memref<1x128x64xf32, #tpu.memory_space<vmem>>
      %dma_wait3A_339 = tpu.memref_squeeze %dma_wait3A_338 : memref<1x128x64xf32, #tpu.memory_space<vmem>> -> memref<128x64xf32, #tpu.memory_space<vmem>>
      %dma_wait3A_340 = arith.constant 0 : i32
      %dma_wait3A_341 = tpu.memref_slice %arg7[%add3A_334, %dma_wait3A_340] : memref<79x128xi32, #tpu.memory_space<vmem>> -> memref<1x128xi32, #tpu.memory_space<vmem>>
      %dma_wait3A_342 = tpu.memref_squeeze %dma_wait3A_341 : memref<1x128xi32, #tpu.memory_space<vmem>> -> memref<128xi32, #tpu.memory_space<vmem>>
      %dma_wait3A_343 = arith.constant 0 : i32
      %dma_wait3A_344 = arith.constant 0 : i32
      %dma_wait3A_345 = tpu.memref_slice %arg2[%dma_wait3A_343, %dma_wait3A_344] : memref<10000x64xf32, #tpu.memory_space<hbm>> -> memref<10000x64xf32, #tpu.memory_space<hbm>>
      tpu.wait_indirect_dma semaphore(%arg17 : memref<!tpu.dma_semaphore, #tpu.memory_space<semaphore_mem>>) src(%dma_wait3A_345 : memref<10000x64xf32, #tpu.memory_space<hbm>>) dst(%dma_wait3A_339 : memref<128x64xf32, #tpu.memory_space<vmem>>)
      %run_scoped3A_346 = arith.constant 6 : i32
      "tpu.region"() ({
        %run_scoped3A_375 = tpu.sem_alloc : memref<!tpu.dma_semaphore, #tpu.memory_space<semaphore_mem>>
        %dma_start3A_376 = arith.constant 0 : i32
        %dma_start3A_377 = arith.constant 0 : i32
        %dma_start3A_378 = tpu.memref_slice %arg9[%run_scoped3A_346, %dma_start3A_376, %dma_start3A_377] : memref<8x128x64xf32, #tpu.memory_space<vmem>> -> memref<1x128x64xf32, #tpu.memory_space<vmem>>
        %dma_start3A_379 = tpu.memref_squeeze %dma_start3A_378 : memref<1x128x64xf32, #tpu.memory_space<vmem>> -> memref<128x64xf32, #tpu.memory_space<vmem>>
        %dma_start3A_380 = arith.constant 0 : i32
        %dma_start3A_381 = tpu.memref_slice %arg8[%add3A_334, %dma_start3A_380] : memref<79x128xi32, #tpu.memory_space<vmem>> -> memref<1x128xi32, #tpu.memory_space<vmem>>
        %dma_start3A_382 = tpu.memref_squeeze %dma_start3A_381 : memref<1x128xi32, #tpu.memory_space<vmem>> -> memref<128xi32, #tpu.memory_space<vmem>>
        %dma_start3A_383 = arith.constant 0 : i32
        %dma_start3A_384 = arith.constant 0 : i32
        %dma_start3A_385 = tpu.memref_slice %arg10[%dma_start3A_383, %dma_start3A_384] : memref<10112x64xf32, #tpu.memory_space<vmem_shared>> -> memref<10112x64xf32, #tpu.memory_space<vmem_shared>>
        tpu.enqueue_indirect_dma source(%dma_start3A_379 : memref<128x64xf32, #tpu.memory_space<vmem>>) target(%dma_start3A_385 : memref<10112x64xf32, #tpu.memory_space<vmem_shared>>) offsets(%dma_start3A_382 : memref<128xi32, #tpu.memory_space<vmem>>) semaphore(%run_scoped3A_375 : memref<!tpu.dma_semaphore, #tpu.memory_space<semaphore_mem>>) {add = true}
        %dma_wait3A_386 = arith.constant 0 : i32
        %dma_wait3A_387 = arith.constant 0 : i32
        %dma_wait3A_388 = tpu.memref_slice %arg9[%run_scoped3A_346, %dma_wait3A_386, %dma_wait3A_387] : memref<8x128x64xf32, #tpu.memory_space<vmem>> -> memref<1x128x64xf32, #tpu.memory_space<vmem>>
        %dma_wait3A_389 = tpu.memref_squeeze %dma_wait3A_388 : memref<1x128x64xf32, #tpu.memory_space<vmem>> -> memref<128x64xf32, #tpu.memory_space<vmem>>
        %dma_wait3A_390 = arith.constant 0 : i32
        %dma_wait3A_391 = tpu.memref_slice %arg8[%add3A_334, %dma_wait3A_390] : memref<79x128xi32, #tpu.memory_space<vmem>> -> memref<1x128xi32, #tpu.memory_space<vmem>>
        %dma_wait3A_392 = tpu.memref_squeeze %dma_wait3A_391 : memref<1x128xi32, #tpu.memory_space<vmem>> -> memref<128xi32, #tpu.memory_space<vmem>>
        %dma_wait3A_393 = arith.constant 0 : i32
        %dma_wait3A_394 = arith.constant 0 : i32
        %dma_wait3A_395 = tpu.memref_slice %arg10[%dma_wait3A_393, %dma_wait3A_394] : memref<10112x64xf32, #tpu.memory_space<vmem_shared>> -> memref<10112x64xf32, #tpu.memory_space<vmem_shared>>
        tpu.wait_indirect_dma semaphore(%run_scoped3A_375 : memref<!tpu.dma_semaphore, #tpu.memory_space<semaphore_mem>>) src(%dma_wait3A_389 : memref<128x64xf32, #tpu.memory_space<vmem>>) dst(%dma_wait3A_395 : memref<10112x64xf32, #tpu.memory_space<vmem_shared>>)
        tpu.yield
      }) : () -> ()
      %add3A_347 = arith.constant 8 : i32
      %add3A_348 = arith.addi %add3A_334, %add3A_347 : i32
      %lt3A_349 = arith.constant 79 : i32
      %lt3A_350 = arith.cmpi slt, %add3A_348, %lt3A_349 : i32
      %convert_element_type3A_351 = arith.extui %lt3A_350 : i1 to i32
      %cond3A_352 = arith.constant 0 : i32
      %cond3A_353 = arith.cmpi ne, %convert_element_type3A_351, %cond3A_352 : i32
      scf.if %cond3A_353 {
        %add3A_375 = arith.constant 8 : i32
        %add3A_376 = arith.addi %add3A_334, %add3A_375 : i32
        %dma_start3A_377 = arith.constant 6 : i32
        %dma_start3A_378 = arith.constant 0 : i32
        %dma_start3A_379 = arith.constant 0 : i32
        %dma_start3A_380 = tpu.memref_slice %arg9[%dma_start3A_377, %dma_start3A_378, %dma_start3A_379] : memref<8x128x64xf32, #tpu.memory_space<vmem>> -> memref<1x128x64xf32, #tpu.memory_space<vmem>>
        %dma_start3A_381 = tpu.memref_squeeze %dma_start3A_380 : memref<1x128x64xf32, #tpu.memory_space<vmem>> -> memref<128x64xf32, #tpu.memory_space<vmem>>
        %dma_start3A_382 = arith.constant 0 : i32
        %dma_start3A_383 = tpu.memref_slice %arg7[%add3A_376, %dma_start3A_382] : memref<79x128xi32, #tpu.memory_space<vmem>> -> memref<1x128xi32, #tpu.memory_space<vmem>>
        %dma_start3A_384 = tpu.memref_squeeze %dma_start3A_383 : memref<1x128xi32, #tpu.memory_space<vmem>> -> memref<128xi32, #tpu.memory_space<vmem>>
        %dma_start3A_385 = arith.constant 0 : i32
        %dma_start3A_386 = arith.constant 0 : i32
        %dma_start3A_387 = tpu.memref_slice %arg2[%dma_start3A_385, %dma_start3A_386] : memref<10000x64xf32, #tpu.memory_space<hbm>> -> memref<10000x64xf32, #tpu.memory_space<hbm>>
        tpu.enqueue_indirect_dma source(%dma_start3A_387 : memref<10000x64xf32, #tpu.memory_space<hbm>>) target(%dma_start3A_381 : memref<128x64xf32, #tpu.memory_space<vmem>>) offsets(%dma_start3A_384 : memref<128xi32, #tpu.memory_space<vmem>>) semaphore(%arg17 : memref<!tpu.dma_semaphore, #tpu.memory_space<semaphore_mem>>)
      } else {
      }
      %add3A_354 = arith.constant 7 : i32
      %add3A_355 = arith.addi %add3A_209, %add3A_354 : i32
      %dma_wait3A_356 = arith.constant 7 : i32
      %dma_wait3A_357 = arith.constant 0 : i32
      %dma_wait3A_358 = arith.constant 0 : i32
      %dma_wait3A_359 = tpu.memref_slice %arg9[%dma_wait3A_356, %dma_wait3A_357, %dma_wait3A_358] : memref<8x128x64xf32, #tpu.memory_space<vmem>> -> memref<1x128x64xf32, #tpu.memory_space<vmem>>
      %dma_wait3A_360 = tpu.memref_squeeze %dma_wait3A_359 : memref<1x128x64xf32, #tpu.memory_space<vmem>> -> memref<128x64xf32, #tpu.memory_space<vmem>>
      %dma_wait3A_361 = arith.constant 0 : i32
      %dma_wait3A_362 = tpu.memref_slice %arg7[%add3A_355, %dma_wait3A_361] : memref<79x128xi32, #tpu.memory_space<vmem>> -> memref<1x128xi32, #tpu.memory_space<vmem>>
      %dma_wait3A_363 = tpu.memref_squeeze %dma_wait3A_362 : memref<1x128xi32, #tpu.memory_space<vmem>> -> memref<128xi32, #tpu.memory_space<vmem>>
      %dma_wait3A_364 = arith.constant 0 : i32
      %dma_wait3A_365 = arith.constant 0 : i32
      %dma_wait3A_366 = tpu.memref_slice %arg2[%dma_wait3A_364, %dma_wait3A_365] : memref<10000x64xf32, #tpu.memory_space<hbm>> -> memref<10000x64xf32, #tpu.memory_space<hbm>>
      tpu.wait_indirect_dma semaphore(%arg18 : memref<!tpu.dma_semaphore, #tpu.memory_space<semaphore_mem>>) src(%dma_wait3A_366 : memref<10000x64xf32, #tpu.memory_space<hbm>>) dst(%dma_wait3A_360 : memref<128x64xf32, #tpu.memory_space<vmem>>)
      %run_scoped3A_367 = arith.constant 7 : i32
      "tpu.region"() ({
        %run_scoped3A_375 = tpu.sem_alloc : memref<!tpu.dma_semaphore, #tpu.memory_space<semaphore_mem>>
        %dma_start3A_376 = arith.constant 0 : i32
        %dma_start3A_377 = arith.constant 0 : i32
        %dma_start3A_378 = tpu.memref_slice %arg9[%run_scoped3A_367, %dma_start3A_376, %dma_start3A_377] : memref<8x128x64xf32, #tpu.memory_space<vmem>> -> memref<1x128x64xf32, #tpu.memory_space<vmem>>
        %dma_start3A_379 = tpu.memref_squeeze %dma_start3A_378 : memref<1x128x64xf32, #tpu.memory_space<vmem>> -> memref<128x64xf32, #tpu.memory_space<vmem>>
        %dma_start3A_380 = arith.constant 0 : i32
        %dma_start3A_381 = tpu.memref_slice %arg8[%add3A_355, %dma_start3A_380] : memref<79x128xi32, #tpu.memory_space<vmem>> -> memref<1x128xi32, #tpu.memory_space<vmem>>
        %dma_start3A_382 = tpu.memref_squeeze %dma_start3A_381 : memref<1x128xi32, #tpu.memory_space<vmem>> -> memref<128xi32, #tpu.memory_space<vmem>>
        %dma_start3A_383 = arith.constant 0 : i32
        %dma_start3A_384 = arith.constant 0 : i32
        %dma_start3A_385 = tpu.memref_slice %arg10[%dma_start3A_383, %dma_start3A_384] : memref<10112x64xf32, #tpu.memory_space<vmem_shared>> -> memref<10112x64xf32, #tpu.memory_space<vmem_shared>>
        tpu.enqueue_indirect_dma source(%dma_start3A_379 : memref<128x64xf32, #tpu.memory_space<vmem>>) target(%dma_start3A_385 : memref<10112x64xf32, #tpu.memory_space<vmem_shared>>) offsets(%dma_start3A_382 : memref<128xi32, #tpu.memory_space<vmem>>) semaphore(%run_scoped3A_375 : memref<!tpu.dma_semaphore, #tpu.memory_space<semaphore_mem>>) {add = true}
        %dma_wait3A_386 = arith.constant 0 : i32
        %dma_wait3A_387 = arith.constant 0 : i32
        %dma_wait3A_388 = tpu.memref_slice %arg9[%run_scoped3A_367, %dma_wait3A_386, %dma_wait3A_387] : memref<8x128x64xf32, #tpu.memory_space<vmem>> -> memref<1x128x64xf32, #tpu.memory_space<vmem>>
        %dma_wait3A_389 = tpu.memref_squeeze %dma_wait3A_388 : memref<1x128x64xf32, #tpu.memory_space<vmem>> -> memref<128x64xf32, #tpu.memory_space<vmem>>
        %dma_wait3A_390 = arith.constant 0 : i32
        %dma_wait3A_391 = tpu.memref_slice %arg8[%add3A_355, %dma_wait3A_390] : memref<79x128xi32, #tpu.memory_space<vmem>> -> memref<1x128xi32, #tpu.memory_space<vmem>>
        %dma_wait3A_392 = tpu.memref_squeeze %dma_wait3A_391 : memref<1x128xi32, #tpu.memory_space<vmem>> -> memref<128xi32, #tpu.memory_space<vmem>>
        %dma_wait3A_393 = arith.constant 0 : i32
        %dma_wait3A_394 = arith.constant 0 : i32
        %dma_wait3A_395 = tpu.memref_slice %arg10[%dma_wait3A_393, %dma_wait3A_394] : memref<10112x64xf32, #tpu.memory_space<vmem_shared>> -> memref<10112x64xf32, #tpu.memory_space<vmem_shared>>
        tpu.wait_indirect_dma semaphore(%run_scoped3A_375 : memref<!tpu.dma_semaphore, #tpu.memory_space<semaphore_mem>>) src(%dma_wait3A_389 : memref<128x64xf32, #tpu.memory_space<vmem>>) dst(%dma_wait3A_395 : memref<10112x64xf32, #tpu.memory_space<vmem_shared>>)
        tpu.yield
      }) : () -> ()
      %add3A_368 = arith.constant 8 : i32
      %add3A_369 = arith.addi %add3A_355, %add3A_368 : i32
      %lt3A_370 = arith.constant 79 : i32
      %lt3A_371 = arith.cmpi slt, %add3A_369, %lt3A_370 : i32
      %convert_element_type3A_372 = arith.extui %lt3A_371 : i1 to i32
      %cond3A_373 = arith.constant 0 : i32
      %cond3A_374 = arith.cmpi ne, %convert_element_type3A_372, %cond3A_373 : i32
      scf.if %cond3A_374 {
        %add3A_375 = arith.constant 8 : i32
        %add3A_376 = arith.addi %add3A_355, %add3A_375 : i32
        %dma_start3A_377 = arith.constant 7 : i32
        %dma_start3A_378 = arith.constant 0 : i32
        %dma_start3A_379 = arith.constant 0 : i32
        %dma_start3A_380 = tpu.memref_slice %arg9[%dma_start3A_377, %dma_start3A_378, %dma_start3A_379] : memref<8x128x64xf32, #tpu.memory_space<vmem>> -> memref<1x128x64xf32, #tpu.memory_space<vmem>>
        %dma_start3A_381 = tpu.memref_squeeze %dma_start3A_380 : memref<1x128x64xf32, #tpu.memory_space<vmem>> -> memref<128x64xf32, #tpu.memory_space<vmem>>
        %dma_start3A_382 = arith.constant 0 : i32
        %dma_start3A_383 = tpu.memref_slice %arg7[%add3A_376, %dma_start3A_382] : memref<79x128xi32, #tpu.memory_space<vmem>> -> memref<1x128xi32, #tpu.memory_space<vmem>>
        %dma_start3A_384 = tpu.memref_squeeze %dma_start3A_383 : memref<1x128xi32, #tpu.memory_space<vmem>> -> memref<128xi32, #tpu.memory_space<vmem>>
        %dma_start3A_385 = arith.constant 0 : i32
        %dma_start3A_386 = arith.constant 0 : i32
        %dma_start3A_387 = tpu.memref_slice %arg2[%dma_start3A_385, %dma_start3A_386] : memref<10000x64xf32, #tpu.memory_space<hbm>> -> memref<10000x64xf32, #tpu.memory_space<hbm>>
        tpu.enqueue_indirect_dma source(%dma_start3A_387 : memref<10000x64xf32, #tpu.memory_space<hbm>>) target(%dma_start3A_381 : memref<128x64xf32, #tpu.memory_space<vmem>>) offsets(%dma_start3A_384 : memref<128xi32, #tpu.memory_space<vmem>>) semaphore(%arg18 : memref<!tpu.dma_semaphore, #tpu.memory_space<semaphore_mem>>)
      } else {
      }
    }
    %scan3A_103 = arith.constant 9 : i32
    %dma_wait3A = arith.constant 72 : i32
    %dma_wait3A_104 = arith.constant 0 : i32
    %dma_wait3A_105 = arith.constant 0 : i32
    %dma_wait3A_106 = arith.constant 0 : i32
    %dma_wait3A_107 = tpu.memref_slice %arg9[%dma_wait3A_104, %dma_wait3A_105, %dma_wait3A_106] : memref<8x128x64xf32, #tpu.memory_space<vmem>> -> memref<1x128x64xf32, #tpu.memory_space<vmem>>
    %dma_wait3A_108 = tpu.memref_squeeze %dma_wait3A_107 : memref<1x128x64xf32, #tpu.memory_space<vmem>> -> memref<128x64xf32, #tpu.memory_space<vmem>>
    %dma_wait3A_109 = arith.constant 0 : i32
    %dma_wait3A_110 = tpu.memref_slice %arg7[%dma_wait3A, %dma_wait3A_109] : memref<79x128xi32, #tpu.memory_space<vmem>> -> memref<1x128xi32, #tpu.memory_space<vmem>>
    %dma_wait3A_111 = tpu.memref_squeeze %dma_wait3A_110 : memref<1x128xi32, #tpu.memory_space<vmem>> -> memref<128xi32, #tpu.memory_space<vmem>>
    %dma_wait3A_112 = arith.constant 0 : i32
    %dma_wait3A_113 = arith.constant 0 : i32
    %dma_wait3A_114 = tpu.memref_slice %arg2[%dma_wait3A_112, %dma_wait3A_113] : memref<10000x64xf32, #tpu.memory_space<hbm>> -> memref<10000x64xf32, #tpu.memory_space<hbm>>
    tpu.wait_indirect_dma semaphore(%arg11 : memref<!tpu.dma_semaphore, #tpu.memory_space<semaphore_mem>>) src(%dma_wait3A_114 : memref<10000x64xf32, #tpu.memory_space<hbm>>) dst(%dma_wait3A_108 : memref<128x64xf32, #tpu.memory_space<vmem>>)
    %run_scoped3A = arith.constant 0 : i32
    %run_scoped3A_115 = arith.constant 72 : i32
    "tpu.region"() ({
      %run_scoped3A_205 = tpu.sem_alloc : memref<!tpu.dma_semaphore, #tpu.memory_space<semaphore_mem>>
      %dma_start3A_206 = arith.constant 0 : i32
      %dma_start3A_207 = arith.constant 0 : i32
      %dma_start3A_208 = tpu.memref_slice %arg9[%run_scoped3A, %dma_start3A_206, %dma_start3A_207] : memref<8x128x64xf32, #tpu.memory_space<vmem>> -> memref<1x128x64xf32, #tpu.memory_space<vmem>>
      %dma_start3A_209 = tpu.memref_squeeze %dma_start3A_208 : memref<1x128x64xf32, #tpu.memory_space<vmem>> -> memref<128x64xf32, #tpu.memory_space<vmem>>
      %dma_start3A_210 = arith.constant 0 : i32
      %dma_start3A_211 = tpu.memref_slice %arg8[%run_scoped3A_115, %dma_start3A_210] : memref<79x128xi32, #tpu.memory_space<vmem>> -> memref<1x128xi32, #tpu.memory_space<vmem>>
      %dma_start3A_212 = tpu.memref_squeeze %dma_start3A_211 : memref<1x128xi32, #tpu.memory_space<vmem>> -> memref<128xi32, #tpu.memory_space<vmem>>
      %dma_start3A_213 = arith.constant 0 : i32
      %dma_start3A_214 = arith.constant 0 : i32
      %dma_start3A_215 = tpu.memref_slice %arg10[%dma_start3A_213, %dma_start3A_214] : memref<10112x64xf32, #tpu.memory_space<vmem_shared>> -> memref<10112x64xf32, #tpu.memory_space<vmem_shared>>
      tpu.enqueue_indirect_dma source(%dma_start3A_209 : memref<128x64xf32, #tpu.memory_space<vmem>>) target(%dma_start3A_215 : memref<10112x64xf32, #tpu.memory_space<vmem_shared>>) offsets(%dma_start3A_212 : memref<128xi32, #tpu.memory_space<vmem>>) semaphore(%run_scoped3A_205 : memref<!tpu.dma_semaphore, #tpu.memory_space<semaphore_mem>>) {add = true}
      %dma_wait3A_216 = arith.constant 0 : i32
      %dma_wait3A_217 = arith.constant 0 : i32
      %dma_wait3A_218 = tpu.memref_slice %arg9[%run_scoped3A, %dma_wait3A_216, %dma_wait3A_217] : memref<8x128x64xf32, #tpu.memory_space<vmem>> -> memref<1x128x64xf32, #tpu.memory_space<vmem>>
      %dma_wait3A_219 = tpu.memref_squeeze %dma_wait3A_218 : memref<1x128x64xf32, #tpu.memory_space<vmem>> -> memref<128x64xf32, #tpu.memory_space<vmem>>
      %dma_wait3A_220 = arith.constant 0 : i32
      %dma_wait3A_221 = tpu.memref_slice %arg8[%run_scoped3A_115, %dma_wait3A_220] : memref<79x128xi32, #tpu.memory_space<vmem>> -> memref<1x128xi32, #tpu.memory_space<vmem>>
      %dma_wait3A_222 = tpu.memref_squeeze %dma_wait3A_221 : memref<1x128xi32, #tpu.memory_space<vmem>> -> memref<128xi32, #tpu.memory_space<vmem>>
      %dma_wait3A_223 = arith.constant 0 : i32
      %dma_wait3A_224 = arith.constant 0 : i32
      %dma_wait3A_225 = tpu.memref_slice %arg10[%dma_wait3A_223, %dma_wait3A_224] : memref<10112x64xf32, #tpu.memory_space<vmem_shared>> -> memref<10112x64xf32, #tpu.memory_space<vmem_shared>>
      tpu.wait_indirect_dma semaphore(%run_scoped3A_205 : memref<!tpu.dma_semaphore, #tpu.memory_space<semaphore_mem>>) src(%dma_wait3A_219 : memref<128x64xf32, #tpu.memory_space<vmem>>) dst(%dma_wait3A_225 : memref<10112x64xf32, #tpu.memory_space<vmem_shared>>)
      tpu.yield
    }) : () -> ()
    %dma_wait3A_116 = arith.constant 73 : i32
    %dma_wait3A_117 = arith.constant 1 : i32
    %dma_wait3A_118 = arith.constant 0 : i32
    %dma_wait3A_119 = arith.constant 0 : i32
    %dma_wait3A_120 = tpu.memref_slice %arg9[%dma_wait3A_117, %dma_wait3A_118, %dma_wait3A_119] : memref<8x128x64xf32, #tpu.memory_space<vmem>> -> memref<1x128x64xf32, #tpu.memory_space<vmem>>
    %dma_wait3A_121 = tpu.memref_squeeze %dma_wait3A_120 : memref<1x128x64xf32, #tpu.memory_space<vmem>> -> memref<128x64xf32, #tpu.memory_space<vmem>>
    %dma_wait3A_122 = arith.constant 0 : i32
    %dma_wait3A_123 = tpu.memref_slice %arg7[%dma_wait3A_116, %dma_wait3A_122] : memref<79x128xi32, #tpu.memory_space<vmem>> -> memref<1x128xi32, #tpu.memory_space<vmem>>
    %dma_wait3A_124 = tpu.memref_squeeze %dma_wait3A_123 : memref<1x128xi32, #tpu.memory_space<vmem>> -> memref<128xi32, #tpu.memory_space<vmem>>
    %dma_wait3A_125 = arith.constant 0 : i32
    %dma_wait3A_126 = arith.constant 0 : i32
    %dma_wait3A_127 = tpu.memref_slice %arg2[%dma_wait3A_125, %dma_wait3A_126] : memref<10000x64xf32, #tpu.memory_space<hbm>> -> memref<10000x64xf32, #tpu.memory_space<hbm>>
    tpu.wait_indirect_dma semaphore(%arg12 : memref<!tpu.dma_semaphore, #tpu.memory_space<semaphore_mem>>) src(%dma_wait3A_127 : memref<10000x64xf32, #tpu.memory_space<hbm>>) dst(%dma_wait3A_121 : memref<128x64xf32, #tpu.memory_space<vmem>>)
    %run_scoped3A_128 = arith.constant 1 : i32
    %run_scoped3A_129 = arith.constant 73 : i32
    "tpu.region"() ({
      %run_scoped3A_205 = tpu.sem_alloc : memref<!tpu.dma_semaphore, #tpu.memory_space<semaphore_mem>>
      %dma_start3A_206 = arith.constant 0 : i32
      %dma_start3A_207 = arith.constant 0 : i32
      %dma_start3A_208 = tpu.memref_slice %arg9[%run_scoped3A_128, %dma_start3A_206, %dma_start3A_207] : memref<8x128x64xf32, #tpu.memory_space<vmem>> -> memref<1x128x64xf32, #tpu.memory_space<vmem>>
      %dma_start3A_209 = tpu.memref_squeeze %dma_start3A_208 : memref<1x128x64xf32, #tpu.memory_space<vmem>> -> memref<128x64xf32, #tpu.memory_space<vmem>>
      %dma_start3A_210 = arith.constant 0 : i32
      %dma_start3A_211 = tpu.memref_slice %arg8[%run_scoped3A_129, %dma_start3A_210] : memref<79x128xi32, #tpu.memory_space<vmem>> -> memref<1x128xi32, #tpu.memory_space<vmem>>
      %dma_start3A_212 = tpu.memref_squeeze %dma_start3A_211 : memref<1x128xi32, #tpu.memory_space<vmem>> -> memref<128xi32, #tpu.memory_space<vmem>>
      %dma_start3A_213 = arith.constant 0 : i32
      %dma_start3A_214 = arith.constant 0 : i32
      %dma_start3A_215 = tpu.memref_slice %arg10[%dma_start3A_213, %dma_start3A_214] : memref<10112x64xf32, #tpu.memory_space<vmem_shared>> -> memref<10112x64xf32, #tpu.memory_space<vmem_shared>>
      tpu.enqueue_indirect_dma source(%dma_start3A_209 : memref<128x64xf32, #tpu.memory_space<vmem>>) target(%dma_start3A_215 : memref<10112x64xf32, #tpu.memory_space<vmem_shared>>) offsets(%dma_start3A_212 : memref<128xi32, #tpu.memory_space<vmem>>) semaphore(%run_scoped3A_205 : memref<!tpu.dma_semaphore, #tpu.memory_space<semaphore_mem>>) {add = true}
      %dma_wait3A_216 = arith.constant 0 : i32
      %dma_wait3A_217 = arith.constant 0 : i32
      %dma_wait3A_218 = tpu.memref_slice %arg9[%run_scoped3A_128, %dma_wait3A_216, %dma_wait3A_217] : memref<8x128x64xf32, #tpu.memory_space<vmem>> -> memref<1x128x64xf32, #tpu.memory_space<vmem>>
      %dma_wait3A_219 = tpu.memref_squeeze %dma_wait3A_218 : memref<1x128x64xf32, #tpu.memory_space<vmem>> -> memref<128x64xf32, #tpu.memory_space<vmem>>
      %dma_wait3A_220 = arith.constant 0 : i32
      %dma_wait3A_221 = tpu.memref_slice %arg8[%run_scoped3A_129, %dma_wait3A_220] : memref<79x128xi32, #tpu.memory_space<vmem>> -> memref<1x128xi32, #tpu.memory_space<vmem>>
      %dma_wait3A_222 = tpu.memref_squeeze %dma_wait3A_221 : memref<1x128xi32, #tpu.memory_space<vmem>> -> memref<128xi32, #tpu.memory_space<vmem>>
      %dma_wait3A_223 = arith.constant 0 : i32
      %dma_wait3A_224 = arith.constant 0 : i32
      %dma_wait3A_225 = tpu.memref_slice %arg10[%dma_wait3A_223, %dma_wait3A_224] : memref<10112x64xf32, #tpu.memory_space<vmem_shared>> -> memref<10112x64xf32, #tpu.memory_space<vmem_shared>>
      tpu.wait_indirect_dma semaphore(%run_scoped3A_205 : memref<!tpu.dma_semaphore, #tpu.memory_space<semaphore_mem>>) src(%dma_wait3A_219 : memref<128x64xf32, #tpu.memory_space<vmem>>) dst(%dma_wait3A_225 : memref<10112x64xf32, #tpu.memory_space<vmem_shared>>)
      tpu.yield
    }) : () -> ()
    %dma_wait3A_130 = arith.constant 74 : i32
    %dma_wait3A_131 = arith.constant 2 : i32
    %dma_wait3A_132 = arith.constant 0 : i32
    %dma_wait3A_133 = arith.constant 0 : i32
    %dma_wait3A_134 = tpu.memref_slice %arg9[%dma_wait3A_131, %dma_wait3A_132, %dma_wait3A_133] : memref<8x128x64xf32, #tpu.memory_space<vmem>> -> memref<1x128x64xf32, #tpu.memory_space<vmem>>
    %dma_wait3A_135 = tpu.memref_squeeze %dma_wait3A_134 : memref<1x128x64xf32, #tpu.memory_space<vmem>> -> memref<128x64xf32, #tpu.memory_space<vmem>>
    %dma_wait3A_136 = arith.constant 0 : i32
    %dma_wait3A_137 = tpu.memref_slice %arg7[%dma_wait3A_130, %dma_wait3A_136] : memref<79x128xi32, #tpu.memory_space<vmem>> -> memref<1x128xi32, #tpu.memory_space<vmem>>
    %dma_wait3A_138 = tpu.memref_squeeze %dma_wait3A_137 : memref<1x128xi32, #tpu.memory_space<vmem>> -> memref<128xi32, #tpu.memory_space<vmem>>
    %dma_wait3A_139 = arith.constant 0 : i32
    %dma_wait3A_140 = arith.constant 0 : i32
    %dma_wait3A_141 = tpu.memref_slice %arg2[%dma_wait3A_139, %dma_wait3A_140] : memref<10000x64xf32, #tpu.memory_space<hbm>> -> memref<10000x64xf32, #tpu.memory_space<hbm>>
    tpu.wait_indirect_dma semaphore(%arg13 : memref<!tpu.dma_semaphore, #tpu.memory_space<semaphore_mem>>) src(%dma_wait3A_141 : memref<10000x64xf32, #tpu.memory_space<hbm>>) dst(%dma_wait3A_135 : memref<128x64xf32, #tpu.memory_space<vmem>>)
    %run_scoped3A_142 = arith.constant 2 : i32
    %run_scoped3A_143 = arith.constant 74 : i32
    "tpu.region"() ({
      %run_scoped3A_205 = tpu.sem_alloc : memref<!tpu.dma_semaphore, #tpu.memory_space<semaphore_mem>>
      %dma_start3A_206 = arith.constant 0 : i32
      %dma_start3A_207 = arith.constant 0 : i32
      %dma_start3A_208 = tpu.memref_slice %arg9[%run_scoped3A_142, %dma_start3A_206, %dma_start3A_207] : memref<8x128x64xf32, #tpu.memory_space<vmem>> -> memref<1x128x64xf32, #tpu.memory_space<vmem>>
      %dma_start3A_209 = tpu.memref_squeeze %dma_start3A_208 : memref<1x128x64xf32, #tpu.memory_space<vmem>> -> memref<128x64xf32, #tpu.memory_space<vmem>>
      %dma_start3A_210 = arith.constant 0 : i32
      %dma_start3A_211 = tpu.memref_slice %arg8[%run_scoped3A_143, %dma_start3A_210] : memref<79x128xi32, #tpu.memory_space<vmem>> -> memref<1x128xi32, #tpu.memory_space<vmem>>
      %dma_start3A_212 = tpu.memref_squeeze %dma_start3A_211 : memref<1x128xi32, #tpu.memory_space<vmem>> -> memref<128xi32, #tpu.memory_space<vmem>>
      %dma_start3A_213 = arith.constant 0 : i32
      %dma_start3A_214 = arith.constant 0 : i32
      %dma_start3A_215 = tpu.memref_slice %arg10[%dma_start3A_213, %dma_start3A_214] : memref<10112x64xf32, #tpu.memory_space<vmem_shared>> -> memref<10112x64xf32, #tpu.memory_space<vmem_shared>>
      tpu.enqueue_indirect_dma source(%dma_start3A_209 : memref<128x64xf32, #tpu.memory_space<vmem>>) target(%dma_start3A_215 : memref<10112x64xf32, #tpu.memory_space<vmem_shared>>) offsets(%dma_start3A_212 : memref<128xi32, #tpu.memory_space<vmem>>) semaphore(%run_scoped3A_205 : memref<!tpu.dma_semaphore, #tpu.memory_space<semaphore_mem>>) {add = true}
      %dma_wait3A_216 = arith.constant 0 : i32
      %dma_wait3A_217 = arith.constant 0 : i32
      %dma_wait3A_218 = tpu.memref_slice %arg9[%run_scoped3A_142, %dma_wait3A_216, %dma_wait3A_217] : memref<8x128x64xf32, #tpu.memory_space<vmem>> -> memref<1x128x64xf32, #tpu.memory_space<vmem>>
      %dma_wait3A_219 = tpu.memref_squeeze %dma_wait3A_218 : memref<1x128x64xf32, #tpu.memory_space<vmem>> -> memref<128x64xf32, #tpu.memory_space<vmem>>
      %dma_wait3A_220 = arith.constant 0 : i32
      %dma_wait3A_221 = tpu.memref_slice %arg8[%run_scoped3A_143, %dma_wait3A_220] : memref<79x128xi32, #tpu.memory_space<vmem>> -> memref<1x128xi32, #tpu.memory_space<vmem>>
      %dma_wait3A_222 = tpu.memref_squeeze %dma_wait3A_221 : memref<1x128xi32, #tpu.memory_space<vmem>> -> memref<128xi32, #tpu.memory_space<vmem>>
      %dma_wait3A_223 = arith.constant 0 : i32
      %dma_wait3A_224 = arith.constant 0 : i32
      %dma_wait3A_225 = tpu.memref_slice %arg10[%dma_wait3A_223, %dma_wait3A_224] : memref<10112x64xf32, #tpu.memory_space<vmem_shared>> -> memref<10112x64xf32, #tpu.memory_space<vmem_shared>>
      tpu.wait_indirect_dma semaphore(%run_scoped3A_205 : memref<!tpu.dma_semaphore, #tpu.memory_space<semaphore_mem>>) src(%dma_wait3A_219 : memref<128x64xf32, #tpu.memory_space<vmem>>) dst(%dma_wait3A_225 : memref<10112x64xf32, #tpu.memory_space<vmem_shared>>)
      tpu.yield
    }) : () -> ()
    %dma_wait3A_144 = arith.constant 75 : i32
    %dma_wait3A_145 = arith.constant 3 : i32
    %dma_wait3A_146 = arith.constant 0 : i32
    %dma_wait3A_147 = arith.constant 0 : i32
    %dma_wait3A_148 = tpu.memref_slice %arg9[%dma_wait3A_145, %dma_wait3A_146, %dma_wait3A_147] : memref<8x128x64xf32, #tpu.memory_space<vmem>> -> memref<1x128x64xf32, #tpu.memory_space<vmem>>
    %dma_wait3A_149 = tpu.memref_squeeze %dma_wait3A_148 : memref<1x128x64xf32, #tpu.memory_space<vmem>> -> memref<128x64xf32, #tpu.memory_space<vmem>>
    %dma_wait3A_150 = arith.constant 0 : i32
    %dma_wait3A_151 = tpu.memref_slice %arg7[%dma_wait3A_144, %dma_wait3A_150] : memref<79x128xi32, #tpu.memory_space<vmem>> -> memref<1x128xi32, #tpu.memory_space<vmem>>
    %dma_wait3A_152 = tpu.memref_squeeze %dma_wait3A_151 : memref<1x128xi32, #tpu.memory_space<vmem>> -> memref<128xi32, #tpu.memory_space<vmem>>
    %dma_wait3A_153 = arith.constant 0 : i32
    %dma_wait3A_154 = arith.constant 0 : i32
    %dma_wait3A_155 = tpu.memref_slice %arg2[%dma_wait3A_153, %dma_wait3A_154] : memref<10000x64xf32, #tpu.memory_space<hbm>> -> memref<10000x64xf32, #tpu.memory_space<hbm>>
    tpu.wait_indirect_dma semaphore(%arg14 : memref<!tpu.dma_semaphore, #tpu.memory_space<semaphore_mem>>) src(%dma_wait3A_155 : memref<10000x64xf32, #tpu.memory_space<hbm>>) dst(%dma_wait3A_149 : memref<128x64xf32, #tpu.memory_space<vmem>>)
    %run_scoped3A_156 = arith.constant 3 : i32
    %run_scoped3A_157 = arith.constant 75 : i32
    "tpu.region"() ({
      %run_scoped3A_205 = tpu.sem_alloc : memref<!tpu.dma_semaphore, #tpu.memory_space<semaphore_mem>>
      %dma_start3A_206 = arith.constant 0 : i32
      %dma_start3A_207 = arith.constant 0 : i32
      %dma_start3A_208 = tpu.memref_slice %arg9[%run_scoped3A_156, %dma_start3A_206, %dma_start3A_207] : memref<8x128x64xf32, #tpu.memory_space<vmem>> -> memref<1x128x64xf32, #tpu.memory_space<vmem>>
      %dma_start3A_209 = tpu.memref_squeeze %dma_start3A_208 : memref<1x128x64xf32, #tpu.memory_space<vmem>> -> memref<128x64xf32, #tpu.memory_space<vmem>>
      %dma_start3A_210 = arith.constant 0 : i32
      %dma_start3A_211 = tpu.memref_slice %arg8[%run_scoped3A_157, %dma_start3A_210] : memref<79x128xi32, #tpu.memory_space<vmem>> -> memref<1x128xi32, #tpu.memory_space<vmem>>
      %dma_start3A_212 = tpu.memref_squeeze %dma_start3A_211 : memref<1x128xi32, #tpu.memory_space<vmem>> -> memref<128xi32, #tpu.memory_space<vmem>>
      %dma_start3A_213 = arith.constant 0 : i32
      %dma_start3A_214 = arith.constant 0 : i32
      %dma_start3A_215 = tpu.memref_slice %arg10[%dma_start3A_213, %dma_start3A_214] : memref<10112x64xf32, #tpu.memory_space<vmem_shared>> -> memref<10112x64xf32, #tpu.memory_space<vmem_shared>>
      tpu.enqueue_indirect_dma source(%dma_start3A_209 : memref<128x64xf32, #tpu.memory_space<vmem>>) target(%dma_start3A_215 : memref<10112x64xf32, #tpu.memory_space<vmem_shared>>) offsets(%dma_start3A_212 : memref<128xi32, #tpu.memory_space<vmem>>) semaphore(%run_scoped3A_205 : memref<!tpu.dma_semaphore, #tpu.memory_space<semaphore_mem>>) {add = true}
      %dma_wait3A_216 = arith.constant 0 : i32
      %dma_wait3A_217 = arith.constant 0 : i32
      %dma_wait3A_218 = tpu.memref_slice %arg9[%run_scoped3A_156, %dma_wait3A_216, %dma_wait3A_217] : memref<8x128x64xf32, #tpu.memory_space<vmem>> -> memref<1x128x64xf32, #tpu.memory_space<vmem>>
      %dma_wait3A_219 = tpu.memref_squeeze %dma_wait3A_218 : memref<1x128x64xf32, #tpu.memory_space<vmem>> -> memref<128x64xf32, #tpu.memory_space<vmem>>
      %dma_wait3A_220 = arith.constant 0 : i32
      %dma_wait3A_221 = tpu.memref_slice %arg8[%run_scoped3A_157, %dma_wait3A_220] : memref<79x128xi32, #tpu.memory_space<vmem>> -> memref<1x128xi32, #tpu.memory_space<vmem>>
      %dma_wait3A_222 = tpu.memref_squeeze %dma_wait3A_221 : memref<1x128xi32, #tpu.memory_space<vmem>> -> memref<128xi32, #tpu.memory_space<vmem>>
      %dma_wait3A_223 = arith.constant 0 : i32
      %dma_wait3A_224 = arith.constant 0 : i32
      %dma_wait3A_225 = tpu.memref_slice %arg10[%dma_wait3A_223, %dma_wait3A_224] : memref<10112x64xf32, #tpu.memory_space<vmem_shared>> -> memref<10112x64xf32, #tpu.memory_space<vmem_shared>>
      tpu.wait_indirect_dma semaphore(%run_scoped3A_205 : memref<!tpu.dma_semaphore, #tpu.memory_space<semaphore_mem>>) src(%dma_wait3A_219 : memref<128x64xf32, #tpu.memory_space<vmem>>) dst(%dma_wait3A_225 : memref<10112x64xf32, #tpu.memory_space<vmem_shared>>)
      tpu.yield
    }) : () -> ()
    %dma_wait3A_158 = arith.constant 76 : i32
    %dma_wait3A_159 = arith.constant 4 : i32
    %dma_wait3A_160 = arith.constant 0 : i32
    %dma_wait3A_161 = arith.constant 0 : i32
    %dma_wait3A_162 = tpu.memref_slice %arg9[%dma_wait3A_159, %dma_wait3A_160, %dma_wait3A_161] : memref<8x128x64xf32, #tpu.memory_space<vmem>> -> memref<1x128x64xf32, #tpu.memory_space<vmem>>
    %dma_wait3A_163 = tpu.memref_squeeze %dma_wait3A_162 : memref<1x128x64xf32, #tpu.memory_space<vmem>> -> memref<128x64xf32, #tpu.memory_space<vmem>>
    %dma_wait3A_164 = arith.constant 0 : i32
    %dma_wait3A_165 = tpu.memref_slice %arg7[%dma_wait3A_158, %dma_wait3A_164] : memref<79x128xi32, #tpu.memory_space<vmem>> -> memref<1x128xi32, #tpu.memory_space<vmem>>
    %dma_wait3A_166 = tpu.memref_squeeze %dma_wait3A_165 : memref<1x128xi32, #tpu.memory_space<vmem>> -> memref<128xi32, #tpu.memory_space<vmem>>
    %dma_wait3A_167 = arith.constant 0 : i32
    %dma_wait3A_168 = arith.constant 0 : i32
    %dma_wait3A_169 = tpu.memref_slice %arg2[%dma_wait3A_167, %dma_wait3A_168] : memref<10000x64xf32, #tpu.memory_space<hbm>> -> memref<10000x64xf32, #tpu.memory_space<hbm>>
    tpu.wait_indirect_dma semaphore(%arg15 : memref<!tpu.dma_semaphore, #tpu.memory_space<semaphore_mem>>) src(%dma_wait3A_169 : memref<10000x64xf32, #tpu.memory_space<hbm>>) dst(%dma_wait3A_163 : memref<128x64xf32, #tpu.memory_space<vmem>>)
    %run_scoped3A_170 = arith.constant 4 : i32
    %run_scoped3A_171 = arith.constant 76 : i32
    "tpu.region"() ({
      %run_scoped3A_205 = tpu.sem_alloc : memref<!tpu.dma_semaphore, #tpu.memory_space<semaphore_mem>>
      %dma_start3A_206 = arith.constant 0 : i32
      %dma_start3A_207 = arith.constant 0 : i32
      %dma_start3A_208 = tpu.memref_slice %arg9[%run_scoped3A_170, %dma_start3A_206, %dma_start3A_207] : memref<8x128x64xf32, #tpu.memory_space<vmem>> -> memref<1x128x64xf32, #tpu.memory_space<vmem>>
      %dma_start3A_209 = tpu.memref_squeeze %dma_start3A_208 : memref<1x128x64xf32, #tpu.memory_space<vmem>> -> memref<128x64xf32, #tpu.memory_space<vmem>>
      %dma_start3A_210 = arith.constant 0 : i32
      %dma_start3A_211 = tpu.memref_slice %arg8[%run_scoped3A_171, %dma_start3A_210] : memref<79x128xi32, #tpu.memory_space<vmem>> -> memref<1x128xi32, #tpu.memory_space<vmem>>
      %dma_start3A_212 = tpu.memref_squeeze %dma_start3A_211 : memref<1x128xi32, #tpu.memory_space<vmem>> -> memref<128xi32, #tpu.memory_space<vmem>>
      %dma_start3A_213 = arith.constant 0 : i32
      %dma_start3A_214 = arith.constant 0 : i32
      %dma_start3A_215 = tpu.memref_slice %arg10[%dma_start3A_213, %dma_start3A_214] : memref<10112x64xf32, #tpu.memory_space<vmem_shared>> -> memref<10112x64xf32, #tpu.memory_space<vmem_shared>>
      tpu.enqueue_indirect_dma source(%dma_start3A_209 : memref<128x64xf32, #tpu.memory_space<vmem>>) target(%dma_start3A_215 : memref<10112x64xf32, #tpu.memory_space<vmem_shared>>) offsets(%dma_start3A_212 : memref<128xi32, #tpu.memory_space<vmem>>) semaphore(%run_scoped3A_205 : memref<!tpu.dma_semaphore, #tpu.memory_space<semaphore_mem>>) {add = true}
      %dma_wait3A_216 = arith.constant 0 : i32
      %dma_wait3A_217 = arith.constant 0 : i32
      %dma_wait3A_218 = tpu.memref_slice %arg9[%run_scoped3A_170, %dma_wait3A_216, %dma_wait3A_217] : memref<8x128x64xf32, #tpu.memory_space<vmem>> -> memref<1x128x64xf32, #tpu.memory_space<vmem>>
      %dma_wait3A_219 = tpu.memref_squeeze %dma_wait3A_218 : memref<1x128x64xf32, #tpu.memory_space<vmem>> -> memref<128x64xf32, #tpu.memory_space<vmem>>
      %dma_wait3A_220 = arith.constant 0 : i32
      %dma_wait3A_221 = tpu.memref_slice %arg8[%run_scoped3A_171, %dma_wait3A_220] : memref<79x128xi32, #tpu.memory_space<vmem>> -> memref<1x128xi32, #tpu.memory_space<vmem>>
      %dma_wait3A_222 = tpu.memref_squeeze %dma_wait3A_221 : memref<1x128xi32, #tpu.memory_space<vmem>> -> memref<128xi32, #tpu.memory_space<vmem>>
      %dma_wait3A_223 = arith.constant 0 : i32
      %dma_wait3A_224 = arith.constant 0 : i32
      %dma_wait3A_225 = tpu.memref_slice %arg10[%dma_wait3A_223, %dma_wait3A_224] : memref<10112x64xf32, #tpu.memory_space<vmem_shared>> -> memref<10112x64xf32, #tpu.memory_space<vmem_shared>>
      tpu.wait_indirect_dma semaphore(%run_scoped3A_205 : memref<!tpu.dma_semaphore, #tpu.memory_space<semaphore_mem>>) src(%dma_wait3A_219 : memref<128x64xf32, #tpu.memory_space<vmem>>) dst(%dma_wait3A_225 : memref<10112x64xf32, #tpu.memory_space<vmem_shared>>)
      tpu.yield
    }) : () -> ()
    %dma_wait3A_172 = arith.constant 77 : i32
    %dma_wait3A_173 = arith.constant 5 : i32
    %dma_wait3A_174 = arith.constant 0 : i32
    %dma_wait3A_175 = arith.constant 0 : i32
    %dma_wait3A_176 = tpu.memref_slice %arg9[%dma_wait3A_173, %dma_wait3A_174, %dma_wait3A_175] : memref<8x128x64xf32, #tpu.memory_space<vmem>> -> memref<1x128x64xf32, #tpu.memory_space<vmem>>
    %dma_wait3A_177 = tpu.memref_squeeze %dma_wait3A_176 : memref<1x128x64xf32, #tpu.memory_space<vmem>> -> memref<128x64xf32, #tpu.memory_space<vmem>>
    %dma_wait3A_178 = arith.constant 0 : i32
    %dma_wait3A_179 = tpu.memref_slice %arg7[%dma_wait3A_172, %dma_wait3A_178] : memref<79x128xi32, #tpu.memory_space<vmem>> -> memref<1x128xi32, #tpu.memory_space<vmem>>
    %dma_wait3A_180 = tpu.memref_squeeze %dma_wait3A_179 : memref<1x128xi32, #tpu.memory_space<vmem>> -> memref<128xi32, #tpu.memory_space<vmem>>
    %dma_wait3A_181 = arith.constant 0 : i32
    %dma_wait3A_182 = arith.constant 0 : i32
    %dma_wait3A_183 = tpu.memref_slice %arg2[%dma_wait3A_181, %dma_wait3A_182] : memref<10000x64xf32, #tpu.memory_space<hbm>> -> memref<10000x64xf32, #tpu.memory_space<hbm>>
    tpu.wait_indirect_dma semaphore(%arg16 : memref<!tpu.dma_semaphore, #tpu.memory_space<semaphore_mem>>) src(%dma_wait3A_183 : memref<10000x64xf32, #tpu.memory_space<hbm>>) dst(%dma_wait3A_177 : memref<128x64xf32, #tpu.memory_space<vmem>>)
    %run_scoped3A_184 = arith.constant 5 : i32
    %run_scoped3A_185 = arith.constant 77 : i32
    "tpu.region"() ({
      %run_scoped3A_205 = tpu.sem_alloc : memref<!tpu.dma_semaphore, #tpu.memory_space<semaphore_mem>>
      %dma_start3A_206 = arith.constant 0 : i32
      %dma_start3A_207 = arith.constant 0 : i32
      %dma_start3A_208 = tpu.memref_slice %arg9[%run_scoped3A_184, %dma_start3A_206, %dma_start3A_207] : memref<8x128x64xf32, #tpu.memory_space<vmem>> -> memref<1x128x64xf32, #tpu.memory_space<vmem>>
      %dma_start3A_209 = tpu.memref_squeeze %dma_start3A_208 : memref<1x128x64xf32, #tpu.memory_space<vmem>> -> memref<128x64xf32, #tpu.memory_space<vmem>>
      %dma_start3A_210 = arith.constant 0 : i32
      %dma_start3A_211 = tpu.memref_slice %arg8[%run_scoped3A_185, %dma_start3A_210] : memref<79x128xi32, #tpu.memory_space<vmem>> -> memref<1x128xi32, #tpu.memory_space<vmem>>
      %dma_start3A_212 = tpu.memref_squeeze %dma_start3A_211 : memref<1x128xi32, #tpu.memory_space<vmem>> -> memref<128xi32, #tpu.memory_space<vmem>>
      %dma_start3A_213 = arith.constant 0 : i32
      %dma_start3A_214 = arith.constant 0 : i32
      %dma_start3A_215 = tpu.memref_slice %arg10[%dma_start3A_213, %dma_start3A_214] : memref<10112x64xf32, #tpu.memory_space<vmem_shared>> -> memref<10112x64xf32, #tpu.memory_space<vmem_shared>>
      tpu.enqueue_indirect_dma source(%dma_start3A_209 : memref<128x64xf32, #tpu.memory_space<vmem>>) target(%dma_start3A_215 : memref<10112x64xf32, #tpu.memory_space<vmem_shared>>) offsets(%dma_start3A_212 : memref<128xi32, #tpu.memory_space<vmem>>) semaphore(%run_scoped3A_205 : memref<!tpu.dma_semaphore, #tpu.memory_space<semaphore_mem>>) {add = true}
      %dma_wait3A_216 = arith.constant 0 : i32
      %dma_wait3A_217 = arith.constant 0 : i32
      %dma_wait3A_218 = tpu.memref_slice %arg9[%run_scoped3A_184, %dma_wait3A_216, %dma_wait3A_217] : memref<8x128x64xf32, #tpu.memory_space<vmem>> -> memref<1x128x64xf32, #tpu.memory_space<vmem>>
      %dma_wait3A_219 = tpu.memref_squeeze %dma_wait3A_218 : memref<1x128x64xf32, #tpu.memory_space<vmem>> -> memref<128x64xf32, #tpu.memory_space<vmem>>
      %dma_wait3A_220 = arith.constant 0 : i32
      %dma_wait3A_221 = tpu.memref_slice %arg8[%run_scoped3A_185, %dma_wait3A_220] : memref<79x128xi32, #tpu.memory_space<vmem>> -> memref<1x128xi32, #tpu.memory_space<vmem>>
      %dma_wait3A_222 = tpu.memref_squeeze %dma_wait3A_221 : memref<1x128xi32, #tpu.memory_space<vmem>> -> memref<128xi32, #tpu.memory_space<vmem>>
      %dma_wait3A_223 = arith.constant 0 : i32
      %dma_wait3A_224 = arith.constant 0 : i32
      %dma_wait3A_225 = tpu.memref_slice %arg10[%dma_wait3A_223, %dma_wait3A_224] : memref<10112x64xf32, #tpu.memory_space<vmem_shared>> -> memref<10112x64xf32, #tpu.memory_space<vmem_shared>>
      tpu.wait_indirect_dma semaphore(%run_scoped3A_205 : memref<!tpu.dma_semaphore, #tpu.memory_space<semaphore_mem>>) src(%dma_wait3A_219 : memref<128x64xf32, #tpu.memory_space<vmem>>) dst(%dma_wait3A_225 : memref<10112x64xf32, #tpu.memory_space<vmem_shared>>)
      tpu.yield
    }) : () -> ()
    %dma_wait3A_186 = arith.constant 78 : i32
    %dma_wait3A_187 = arith.constant 6 : i32
    %dma_wait3A_188 = arith.constant 0 : i32
    %dma_wait3A_189 = arith.constant 0 : i32
    %dma_wait3A_190 = tpu.memref_slice %arg9[%dma_wait3A_187, %dma_wait3A_188, %dma_wait3A_189] : memref<8x128x64xf32, #tpu.memory_space<vmem>> -> memref<1x128x64xf32, #tpu.memory_space<vmem>>
    %dma_wait3A_191 = tpu.memref_squeeze %dma_wait3A_190 : memref<1x128x64xf32, #tpu.memory_space<vmem>> -> memref<128x64xf32, #tpu.memory_space<vmem>>
    %dma_wait3A_192 = arith.constant 0 : i32
    %dma_wait3A_193 = tpu.memref_slice %arg7[%dma_wait3A_186, %dma_wait3A_192] : memref<79x128xi32, #tpu.memory_space<vmem>> -> memref<1x128xi32, #tpu.memory_space<vmem>>
    %dma_wait3A_194 = tpu.memref_squeeze %dma_wait3A_193 : memref<1x128xi32, #tpu.memory_space<vmem>> -> memref<128xi32, #tpu.memory_space<vmem>>
    %dma_wait3A_195 = arith.constant 0 : i32
    %dma_wait3A_196 = arith.constant 0 : i32
    %dma_wait3A_197 = tpu.memref_slice %arg2[%dma_wait3A_195, %dma_wait3A_196] : memref<10000x64xf32, #tpu.memory_space<hbm>> -> memref<10000x64xf32, #tpu.memory_space<hbm>>
    tpu.wait_indirect_dma semaphore(%arg17 : memref<!tpu.dma_semaphore, #tpu.memory_space<semaphore_mem>>) src(%dma_wait3A_197 : memref<10000x64xf32, #tpu.memory_space<hbm>>) dst(%dma_wait3A_191 : memref<128x64xf32, #tpu.memory_space<vmem>>)
    %run_scoped3A_198 = arith.constant 6 : i32
    %run_scoped3A_199 = arith.constant 78 : i32
    "tpu.region"() ({
      %run_scoped3A_205 = tpu.sem_alloc : memref<!tpu.dma_semaphore, #tpu.memory_space<semaphore_mem>>
      %dma_start3A_206 = arith.constant 0 : i32
      %dma_start3A_207 = arith.constant 0 : i32
      %dma_start3A_208 = tpu.memref_slice %arg9[%run_scoped3A_198, %dma_start3A_206, %dma_start3A_207] : memref<8x128x64xf32, #tpu.memory_space<vmem>> -> memref<1x128x64xf32, #tpu.memory_space<vmem>>
      %dma_start3A_209 = tpu.memref_squeeze %dma_start3A_208 : memref<1x128x64xf32, #tpu.memory_space<vmem>> -> memref<128x64xf32, #tpu.memory_space<vmem>>
      %dma_start3A_210 = arith.constant 0 : i32
      %dma_start3A_211 = tpu.memref_slice %arg8[%run_scoped3A_199, %dma_start3A_210] : memref<79x128xi32, #tpu.memory_space<vmem>> -> memref<1x128xi32, #tpu.memory_space<vmem>>
      %dma_start3A_212 = tpu.memref_squeeze %dma_start3A_211 : memref<1x128xi32, #tpu.memory_space<vmem>> -> memref<128xi32, #tpu.memory_space<vmem>>
      %dma_start3A_213 = arith.constant 0 : i32
      %dma_start3A_214 = arith.constant 0 : i32
      %dma_start3A_215 = tpu.memref_slice %arg10[%dma_start3A_213, %dma_start3A_214] : memref<10112x64xf32, #tpu.memory_space<vmem_shared>> -> memref<10112x64xf32, #tpu.memory_space<vmem_shared>>
      tpu.enqueue_indirect_dma source(%dma_start3A_209 : memref<128x64xf32, #tpu.memory_space<vmem>>) target(%dma_start3A_215 : memref<10112x64xf32, #tpu.memory_space<vmem_shared>>) offsets(%dma_start3A_212 : memref<128xi32, #tpu.memory_space<vmem>>) semaphore(%run_scoped3A_205 : memref<!tpu.dma_semaphore, #tpu.memory_space<semaphore_mem>>) {add = true}
      %dma_wait3A_216 = arith.constant 0 : i32
      %dma_wait3A_217 = arith.constant 0 : i32
      %dma_wait3A_218 = tpu.memref_slice %arg9[%run_scoped3A_198, %dma_wait3A_216, %dma_wait3A_217] : memref<8x128x64xf32, #tpu.memory_space<vmem>> -> memref<1x128x64xf32, #tpu.memory_space<vmem>>
      %dma_wait3A_219 = tpu.memref_squeeze %dma_wait3A_218 : memref<1x128x64xf32, #tpu.memory_space<vmem>> -> memref<128x64xf32, #tpu.memory_space<vmem>>
      %dma_wait3A_220 = arith.constant 0 : i32
      %dma_wait3A_221 = tpu.memref_slice %arg8[%run_scoped3A_199, %dma_wait3A_220] : memref<79x128xi32, #tpu.memory_space<vmem>> -> memref<1x128xi32, #tpu.memory_space<vmem>>
      %dma_wait3A_222 = tpu.memref_squeeze %dma_wait3A_221 : memref<1x128xi32, #tpu.memory_space<vmem>> -> memref<128xi32, #tpu.memory_space<vmem>>
      %dma_wait3A_223 = arith.constant 0 : i32
      %dma_wait3A_224 = arith.constant 0 : i32
      %dma_wait3A_225 = tpu.memref_slice %arg10[%dma_wait3A_223, %dma_wait3A_224] : memref<10112x64xf32, #tpu.memory_space<vmem_shared>> -> memref<10112x64xf32, #tpu.memory_space<vmem_shared>>
      tpu.wait_indirect_dma semaphore(%run_scoped3A_205 : memref<!tpu.dma_semaphore, #tpu.memory_space<semaphore_mem>>) src(%dma_wait3A_219 : memref<128x64xf32, #tpu.memory_space<vmem>>) dst(%dma_wait3A_225 : memref<10112x64xf32, #tpu.memory_space<vmem_shared>>)
      tpu.yield
    }) : () -> ()
    %barrier3A_200 = arith.constant 0 : index
    tpu.barrier barrier_id(%barrier3A_200)
    %mul3A_201 = arith.constant 632 : i32
    %mul3A_202 = arith.muli %arg1, %mul3A_201 : i32
    %mul3A_203 = arith.constant 632 : i32
    %mul3A_204 = arith.muli %arg1, %mul3A_203 : i32
    "tpu.region"() ({
      %run_scoped3A_205 = tpu.sem_alloc : memref<!tpu.dma_semaphore, #tpu.memory_space<semaphore_mem>>
      %dma_start3A_206 = arith.constant 0 : i32
      %dma_start3A_207 = tpu.memref_slice %arg6[%arg0, %mul3A_204, %dma_start3A_206] : memref<2x10112x64xf32, #tpu.memory_space<hbm>> -> memref<1x632x64xf32, #tpu.memory_space<hbm>>
      %dma_start3A_208 = tpu.memref_squeeze %dma_start3A_207 : memref<1x632x64xf32, #tpu.memory_space<hbm>> -> memref<632x64xf32, #tpu.memory_space<hbm>>
      %dma_start3A_209 = arith.constant 0 : i32
      %dma_start3A_210 = tpu.memref_slice %arg10[%mul3A_202, %dma_start3A_209] : memref<10112x64xf32, #tpu.memory_space<vmem_shared>> -> memref<632x64xf32, #tpu.memory_space<vmem_shared>>
      tpu.enqueue_dma source(%dma_start3A_210 : memref<632x64xf32, #tpu.memory_space<vmem_shared>>) target(%dma_start3A_208 : memref<632x64xf32, #tpu.memory_space<hbm>>) target_semaphore(%run_scoped3A_205 : memref<!tpu.dma_semaphore, #tpu.memory_space<semaphore_mem>>)
      %dma_wait3A_211 = arith.constant 0 : i32
      %dma_wait3A_212 = tpu.memref_slice %arg6[%arg0, %mul3A_204, %dma_wait3A_211] : memref<2x10112x64xf32, #tpu.memory_space<hbm>> -> memref<1x632x64xf32, #tpu.memory_space<hbm>>
      %dma_wait3A_213 = tpu.memref_squeeze %dma_wait3A_212 : memref<1x632x64xf32, #tpu.memory_space<hbm>> -> memref<632x64xf32, #tpu.memory_space<hbm>>
      %dma_wait3A_214 = arith.constant 0 : i32
      %dma_wait3A_215 = tpu.memref_slice %arg10[%mul3A_202, %dma_wait3A_214] : memref<10112x64xf32, #tpu.memory_space<vmem_shared>> -> memref<632x64xf32, #tpu.memory_space<vmem_shared>>
      tpu.wait_dma2 semaphore(%run_scoped3A_205 : memref<!tpu.dma_semaphore, #tpu.memory_space<semaphore_mem>>) src(%dma_wait3A_215 : memref<632x64xf32, #tpu.memory_space<vmem_shared>>) dst(%dma_wait3A_213 : memref<632x64xf32, #tpu.memory_space<hbm>>)
      tpu.yield
    }) : () -> ()
    return
  }
}

#map = affine_map<(d0, d1) -> (0, 0)>
#map1 = affine_map<(d0, d1) -> (0, 0, 0)>
module attributes {stable_mosaic.version = 14 : i64} {
  func.func @_sc_agg_body(%arg0: i32, %arg1: i32, %arg2: memref<10000x64xf32, #tpu.memory_space<hbm>>, %arg3: memref<32x79x128xi32, #tpu.memory_space<hbm>>, %arg4: memref<32x79x128xi32, #tpu.memory_space<hbm>>, %arg5: memref<10112x64xf32, #tpu.memory_space<hbm>>, %arg6: memref<2x10112x64xf32, #tpu.memory_space<hbm>>, %arg7: memref<79x128xi32, #tpu.memory_space<vmem>>, %arg8: memref<79x128xi32, #tpu.memory_space<vmem>>, %arg9: memref<8x128x64xf32, #tpu.memory_space<vmem>>, %arg10: memref<10112x64xf32, #tpu.memory_space<vmem_shared>>, %arg11: memref<!tpu.dma_semaphore, #tpu.memory_space<semaphore_mem>>, %arg12: memref<!tpu.dma_semaphore, #tpu.memory_space<semaphore_mem>>, %arg13: memref<!tpu.dma_semaphore, #tpu.memory_space<semaphore_mem>>, %arg14: memref<!tpu.dma_semaphore, #tpu.memory_space<semaphore_mem>>, %arg15: memref<!tpu.dma_semaphore, #tpu.memory_space<semaphore_mem>>, %arg16: memref<!tpu.dma_semaphore, #tpu.memory_space<semaphore_mem>>, %arg17: memref<!tpu.dma_semaphore, #tpu.memory_space<semaphore_mem>>, %arg18: memref<!tpu.dma_semaphore, #tpu.memory_space<semaphore_mem>>) attributes {dimension_semantics = [#tpu.dimension_semantics<core_parallel>, #tpu.dimension_semantics<subcore_parallel>], iteration_bounds = array<i64: 2, 16>, scalar_prefetch = 0 : i64, scratch_operands = 12 : i64, tpu.core_type = #tpu.core_type<sc_vector_subcore>, window_params = [{transform_indices = #map}, {transform_indices = #map1}, {transform_indices = #map1}, {transform_indices = #map}, {transform_indices = #map1}]} {
    %mul3A = arith.constant 16 : i32
    %mul3A_0 = arith.muli %arg0, %mul3A : i32
    %add3A = arith.addi %mul3A_0, %arg1 : i32
    "tpu.region"() ({
      %run_scoped3A_205 = tpu.sem_alloc : memref<!tpu.dma_semaphore, #tpu.memory_space<semaphore_mem>>
      %dma_start3A_206 = arith.constant 0 : i32
      %dma_start3A_207 = arith.constant 0 : i32
      %dma_start3A_208 = tpu.memref_slice %arg3[%add3A, %dma_start3A_206, %dma_start3A_207] : memref<32x79x128xi32, #tpu.memory_space<hbm>> -> memref<1x79x128xi32, #tpu.memory_space<hbm>>
      %dma_start3A_209 = tpu.memref_squeeze %dma_start3A_208 : memref<1x79x128xi32, #tpu.memory_space<hbm>> -> memref<79x128xi32, #tpu.memory_space<hbm>>
      %dma_start3A_210 = arith.constant 0 : i32
      %dma_start3A_211 = arith.constant 0 : i32
      %dma_start3A_212 = tpu.memref_slice %arg3[%add3A, %dma_start3A_210, %dma_start3A_211] : memref<32x79x128xi32, #tpu.memory_space<hbm>> -> memref<1x79x128xi32, #tpu.memory_space<hbm>>
      %dma_start3A_213 = tpu.memref_squeeze %dma_start3A_212 : memref<1x79x128xi32, #tpu.memory_space<hbm>> -> memref<79x128xi32, #tpu.memory_space<hbm>>
      tpu.enqueue_dma source(%dma_start3A_213 : memref<79x128xi32, #tpu.memory_space<hbm>>) target(%arg7 : memref<79x128xi32, #tpu.memory_space<vmem>>) target_semaphore(%run_scoped3A_205 : memref<!tpu.dma_semaphore, #tpu.memory_space<semaphore_mem>>)
      %dma_wait3A_214 = arith.constant 0 : i32
      %dma_wait3A_215 = arith.constant 0 : i32
      %dma_wait3A_216 = tpu.memref_slice %arg3[%add3A, %dma_wait3A_214, %dma_wait3A_215] : memref<32x79x128xi32, #tpu.memory_space<hbm>> -> memref<1x79x128xi32, #tpu.memory_space<hbm>>
      %dma_wait3A_217 = tpu.memref_squeeze %dma_wait3A_216 : memref<1x79x128xi32, #tpu.memory_space<hbm>> -> memref<79x128xi32, #tpu.memory_space<hbm>>
      %dma_wait3A_218 = arith.constant 0 : i32
      %dma_wait3A_219 = arith.constant 0 : i32
      %dma_wait3A_220 = tpu.memref_slice %arg3[%add3A, %dma_wait3A_218, %dma_wait3A_219] : memref<32x79x128xi32, #tpu.memory_space<hbm>> -> memref<1x79x128xi32, #tpu.memory_space<hbm>>
      %dma_wait3A_221 = tpu.memref_squeeze %dma_wait3A_220 : memref<1x79x128xi32, #tpu.memory_space<hbm>> -> memref<79x128xi32, #tpu.memory_space<hbm>>
      tpu.wait_dma2 semaphore(%run_scoped3A_205 : memref<!tpu.dma_semaphore, #tpu.memory_space<semaphore_mem>>) src(%dma_wait3A_221 : memref<79x128xi32, #tpu.memory_space<hbm>>) dst(%arg7 : memref<79x128xi32, #tpu.memory_space<vmem>>)
      tpu.yield
    }) : () -> ()
    "tpu.region"() ({
      %run_scoped3A_205 = tpu.sem_alloc : memref<!tpu.dma_semaphore, #tpu.memory_space<semaphore_mem>>
      %dma_start3A_206 = arith.constant 0 : i32
      %dma_start3A_207 = arith.constant 0 : i32
      %dma_start3A_208 = tpu.memref_slice %arg4[%add3A, %dma_start3A_206, %dma_start3A_207] : memref<32x79x128xi32, #tpu.memory_space<hbm>> -> memref<1x79x128xi32, #tpu.memory_space<hbm>>
      %dma_start3A_209 = tpu.memref_squeeze %dma_start3A_208 : memref<1x79x128xi32, #tpu.memory_space<hbm>> -> memref<79x128xi32, #tpu.memory_space<hbm>>
      %dma_start3A_210 = arith.constant 0 : i32
      %dma_start3A_211 = arith.constant 0 : i32
      %dma_start3A_212 = tpu.memref_slice %arg4[%add3A, %dma_start3A_210, %dma_start3A_211] : memref<32x79x128xi32, #tpu.memory_space<hbm>> -> memref<1x79x128xi32, #tpu.memory_space<hbm>>
      %dma_start3A_213 = tpu.memref_squeeze %dma_start3A_212 : memref<1x79x128xi32, #tpu.memory_space<hbm>> -> memref<79x128xi32, #tpu.memory_space<hbm>>
      tpu.enqueue_dma source(%dma_start3A_213 : memref<79x128xi32, #tpu.memory_space<hbm>>) target(%arg8 : memref<79x128xi32, #tpu.memory_space<vmem>>) target_semaphore(%run_scoped3A_205 : memref<!tpu.dma_semaphore, #tpu.memory_space<semaphore_mem>>)
      %dma_wait3A_214 = arith.constant 0 : i32
      %dma_wait3A_215 = arith.constant 0 : i32
      %dma_wait3A_216 = tpu.memref_slice %arg4[%add3A, %dma_wait3A_214, %dma_wait3A_215] : memref<32x79x128xi32, #tpu.memory_space<hbm>> -> memref<1x79x128xi32, #tpu.memory_space<hbm>>
      %dma_wait3A_217 = tpu.memref_squeeze %dma_wait3A_216 : memref<1x79x128xi32, #tpu.memory_space<hbm>> -> memref<79x128xi32, #tpu.memory_space<hbm>>
      %dma_wait3A_218 = arith.constant 0 : i32
      %dma_wait3A_219 = arith.constant 0 : i32
      %dma_wait3A_220 = tpu.memref_slice %arg4[%add3A, %dma_wait3A_218, %dma_wait3A_219] : memref<32x79x128xi32, #tpu.memory_space<hbm>> -> memref<1x79x128xi32, #tpu.memory_space<hbm>>
      %dma_wait3A_221 = tpu.memref_squeeze %dma_wait3A_220 : memref<1x79x128xi32, #tpu.memory_space<hbm>> -> memref<79x128xi32, #tpu.memory_space<hbm>>
      tpu.wait_dma2 semaphore(%run_scoped3A_205 : memref<!tpu.dma_semaphore, #tpu.memory_space<semaphore_mem>>) src(%dma_wait3A_221 : memref<79x128xi32, #tpu.memory_space<hbm>>) dst(%arg8 : memref<79x128xi32, #tpu.memory_space<vmem>>)
      tpu.yield
    }) : () -> ()
    %mul3A_1 = arith.constant 632 : i32
    %mul3A_2 = arith.muli %arg1, %mul3A_1 : i32
    %mul3A_3 = arith.constant 632 : i32
    %mul3A_4 = arith.muli %arg1, %mul3A_3 : i32
    "tpu.region"() ({
      %run_scoped3A_205 = tpu.sem_alloc : memref<!tpu.dma_semaphore, #tpu.memory_space<semaphore_mem>>
      %dma_start3A_206 = arith.constant 0 : i32
      %dma_start3A_207 = tpu.memref_slice %arg10[%mul3A_4, %dma_start3A_206] : memref<10112x64xf32, #tpu.memory_space<vmem_shared>> -> memref<632x64xf32, #tpu.memory_space<vmem_shared>>
      %dma_start3A_208 = arith.constant 0 : i32
      %dma_start3A_209 = tpu.memref_slice %arg5[%mul3A_2, %dma_start3A_208] : memref<10112x64xf32, #tpu.memory_space<hbm>> -> memref<632x64xf32, #tpu.memory_space<hbm>>
      tpu.enqueue_dma source(%dma_start3A_209 : memref<632x64xf32, #tpu.memory_space<hbm>>) target(%dma_start3A_207 : memref<632x64xf32, #tpu.memory_space<vmem_shared>>) target_semaphore(%run_scoped3A_205 : memref<!tpu.dma_semaphore, #tpu.memory_space<semaphore_mem>>)
      %dma_wait3A_210 = arith.constant 0 : i32
      %dma_wait3A_211 = tpu.memref_slice %arg10[%mul3A_4, %dma_wait3A_210] : memref<10112x64xf32, #tpu.memory_space<vmem_shared>> -> memref<632x64xf32, #tpu.memory_space<vmem_shared>>
      %dma_wait3A_212 = arith.constant 0 : i32
      %dma_wait3A_213 = tpu.memref_slice %arg5[%mul3A_2, %dma_wait3A_212] : memref<10112x64xf32, #tpu.memory_space<hbm>> -> memref<632x64xf32, #tpu.memory_space<hbm>>
      tpu.wait_dma2 semaphore(%run_scoped3A_205 : memref<!tpu.dma_semaphore, #tpu.memory_space<semaphore_mem>>) src(%dma_wait3A_213 : memref<632x64xf32, #tpu.memory_space<hbm>>) dst(%dma_wait3A_211 : memref<632x64xf32, #tpu.memory_space<vmem_shared>>)
      tpu.yield
    }) : () -> ()
    %barrier3A = arith.constant 0 : index
    tpu.barrier barrier_id(%barrier3A)
    %dma_start3A = arith.constant 0 : i32
    %dma_start3A_5 = arith.constant 0 : i32
    %dma_start3A_6 = arith.constant 0 : i32
    %dma_start3A_7 = arith.constant 0 : i32
    %dma_start3A_8 = tpu.memref_slice %arg9[%dma_start3A_5, %dma_start3A_6, %dma_start3A_7] : memref<8x128x64xf32, #tpu.memory_space<vmem>> -> memref<1x128x64xf32, #tpu.memory_space<vmem>>
    %dma_start3A_9 = tpu.memref_squeeze %dma_start3A_8 : memref<1x128x64xf32, #tpu.memory_space<vmem>> -> memref<128x64xf32, #tpu.memory_space<vmem>>
    %dma_start3A_10 = arith.constant 0 : i32
    %dma_start3A_11 = tpu.memref_slice %arg7[%dma_start3A, %dma_start3A_10] : memref<79x128xi32, #tpu.memory_space<vmem>> -> memref<1x128xi32, #tpu.memory_space<vmem>>
    %dma_start3A_12 = tpu.memref_squeeze %dma_start3A_11 : memref<1x128xi32, #tpu.memory_space<vmem>> -> memref<128xi32, #tpu.memory_space<vmem>>
    %dma_start3A_13 = arith.constant 0 : i32
    %dma_start3A_14 = arith.constant 0 : i32
    %dma_start3A_15 = tpu.memref_slice %arg2[%dma_start3A_13, %dma_start3A_14] : memref<10000x64xf32, #tpu.memory_space<hbm>> -> memref<10000x64xf32, #tpu.memory_space<hbm>>
    tpu.enqueue_indirect_dma source(%dma_start3A_15 : memref<10000x64xf32, #tpu.memory_space<hbm>>) target(%dma_start3A_9 : memref<128x64xf32, #tpu.memory_space<vmem>>) offsets(%dma_start3A_12 : memref<128xi32, #tpu.memory_space<vmem>>) semaphore(%arg11 : memref<!tpu.dma_semaphore, #tpu.memory_space<semaphore_mem>>)
    %dma_start3A_16 = arith.constant 1 : i32
    %dma_start3A_17 = arith.constant 1 : i32
    %dma_start3A_18 = arith.constant 0 : i32
    %dma_start3A_19 = arith.constant 0 : i32
    %dma_start3A_20 = tpu.memref_slice %arg9[%dma_start3A_17, %dma_start3A_18, %dma_start3A_19] : memref<8x128x64xf32, #tpu.memory_space<vmem>> -> memref<1x128x64xf32, #tpu.memory_space<vmem>>
    %dma_start3A_21 = tpu.memref_squeeze %dma_start3A_20 : memref<1x128x64xf32, #tpu.memory_space<vmem>> -> memref<128x64xf32, #tpu.memory_space<vmem>>
    %dma_start3A_22 = arith.constant 0 : i32
    %dma_start3A_23 = tpu.memref_slice %arg7[%dma_start3A_16, %dma_start3A_22] : memref<79x128xi32, #tpu.memory_space<vmem>> -> memref<1x128xi32, #tpu.memory_space<vmem>>
    %dma_start3A_24 = tpu.memref_squeeze %dma_start3A_23 : memref<1x128xi32, #tpu.memory_space<vmem>> -> memref<128xi32, #tpu.memory_space<vmem>>
    %dma_start3A_25 = arith.constant 0 : i32
    %dma_start3A_26 = arith.constant 0 : i32
    %dma_start3A_27 = tpu.memref_slice %arg2[%dma_start3A_25, %dma_start3A_26] : memref<10000x64xf32, #tpu.memory_space<hbm>> -> memref<10000x64xf32, #tpu.memory_space<hbm>>
    tpu.enqueue_indirect_dma source(%dma_start3A_27 : memref<10000x64xf32, #tpu.memory_space<hbm>>) target(%dma_start3A_21 : memref<128x64xf32, #tpu.memory_space<vmem>>) offsets(%dma_start3A_24 : memref<128xi32, #tpu.memory_space<vmem>>) semaphore(%arg12 : memref<!tpu.dma_semaphore, #tpu.memory_space<semaphore_mem>>)
    %dma_start3A_28 = arith.constant 2 : i32
    %dma_start3A_29 = arith.constant 2 : i32
    %dma_start3A_30 = arith.constant 0 : i32
    %dma_start3A_31 = arith.constant 0 : i32
    %dma_start3A_32 = tpu.memref_slice %arg9[%dma_start3A_29, %dma_start3A_30, %dma_start3A_31] : memref<8x128x64xf32, #tpu.memory_space<vmem>> -> memref<1x128x64xf32, #tpu.memory_space<vmem>>
    %dma_start3A_33 = tpu.memref_squeeze %dma_start3A_32 : memref<1x128x64xf32, #tpu.memory_space<vmem>> -> memref<128x64xf32, #tpu.memory_space<vmem>>
    %dma_start3A_34 = arith.constant 0 : i32
    %dma_start3A_35 = tpu.memref_slice %arg7[%dma_start3A_28, %dma_start3A_34] : memref<79x128xi32, #tpu.memory_space<vmem>> -> memref<1x128xi32, #tpu.memory_space<vmem>>
    %dma_start3A_36 = tpu.memref_squeeze %dma_start3A_35 : memref<1x128xi32, #tpu.memory_space<vmem>> -> memref<128xi32, #tpu.memory_space<vmem>>
    %dma_start3A_37 = arith.constant 0 : i32
    %dma_start3A_38 = arith.constant 0 : i32
    %dma_start3A_39 = tpu.memref_slice %arg2[%dma_start3A_37, %dma_start3A_38] : memref<10000x64xf32, #tpu.memory_space<hbm>> -> memref<10000x64xf32, #tpu.memory_space<hbm>>
    tpu.enqueue_indirect_dma source(%dma_start3A_39 : memref<10000x64xf32, #tpu.memory_space<hbm>>) target(%dma_start3A_33 : memref<128x64xf32, #tpu.memory_space<vmem>>) offsets(%dma_start3A_36 : memref<128xi32, #tpu.memory_space<vmem>>) semaphore(%arg13 : memref<!tpu.dma_semaphore, #tpu.memory_space<semaphore_mem>>)
    %dma_start3A_40 = arith.constant 3 : i32
    %dma_start3A_41 = arith.constant 3 : i32
    %dma_start3A_42 = arith.constant 0 : i32
    %dma_start3A_43 = arith.constant 0 : i32
    %dma_start3A_44 = tpu.memref_slice %arg9[%dma_start3A_41, %dma_start3A_42, %dma_start3A_43] : memref<8x128x64xf32, #tpu.memory_space<vmem>> -> memref<1x128x64xf32, #tpu.memory_space<vmem>>
    %dma_start3A_45 = tpu.memref_squeeze %dma_start3A_44 : memref<1x128x64xf32, #tpu.memory_space<vmem>> -> memref<128x64xf32, #tpu.memory_space<vmem>>
    %dma_start3A_46 = arith.constant 0 : i32
    %dma_start3A_47 = tpu.memref_slice %arg7[%dma_start3A_40, %dma_start3A_46] : memref<79x128xi32, #tpu.memory_space<vmem>> -> memref<1x128xi32, #tpu.memory_space<vmem>>
    %dma_start3A_48 = tpu.memref_squeeze %dma_start3A_47 : memref<1x128xi32, #tpu.memory_space<vmem>> -> memref<128xi32, #tpu.memory_space<vmem>>
    %dma_start3A_49 = arith.constant 0 : i32
    %dma_start3A_50 = arith.constant 0 : i32
    %dma_start3A_51 = tpu.memref_slice %arg2[%dma_start3A_49, %dma_start3A_50] : memref<10000x64xf32, #tpu.memory_space<hbm>> -> memref<10000x64xf32, #tpu.memory_space<hbm>>
    tpu.enqueue_indirect_dma source(%dma_start3A_51 : memref<10000x64xf32, #tpu.memory_space<hbm>>) target(%dma_start3A_45 : memref<128x64xf32, #tpu.memory_space<vmem>>) offsets(%dma_start3A_48 : memref<128xi32, #tpu.memory_space<vmem>>) semaphore(%arg14 : memref<!tpu.dma_semaphore, #tpu.memory_space<semaphore_mem>>)
    %dma_start3A_52 = arith.constant 4 : i32
    %dma_start3A_53 = arith.constant 4 : i32
    %dma_start3A_54 = arith.constant 0 : i32
    %dma_start3A_55 = arith.constant 0 : i32
    %dma_start3A_56 = tpu.memref_slice %arg9[%dma_start3A_53, %dma_start3A_54, %dma_start3A_55] : memref<8x128x64xf32, #tpu.memory_space<vmem>> -> memref<1x128x64xf32, #tpu.memory_space<vmem>>
    %dma_start3A_57 = tpu.memref_squeeze %dma_start3A_56 : memref<1x128x64xf32, #tpu.memory_space<vmem>> -> memref<128x64xf32, #tpu.memory_space<vmem>>
    %dma_start3A_58 = arith.constant 0 : i32
    %dma_start3A_59 = tpu.memref_slice %arg7[%dma_start3A_52, %dma_start3A_58] : memref<79x128xi32, #tpu.memory_space<vmem>> -> memref<1x128xi32, #tpu.memory_space<vmem>>
    %dma_start3A_60 = tpu.memref_squeeze %dma_start3A_59 : memref<1x128xi32, #tpu.memory_space<vmem>> -> memref<128xi32, #tpu.memory_space<vmem>>
    %dma_start3A_61 = arith.constant 0 : i32
    %dma_start3A_62 = arith.constant 0 : i32
    %dma_start3A_63 = tpu.memref_slice %arg2[%dma_start3A_61, %dma_start3A_62] : memref<10000x64xf32, #tpu.memory_space<hbm>> -> memref<10000x64xf32, #tpu.memory_space<hbm>>
    tpu.enqueue_indirect_dma source(%dma_start3A_63 : memref<10000x64xf32, #tpu.memory_space<hbm>>) target(%dma_start3A_57 : memref<128x64xf32, #tpu.memory_space<vmem>>) offsets(%dma_start3A_60 : memref<128xi32, #tpu.memory_space<vmem>>) semaphore(%arg15 : memref<!tpu.dma_semaphore, #tpu.memory_space<semaphore_mem>>)
    %dma_start3A_64 = arith.constant 5 : i32
    %dma_start3A_65 = arith.constant 5 : i32
    %dma_start3A_66 = arith.constant 0 : i32
    %dma_start3A_67 = arith.constant 0 : i32
    %dma_start3A_68 = tpu.memref_slice %arg9[%dma_start3A_65, %dma_start3A_66, %dma_start3A_67] : memref<8x128x64xf32, #tpu.memory_space<vmem>> -> memref<1x128x64xf32, #tpu.memory_space<vmem>>
    %dma_start3A_69 = tpu.memref_squeeze %dma_start3A_68 : memref<1x128x64xf32, #tpu.memory_space<vmem>> -> memref<128x64xf32, #tpu.memory_space<vmem>>
    %dma_start3A_70 = arith.constant 0 : i32
    %dma_start3A_71 = tpu.memref_slice %arg7[%dma_start3A_64, %dma_start3A_70] : memref<79x128xi32, #tpu.memory_space<vmem>> -> memref<1x128xi32, #tpu.memory_space<vmem>>
    %dma_start3A_72 = tpu.memref_squeeze %dma_start3A_71 : memref<1x128xi32, #tpu.memory_space<vmem>> -> memref<128xi32, #tpu.memory_space<vmem>>
    %dma_start3A_73 = arith.constant 0 : i32
    %dma_start3A_74 = arith.constant 0 : i32
    %dma_start3A_75 = tpu.memref_slice %arg2[%dma_start3A_73, %dma_start3A_74] : memref<10000x64xf32, #tpu.memory_space<hbm>> -> memref<10000x64xf32, #tpu.memory_space<hbm>>
    tpu.enqueue_indirect_dma source(%dma_start3A_75 : memref<10000x64xf32, #tpu.memory_space<hbm>>) target(%dma_start3A_69 : memref<128x64xf32, #tpu.memory_space<vmem>>) offsets(%dma_start3A_72 : memref<128xi32, #tpu.memory_space<vmem>>) semaphore(%arg16 : memref<!tpu.dma_semaphore, #tpu.memory_space<semaphore_mem>>)
    %dma_start3A_76 = arith.constant 6 : i32
    %dma_start3A_77 = arith.constant 6 : i32
    %dma_start3A_78 = arith.constant 0 : i32
    %dma_start3A_79 = arith.constant 0 : i32
    %dma_start3A_80 = tpu.memref_slice %arg9[%dma_start3A_77, %dma_start3A_78, %dma_start3A_79] : memref<8x128x64xf32, #tpu.memory_space<vmem>> -> memref<1x128x64xf32, #tpu.memory_space<vmem>>
    %dma_start3A_81 = tpu.memref_squeeze %dma_start3A_80 : memref<1x128x64xf32, #tpu.memory_space<vmem>> -> memref<128x64xf32, #tpu.memory_space<vmem>>
    %dma_start3A_82 = arith.constant 0 : i32
    %dma_start3A_83 = tpu.memref_slice %arg7[%dma_start3A_76, %dma_start3A_82] : memref<79x128xi32, #tpu.memory_space<vmem>> -> memref<1x128xi32, #tpu.memory_space<vmem>>
    %dma_start3A_84 = tpu.memref_squeeze %dma_start3A_83 : memref<1x128xi32, #tpu.memory_space<vmem>> -> memref<128xi32, #tpu.memory_space<vmem>>
    %dma_start3A_85 = arith.constant 0 : i32
    %dma_start3A_86 = arith.constant 0 : i32
    %dma_start3A_87 = tpu.memref_slice %arg2[%dma_start3A_85, %dma_start3A_86] : memref<10000x64xf32, #tpu.memory_space<hbm>> -> memref<10000x64xf32, #tpu.memory_space<hbm>>
    tpu.enqueue_indirect_dma source(%dma_start3A_87 : memref<10000x64xf32, #tpu.memory_space<hbm>>) target(%dma_start3A_81 : memref<128x64xf32, #tpu.memory_space<vmem>>) offsets(%dma_start3A_84 : memref<128xi32, #tpu.memory_space<vmem>>) semaphore(%arg17 : memref<!tpu.dma_semaphore, #tpu.memory_space<semaphore_mem>>)
    %dma_start3A_88 = arith.constant 7 : i32
    %dma_start3A_89 = arith.constant 7 : i32
    %dma_start3A_90 = arith.constant 0 : i32
    %dma_start3A_91 = arith.constant 0 : i32
    %dma_start3A_92 = tpu.memref_slice %arg9[%dma_start3A_89, %dma_start3A_90, %dma_start3A_91] : memref<8x128x64xf32, #tpu.memory_space<vmem>> -> memref<1x128x64xf32, #tpu.memory_space<vmem>>
    %dma_start3A_93 = tpu.memref_squeeze %dma_start3A_92 : memref<1x128x64xf32, #tpu.memory_space<vmem>> -> memref<128x64xf32, #tpu.memory_space<vmem>>
    %dma_start3A_94 = arith.constant 0 : i32
    %dma_start3A_95 = tpu.memref_slice %arg7[%dma_start3A_88, %dma_start3A_94] : memref<79x128xi32, #tpu.memory_space<vmem>> -> memref<1x128xi32, #tpu.memory_space<vmem>>
    %dma_start3A_96 = tpu.memref_squeeze %dma_start3A_95 : memref<1x128xi32, #tpu.memory_space<vmem>> -> memref<128xi32, #tpu.memory_space<vmem>>
    %dma_start3A_97 = arith.constant 0 : i32
    %dma_start3A_98 = arith.constant 0 : i32
    %dma_start3A_99 = tpu.memref_slice %arg2[%dma_start3A_97, %dma_start3A_98] : memref<10000x64xf32, #tpu.memory_space<hbm>> -> memref<10000x64xf32, #tpu.memory_space<hbm>>
    tpu.enqueue_indirect_dma source(%dma_start3A_99 : memref<10000x64xf32, #tpu.memory_space<hbm>>) target(%dma_start3A_93 : memref<128x64xf32, #tpu.memory_space<vmem>>) offsets(%dma_start3A_96 : memref<128xi32, #tpu.memory_space<vmem>>) semaphore(%arg18 : memref<!tpu.dma_semaphore, #tpu.memory_space<semaphore_mem>>)
    %scan3A = arith.constant 0 : i32
    %scan3A_100 = arith.constant 9 : i32
    %scan3A_101 = arith.addi %scan3A, %scan3A_100 : i32
    %scan3A_102 = arith.constant 1 : i32
    scf.for %scan3A_205 = %scan3A to %scan3A_101 step %scan3A_102  : i32 {
      %mul3A_206 = arith.constant 8 : i32
      %mul3A_207 = arith.muli %scan3A_205, %mul3A_206 : i32
      %add3A_208 = arith.constant 0 : i32
      %add3A_209 = arith.addi %add3A_208, %mul3A_207 : i32
      %add3A_210 = arith.constant 0 : i32
      %add3A_211 = arith.addi %add3A_209, %add3A_210 : i32
      %dma_wait3A_212 = arith.constant 0 : i32
      %dma_wait3A_213 = arith.constant 0 : i32
      %dma_wait3A_214 = arith.constant 0 : i32
      %dma_wait3A_215 = tpu.memref_slice %arg9[%dma_wait3A_212, %dma_wait3A_213, %dma_wait3A_214] : memref<8x128x64xf32, #tpu.memory_space<vmem>> -> memref<1x128x64xf32, #tpu.memory_space<vmem>>
      %dma_wait3A_216 = tpu.memref_squeeze %dma_wait3A_215 : memref<1x128x64xf32, #tpu.memory_space<vmem>> -> memref<128x64xf32, #tpu.memory_space<vmem>>
      %dma_wait3A_217 = arith.constant 0 : i32
      %dma_wait3A_218 = tpu.memref_slice %arg7[%add3A_211, %dma_wait3A_217] : memref<79x128xi32, #tpu.memory_space<vmem>> -> memref<1x128xi32, #tpu.memory_space<vmem>>
      %dma_wait3A_219 = tpu.memref_squeeze %dma_wait3A_218 : memref<1x128xi32, #tpu.memory_space<vmem>> -> memref<128xi32, #tpu.memory_space<vmem>>
      %dma_wait3A_220 = arith.constant 0 : i32
      %dma_wait3A_221 = arith.constant 0 : i32
      %dma_wait3A_222 = tpu.memref_slice %arg2[%dma_wait3A_220, %dma_wait3A_221] : memref<10000x64xf32, #tpu.memory_space<hbm>> -> memref<10000x64xf32, #tpu.memory_space<hbm>>
      tpu.wait_indirect_dma semaphore(%arg11 : memref<!tpu.dma_semaphore, #tpu.memory_space<semaphore_mem>>) src(%dma_wait3A_222 : memref<10000x64xf32, #tpu.memory_space<hbm>>) dst(%dma_wait3A_216 : memref<128x64xf32, #tpu.memory_space<vmem>>)
      %run_scoped3A_223 = arith.constant 0 : i32
      "tpu.region"() ({
        %run_scoped3A_375 = tpu.sem_alloc : memref<!tpu.dma_semaphore, #tpu.memory_space<semaphore_mem>>
        %dma_start3A_376 = arith.constant 0 : i32
        %dma_start3A_377 = arith.constant 0 : i32
        %dma_start3A_378 = tpu.memref_slice %arg9[%run_scoped3A_223, %dma_start3A_376, %dma_start3A_377] : memref<8x128x64xf32, #tpu.memory_space<vmem>> -> memref<1x128x64xf32, #tpu.memory_space<vmem>>
        %dma_start3A_379 = tpu.memref_squeeze %dma_start3A_378 : memref<1x128x64xf32, #tpu.memory_space<vmem>> -> memref<128x64xf32, #tpu.memory_space<vmem>>
        %dma_start3A_380 = arith.constant 0 : i32
        %dma_start3A_381 = tpu.memref_slice %arg8[%add3A_211, %dma_start3A_380] : memref<79x128xi32, #tpu.memory_space<vmem>> -> memref<1x128xi32, #tpu.memory_space<vmem>>
        %dma_start3A_382 = tpu.memref_squeeze %dma_start3A_381 : memref<1x128xi32, #tpu.memory_space<vmem>> -> memref<128xi32, #tpu.memory_space<vmem>>
        %dma_start3A_383 = arith.constant 0 : i32
        %dma_start3A_384 = arith.constant 0 : i32
        %dma_start3A_385 = tpu.memref_slice %arg10[%dma_start3A_383, %dma_start3A_384] : memref<10112x64xf32, #tpu.memory_space<vmem_shared>> -> memref<10112x64xf32, #tpu.memory_space<vmem_shared>>
        tpu.enqueue_indirect_dma source(%dma_start3A_379 : memref<128x64xf32, #tpu.memory_space<vmem>>) target(%dma_start3A_385 : memref<10112x64xf32, #tpu.memory_space<vmem_shared>>) offsets(%dma_start3A_382 : memref<128xi32, #tpu.memory_space<vmem>>) semaphore(%run_scoped3A_375 : memref<!tpu.dma_semaphore, #tpu.memory_space<semaphore_mem>>) {add = true}
        %dma_wait3A_386 = arith.constant 0 : i32
        %dma_wait3A_387 = arith.constant 0 : i32
        %dma_wait3A_388 = tpu.memref_slice %arg9[%run_scoped3A_223, %dma_wait3A_386, %dma_wait3A_387] : memref<8x128x64xf32, #tpu.memory_space<vmem>> -> memref<1x128x64xf32, #tpu.memory_space<vmem>>
        %dma_wait3A_389 = tpu.memref_squeeze %dma_wait3A_388 : memref<1x128x64xf32, #tpu.memory_space<vmem>> -> memref<128x64xf32, #tpu.memory_space<vmem>>
        %dma_wait3A_390 = arith.constant 0 : i32
        %dma_wait3A_391 = tpu.memref_slice %arg8[%add3A_211, %dma_wait3A_390] : memref<79x128xi32, #tpu.memory_space<vmem>> -> memref<1x128xi32, #tpu.memory_space<vmem>>
        %dma_wait3A_392 = tpu.memref_squeeze %dma_wait3A_391 : memref<1x128xi32, #tpu.memory_space<vmem>> -> memref<128xi32, #tpu.memory_space<vmem>>
        %dma_wait3A_393 = arith.constant 0 : i32
        %dma_wait3A_394 = arith.constant 0 : i32
        %dma_wait3A_395 = tpu.memref_slice %arg10[%dma_wait3A_393, %dma_wait3A_394] : memref<10112x64xf32, #tpu.memory_space<vmem_shared>> -> memref<10112x64xf32, #tpu.memory_space<vmem_shared>>
        tpu.wait_indirect_dma semaphore(%run_scoped3A_375 : memref<!tpu.dma_semaphore, #tpu.memory_space<semaphore_mem>>) src(%dma_wait3A_389 : memref<128x64xf32, #tpu.memory_space<vmem>>) dst(%dma_wait3A_395 : memref<10112x64xf32, #tpu.memory_space<vmem_shared>>)
        tpu.yield
      }) : () -> ()
      %add3A_224 = arith.constant 8 : i32
      %add3A_225 = arith.addi %add3A_211, %add3A_224 : i32
      %lt3A = arith.constant 79 : i32
      %lt3A_226 = arith.cmpi slt, %add3A_225, %lt3A : i32
      %convert_element_type3A = arith.extui %lt3A_226 : i1 to i32
      %cond3A = arith.constant 0 : i32
      %cond3A_227 = arith.cmpi ne, %convert_element_type3A, %cond3A : i32
      scf.if %cond3A_227 {
        %add3A_375 = arith.constant 8 : i32
        %add3A_376 = arith.addi %add3A_211, %add3A_375 : i32
        %dma_start3A_377 = arith.constant 0 : i32
        %dma_start3A_378 = arith.constant 0 : i32
        %dma_start3A_379 = arith.constant 0 : i32
        %dma_start3A_380 = tpu.memref_slice %arg9[%dma_start3A_377, %dma_start3A_378, %dma_start3A_379] : memref<8x128x64xf32, #tpu.memory_space<vmem>> -> memref<1x128x64xf32, #tpu.memory_space<vmem>>
        %dma_start3A_381 = tpu.memref_squeeze %dma_start3A_380 : memref<1x128x64xf32, #tpu.memory_space<vmem>> -> memref<128x64xf32, #tpu.memory_space<vmem>>
        %dma_start3A_382 = arith.constant 0 : i32
        %dma_start3A_383 = tpu.memref_slice %arg7[%add3A_376, %dma_start3A_382] : memref<79x128xi32, #tpu.memory_space<vmem>> -> memref<1x128xi32, #tpu.memory_space<vmem>>
        %dma_start3A_384 = tpu.memref_squeeze %dma_start3A_383 : memref<1x128xi32, #tpu.memory_space<vmem>> -> memref<128xi32, #tpu.memory_space<vmem>>
        %dma_start3A_385 = arith.constant 0 : i32
        %dma_start3A_386 = arith.constant 0 : i32
        %dma_start3A_387 = tpu.memref_slice %arg2[%dma_start3A_385, %dma_start3A_386] : memref<10000x64xf32, #tpu.memory_space<hbm>> -> memref<10000x64xf32, #tpu.memory_space<hbm>>
        tpu.enqueue_indirect_dma source(%dma_start3A_387 : memref<10000x64xf32, #tpu.memory_space<hbm>>) target(%dma_start3A_381 : memref<128x64xf32, #tpu.memory_space<vmem>>) offsets(%dma_start3A_384 : memref<128xi32, #tpu.memory_space<vmem>>) semaphore(%arg11 : memref<!tpu.dma_semaphore, #tpu.memory_space<semaphore_mem>>)
      } else {
      }
      %add3A_228 = arith.constant 1 : i32
      %add3A_229 = arith.addi %add3A_209, %add3A_228 : i32
      %dma_wait3A_230 = arith.constant 1 : i32
      %dma_wait3A_231 = arith.constant 0 : i32
      %dma_wait3A_232 = arith.constant 0 : i32
      %dma_wait3A_233 = tpu.memref_slice %arg9[%dma_wait3A_230, %dma_wait3A_231, %dma_wait3A_232] : memref<8x128x64xf32, #tpu.memory_space<vmem>> -> memref<1x128x64xf32, #tpu.memory_space<vmem>>
      %dma_wait3A_234 = tpu.memref_squeeze %dma_wait3A_233 : memref<1x128x64xf32, #tpu.memory_space<vmem>> -> memref<128x64xf32, #tpu.memory_space<vmem>>
      %dma_wait3A_235 = arith.constant 0 : i32
      %dma_wait3A_236 = tpu.memref_slice %arg7[%add3A_229, %dma_wait3A_235] : memref<79x128xi32, #tpu.memory_space<vmem>> -> memref<1x128xi32, #tpu.memory_space<vmem>>
      %dma_wait3A_237 = tpu.memref_squeeze %dma_wait3A_236 : memref<1x128xi32, #tpu.memory_space<vmem>> -> memref<128xi32, #tpu.memory_space<vmem>>
      %dma_wait3A_238 = arith.constant 0 : i32
      %dma_wait3A_239 = arith.constant 0 : i32
      %dma_wait3A_240 = tpu.memref_slice %arg2[%dma_wait3A_238, %dma_wait3A_239] : memref<10000x64xf32, #tpu.memory_space<hbm>> -> memref<10000x64xf32, #tpu.memory_space<hbm>>
      tpu.wait_indirect_dma semaphore(%arg12 : memref<!tpu.dma_semaphore, #tpu.memory_space<semaphore_mem>>) src(%dma_wait3A_240 : memref<10000x64xf32, #tpu.memory_space<hbm>>) dst(%dma_wait3A_234 : memref<128x64xf32, #tpu.memory_space<vmem>>)
      %run_scoped3A_241 = arith.constant 1 : i32
      "tpu.region"() ({
        %run_scoped3A_375 = tpu.sem_alloc : memref<!tpu.dma_semaphore, #tpu.memory_space<semaphore_mem>>
        %dma_start3A_376 = arith.constant 0 : i32
        %dma_start3A_377 = arith.constant 0 : i32
        %dma_start3A_378 = tpu.memref_slice %arg9[%run_scoped3A_241, %dma_start3A_376, %dma_start3A_377] : memref<8x128x64xf32, #tpu.memory_space<vmem>> -> memref<1x128x64xf32, #tpu.memory_space<vmem>>
        %dma_start3A_379 = tpu.memref_squeeze %dma_start3A_378 : memref<1x128x64xf32, #tpu.memory_space<vmem>> -> memref<128x64xf32, #tpu.memory_space<vmem>>
        %dma_start3A_380 = arith.constant 0 : i32
        %dma_start3A_381 = tpu.memref_slice %arg8[%add3A_229, %dma_start3A_380] : memref<79x128xi32, #tpu.memory_space<vmem>> -> memref<1x128xi32, #tpu.memory_space<vmem>>
        %dma_start3A_382 = tpu.memref_squeeze %dma_start3A_381 : memref<1x128xi32, #tpu.memory_space<vmem>> -> memref<128xi32, #tpu.memory_space<vmem>>
        %dma_start3A_383 = arith.constant 0 : i32
        %dma_start3A_384 = arith.constant 0 : i32
        %dma_start3A_385 = tpu.memref_slice %arg10[%dma_start3A_383, %dma_start3A_384] : memref<10112x64xf32, #tpu.memory_space<vmem_shared>> -> memref<10112x64xf32, #tpu.memory_space<vmem_shared>>
        tpu.enqueue_indirect_dma source(%dma_start3A_379 : memref<128x64xf32, #tpu.memory_space<vmem>>) target(%dma_start3A_385 : memref<10112x64xf32, #tpu.memory_space<vmem_shared>>) offsets(%dma_start3A_382 : memref<128xi32, #tpu.memory_space<vmem>>) semaphore(%run_scoped3A_375 : memref<!tpu.dma_semaphore, #tpu.memory_space<semaphore_mem>>) {add = true}
        %dma_wait3A_386 = arith.constant 0 : i32
        %dma_wait3A_387 = arith.constant 0 : i32
        %dma_wait3A_388 = tpu.memref_slice %arg9[%run_scoped3A_241, %dma_wait3A_386, %dma_wait3A_387] : memref<8x128x64xf32, #tpu.memory_space<vmem>> -> memref<1x128x64xf32, #tpu.memory_space<vmem>>
        %dma_wait3A_389 = tpu.memref_squeeze %dma_wait3A_388 : memref<1x128x64xf32, #tpu.memory_space<vmem>> -> memref<128x64xf32, #tpu.memory_space<vmem>>
        %dma_wait3A_390 = arith.constant 0 : i32
        %dma_wait3A_391 = tpu.memref_slice %arg8[%add3A_229, %dma_wait3A_390] : memref<79x128xi32, #tpu.memory_space<vmem>> -> memref<1x128xi32, #tpu.memory_space<vmem>>
        %dma_wait3A_392 = tpu.memref_squeeze %dma_wait3A_391 : memref<1x128xi32, #tpu.memory_space<vmem>> -> memref<128xi32, #tpu.memory_space<vmem>>
        %dma_wait3A_393 = arith.constant 0 : i32
        %dma_wait3A_394 = arith.constant 0 : i32
        %dma_wait3A_395 = tpu.memref_slice %arg10[%dma_wait3A_393, %dma_wait3A_394] : memref<10112x64xf32, #tpu.memory_space<vmem_shared>> -> memref<10112x64xf32, #tpu.memory_space<vmem_shared>>
        tpu.wait_indirect_dma semaphore(%run_scoped3A_375 : memref<!tpu.dma_semaphore, #tpu.memory_space<semaphore_mem>>) src(%dma_wait3A_389 : memref<128x64xf32, #tpu.memory_space<vmem>>) dst(%dma_wait3A_395 : memref<10112x64xf32, #tpu.memory_space<vmem_shared>>)
        tpu.yield
      }) : () -> ()
      %add3A_242 = arith.constant 8 : i32
      %add3A_243 = arith.addi %add3A_229, %add3A_242 : i32
      %lt3A_244 = arith.constant 79 : i32
      %lt3A_245 = arith.cmpi slt, %add3A_243, %lt3A_244 : i32
      %convert_element_type3A_246 = arith.extui %lt3A_245 : i1 to i32
      %cond3A_247 = arith.constant 0 : i32
      %cond3A_248 = arith.cmpi ne, %convert_element_type3A_246, %cond3A_247 : i32
      scf.if %cond3A_248 {
        %add3A_375 = arith.constant 8 : i32
        %add3A_376 = arith.addi %add3A_229, %add3A_375 : i32
        %dma_start3A_377 = arith.constant 1 : i32
        %dma_start3A_378 = arith.constant 0 : i32
        %dma_start3A_379 = arith.constant 0 : i32
        %dma_start3A_380 = tpu.memref_slice %arg9[%dma_start3A_377, %dma_start3A_378, %dma_start3A_379] : memref<8x128x64xf32, #tpu.memory_space<vmem>> -> memref<1x128x64xf32, #tpu.memory_space<vmem>>
        %dma_start3A_381 = tpu.memref_squeeze %dma_start3A_380 : memref<1x128x64xf32, #tpu.memory_space<vmem>> -> memref<128x64xf32, #tpu.memory_space<vmem>>
        %dma_start3A_382 = arith.constant 0 : i32
        %dma_start3A_383 = tpu.memref_slice %arg7[%add3A_376, %dma_start3A_382] : memref<79x128xi32, #tpu.memory_space<vmem>> -> memref<1x128xi32, #tpu.memory_space<vmem>>
        %dma_start3A_384 = tpu.memref_squeeze %dma_start3A_383 : memref<1x128xi32, #tpu.memory_space<vmem>> -> memref<128xi32, #tpu.memory_space<vmem>>
        %dma_start3A_385 = arith.constant 0 : i32
        %dma_start3A_386 = arith.constant 0 : i32
        %dma_start3A_387 = tpu.memref_slice %arg2[%dma_start3A_385, %dma_start3A_386] : memref<10000x64xf32, #tpu.memory_space<hbm>> -> memref<10000x64xf32, #tpu.memory_space<hbm>>
        tpu.enqueue_indirect_dma source(%dma_start3A_387 : memref<10000x64xf32, #tpu.memory_space<hbm>>) target(%dma_start3A_381 : memref<128x64xf32, #tpu.memory_space<vmem>>) offsets(%dma_start3A_384 : memref<128xi32, #tpu.memory_space<vmem>>) semaphore(%arg12 : memref<!tpu.dma_semaphore, #tpu.memory_space<semaphore_mem>>)
      } else {
      }
      %add3A_249 = arith.constant 2 : i32
      %add3A_250 = arith.addi %add3A_209, %add3A_249 : i32
      %dma_wait3A_251 = arith.constant 2 : i32
      %dma_wait3A_252 = arith.constant 0 : i32
      %dma_wait3A_253 = arith.constant 0 : i32
      %dma_wait3A_254 = tpu.memref_slice %arg9[%dma_wait3A_251, %dma_wait3A_252, %dma_wait3A_253] : memref<8x128x64xf32, #tpu.memory_space<vmem>> -> memref<1x128x64xf32, #tpu.memory_space<vmem>>
      %dma_wait3A_255 = tpu.memref_squeeze %dma_wait3A_254 : memref<1x128x64xf32, #tpu.memory_space<vmem>> -> memref<128x64xf32, #tpu.memory_space<vmem>>
      %dma_wait3A_256 = arith.constant 0 : i32
      %dma_wait3A_257 = tpu.memref_slice %arg7[%add3A_250, %dma_wait3A_256] : memref<79x128xi32, #tpu.memory_space<vmem>> -> memref<1x128xi32, #tpu.memory_space<vmem>>
      %dma_wait3A_258 = tpu.memref_squeeze %dma_wait3A_257 : memref<1x128xi32, #tpu.memory_space<vmem>> -> memref<128xi32, #tpu.memory_space<vmem>>
      %dma_wait3A_259 = arith.constant 0 : i32
      %dma_wait3A_260 = arith.constant 0 : i32
      %dma_wait3A_261 = tpu.memref_slice %arg2[%dma_wait3A_259, %dma_wait3A_260] : memref<10000x64xf32, #tpu.memory_space<hbm>> -> memref<10000x64xf32, #tpu.memory_space<hbm>>
      tpu.wait_indirect_dma semaphore(%arg13 : memref<!tpu.dma_semaphore, #tpu.memory_space<semaphore_mem>>) src(%dma_wait3A_261 : memref<10000x64xf32, #tpu.memory_space<hbm>>) dst(%dma_wait3A_255 : memref<128x64xf32, #tpu.memory_space<vmem>>)
      %run_scoped3A_262 = arith.constant 2 : i32
      "tpu.region"() ({
        %run_scoped3A_375 = tpu.sem_alloc : memref<!tpu.dma_semaphore, #tpu.memory_space<semaphore_mem>>
        %dma_start3A_376 = arith.constant 0 : i32
        %dma_start3A_377 = arith.constant 0 : i32
        %dma_start3A_378 = tpu.memref_slice %arg9[%run_scoped3A_262, %dma_start3A_376, %dma_start3A_377] : memref<8x128x64xf32, #tpu.memory_space<vmem>> -> memref<1x128x64xf32, #tpu.memory_space<vmem>>
        %dma_start3A_379 = tpu.memref_squeeze %dma_start3A_378 : memref<1x128x64xf32, #tpu.memory_space<vmem>> -> memref<128x64xf32, #tpu.memory_space<vmem>>
        %dma_start3A_380 = arith.constant 0 : i32
        %dma_start3A_381 = tpu.memref_slice %arg8[%add3A_250, %dma_start3A_380] : memref<79x128xi32, #tpu.memory_space<vmem>> -> memref<1x128xi32, #tpu.memory_space<vmem>>
        %dma_start3A_382 = tpu.memref_squeeze %dma_start3A_381 : memref<1x128xi32, #tpu.memory_space<vmem>> -> memref<128xi32, #tpu.memory_space<vmem>>
        %dma_start3A_383 = arith.constant 0 : i32
        %dma_start3A_384 = arith.constant 0 : i32
        %dma_start3A_385 = tpu.memref_slice %arg10[%dma_start3A_383, %dma_start3A_384] : memref<10112x64xf32, #tpu.memory_space<vmem_shared>> -> memref<10112x64xf32, #tpu.memory_space<vmem_shared>>
        tpu.enqueue_indirect_dma source(%dma_start3A_379 : memref<128x64xf32, #tpu.memory_space<vmem>>) target(%dma_start3A_385 : memref<10112x64xf32, #tpu.memory_space<vmem_shared>>) offsets(%dma_start3A_382 : memref<128xi32, #tpu.memory_space<vmem>>) semaphore(%run_scoped3A_375 : memref<!tpu.dma_semaphore, #tpu.memory_space<semaphore_mem>>) {add = true}
        %dma_wait3A_386 = arith.constant 0 : i32
        %dma_wait3A_387 = arith.constant 0 : i32
        %dma_wait3A_388 = tpu.memref_slice %arg9[%run_scoped3A_262, %dma_wait3A_386, %dma_wait3A_387] : memref<8x128x64xf32, #tpu.memory_space<vmem>> -> memref<1x128x64xf32, #tpu.memory_space<vmem>>
        %dma_wait3A_389 = tpu.memref_squeeze %dma_wait3A_388 : memref<1x128x64xf32, #tpu.memory_space<vmem>> -> memref<128x64xf32, #tpu.memory_space<vmem>>
        %dma_wait3A_390 = arith.constant 0 : i32
        %dma_wait3A_391 = tpu.memref_slice %arg8[%add3A_250, %dma_wait3A_390] : memref<79x128xi32, #tpu.memory_space<vmem>> -> memref<1x128xi32, #tpu.memory_space<vmem>>
        %dma_wait3A_392 = tpu.memref_squeeze %dma_wait3A_391 : memref<1x128xi32, #tpu.memory_space<vmem>> -> memref<128xi32, #tpu.memory_space<vmem>>
        %dma_wait3A_393 = arith.constant 0 : i32
        %dma_wait3A_394 = arith.constant 0 : i32
        %dma_wait3A_395 = tpu.memref_slice %arg10[%dma_wait3A_393, %dma_wait3A_394] : memref<10112x64xf32, #tpu.memory_space<vmem_shared>> -> memref<10112x64xf32, #tpu.memory_space<vmem_shared>>
        tpu.wait_indirect_dma semaphore(%run_scoped3A_375 : memref<!tpu.dma_semaphore, #tpu.memory_space<semaphore_mem>>) src(%dma_wait3A_389 : memref<128x64xf32, #tpu.memory_space<vmem>>) dst(%dma_wait3A_395 : memref<10112x64xf32, #tpu.memory_space<vmem_shared>>)
        tpu.yield
      }) : () -> ()
      %add3A_263 = arith.constant 8 : i32
      %add3A_264 = arith.addi %add3A_250, %add3A_263 : i32
      %lt3A_265 = arith.constant 79 : i32
      %lt3A_266 = arith.cmpi slt, %add3A_264, %lt3A_265 : i32
      %convert_element_type3A_267 = arith.extui %lt3A_266 : i1 to i32
      %cond3A_268 = arith.constant 0 : i32
      %cond3A_269 = arith.cmpi ne, %convert_element_type3A_267, %cond3A_268 : i32
      scf.if %cond3A_269 {
        %add3A_375 = arith.constant 8 : i32
        %add3A_376 = arith.addi %add3A_250, %add3A_375 : i32
        %dma_start3A_377 = arith.constant 2 : i32
        %dma_start3A_378 = arith.constant 0 : i32
        %dma_start3A_379 = arith.constant 0 : i32
        %dma_start3A_380 = tpu.memref_slice %arg9[%dma_start3A_377, %dma_start3A_378, %dma_start3A_379] : memref<8x128x64xf32, #tpu.memory_space<vmem>> -> memref<1x128x64xf32, #tpu.memory_space<vmem>>
        %dma_start3A_381 = tpu.memref_squeeze %dma_start3A_380 : memref<1x128x64xf32, #tpu.memory_space<vmem>> -> memref<128x64xf32, #tpu.memory_space<vmem>>
        %dma_start3A_382 = arith.constant 0 : i32
        %dma_start3A_383 = tpu.memref_slice %arg7[%add3A_376, %dma_start3A_382] : memref<79x128xi32, #tpu.memory_space<vmem>> -> memref<1x128xi32, #tpu.memory_space<vmem>>
        %dma_start3A_384 = tpu.memref_squeeze %dma_start3A_383 : memref<1x128xi32, #tpu.memory_space<vmem>> -> memref<128xi32, #tpu.memory_space<vmem>>
        %dma_start3A_385 = arith.constant 0 : i32
        %dma_start3A_386 = arith.constant 0 : i32
        %dma_start3A_387 = tpu.memref_slice %arg2[%dma_start3A_385, %dma_start3A_386] : memref<10000x64xf32, #tpu.memory_space<hbm>> -> memref<10000x64xf32, #tpu.memory_space<hbm>>
        tpu.enqueue_indirect_dma source(%dma_start3A_387 : memref<10000x64xf32, #tpu.memory_space<hbm>>) target(%dma_start3A_381 : memref<128x64xf32, #tpu.memory_space<vmem>>) offsets(%dma_start3A_384 : memref<128xi32, #tpu.memory_space<vmem>>) semaphore(%arg13 : memref<!tpu.dma_semaphore, #tpu.memory_space<semaphore_mem>>)
      } else {
      }
      %add3A_270 = arith.constant 3 : i32
      %add3A_271 = arith.addi %add3A_209, %add3A_270 : i32
      %dma_wait3A_272 = arith.constant 3 : i32
      %dma_wait3A_273 = arith.constant 0 : i32
      %dma_wait3A_274 = arith.constant 0 : i32
      %dma_wait3A_275 = tpu.memref_slice %arg9[%dma_wait3A_272, %dma_wait3A_273, %dma_wait3A_274] : memref<8x128x64xf32, #tpu.memory_space<vmem>> -> memref<1x128x64xf32, #tpu.memory_space<vmem>>
      %dma_wait3A_276 = tpu.memref_squeeze %dma_wait3A_275 : memref<1x128x64xf32, #tpu.memory_space<vmem>> -> memref<128x64xf32, #tpu.memory_space<vmem>>
      %dma_wait3A_277 = arith.constant 0 : i32
      %dma_wait3A_278 = tpu.memref_slice %arg7[%add3A_271, %dma_wait3A_277] : memref<79x128xi32, #tpu.memory_space<vmem>> -> memref<1x128xi32, #tpu.memory_space<vmem>>
      %dma_wait3A_279 = tpu.memref_squeeze %dma_wait3A_278 : memref<1x128xi32, #tpu.memory_space<vmem>> -> memref<128xi32, #tpu.memory_space<vmem>>
      %dma_wait3A_280 = arith.constant 0 : i32
      %dma_wait3A_281 = arith.constant 0 : i32
      %dma_wait3A_282 = tpu.memref_slice %arg2[%dma_wait3A_280, %dma_wait3A_281] : memref<10000x64xf32, #tpu.memory_space<hbm>> -> memref<10000x64xf32, #tpu.memory_space<hbm>>
      tpu.wait_indirect_dma semaphore(%arg14 : memref<!tpu.dma_semaphore, #tpu.memory_space<semaphore_mem>>) src(%dma_wait3A_282 : memref<10000x64xf32, #tpu.memory_space<hbm>>) dst(%dma_wait3A_276 : memref<128x64xf32, #tpu.memory_space<vmem>>)
      %run_scoped3A_283 = arith.constant 3 : i32
      "tpu.region"() ({
        %run_scoped3A_375 = tpu.sem_alloc : memref<!tpu.dma_semaphore, #tpu.memory_space<semaphore_mem>>
        %dma_start3A_376 = arith.constant 0 : i32
        %dma_start3A_377 = arith.constant 0 : i32
        %dma_start3A_378 = tpu.memref_slice %arg9[%run_scoped3A_283, %dma_start3A_376, %dma_start3A_377] : memref<8x128x64xf32, #tpu.memory_space<vmem>> -> memref<1x128x64xf32, #tpu.memory_space<vmem>>
        %dma_start3A_379 = tpu.memref_squeeze %dma_start3A_378 : memref<1x128x64xf32, #tpu.memory_space<vmem>> -> memref<128x64xf32, #tpu.memory_space<vmem>>
        %dma_start3A_380 = arith.constant 0 : i32
        %dma_start3A_381 = tpu.memref_slice %arg8[%add3A_271, %dma_start3A_380] : memref<79x128xi32, #tpu.memory_space<vmem>> -> memref<1x128xi32, #tpu.memory_space<vmem>>
        %dma_start3A_382 = tpu.memref_squeeze %dma_start3A_381 : memref<1x128xi32, #tpu.memory_space<vmem>> -> memref<128xi32, #tpu.memory_space<vmem>>
        %dma_start3A_383 = arith.constant 0 : i32
        %dma_start3A_384 = arith.constant 0 : i32
        %dma_start3A_385 = tpu.memref_slice %arg10[%dma_start3A_383, %dma_start3A_384] : memref<10112x64xf32, #tpu.memory_space<vmem_shared>> -> memref<10112x64xf32, #tpu.memory_space<vmem_shared>>
        tpu.enqueue_indirect_dma source(%dma_start3A_379 : memref<128x64xf32, #tpu.memory_space<vmem>>) target(%dma_start3A_385 : memref<10112x64xf32, #tpu.memory_space<vmem_shared>>) offsets(%dma_start3A_382 : memref<128xi32, #tpu.memory_space<vmem>>) semaphore(%run_scoped3A_375 : memref<!tpu.dma_semaphore, #tpu.memory_space<semaphore_mem>>) {add = true}
        %dma_wait3A_386 = arith.constant 0 : i32
        %dma_wait3A_387 = arith.constant 0 : i32
        %dma_wait3A_388 = tpu.memref_slice %arg9[%run_scoped3A_283, %dma_wait3A_386, %dma_wait3A_387] : memref<8x128x64xf32, #tpu.memory_space<vmem>> -> memref<1x128x64xf32, #tpu.memory_space<vmem>>
        %dma_wait3A_389 = tpu.memref_squeeze %dma_wait3A_388 : memref<1x128x64xf32, #tpu.memory_space<vmem>> -> memref<128x64xf32, #tpu.memory_space<vmem>>
        %dma_wait3A_390 = arith.constant 0 : i32
        %dma_wait3A_391 = tpu.memref_slice %arg8[%add3A_271, %dma_wait3A_390] : memref<79x128xi32, #tpu.memory_space<vmem>> -> memref<1x128xi32, #tpu.memory_space<vmem>>
        %dma_wait3A_392 = tpu.memref_squeeze %dma_wait3A_391 : memref<1x128xi32, #tpu.memory_space<vmem>> -> memref<128xi32, #tpu.memory_space<vmem>>
        %dma_wait3A_393 = arith.constant 0 : i32
        %dma_wait3A_394 = arith.constant 0 : i32
        %dma_wait3A_395 = tpu.memref_slice %arg10[%dma_wait3A_393, %dma_wait3A_394] : memref<10112x64xf32, #tpu.memory_space<vmem_shared>> -> memref<10112x64xf32, #tpu.memory_space<vmem_shared>>
        tpu.wait_indirect_dma semaphore(%run_scoped3A_375 : memref<!tpu.dma_semaphore, #tpu.memory_space<semaphore_mem>>) src(%dma_wait3A_389 : memref<128x64xf32, #tpu.memory_space<vmem>>) dst(%dma_wait3A_395 : memref<10112x64xf32, #tpu.memory_space<vmem_shared>>)
        tpu.yield
      }) : () -> ()
      %add3A_284 = arith.constant 8 : i32
      %add3A_285 = arith.addi %add3A_271, %add3A_284 : i32
      %lt3A_286 = arith.constant 79 : i32
      %lt3A_287 = arith.cmpi slt, %add3A_285, %lt3A_286 : i32
      %convert_element_type3A_288 = arith.extui %lt3A_287 : i1 to i32
      %cond3A_289 = arith.constant 0 : i32
      %cond3A_290 = arith.cmpi ne, %convert_element_type3A_288, %cond3A_289 : i32
      scf.if %cond3A_290 {
        %add3A_375 = arith.constant 8 : i32
        %add3A_376 = arith.addi %add3A_271, %add3A_375 : i32
        %dma_start3A_377 = arith.constant 3 : i32
        %dma_start3A_378 = arith.constant 0 : i32
        %dma_start3A_379 = arith.constant 0 : i32
        %dma_start3A_380 = tpu.memref_slice %arg9[%dma_start3A_377, %dma_start3A_378, %dma_start3A_379] : memref<8x128x64xf32, #tpu.memory_space<vmem>> -> memref<1x128x64xf32, #tpu.memory_space<vmem>>
        %dma_start3A_381 = tpu.memref_squeeze %dma_start3A_380 : memref<1x128x64xf32, #tpu.memory_space<vmem>> -> memref<128x64xf32, #tpu.memory_space<vmem>>
        %dma_start3A_382 = arith.constant 0 : i32
        %dma_start3A_383 = tpu.memref_slice %arg7[%add3A_376, %dma_start3A_382] : memref<79x128xi32, #tpu.memory_space<vmem>> -> memref<1x128xi32, #tpu.memory_space<vmem>>
        %dma_start3A_384 = tpu.memref_squeeze %dma_start3A_383 : memref<1x128xi32, #tpu.memory_space<vmem>> -> memref<128xi32, #tpu.memory_space<vmem>>
        %dma_start3A_385 = arith.constant 0 : i32
        %dma_start3A_386 = arith.constant 0 : i32
        %dma_start3A_387 = tpu.memref_slice %arg2[%dma_start3A_385, %dma_start3A_386] : memref<10000x64xf32, #tpu.memory_space<hbm>> -> memref<10000x64xf32, #tpu.memory_space<hbm>>
        tpu.enqueue_indirect_dma source(%dma_start3A_387 : memref<10000x64xf32, #tpu.memory_space<hbm>>) target(%dma_start3A_381 : memref<128x64xf32, #tpu.memory_space<vmem>>) offsets(%dma_start3A_384 : memref<128xi32, #tpu.memory_space<vmem>>) semaphore(%arg14 : memref<!tpu.dma_semaphore, #tpu.memory_space<semaphore_mem>>)
      } else {
      }
      %add3A_291 = arith.constant 4 : i32
      %add3A_292 = arith.addi %add3A_209, %add3A_291 : i32
      %dma_wait3A_293 = arith.constant 4 : i32
      %dma_wait3A_294 = arith.constant 0 : i32
      %dma_wait3A_295 = arith.constant 0 : i32
      %dma_wait3A_296 = tpu.memref_slice %arg9[%dma_wait3A_293, %dma_wait3A_294, %dma_wait3A_295] : memref<8x128x64xf32, #tpu.memory_space<vmem>> -> memref<1x128x64xf32, #tpu.memory_space<vmem>>
      %dma_wait3A_297 = tpu.memref_squeeze %dma_wait3A_296 : memref<1x128x64xf32, #tpu.memory_space<vmem>> -> memref<128x64xf32, #tpu.memory_space<vmem>>
      %dma_wait3A_298 = arith.constant 0 : i32
      %dma_wait3A_299 = tpu.memref_slice %arg7[%add3A_292, %dma_wait3A_298] : memref<79x128xi32, #tpu.memory_space<vmem>> -> memref<1x128xi32, #tpu.memory_space<vmem>>
      %dma_wait3A_300 = tpu.memref_squeeze %dma_wait3A_299 : memref<1x128xi32, #tpu.memory_space<vmem>> -> memref<128xi32, #tpu.memory_space<vmem>>
      %dma_wait3A_301 = arith.constant 0 : i32
      %dma_wait3A_302 = arith.constant 0 : i32
      %dma_wait3A_303 = tpu.memref_slice %arg2[%dma_wait3A_301, %dma_wait3A_302] : memref<10000x64xf32, #tpu.memory_space<hbm>> -> memref<10000x64xf32, #tpu.memory_space<hbm>>
      tpu.wait_indirect_dma semaphore(%arg15 : memref<!tpu.dma_semaphore, #tpu.memory_space<semaphore_mem>>) src(%dma_wait3A_303 : memref<10000x64xf32, #tpu.memory_space<hbm>>) dst(%dma_wait3A_297 : memref<128x64xf32, #tpu.memory_space<vmem>>)
      %run_scoped3A_304 = arith.constant 4 : i32
      "tpu.region"() ({
        %run_scoped3A_375 = tpu.sem_alloc : memref<!tpu.dma_semaphore, #tpu.memory_space<semaphore_mem>>
        %dma_start3A_376 = arith.constant 0 : i32
        %dma_start3A_377 = arith.constant 0 : i32
        %dma_start3A_378 = tpu.memref_slice %arg9[%run_scoped3A_304, %dma_start3A_376, %dma_start3A_377] : memref<8x128x64xf32, #tpu.memory_space<vmem>> -> memref<1x128x64xf32, #tpu.memory_space<vmem>>
        %dma_start3A_379 = tpu.memref_squeeze %dma_start3A_378 : memref<1x128x64xf32, #tpu.memory_space<vmem>> -> memref<128x64xf32, #tpu.memory_space<vmem>>
        %dma_start3A_380 = arith.constant 0 : i32
        %dma_start3A_381 = tpu.memref_slice %arg8[%add3A_292, %dma_start3A_380] : memref<79x128xi32, #tpu.memory_space<vmem>> -> memref<1x128xi32, #tpu.memory_space<vmem>>
        %dma_start3A_382 = tpu.memref_squeeze %dma_start3A_381 : memref<1x128xi32, #tpu.memory_space<vmem>> -> memref<128xi32, #tpu.memory_space<vmem>>
        %dma_start3A_383 = arith.constant 0 : i32
        %dma_start3A_384 = arith.constant 0 : i32
        %dma_start3A_385 = tpu.memref_slice %arg10[%dma_start3A_383, %dma_start3A_384] : memref<10112x64xf32, #tpu.memory_space<vmem_shared>> -> memref<10112x64xf32, #tpu.memory_space<vmem_shared>>
        tpu.enqueue_indirect_dma source(%dma_start3A_379 : memref<128x64xf32, #tpu.memory_space<vmem>>) target(%dma_start3A_385 : memref<10112x64xf32, #tpu.memory_space<vmem_shared>>) offsets(%dma_start3A_382 : memref<128xi32, #tpu.memory_space<vmem>>) semaphore(%run_scoped3A_375 : memref<!tpu.dma_semaphore, #tpu.memory_space<semaphore_mem>>) {add = true}
        %dma_wait3A_386 = arith.constant 0 : i32
        %dma_wait3A_387 = arith.constant 0 : i32
        %dma_wait3A_388 = tpu.memref_slice %arg9[%run_scoped3A_304, %dma_wait3A_386, %dma_wait3A_387] : memref<8x128x64xf32, #tpu.memory_space<vmem>> -> memref<1x128x64xf32, #tpu.memory_space<vmem>>
        %dma_wait3A_389 = tpu.memref_squeeze %dma_wait3A_388 : memref<1x128x64xf32, #tpu.memory_space<vmem>> -> memref<128x64xf32, #tpu.memory_space<vmem>>
        %dma_wait3A_390 = arith.constant 0 : i32
        %dma_wait3A_391 = tpu.memref_slice %arg8[%add3A_292, %dma_wait3A_390] : memref<79x128xi32, #tpu.memory_space<vmem>> -> memref<1x128xi32, #tpu.memory_space<vmem>>
        %dma_wait3A_392 = tpu.memref_squeeze %dma_wait3A_391 : memref<1x128xi32, #tpu.memory_space<vmem>> -> memref<128xi32, #tpu.memory_space<vmem>>
        %dma_wait3A_393 = arith.constant 0 : i32
        %dma_wait3A_394 = arith.constant 0 : i32
        %dma_wait3A_395 = tpu.memref_slice %arg10[%dma_wait3A_393, %dma_wait3A_394] : memref<10112x64xf32, #tpu.memory_space<vmem_shared>> -> memref<10112x64xf32, #tpu.memory_space<vmem_shared>>
        tpu.wait_indirect_dma semaphore(%run_scoped3A_375 : memref<!tpu.dma_semaphore, #tpu.memory_space<semaphore_mem>>) src(%dma_wait3A_389 : memref<128x64xf32, #tpu.memory_space<vmem>>) dst(%dma_wait3A_395 : memref<10112x64xf32, #tpu.memory_space<vmem_shared>>)
        tpu.yield
      }) : () -> ()
      %add3A_305 = arith.constant 8 : i32
      %add3A_306 = arith.addi %add3A_292, %add3A_305 : i32
      %lt3A_307 = arith.constant 79 : i32
      %lt3A_308 = arith.cmpi slt, %add3A_306, %lt3A_307 : i32
      %convert_element_type3A_309 = arith.extui %lt3A_308 : i1 to i32
      %cond3A_310 = arith.constant 0 : i32
      %cond3A_311 = arith.cmpi ne, %convert_element_type3A_309, %cond3A_310 : i32
      scf.if %cond3A_311 {
        %add3A_375 = arith.constant 8 : i32
        %add3A_376 = arith.addi %add3A_292, %add3A_375 : i32
        %dma_start3A_377 = arith.constant 4 : i32
        %dma_start3A_378 = arith.constant 0 : i32
        %dma_start3A_379 = arith.constant 0 : i32
        %dma_start3A_380 = tpu.memref_slice %arg9[%dma_start3A_377, %dma_start3A_378, %dma_start3A_379] : memref<8x128x64xf32, #tpu.memory_space<vmem>> -> memref<1x128x64xf32, #tpu.memory_space<vmem>>
        %dma_start3A_381 = tpu.memref_squeeze %dma_start3A_380 : memref<1x128x64xf32, #tpu.memory_space<vmem>> -> memref<128x64xf32, #tpu.memory_space<vmem>>
        %dma_start3A_382 = arith.constant 0 : i32
        %dma_start3A_383 = tpu.memref_slice %arg7[%add3A_376, %dma_start3A_382] : memref<79x128xi32, #tpu.memory_space<vmem>> -> memref<1x128xi32, #tpu.memory_space<vmem>>
        %dma_start3A_384 = tpu.memref_squeeze %dma_start3A_383 : memref<1x128xi32, #tpu.memory_space<vmem>> -> memref<128xi32, #tpu.memory_space<vmem>>
        %dma_start3A_385 = arith.constant 0 : i32
        %dma_start3A_386 = arith.constant 0 : i32
        %dma_start3A_387 = tpu.memref_slice %arg2[%dma_start3A_385, %dma_start3A_386] : memref<10000x64xf32, #tpu.memory_space<hbm>> -> memref<10000x64xf32, #tpu.memory_space<hbm>>
        tpu.enqueue_indirect_dma source(%dma_start3A_387 : memref<10000x64xf32, #tpu.memory_space<hbm>>) target(%dma_start3A_381 : memref<128x64xf32, #tpu.memory_space<vmem>>) offsets(%dma_start3A_384 : memref<128xi32, #tpu.memory_space<vmem>>) semaphore(%arg15 : memref<!tpu.dma_semaphore, #tpu.memory_space<semaphore_mem>>)
      } else {
      }
      %add3A_312 = arith.constant 5 : i32
      %add3A_313 = arith.addi %add3A_209, %add3A_312 : i32
      %dma_wait3A_314 = arith.constant 5 : i32
      %dma_wait3A_315 = arith.constant 0 : i32
      %dma_wait3A_316 = arith.constant 0 : i32
      %dma_wait3A_317 = tpu.memref_slice %arg9[%dma_wait3A_314, %dma_wait3A_315, %dma_wait3A_316] : memref<8x128x64xf32, #tpu.memory_space<vmem>> -> memref<1x128x64xf32, #tpu.memory_space<vmem>>
      %dma_wait3A_318 = tpu.memref_squeeze %dma_wait3A_317 : memref<1x128x64xf32, #tpu.memory_space<vmem>> -> memref<128x64xf32, #tpu.memory_space<vmem>>
      %dma_wait3A_319 = arith.constant 0 : i32
      %dma_wait3A_320 = tpu.memref_slice %arg7[%add3A_313, %dma_wait3A_319] : memref<79x128xi32, #tpu.memory_space<vmem>> -> memref<1x128xi32, #tpu.memory_space<vmem>>
      %dma_wait3A_321 = tpu.memref_squeeze %dma_wait3A_320 : memref<1x128xi32, #tpu.memory_space<vmem>> -> memref<128xi32, #tpu.memory_space<vmem>>
      %dma_wait3A_322 = arith.constant 0 : i32
      %dma_wait3A_323 = arith.constant 0 : i32
      %dma_wait3A_324 = tpu.memref_slice %arg2[%dma_wait3A_322, %dma_wait3A_323] : memref<10000x64xf32, #tpu.memory_space<hbm>> -> memref<10000x64xf32, #tpu.memory_space<hbm>>
      tpu.wait_indirect_dma semaphore(%arg16 : memref<!tpu.dma_semaphore, #tpu.memory_space<semaphore_mem>>) src(%dma_wait3A_324 : memref<10000x64xf32, #tpu.memory_space<hbm>>) dst(%dma_wait3A_318 : memref<128x64xf32, #tpu.memory_space<vmem>>)
      %run_scoped3A_325 = arith.constant 5 : i32
      "tpu.region"() ({
        %run_scoped3A_375 = tpu.sem_alloc : memref<!tpu.dma_semaphore, #tpu.memory_space<semaphore_mem>>
        %dma_start3A_376 = arith.constant 0 : i32
        %dma_start3A_377 = arith.constant 0 : i32
        %dma_start3A_378 = tpu.memref_slice %arg9[%run_scoped3A_325, %dma_start3A_376, %dma_start3A_377] : memref<8x128x64xf32, #tpu.memory_space<vmem>> -> memref<1x128x64xf32, #tpu.memory_space<vmem>>
        %dma_start3A_379 = tpu.memref_squeeze %dma_start3A_378 : memref<1x128x64xf32, #tpu.memory_space<vmem>> -> memref<128x64xf32, #tpu.memory_space<vmem>>
        %dma_start3A_380 = arith.constant 0 : i32
        %dma_start3A_381 = tpu.memref_slice %arg8[%add3A_313, %dma_start3A_380] : memref<79x128xi32, #tpu.memory_space<vmem>> -> memref<1x128xi32, #tpu.memory_space<vmem>>
        %dma_start3A_382 = tpu.memref_squeeze %dma_start3A_381 : memref<1x128xi32, #tpu.memory_space<vmem>> -> memref<128xi32, #tpu.memory_space<vmem>>
        %dma_start3A_383 = arith.constant 0 : i32
        %dma_start3A_384 = arith.constant 0 : i32
        %dma_start3A_385 = tpu.memref_slice %arg10[%dma_start3A_383, %dma_start3A_384] : memref<10112x64xf32, #tpu.memory_space<vmem_shared>> -> memref<10112x64xf32, #tpu.memory_space<vmem_shared>>
        tpu.enqueue_indirect_dma source(%dma_start3A_379 : memref<128x64xf32, #tpu.memory_space<vmem>>) target(%dma_start3A_385 : memref<10112x64xf32, #tpu.memory_space<vmem_shared>>) offsets(%dma_start3A_382 : memref<128xi32, #tpu.memory_space<vmem>>) semaphore(%run_scoped3A_375 : memref<!tpu.dma_semaphore, #tpu.memory_space<semaphore_mem>>) {add = true}
        %dma_wait3A_386 = arith.constant 0 : i32
        %dma_wait3A_387 = arith.constant 0 : i32
        %dma_wait3A_388 = tpu.memref_slice %arg9[%run_scoped3A_325, %dma_wait3A_386, %dma_wait3A_387] : memref<8x128x64xf32, #tpu.memory_space<vmem>> -> memref<1x128x64xf32, #tpu.memory_space<vmem>>
        %dma_wait3A_389 = tpu.memref_squeeze %dma_wait3A_388 : memref<1x128x64xf32, #tpu.memory_space<vmem>> -> memref<128x64xf32, #tpu.memory_space<vmem>>
        %dma_wait3A_390 = arith.constant 0 : i32
        %dma_wait3A_391 = tpu.memref_slice %arg8[%add3A_313, %dma_wait3A_390] : memref<79x128xi32, #tpu.memory_space<vmem>> -> memref<1x128xi32, #tpu.memory_space<vmem>>
        %dma_wait3A_392 = tpu.memref_squeeze %dma_wait3A_391 : memref<1x128xi32, #tpu.memory_space<vmem>> -> memref<128xi32, #tpu.memory_space<vmem>>
        %dma_wait3A_393 = arith.constant 0 : i32
        %dma_wait3A_394 = arith.constant 0 : i32
        %dma_wait3A_395 = tpu.memref_slice %arg10[%dma_wait3A_393, %dma_wait3A_394] : memref<10112x64xf32, #tpu.memory_space<vmem_shared>> -> memref<10112x64xf32, #tpu.memory_space<vmem_shared>>
        tpu.wait_indirect_dma semaphore(%run_scoped3A_375 : memref<!tpu.dma_semaphore, #tpu.memory_space<semaphore_mem>>) src(%dma_wait3A_389 : memref<128x64xf32, #tpu.memory_space<vmem>>) dst(%dma_wait3A_395 : memref<10112x64xf32, #tpu.memory_space<vmem_shared>>)
        tpu.yield
      }) : () -> ()
      %add3A_326 = arith.constant 8 : i32
      %add3A_327 = arith.addi %add3A_313, %add3A_326 : i32
      %lt3A_328 = arith.constant 79 : i32
      %lt3A_329 = arith.cmpi slt, %add3A_327, %lt3A_328 : i32
      %convert_element_type3A_330 = arith.extui %lt3A_329 : i1 to i32
      %cond3A_331 = arith.constant 0 : i32
      %cond3A_332 = arith.cmpi ne, %convert_element_type3A_330, %cond3A_331 : i32
      scf.if %cond3A_332 {
        %add3A_375 = arith.constant 8 : i32
        %add3A_376 = arith.addi %add3A_313, %add3A_375 : i32
        %dma_start3A_377 = arith.constant 5 : i32
        %dma_start3A_378 = arith.constant 0 : i32
        %dma_start3A_379 = arith.constant 0 : i32
        %dma_start3A_380 = tpu.memref_slice %arg9[%dma_start3A_377, %dma_start3A_378, %dma_start3A_379] : memref<8x128x64xf32, #tpu.memory_space<vmem>> -> memref<1x128x64xf32, #tpu.memory_space<vmem>>
        %dma_start3A_381 = tpu.memref_squeeze %dma_start3A_380 : memref<1x128x64xf32, #tpu.memory_space<vmem>> -> memref<128x64xf32, #tpu.memory_space<vmem>>
        %dma_start3A_382 = arith.constant 0 : i32
        %dma_start3A_383 = tpu.memref_slice %arg7[%add3A_376, %dma_start3A_382] : memref<79x128xi32, #tpu.memory_space<vmem>> -> memref<1x128xi32, #tpu.memory_space<vmem>>
        %dma_start3A_384 = tpu.memref_squeeze %dma_start3A_383 : memref<1x128xi32, #tpu.memory_space<vmem>> -> memref<128xi32, #tpu.memory_space<vmem>>
        %dma_start3A_385 = arith.constant 0 : i32
        %dma_start3A_386 = arith.constant 0 : i32
        %dma_start3A_387 = tpu.memref_slice %arg2[%dma_start3A_385, %dma_start3A_386] : memref<10000x64xf32, #tpu.memory_space<hbm>> -> memref<10000x64xf32, #tpu.memory_space<hbm>>
        tpu.enqueue_indirect_dma source(%dma_start3A_387 : memref<10000x64xf32, #tpu.memory_space<hbm>>) target(%dma_start3A_381 : memref<128x64xf32, #tpu.memory_space<vmem>>) offsets(%dma_start3A_384 : memref<128xi32, #tpu.memory_space<vmem>>) semaphore(%arg16 : memref<!tpu.dma_semaphore, #tpu.memory_space<semaphore_mem>>)
      } else {
      }
      %add3A_333 = arith.constant 6 : i32
      %add3A_334 = arith.addi %add3A_209, %add3A_333 : i32
      %dma_wait3A_335 = arith.constant 6 : i32
      %dma_wait3A_336 = arith.constant 0 : i32
      %dma_wait3A_337 = arith.constant 0 : i32
      %dma_wait3A_338 = tpu.memref_slice %arg9[%dma_wait3A_335, %dma_wait3A_336, %dma_wait3A_337] : memref<8x128x64xf32, #tpu.memory_space<vmem>> -> memref<1x128x64xf32, #tpu.memory_space<vmem>>
      %dma_wait3A_339 = tpu.memref_squeeze %dma_wait3A_338 : memref<1x128x64xf32, #tpu.memory_space<vmem>> -> memref<128x64xf32, #tpu.memory_space<vmem>>
      %dma_wait3A_340 = arith.constant 0 : i32
      %dma_wait3A_341 = tpu.memref_slice %arg7[%add3A_334, %dma_wait3A_340] : memref<79x128xi32, #tpu.memory_space<vmem>> -> memref<1x128xi32, #tpu.memory_space<vmem>>
      %dma_wait3A_342 = tpu.memref_squeeze %dma_wait3A_341 : memref<1x128xi32, #tpu.memory_space<vmem>> -> memref<128xi32, #tpu.memory_space<vmem>>
      %dma_wait3A_343 = arith.constant 0 : i32
      %dma_wait3A_344 = arith.constant 0 : i32
      %dma_wait3A_345 = tpu.memref_slice %arg2[%dma_wait3A_343, %dma_wait3A_344] : memref<10000x64xf32, #tpu.memory_space<hbm>> -> memref<10000x64xf32, #tpu.memory_space<hbm>>
      tpu.wait_indirect_dma semaphore(%arg17 : memref<!tpu.dma_semaphore, #tpu.memory_space<semaphore_mem>>) src(%dma_wait3A_345 : memref<10000x64xf32, #tpu.memory_space<hbm>>) dst(%dma_wait3A_339 : memref<128x64xf32, #tpu.memory_space<vmem>>)
      %run_scoped3A_346 = arith.constant 6 : i32
      "tpu.region"() ({
        %run_scoped3A_375 = tpu.sem_alloc : memref<!tpu.dma_semaphore, #tpu.memory_space<semaphore_mem>>
        %dma_start3A_376 = arith.constant 0 : i32
        %dma_start3A_377 = arith.constant 0 : i32
        %dma_start3A_378 = tpu.memref_slice %arg9[%run_scoped3A_346, %dma_start3A_376, %dma_start3A_377] : memref<8x128x64xf32, #tpu.memory_space<vmem>> -> memref<1x128x64xf32, #tpu.memory_space<vmem>>
        %dma_start3A_379 = tpu.memref_squeeze %dma_start3A_378 : memref<1x128x64xf32, #tpu.memory_space<vmem>> -> memref<128x64xf32, #tpu.memory_space<vmem>>
        %dma_start3A_380 = arith.constant 0 : i32
        %dma_start3A_381 = tpu.memref_slice %arg8[%add3A_334, %dma_start3A_380] : memref<79x128xi32, #tpu.memory_space<vmem>> -> memref<1x128xi32, #tpu.memory_space<vmem>>
        %dma_start3A_382 = tpu.memref_squeeze %dma_start3A_381 : memref<1x128xi32, #tpu.memory_space<vmem>> -> memref<128xi32, #tpu.memory_space<vmem>>
        %dma_start3A_383 = arith.constant 0 : i32
        %dma_start3A_384 = arith.constant 0 : i32
        %dma_start3A_385 = tpu.memref_slice %arg10[%dma_start3A_383, %dma_start3A_384] : memref<10112x64xf32, #tpu.memory_space<vmem_shared>> -> memref<10112x64xf32, #tpu.memory_space<vmem_shared>>
        tpu.enqueue_indirect_dma source(%dma_start3A_379 : memref<128x64xf32, #tpu.memory_space<vmem>>) target(%dma_start3A_385 : memref<10112x64xf32, #tpu.memory_space<vmem_shared>>) offsets(%dma_start3A_382 : memref<128xi32, #tpu.memory_space<vmem>>) semaphore(%run_scoped3A_375 : memref<!tpu.dma_semaphore, #tpu.memory_space<semaphore_mem>>) {add = true}
        %dma_wait3A_386 = arith.constant 0 : i32
        %dma_wait3A_387 = arith.constant 0 : i32
        %dma_wait3A_388 = tpu.memref_slice %arg9[%run_scoped3A_346, %dma_wait3A_386, %dma_wait3A_387] : memref<8x128x64xf32, #tpu.memory_space<vmem>> -> memref<1x128x64xf32, #tpu.memory_space<vmem>>
        %dma_wait3A_389 = tpu.memref_squeeze %dma_wait3A_388 : memref<1x128x64xf32, #tpu.memory_space<vmem>> -> memref<128x64xf32, #tpu.memory_space<vmem>>
        %dma_wait3A_390 = arith.constant 0 : i32
        %dma_wait3A_391 = tpu.memref_slice %arg8[%add3A_334, %dma_wait3A_390] : memref<79x128xi32, #tpu.memory_space<vmem>> -> memref<1x128xi32, #tpu.memory_space<vmem>>
        %dma_wait3A_392 = tpu.memref_squeeze %dma_wait3A_391 : memref<1x128xi32, #tpu.memory_space<vmem>> -> memref<128xi32, #tpu.memory_space<vmem>>
        %dma_wait3A_393 = arith.constant 0 : i32
        %dma_wait3A_394 = arith.constant 0 : i32
        %dma_wait3A_395 = tpu.memref_slice %arg10[%dma_wait3A_393, %dma_wait3A_394] : memref<10112x64xf32, #tpu.memory_space<vmem_shared>> -> memref<10112x64xf32, #tpu.memory_space<vmem_shared>>
        tpu.wait_indirect_dma semaphore(%run_scoped3A_375 : memref<!tpu.dma_semaphore, #tpu.memory_space<semaphore_mem>>) src(%dma_wait3A_389 : memref<128x64xf32, #tpu.memory_space<vmem>>) dst(%dma_wait3A_395 : memref<10112x64xf32, #tpu.memory_space<vmem_shared>>)
        tpu.yield
      }) : () -> ()
      %add3A_347 = arith.constant 8 : i32
      %add3A_348 = arith.addi %add3A_334, %add3A_347 : i32
      %lt3A_349 = arith.constant 79 : i32
      %lt3A_350 = arith.cmpi slt, %add3A_348, %lt3A_349 : i32
      %convert_element_type3A_351 = arith.extui %lt3A_350 : i1 to i32
      %cond3A_352 = arith.constant 0 : i32
      %cond3A_353 = arith.cmpi ne, %convert_element_type3A_351, %cond3A_352 : i32
      scf.if %cond3A_353 {
        %add3A_375 = arith.constant 8 : i32
        %add3A_376 = arith.addi %add3A_334, %add3A_375 : i32
        %dma_start3A_377 = arith.constant 6 : i32
        %dma_start3A_378 = arith.constant 0 : i32
        %dma_start3A_379 = arith.constant 0 : i32
        %dma_start3A_380 = tpu.memref_slice %arg9[%dma_start3A_377, %dma_start3A_378, %dma_start3A_379] : memref<8x128x64xf32, #tpu.memory_space<vmem>> -> memref<1x128x64xf32, #tpu.memory_space<vmem>>
        %dma_start3A_381 = tpu.memref_squeeze %dma_start3A_380 : memref<1x128x64xf32, #tpu.memory_space<vmem>> -> memref<128x64xf32, #tpu.memory_space<vmem>>
        %dma_start3A_382 = arith.constant 0 : i32
        %dma_start3A_383 = tpu.memref_slice %arg7[%add3A_376, %dma_start3A_382] : memref<79x128xi32, #tpu.memory_space<vmem>> -> memref<1x128xi32, #tpu.memory_space<vmem>>
        %dma_start3A_384 = tpu.memref_squeeze %dma_start3A_383 : memref<1x128xi32, #tpu.memory_space<vmem>> -> memref<128xi32, #tpu.memory_space<vmem>>
        %dma_start3A_385 = arith.constant 0 : i32
        %dma_start3A_386 = arith.constant 0 : i32
        %dma_start3A_387 = tpu.memref_slice %arg2[%dma_start3A_385, %dma_start3A_386] : memref<10000x64xf32, #tpu.memory_space<hbm>> -> memref<10000x64xf32, #tpu.memory_space<hbm>>
        tpu.enqueue_indirect_dma source(%dma_start3A_387 : memref<10000x64xf32, #tpu.memory_space<hbm>>) target(%dma_start3A_381 : memref<128x64xf32, #tpu.memory_space<vmem>>) offsets(%dma_start3A_384 : memref<128xi32, #tpu.memory_space<vmem>>) semaphore(%arg17 : memref<!tpu.dma_semaphore, #tpu.memory_space<semaphore_mem>>)
      } else {
      }
      %add3A_354 = arith.constant 7 : i32
      %add3A_355 = arith.addi %add3A_209, %add3A_354 : i32
      %dma_wait3A_356 = arith.constant 7 : i32
      %dma_wait3A_357 = arith.constant 0 : i32
      %dma_wait3A_358 = arith.constant 0 : i32
      %dma_wait3A_359 = tpu.memref_slice %arg9[%dma_wait3A_356, %dma_wait3A_357, %dma_wait3A_358] : memref<8x128x64xf32, #tpu.memory_space<vmem>> -> memref<1x128x64xf32, #tpu.memory_space<vmem>>
      %dma_wait3A_360 = tpu.memref_squeeze %dma_wait3A_359 : memref<1x128x64xf32, #tpu.memory_space<vmem>> -> memref<128x64xf32, #tpu.memory_space<vmem>>
      %dma_wait3A_361 = arith.constant 0 : i32
      %dma_wait3A_362 = tpu.memref_slice %arg7[%add3A_355, %dma_wait3A_361] : memref<79x128xi32, #tpu.memory_space<vmem>> -> memref<1x128xi32, #tpu.memory_space<vmem>>
      %dma_wait3A_363 = tpu.memref_squeeze %dma_wait3A_362 : memref<1x128xi32, #tpu.memory_space<vmem>> -> memref<128xi32, #tpu.memory_space<vmem>>
      %dma_wait3A_364 = arith.constant 0 : i32
      %dma_wait3A_365 = arith.constant 0 : i32
      %dma_wait3A_366 = tpu.memref_slice %arg2[%dma_wait3A_364, %dma_wait3A_365] : memref<10000x64xf32, #tpu.memory_space<hbm>> -> memref<10000x64xf32, #tpu.memory_space<hbm>>
      tpu.wait_indirect_dma semaphore(%arg18 : memref<!tpu.dma_semaphore, #tpu.memory_space<semaphore_mem>>) src(%dma_wait3A_366 : memref<10000x64xf32, #tpu.memory_space<hbm>>) dst(%dma_wait3A_360 : memref<128x64xf32, #tpu.memory_space<vmem>>)
      %run_scoped3A_367 = arith.constant 7 : i32
      "tpu.region"() ({
        %run_scoped3A_375 = tpu.sem_alloc : memref<!tpu.dma_semaphore, #tpu.memory_space<semaphore_mem>>
        %dma_start3A_376 = arith.constant 0 : i32
        %dma_start3A_377 = arith.constant 0 : i32
        %dma_start3A_378 = tpu.memref_slice %arg9[%run_scoped3A_367, %dma_start3A_376, %dma_start3A_377] : memref<8x128x64xf32, #tpu.memory_space<vmem>> -> memref<1x128x64xf32, #tpu.memory_space<vmem>>
        %dma_start3A_379 = tpu.memref_squeeze %dma_start3A_378 : memref<1x128x64xf32, #tpu.memory_space<vmem>> -> memref<128x64xf32, #tpu.memory_space<vmem>>
        %dma_start3A_380 = arith.constant 0 : i32
        %dma_start3A_381 = tpu.memref_slice %arg8[%add3A_355, %dma_start3A_380] : memref<79x128xi32, #tpu.memory_space<vmem>> -> memref<1x128xi32, #tpu.memory_space<vmem>>
        %dma_start3A_382 = tpu.memref_squeeze %dma_start3A_381 : memref<1x128xi32, #tpu.memory_space<vmem>> -> memref<128xi32, #tpu.memory_space<vmem>>
        %dma_start3A_383 = arith.constant 0 : i32
        %dma_start3A_384 = arith.constant 0 : i32
        %dma_start3A_385 = tpu.memref_slice %arg10[%dma_start3A_383, %dma_start3A_384] : memref<10112x64xf32, #tpu.memory_space<vmem_shared>> -> memref<10112x64xf32, #tpu.memory_space<vmem_shared>>
        tpu.enqueue_indirect_dma source(%dma_start3A_379 : memref<128x64xf32, #tpu.memory_space<vmem>>) target(%dma_start3A_385 : memref<10112x64xf32, #tpu.memory_space<vmem_shared>>) offsets(%dma_start3A_382 : memref<128xi32, #tpu.memory_space<vmem>>) semaphore(%run_scoped3A_375 : memref<!tpu.dma_semaphore, #tpu.memory_space<semaphore_mem>>) {add = true}
        %dma_wait3A_386 = arith.constant 0 : i32
        %dma_wait3A_387 = arith.constant 0 : i32
        %dma_wait3A_388 = tpu.memref_slice %arg9[%run_scoped3A_367, %dma_wait3A_386, %dma_wait3A_387] : memref<8x128x64xf32, #tpu.memory_space<vmem>> -> memref<1x128x64xf32, #tpu.memory_space<vmem>>
        %dma_wait3A_389 = tpu.memref_squeeze %dma_wait3A_388 : memref<1x128x64xf32, #tpu.memory_space<vmem>> -> memref<128x64xf32, #tpu.memory_space<vmem>>
        %dma_wait3A_390 = arith.constant 0 : i32
        %dma_wait3A_391 = tpu.memref_slice %arg8[%add3A_355, %dma_wait3A_390] : memref<79x128xi32, #tpu.memory_space<vmem>> -> memref<1x128xi32, #tpu.memory_space<vmem>>
        %dma_wait3A_392 = tpu.memref_squeeze %dma_wait3A_391 : memref<1x128xi32, #tpu.memory_space<vmem>> -> memref<128xi32, #tpu.memory_space<vmem>>
        %dma_wait3A_393 = arith.constant 0 : i32
        %dma_wait3A_394 = arith.constant 0 : i32
        %dma_wait3A_395 = tpu.memref_slice %arg10[%dma_wait3A_393, %dma_wait3A_394] : memref<10112x64xf32, #tpu.memory_space<vmem_shared>> -> memref<10112x64xf32, #tpu.memory_space<vmem_shared>>
        tpu.wait_indirect_dma semaphore(%run_scoped3A_375 : memref<!tpu.dma_semaphore, #tpu.memory_space<semaphore_mem>>) src(%dma_wait3A_389 : memref<128x64xf32, #tpu.memory_space<vmem>>) dst(%dma_wait3A_395 : memref<10112x64xf32, #tpu.memory_space<vmem_shared>>)
        tpu.yield
      }) : () -> ()
      %add3A_368 = arith.constant 8 : i32
      %add3A_369 = arith.addi %add3A_355, %add3A_368 : i32
      %lt3A_370 = arith.constant 79 : i32
      %lt3A_371 = arith.cmpi slt, %add3A_369, %lt3A_370 : i32
      %convert_element_type3A_372 = arith.extui %lt3A_371 : i1 to i32
      %cond3A_373 = arith.constant 0 : i32
      %cond3A_374 = arith.cmpi ne, %convert_element_type3A_372, %cond3A_373 : i32
      scf.if %cond3A_374 {
        %add3A_375 = arith.constant 8 : i32
        %add3A_376 = arith.addi %add3A_355, %add3A_375 : i32
        %dma_start3A_377 = arith.constant 7 : i32
        %dma_start3A_378 = arith.constant 0 : i32
        %dma_start3A_379 = arith.constant 0 : i32
        %dma_start3A_380 = tpu.memref_slice %arg9[%dma_start3A_377, %dma_start3A_378, %dma_start3A_379] : memref<8x128x64xf32, #tpu.memory_space<vmem>> -> memref<1x128x64xf32, #tpu.memory_space<vmem>>
        %dma_start3A_381 = tpu.memref_squeeze %dma_start3A_380 : memref<1x128x64xf32, #tpu.memory_space<vmem>> -> memref<128x64xf32, #tpu.memory_space<vmem>>
        %dma_start3A_382 = arith.constant 0 : i32
        %dma_start3A_383 = tpu.memref_slice %arg7[%add3A_376, %dma_start3A_382] : memref<79x128xi32, #tpu.memory_space<vmem>> -> memref<1x128xi32, #tpu.memory_space<vmem>>
        %dma_start3A_384 = tpu.memref_squeeze %dma_start3A_383 : memref<1x128xi32, #tpu.memory_space<vmem>> -> memref<128xi32, #tpu.memory_space<vmem>>
        %dma_start3A_385 = arith.constant 0 : i32
        %dma_start3A_386 = arith.constant 0 : i32
        %dma_start3A_387 = tpu.memref_slice %arg2[%dma_start3A_385, %dma_start3A_386] : memref<10000x64xf32, #tpu.memory_space<hbm>> -> memref<10000x64xf32, #tpu.memory_space<hbm>>
        tpu.enqueue_indirect_dma source(%dma_start3A_387 : memref<10000x64xf32, #tpu.memory_space<hbm>>) target(%dma_start3A_381 : memref<128x64xf32, #tpu.memory_space<vmem>>) offsets(%dma_start3A_384 : memref<128xi32, #tpu.memory_space<vmem>>) semaphore(%arg18 : memref<!tpu.dma_semaphore, #tpu.memory_space<semaphore_mem>>)
      } else {
      }
    }
    %scan3A_103 = arith.constant 9 : i32
    %dma_wait3A = arith.constant 72 : i32
    %dma_wait3A_104 = arith.constant 0 : i32
    %dma_wait3A_105 = arith.constant 0 : i32
    %dma_wait3A_106 = arith.constant 0 : i32
    %dma_wait3A_107 = tpu.memref_slice %arg9[%dma_wait3A_104, %dma_wait3A_105, %dma_wait3A_106] : memref<8x128x64xf32, #tpu.memory_space<vmem>> -> memref<1x128x64xf32, #tpu.memory_space<vmem>>
    %dma_wait3A_108 = tpu.memref_squeeze %dma_wait3A_107 : memref<1x128x64xf32, #tpu.memory_space<vmem>> -> memref<128x64xf32, #tpu.memory_space<vmem>>
    %dma_wait3A_109 = arith.constant 0 : i32
    %dma_wait3A_110 = tpu.memref_slice %arg7[%dma_wait3A, %dma_wait3A_109] : memref<79x128xi32, #tpu.memory_space<vmem>> -> memref<1x128xi32, #tpu.memory_space<vmem>>
    %dma_wait3A_111 = tpu.memref_squeeze %dma_wait3A_110 : memref<1x128xi32, #tpu.memory_space<vmem>> -> memref<128xi32, #tpu.memory_space<vmem>>
    %dma_wait3A_112 = arith.constant 0 : i32
    %dma_wait3A_113 = arith.constant 0 : i32
    %dma_wait3A_114 = tpu.memref_slice %arg2[%dma_wait3A_112, %dma_wait3A_113] : memref<10000x64xf32, #tpu.memory_space<hbm>> -> memref<10000x64xf32, #tpu.memory_space<hbm>>
    tpu.wait_indirect_dma semaphore(%arg11 : memref<!tpu.dma_semaphore, #tpu.memory_space<semaphore_mem>>) src(%dma_wait3A_114 : memref<10000x64xf32, #tpu.memory_space<hbm>>) dst(%dma_wait3A_108 : memref<128x64xf32, #tpu.memory_space<vmem>>)
    %run_scoped3A = arith.constant 0 : i32
    %run_scoped3A_115 = arith.constant 72 : i32
    "tpu.region"() ({
      %run_scoped3A_205 = tpu.sem_alloc : memref<!tpu.dma_semaphore, #tpu.memory_space<semaphore_mem>>
      %dma_start3A_206 = arith.constant 0 : i32
      %dma_start3A_207 = arith.constant 0 : i32
      %dma_start3A_208 = tpu.memref_slice %arg9[%run_scoped3A, %dma_start3A_206, %dma_start3A_207] : memref<8x128x64xf32, #tpu.memory_space<vmem>> -> memref<1x128x64xf32, #tpu.memory_space<vmem>>
      %dma_start3A_209 = tpu.memref_squeeze %dma_start3A_208 : memref<1x128x64xf32, #tpu.memory_space<vmem>> -> memref<128x64xf32, #tpu.memory_space<vmem>>
      %dma_start3A_210 = arith.constant 0 : i32
      %dma_start3A_211 = tpu.memref_slice %arg8[%run_scoped3A_115, %dma_start3A_210] : memref<79x128xi32, #tpu.memory_space<vmem>> -> memref<1x128xi32, #tpu.memory_space<vmem>>
      %dma_start3A_212 = tpu.memref_squeeze %dma_start3A_211 : memref<1x128xi32, #tpu.memory_space<vmem>> -> memref<128xi32, #tpu.memory_space<vmem>>
      %dma_start3A_213 = arith.constant 0 : i32
      %dma_start3A_214 = arith.constant 0 : i32
      %dma_start3A_215 = tpu.memref_slice %arg10[%dma_start3A_213, %dma_start3A_214] : memref<10112x64xf32, #tpu.memory_space<vmem_shared>> -> memref<10112x64xf32, #tpu.memory_space<vmem_shared>>
      tpu.enqueue_indirect_dma source(%dma_start3A_209 : memref<128x64xf32, #tpu.memory_space<vmem>>) target(%dma_start3A_215 : memref<10112x64xf32, #tpu.memory_space<vmem_shared>>) offsets(%dma_start3A_212 : memref<128xi32, #tpu.memory_space<vmem>>) semaphore(%run_scoped3A_205 : memref<!tpu.dma_semaphore, #tpu.memory_space<semaphore_mem>>) {add = true}
      %dma_wait3A_216 = arith.constant 0 : i32
      %dma_wait3A_217 = arith.constant 0 : i32
      %dma_wait3A_218 = tpu.memref_slice %arg9[%run_scoped3A, %dma_wait3A_216, %dma_wait3A_217] : memref<8x128x64xf32, #tpu.memory_space<vmem>> -> memref<1x128x64xf32, #tpu.memory_space<vmem>>
      %dma_wait3A_219 = tpu.memref_squeeze %dma_wait3A_218 : memref<1x128x64xf32, #tpu.memory_space<vmem>> -> memref<128x64xf32, #tpu.memory_space<vmem>>
      %dma_wait3A_220 = arith.constant 0 : i32
      %dma_wait3A_221 = tpu.memref_slice %arg8[%run_scoped3A_115, %dma_wait3A_220] : memref<79x128xi32, #tpu.memory_space<vmem>> -> memref<1x128xi32, #tpu.memory_space<vmem>>
      %dma_wait3A_222 = tpu.memref_squeeze %dma_wait3A_221 : memref<1x128xi32, #tpu.memory_space<vmem>> -> memref<128xi32, #tpu.memory_space<vmem>>
      %dma_wait3A_223 = arith.constant 0 : i32
      %dma_wait3A_224 = arith.constant 0 : i32
      %dma_wait3A_225 = tpu.memref_slice %arg10[%dma_wait3A_223, %dma_wait3A_224] : memref<10112x64xf32, #tpu.memory_space<vmem_shared>> -> memref<10112x64xf32, #tpu.memory_space<vmem_shared>>
      tpu.wait_indirect_dma semaphore(%run_scoped3A_205 : memref<!tpu.dma_semaphore, #tpu.memory_space<semaphore_mem>>) src(%dma_wait3A_219 : memref<128x64xf32, #tpu.memory_space<vmem>>) dst(%dma_wait3A_225 : memref<10112x64xf32, #tpu.memory_space<vmem_shared>>)
      tpu.yield
    }) : () -> ()
    %dma_wait3A_116 = arith.constant 73 : i32
    %dma_wait3A_117 = arith.constant 1 : i32
    %dma_wait3A_118 = arith.constant 0 : i32
    %dma_wait3A_119 = arith.constant 0 : i32
    %dma_wait3A_120 = tpu.memref_slice %arg9[%dma_wait3A_117, %dma_wait3A_118, %dma_wait3A_119] : memref<8x128x64xf32, #tpu.memory_space<vmem>> -> memref<1x128x64xf32, #tpu.memory_space<vmem>>
    %dma_wait3A_121 = tpu.memref_squeeze %dma_wait3A_120 : memref<1x128x64xf32, #tpu.memory_space<vmem>> -> memref<128x64xf32, #tpu.memory_space<vmem>>
    %dma_wait3A_122 = arith.constant 0 : i32
    %dma_wait3A_123 = tpu.memref_slice %arg7[%dma_wait3A_116, %dma_wait3A_122] : memref<79x128xi32, #tpu.memory_space<vmem>> -> memref<1x128xi32, #tpu.memory_space<vmem>>
    %dma_wait3A_124 = tpu.memref_squeeze %dma_wait3A_123 : memref<1x128xi32, #tpu.memory_space<vmem>> -> memref<128xi32, #tpu.memory_space<vmem>>
    %dma_wait3A_125 = arith.constant 0 : i32
    %dma_wait3A_126 = arith.constant 0 : i32
    %dma_wait3A_127 = tpu.memref_slice %arg2[%dma_wait3A_125, %dma_wait3A_126] : memref<10000x64xf32, #tpu.memory_space<hbm>> -> memref<10000x64xf32, #tpu.memory_space<hbm>>
    tpu.wait_indirect_dma semaphore(%arg12 : memref<!tpu.dma_semaphore, #tpu.memory_space<semaphore_mem>>) src(%dma_wait3A_127 : memref<10000x64xf32, #tpu.memory_space<hbm>>) dst(%dma_wait3A_121 : memref<128x64xf32, #tpu.memory_space<vmem>>)
    %run_scoped3A_128 = arith.constant 1 : i32
    %run_scoped3A_129 = arith.constant 73 : i32
    "tpu.region"() ({
      %run_scoped3A_205 = tpu.sem_alloc : memref<!tpu.dma_semaphore, #tpu.memory_space<semaphore_mem>>
      %dma_start3A_206 = arith.constant 0 : i32
      %dma_start3A_207 = arith.constant 0 : i32
      %dma_start3A_208 = tpu.memref_slice %arg9[%run_scoped3A_128, %dma_start3A_206, %dma_start3A_207] : memref<8x128x64xf32, #tpu.memory_space<vmem>> -> memref<1x128x64xf32, #tpu.memory_space<vmem>>
      %dma_start3A_209 = tpu.memref_squeeze %dma_start3A_208 : memref<1x128x64xf32, #tpu.memory_space<vmem>> -> memref<128x64xf32, #tpu.memory_space<vmem>>
      %dma_start3A_210 = arith.constant 0 : i32
      %dma_start3A_211 = tpu.memref_slice %arg8[%run_scoped3A_129, %dma_start3A_210] : memref<79x128xi32, #tpu.memory_space<vmem>> -> memref<1x128xi32, #tpu.memory_space<vmem>>
      %dma_start3A_212 = tpu.memref_squeeze %dma_start3A_211 : memref<1x128xi32, #tpu.memory_space<vmem>> -> memref<128xi32, #tpu.memory_space<vmem>>
      %dma_start3A_213 = arith.constant 0 : i32
      %dma_start3A_214 = arith.constant 0 : i32
      %dma_start3A_215 = tpu.memref_slice %arg10[%dma_start3A_213, %dma_start3A_214] : memref<10112x64xf32, #tpu.memory_space<vmem_shared>> -> memref<10112x64xf32, #tpu.memory_space<vmem_shared>>
      tpu.enqueue_indirect_dma source(%dma_start3A_209 : memref<128x64xf32, #tpu.memory_space<vmem>>) target(%dma_start3A_215 : memref<10112x64xf32, #tpu.memory_space<vmem_shared>>) offsets(%dma_start3A_212 : memref<128xi32, #tpu.memory_space<vmem>>) semaphore(%run_scoped3A_205 : memref<!tpu.dma_semaphore, #tpu.memory_space<semaphore_mem>>) {add = true}
      %dma_wait3A_216 = arith.constant 0 : i32
      %dma_wait3A_217 = arith.constant 0 : i32
      %dma_wait3A_218 = tpu.memref_slice %arg9[%run_scoped3A_128, %dma_wait3A_216, %dma_wait3A_217] : memref<8x128x64xf32, #tpu.memory_space<vmem>> -> memref<1x128x64xf32, #tpu.memory_space<vmem>>
      %dma_wait3A_219 = tpu.memref_squeeze %dma_wait3A_218 : memref<1x128x64xf32, #tpu.memory_space<vmem>> -> memref<128x64xf32, #tpu.memory_space<vmem>>
      %dma_wait3A_220 = arith.constant 0 : i32
      %dma_wait3A_221 = tpu.memref_slice %arg8[%run_scoped3A_129, %dma_wait3A_220] : memref<79x128xi32, #tpu.memory_space<vmem>> -> memref<1x128xi32, #tpu.memory_space<vmem>>
      %dma_wait3A_222 = tpu.memref_squeeze %dma_wait3A_221 : memref<1x128xi32, #tpu.memory_space<vmem>> -> memref<128xi32, #tpu.memory_space<vmem>>
      %dma_wait3A_223 = arith.constant 0 : i32
      %dma_wait3A_224 = arith.constant 0 : i32
      %dma_wait3A_225 = tpu.memref_slice %arg10[%dma_wait3A_223, %dma_wait3A_224] : memref<10112x64xf32, #tpu.memory_space<vmem_shared>> -> memref<10112x64xf32, #tpu.memory_space<vmem_shared>>
      tpu.wait_indirect_dma semaphore(%run_scoped3A_205 : memref<!tpu.dma_semaphore, #tpu.memory_space<semaphore_mem>>) src(%dma_wait3A_219 : memref<128x64xf32, #tpu.memory_space<vmem>>) dst(%dma_wait3A_225 : memref<10112x64xf32, #tpu.memory_space<vmem_shared>>)
      tpu.yield
    }) : () -> ()
    %dma_wait3A_130 = arith.constant 74 : i32
    %dma_wait3A_131 = arith.constant 2 : i32
    %dma_wait3A_132 = arith.constant 0 : i32
    %dma_wait3A_133 = arith.constant 0 : i32
    %dma_wait3A_134 = tpu.memref_slice %arg9[%dma_wait3A_131, %dma_wait3A_132, %dma_wait3A_133] : memref<8x128x64xf32, #tpu.memory_space<vmem>> -> memref<1x128x64xf32, #tpu.memory_space<vmem>>
    %dma_wait3A_135 = tpu.memref_squeeze %dma_wait3A_134 : memref<1x128x64xf32, #tpu.memory_space<vmem>> -> memref<128x64xf32, #tpu.memory_space<vmem>>
    %dma_wait3A_136 = arith.constant 0 : i32
    %dma_wait3A_137 = tpu.memref_slice %arg7[%dma_wait3A_130, %dma_wait3A_136] : memref<79x128xi32, #tpu.memory_space<vmem>> -> memref<1x128xi32, #tpu.memory_space<vmem>>
    %dma_wait3A_138 = tpu.memref_squeeze %dma_wait3A_137 : memref<1x128xi32, #tpu.memory_space<vmem>> -> memref<128xi32, #tpu.memory_space<vmem>>
    %dma_wait3A_139 = arith.constant 0 : i32
    %dma_wait3A_140 = arith.constant 0 : i32
    %dma_wait3A_141 = tpu.memref_slice %arg2[%dma_wait3A_139, %dma_wait3A_140] : memref<10000x64xf32, #tpu.memory_space<hbm>> -> memref<10000x64xf32, #tpu.memory_space<hbm>>
    tpu.wait_indirect_dma semaphore(%arg13 : memref<!tpu.dma_semaphore, #tpu.memory_space<semaphore_mem>>) src(%dma_wait3A_141 : memref<10000x64xf32, #tpu.memory_space<hbm>>) dst(%dma_wait3A_135 : memref<128x64xf32, #tpu.memory_space<vmem>>)
    %run_scoped3A_142 = arith.constant 2 : i32
    %run_scoped3A_143 = arith.constant 74 : i32
    "tpu.region"() ({
      %run_scoped3A_205 = tpu.sem_alloc : memref<!tpu.dma_semaphore, #tpu.memory_space<semaphore_mem>>
      %dma_start3A_206 = arith.constant 0 : i32
      %dma_start3A_207 = arith.constant 0 : i32
      %dma_start3A_208 = tpu.memref_slice %arg9[%run_scoped3A_142, %dma_start3A_206, %dma_start3A_207] : memref<8x128x64xf32, #tpu.memory_space<vmem>> -> memref<1x128x64xf32, #tpu.memory_space<vmem>>
      %dma_start3A_209 = tpu.memref_squeeze %dma_start3A_208 : memref<1x128x64xf32, #tpu.memory_space<vmem>> -> memref<128x64xf32, #tpu.memory_space<vmem>>
      %dma_start3A_210 = arith.constant 0 : i32
      %dma_start3A_211 = tpu.memref_slice %arg8[%run_scoped3A_143, %dma_start3A_210] : memref<79x128xi32, #tpu.memory_space<vmem>> -> memref<1x128xi32, #tpu.memory_space<vmem>>
      %dma_start3A_212 = tpu.memref_squeeze %dma_start3A_211 : memref<1x128xi32, #tpu.memory_space<vmem>> -> memref<128xi32, #tpu.memory_space<vmem>>
      %dma_start3A_213 = arith.constant 0 : i32
      %dma_start3A_214 = arith.constant 0 : i32
      %dma_start3A_215 = tpu.memref_slice %arg10[%dma_start3A_213, %dma_start3A_214] : memref<10112x64xf32, #tpu.memory_space<vmem_shared>> -> memref<10112x64xf32, #tpu.memory_space<vmem_shared>>
      tpu.enqueue_indirect_dma source(%dma_start3A_209 : memref<128x64xf32, #tpu.memory_space<vmem>>) target(%dma_start3A_215 : memref<10112x64xf32, #tpu.memory_space<vmem_shared>>) offsets(%dma_start3A_212 : memref<128xi32, #tpu.memory_space<vmem>>) semaphore(%run_scoped3A_205 : memref<!tpu.dma_semaphore, #tpu.memory_space<semaphore_mem>>) {add = true}
      %dma_wait3A_216 = arith.constant 0 : i32
      %dma_wait3A_217 = arith.constant 0 : i32
      %dma_wait3A_218 = tpu.memref_slice %arg9[%run_scoped3A_142, %dma_wait3A_216, %dma_wait3A_217] : memref<8x128x64xf32, #tpu.memory_space<vmem>> -> memref<1x128x64xf32, #tpu.memory_space<vmem>>
      %dma_wait3A_219 = tpu.memref_squeeze %dma_wait3A_218 : memref<1x128x64xf32, #tpu.memory_space<vmem>> -> memref<128x64xf32, #tpu.memory_space<vmem>>
      %dma_wait3A_220 = arith.constant 0 : i32
      %dma_wait3A_221 = tpu.memref_slice %arg8[%run_scoped3A_143, %dma_wait3A_220] : memref<79x128xi32, #tpu.memory_space<vmem>> -> memref<1x128xi32, #tpu.memory_space<vmem>>
      %dma_wait3A_222 = tpu.memref_squeeze %dma_wait3A_221 : memref<1x128xi32, #tpu.memory_space<vmem>> -> memref<128xi32, #tpu.memory_space<vmem>>
      %dma_wait3A_223 = arith.constant 0 : i32
      %dma_wait3A_224 = arith.constant 0 : i32
      %dma_wait3A_225 = tpu.memref_slice %arg10[%dma_wait3A_223, %dma_wait3A_224] : memref<10112x64xf32, #tpu.memory_space<vmem_shared>> -> memref<10112x64xf32, #tpu.memory_space<vmem_shared>>
      tpu.wait_indirect_dma semaphore(%run_scoped3A_205 : memref<!tpu.dma_semaphore, #tpu.memory_space<semaphore_mem>>) src(%dma_wait3A_219 : memref<128x64xf32, #tpu.memory_space<vmem>>) dst(%dma_wait3A_225 : memref<10112x64xf32, #tpu.memory_space<vmem_shared>>)
      tpu.yield
    }) : () -> ()
    %dma_wait3A_144 = arith.constant 75 : i32
    %dma_wait3A_145 = arith.constant 3 : i32
    %dma_wait3A_146 = arith.constant 0 : i32
    %dma_wait3A_147 = arith.constant 0 : i32
    %dma_wait3A_148 = tpu.memref_slice %arg9[%dma_wait3A_145, %dma_wait3A_146, %dma_wait3A_147] : memref<8x128x64xf32, #tpu.memory_space<vmem>> -> memref<1x128x64xf32, #tpu.memory_space<vmem>>
    %dma_wait3A_149 = tpu.memref_squeeze %dma_wait3A_148 : memref<1x128x64xf32, #tpu.memory_space<vmem>> -> memref<128x64xf32, #tpu.memory_space<vmem>>
    %dma_wait3A_150 = arith.constant 0 : i32
    %dma_wait3A_151 = tpu.memref_slice %arg7[%dma_wait3A_144, %dma_wait3A_150] : memref<79x128xi32, #tpu.memory_space<vmem>> -> memref<1x128xi32, #tpu.memory_space<vmem>>
    %dma_wait3A_152 = tpu.memref_squeeze %dma_wait3A_151 : memref<1x128xi32, #tpu.memory_space<vmem>> -> memref<128xi32, #tpu.memory_space<vmem>>
    %dma_wait3A_153 = arith.constant 0 : i32
    %dma_wait3A_154 = arith.constant 0 : i32
    %dma_wait3A_155 = tpu.memref_slice %arg2[%dma_wait3A_153, %dma_wait3A_154] : memref<10000x64xf32, #tpu.memory_space<hbm>> -> memref<10000x64xf32, #tpu.memory_space<hbm>>
    tpu.wait_indirect_dma semaphore(%arg14 : memref<!tpu.dma_semaphore, #tpu.memory_space<semaphore_mem>>) src(%dma_wait3A_155 : memref<10000x64xf32, #tpu.memory_space<hbm>>) dst(%dma_wait3A_149 : memref<128x64xf32, #tpu.memory_space<vmem>>)
    %run_scoped3A_156 = arith.constant 3 : i32
    %run_scoped3A_157 = arith.constant 75 : i32
    "tpu.region"() ({
      %run_scoped3A_205 = tpu.sem_alloc : memref<!tpu.dma_semaphore, #tpu.memory_space<semaphore_mem>>
      %dma_start3A_206 = arith.constant 0 : i32
      %dma_start3A_207 = arith.constant 0 : i32
      %dma_start3A_208 = tpu.memref_slice %arg9[%run_scoped3A_156, %dma_start3A_206, %dma_start3A_207] : memref<8x128x64xf32, #tpu.memory_space<vmem>> -> memref<1x128x64xf32, #tpu.memory_space<vmem>>
      %dma_start3A_209 = tpu.memref_squeeze %dma_start3A_208 : memref<1x128x64xf32, #tpu.memory_space<vmem>> -> memref<128x64xf32, #tpu.memory_space<vmem>>
      %dma_start3A_210 = arith.constant 0 : i32
      %dma_start3A_211 = tpu.memref_slice %arg8[%run_scoped3A_157, %dma_start3A_210] : memref<79x128xi32, #tpu.memory_space<vmem>> -> memref<1x128xi32, #tpu.memory_space<vmem>>
      %dma_start3A_212 = tpu.memref_squeeze %dma_start3A_211 : memref<1x128xi32, #tpu.memory_space<vmem>> -> memref<128xi32, #tpu.memory_space<vmem>>
      %dma_start3A_213 = arith.constant 0 : i32
      %dma_start3A_214 = arith.constant 0 : i32
      %dma_start3A_215 = tpu.memref_slice %arg10[%dma_start3A_213, %dma_start3A_214] : memref<10112x64xf32, #tpu.memory_space<vmem_shared>> -> memref<10112x64xf32, #tpu.memory_space<vmem_shared>>
      tpu.enqueue_indirect_dma source(%dma_start3A_209 : memref<128x64xf32, #tpu.memory_space<vmem>>) target(%dma_start3A_215 : memref<10112x64xf32, #tpu.memory_space<vmem_shared>>) offsets(%dma_start3A_212 : memref<128xi32, #tpu.memory_space<vmem>>) semaphore(%run_scoped3A_205 : memref<!tpu.dma_semaphore, #tpu.memory_space<semaphore_mem>>) {add = true}
      %dma_wait3A_216 = arith.constant 0 : i32
      %dma_wait3A_217 = arith.constant 0 : i32
      %dma_wait3A_218 = tpu.memref_slice %arg9[%run_scoped3A_156, %dma_wait3A_216, %dma_wait3A_217] : memref<8x128x64xf32, #tpu.memory_space<vmem>> -> memref<1x128x64xf32, #tpu.memory_space<vmem>>
      %dma_wait3A_219 = tpu.memref_squeeze %dma_wait3A_218 : memref<1x128x64xf32, #tpu.memory_space<vmem>> -> memref<128x64xf32, #tpu.memory_space<vmem>>
      %dma_wait3A_220 = arith.constant 0 : i32
      %dma_wait3A_221 = tpu.memref_slice %arg8[%run_scoped3A_157, %dma_wait3A_220] : memref<79x128xi32, #tpu.memory_space<vmem>> -> memref<1x128xi32, #tpu.memory_space<vmem>>
      %dma_wait3A_222 = tpu.memref_squeeze %dma_wait3A_221 : memref<1x128xi32, #tpu.memory_space<vmem>> -> memref<128xi32, #tpu.memory_space<vmem>>
      %dma_wait3A_223 = arith.constant 0 : i32
      %dma_wait3A_224 = arith.constant 0 : i32
      %dma_wait3A_225 = tpu.memref_slice %arg10[%dma_wait3A_223, %dma_wait3A_224] : memref<10112x64xf32, #tpu.memory_space<vmem_shared>> -> memref<10112x64xf32, #tpu.memory_space<vmem_shared>>
      tpu.wait_indirect_dma semaphore(%run_scoped3A_205 : memref<!tpu.dma_semaphore, #tpu.memory_space<semaphore_mem>>) src(%dma_wait3A_219 : memref<128x64xf32, #tpu.memory_space<vmem>>) dst(%dma_wait3A_225 : memref<10112x64xf32, #tpu.memory_space<vmem_shared>>)
      tpu.yield
    }) : () -> ()
    %dma_wait3A_158 = arith.constant 76 : i32
    %dma_wait3A_159 = arith.constant 4 : i32
    %dma_wait3A_160 = arith.constant 0 : i32
    %dma_wait3A_161 = arith.constant 0 : i32
    %dma_wait3A_162 = tpu.memref_slice %arg9[%dma_wait3A_159, %dma_wait3A_160, %dma_wait3A_161] : memref<8x128x64xf32, #tpu.memory_space<vmem>> -> memref<1x128x64xf32, #tpu.memory_space<vmem>>
    %dma_wait3A_163 = tpu.memref_squeeze %dma_wait3A_162 : memref<1x128x64xf32, #tpu.memory_space<vmem>> -> memref<128x64xf32, #tpu.memory_space<vmem>>
    %dma_wait3A_164 = arith.constant 0 : i32
    %dma_wait3A_165 = tpu.memref_slice %arg7[%dma_wait3A_158, %dma_wait3A_164] : memref<79x128xi32, #tpu.memory_space<vmem>> -> memref<1x128xi32, #tpu.memory_space<vmem>>
    %dma_wait3A_166 = tpu.memref_squeeze %dma_wait3A_165 : memref<1x128xi32, #tpu.memory_space<vmem>> -> memref<128xi32, #tpu.memory_space<vmem>>
    %dma_wait3A_167 = arith.constant 0 : i32
    %dma_wait3A_168 = arith.constant 0 : i32
    %dma_wait3A_169 = tpu.memref_slice %arg2[%dma_wait3A_167, %dma_wait3A_168] : memref<10000x64xf32, #tpu.memory_space<hbm>> -> memref<10000x64xf32, #tpu.memory_space<hbm>>
    tpu.wait_indirect_dma semaphore(%arg15 : memref<!tpu.dma_semaphore, #tpu.memory_space<semaphore_mem>>) src(%dma_wait3A_169 : memref<10000x64xf32, #tpu.memory_space<hbm>>) dst(%dma_wait3A_163 : memref<128x64xf32, #tpu.memory_space<vmem>>)
    %run_scoped3A_170 = arith.constant 4 : i32
    %run_scoped3A_171 = arith.constant 76 : i32
    "tpu.region"() ({
      %run_scoped3A_205 = tpu.sem_alloc : memref<!tpu.dma_semaphore, #tpu.memory_space<semaphore_mem>>
      %dma_start3A_206 = arith.constant 0 : i32
      %dma_start3A_207 = arith.constant 0 : i32
      %dma_start3A_208 = tpu.memref_slice %arg9[%run_scoped3A_170, %dma_start3A_206, %dma_start3A_207] : memref<8x128x64xf32, #tpu.memory_space<vmem>> -> memref<1x128x64xf32, #tpu.memory_space<vmem>>
      %dma_start3A_209 = tpu.memref_squeeze %dma_start3A_208 : memref<1x128x64xf32, #tpu.memory_space<vmem>> -> memref<128x64xf32, #tpu.memory_space<vmem>>
      %dma_start3A_210 = arith.constant 0 : i32
      %dma_start3A_211 = tpu.memref_slice %arg8[%run_scoped3A_171, %dma_start3A_210] : memref<79x128xi32, #tpu.memory_space<vmem>> -> memref<1x128xi32, #tpu.memory_space<vmem>>
      %dma_start3A_212 = tpu.memref_squeeze %dma_start3A_211 : memref<1x128xi32, #tpu.memory_space<vmem>> -> memref<128xi32, #tpu.memory_space<vmem>>
      %dma_start3A_213 = arith.constant 0 : i32
      %dma_start3A_214 = arith.constant 0 : i32
      %dma_start3A_215 = tpu.memref_slice %arg10[%dma_start3A_213, %dma_start3A_214] : memref<10112x64xf32, #tpu.memory_space<vmem_shared>> -> memref<10112x64xf32, #tpu.memory_space<vmem_shared>>
      tpu.enqueue_indirect_dma source(%dma_start3A_209 : memref<128x64xf32, #tpu.memory_space<vmem>>) target(%dma_start3A_215 : memref<10112x64xf32, #tpu.memory_space<vmem_shared>>) offsets(%dma_start3A_212 : memref<128xi32, #tpu.memory_space<vmem>>) semaphore(%run_scoped3A_205 : memref<!tpu.dma_semaphore, #tpu.memory_space<semaphore_mem>>) {add = true}
      %dma_wait3A_216 = arith.constant 0 : i32
      %dma_wait3A_217 = arith.constant 0 : i32
      %dma_wait3A_218 = tpu.memref_slice %arg9[%run_scoped3A_170, %dma_wait3A_216, %dma_wait3A_217] : memref<8x128x64xf32, #tpu.memory_space<vmem>> -> memref<1x128x64xf32, #tpu.memory_space<vmem>>
      %dma_wait3A_219 = tpu.memref_squeeze %dma_wait3A_218 : memref<1x128x64xf32, #tpu.memory_space<vmem>> -> memref<128x64xf32, #tpu.memory_space<vmem>>
      %dma_wait3A_220 = arith.constant 0 : i32
      %dma_wait3A_221 = tpu.memref_slice %arg8[%run_scoped3A_171, %dma_wait3A_220] : memref<79x128xi32, #tpu.memory_space<vmem>> -> memref<1x128xi32, #tpu.memory_space<vmem>>
      %dma_wait3A_222 = tpu.memref_squeeze %dma_wait3A_221 : memref<1x128xi32, #tpu.memory_space<vmem>> -> memref<128xi32, #tpu.memory_space<vmem>>
      %dma_wait3A_223 = arith.constant 0 : i32
      %dma_wait3A_224 = arith.constant 0 : i32
      %dma_wait3A_225 = tpu.memref_slice %arg10[%dma_wait3A_223, %dma_wait3A_224] : memref<10112x64xf32, #tpu.memory_space<vmem_shared>> -> memref<10112x64xf32, #tpu.memory_space<vmem_shared>>
      tpu.wait_indirect_dma semaphore(%run_scoped3A_205 : memref<!tpu.dma_semaphore, #tpu.memory_space<semaphore_mem>>) src(%dma_wait3A_219 : memref<128x64xf32, #tpu.memory_space<vmem>>) dst(%dma_wait3A_225 : memref<10112x64xf32, #tpu.memory_space<vmem_shared>>)
      tpu.yield
    }) : () -> ()
    %dma_wait3A_172 = arith.constant 77 : i32
    %dma_wait3A_173 = arith.constant 5 : i32
    %dma_wait3A_174 = arith.constant 0 : i32
    %dma_wait3A_175 = arith.constant 0 : i32
    %dma_wait3A_176 = tpu.memref_slice %arg9[%dma_wait3A_173, %dma_wait3A_174, %dma_wait3A_175] : memref<8x128x64xf32, #tpu.memory_space<vmem>> -> memref<1x128x64xf32, #tpu.memory_space<vmem>>
    %dma_wait3A_177 = tpu.memref_squeeze %dma_wait3A_176 : memref<1x128x64xf32, #tpu.memory_space<vmem>> -> memref<128x64xf32, #tpu.memory_space<vmem>>
    %dma_wait3A_178 = arith.constant 0 : i32
    %dma_wait3A_179 = tpu.memref_slice %arg7[%dma_wait3A_172, %dma_wait3A_178] : memref<79x128xi32, #tpu.memory_space<vmem>> -> memref<1x128xi32, #tpu.memory_space<vmem>>
    %dma_wait3A_180 = tpu.memref_squeeze %dma_wait3A_179 : memref<1x128xi32, #tpu.memory_space<vmem>> -> memref<128xi32, #tpu.memory_space<vmem>>
    %dma_wait3A_181 = arith.constant 0 : i32
    %dma_wait3A_182 = arith.constant 0 : i32
    %dma_wait3A_183 = tpu.memref_slice %arg2[%dma_wait3A_181, %dma_wait3A_182] : memref<10000x64xf32, #tpu.memory_space<hbm>> -> memref<10000x64xf32, #tpu.memory_space<hbm>>
    tpu.wait_indirect_dma semaphore(%arg16 : memref<!tpu.dma_semaphore, #tpu.memory_space<semaphore_mem>>) src(%dma_wait3A_183 : memref<10000x64xf32, #tpu.memory_space<hbm>>) dst(%dma_wait3A_177 : memref<128x64xf32, #tpu.memory_space<vmem>>)
    %run_scoped3A_184 = arith.constant 5 : i32
    %run_scoped3A_185 = arith.constant 77 : i32
    "tpu.region"() ({
      %run_scoped3A_205 = tpu.sem_alloc : memref<!tpu.dma_semaphore, #tpu.memory_space<semaphore_mem>>
      %dma_start3A_206 = arith.constant 0 : i32
      %dma_start3A_207 = arith.constant 0 : i32
      %dma_start3A_208 = tpu.memref_slice %arg9[%run_scoped3A_184, %dma_start3A_206, %dma_start3A_207] : memref<8x128x64xf32, #tpu.memory_space<vmem>> -> memref<1x128x64xf32, #tpu.memory_space<vmem>>
      %dma_start3A_209 = tpu.memref_squeeze %dma_start3A_208 : memref<1x128x64xf32, #tpu.memory_space<vmem>> -> memref<128x64xf32, #tpu.memory_space<vmem>>
      %dma_start3A_210 = arith.constant 0 : i32
      %dma_start3A_211 = tpu.memref_slice %arg8[%run_scoped3A_185, %dma_start3A_210] : memref<79x128xi32, #tpu.memory_space<vmem>> -> memref<1x128xi32, #tpu.memory_space<vmem>>
      %dma_start3A_212 = tpu.memref_squeeze %dma_start3A_211 : memref<1x128xi32, #tpu.memory_space<vmem>> -> memref<128xi32, #tpu.memory_space<vmem>>
      %dma_start3A_213 = arith.constant 0 : i32
      %dma_start3A_214 = arith.constant 0 : i32
      %dma_start3A_215 = tpu.memref_slice %arg10[%dma_start3A_213, %dma_start3A_214] : memref<10112x64xf32, #tpu.memory_space<vmem_shared>> -> memref<10112x64xf32, #tpu.memory_space<vmem_shared>>
      tpu.enqueue_indirect_dma source(%dma_start3A_209 : memref<128x64xf32, #tpu.memory_space<vmem>>) target(%dma_start3A_215 : memref<10112x64xf32, #tpu.memory_space<vmem_shared>>) offsets(%dma_start3A_212 : memref<128xi32, #tpu.memory_space<vmem>>) semaphore(%run_scoped3A_205 : memref<!tpu.dma_semaphore, #tpu.memory_space<semaphore_mem>>) {add = true}
      %dma_wait3A_216 = arith.constant 0 : i32
      %dma_wait3A_217 = arith.constant 0 : i32
      %dma_wait3A_218 = tpu.memref_slice %arg9[%run_scoped3A_184, %dma_wait3A_216, %dma_wait3A_217] : memref<8x128x64xf32, #tpu.memory_space<vmem>> -> memref<1x128x64xf32, #tpu.memory_space<vmem>>
      %dma_wait3A_219 = tpu.memref_squeeze %dma_wait3A_218 : memref<1x128x64xf32, #tpu.memory_space<vmem>> -> memref<128x64xf32, #tpu.memory_space<vmem>>
      %dma_wait3A_220 = arith.constant 0 : i32
      %dma_wait3A_221 = tpu.memref_slice %arg8[%run_scoped3A_185, %dma_wait3A_220] : memref<79x128xi32, #tpu.memory_space<vmem>> -> memref<1x128xi32, #tpu.memory_space<vmem>>
      %dma_wait3A_222 = tpu.memref_squeeze %dma_wait3A_221 : memref<1x128xi32, #tpu.memory_space<vmem>> -> memref<128xi32, #tpu.memory_space<vmem>>
      %dma_wait3A_223 = arith.constant 0 : i32
      %dma_wait3A_224 = arith.constant 0 : i32
      %dma_wait3A_225 = tpu.memref_slice %arg10[%dma_wait3A_223, %dma_wait3A_224] : memref<10112x64xf32, #tpu.memory_space<vmem_shared>> -> memref<10112x64xf32, #tpu.memory_space<vmem_shared>>
      tpu.wait_indirect_dma semaphore(%run_scoped3A_205 : memref<!tpu.dma_semaphore, #tpu.memory_space<semaphore_mem>>) src(%dma_wait3A_219 : memref<128x64xf32, #tpu.memory_space<vmem>>) dst(%dma_wait3A_225 : memref<10112x64xf32, #tpu.memory_space<vmem_shared>>)
      tpu.yield
    }) : () -> ()
    %dma_wait3A_186 = arith.constant 78 : i32
    %dma_wait3A_187 = arith.constant 6 : i32
    %dma_wait3A_188 = arith.constant 0 : i32
    %dma_wait3A_189 = arith.constant 0 : i32
    %dma_wait3A_190 = tpu.memref_slice %arg9[%dma_wait3A_187, %dma_wait3A_188, %dma_wait3A_189] : memref<8x128x64xf32, #tpu.memory_space<vmem>> -> memref<1x128x64xf32, #tpu.memory_space<vmem>>
    %dma_wait3A_191 = tpu.memref_squeeze %dma_wait3A_190 : memref<1x128x64xf32, #tpu.memory_space<vmem>> -> memref<128x64xf32, #tpu.memory_space<vmem>>
    %dma_wait3A_192 = arith.constant 0 : i32
    %dma_wait3A_193 = tpu.memref_slice %arg7[%dma_wait3A_186, %dma_wait3A_192] : memref<79x128xi32, #tpu.memory_space<vmem>> -> memref<1x128xi32, #tpu.memory_space<vmem>>
    %dma_wait3A_194 = tpu.memref_squeeze %dma_wait3A_193 : memref<1x128xi32, #tpu.memory_space<vmem>> -> memref<128xi32, #tpu.memory_space<vmem>>
    %dma_wait3A_195 = arith.constant 0 : i32
    %dma_wait3A_196 = arith.constant 0 : i32
    %dma_wait3A_197 = tpu.memref_slice %arg2[%dma_wait3A_195, %dma_wait3A_196] : memref<10000x64xf32, #tpu.memory_space<hbm>> -> memref<10000x64xf32, #tpu.memory_space<hbm>>
    tpu.wait_indirect_dma semaphore(%arg17 : memref<!tpu.dma_semaphore, #tpu.memory_space<semaphore_mem>>) src(%dma_wait3A_197 : memref<10000x64xf32, #tpu.memory_space<hbm>>) dst(%dma_wait3A_191 : memref<128x64xf32, #tpu.memory_space<vmem>>)
    %run_scoped3A_198 = arith.constant 6 : i32
    %run_scoped3A_199 = arith.constant 78 : i32
    "tpu.region"() ({
      %run_scoped3A_205 = tpu.sem_alloc : memref<!tpu.dma_semaphore, #tpu.memory_space<semaphore_mem>>
      %dma_start3A_206 = arith.constant 0 : i32
      %dma_start3A_207 = arith.constant 0 : i32
      %dma_start3A_208 = tpu.memref_slice %arg9[%run_scoped3A_198, %dma_start3A_206, %dma_start3A_207] : memref<8x128x64xf32, #tpu.memory_space<vmem>> -> memref<1x128x64xf32, #tpu.memory_space<vmem>>
      %dma_start3A_209 = tpu.memref_squeeze %dma_start3A_208 : memref<1x128x64xf32, #tpu.memory_space<vmem>> -> memref<128x64xf32, #tpu.memory_space<vmem>>
      %dma_start3A_210 = arith.constant 0 : i32
      %dma_start3A_211 = tpu.memref_slice %arg8[%run_scoped3A_199, %dma_start3A_210] : memref<79x128xi32, #tpu.memory_space<vmem>> -> memref<1x128xi32, #tpu.memory_space<vmem>>
      %dma_start3A_212 = tpu.memref_squeeze %dma_start3A_211 : memref<1x128xi32, #tpu.memory_space<vmem>> -> memref<128xi32, #tpu.memory_space<vmem>>
      %dma_start3A_213 = arith.constant 0 : i32
      %dma_start3A_214 = arith.constant 0 : i32
      %dma_start3A_215 = tpu.memref_slice %arg10[%dma_start3A_213, %dma_start3A_214] : memref<10112x64xf32, #tpu.memory_space<vmem_shared>> -> memref<10112x64xf32, #tpu.memory_space<vmem_shared>>
      tpu.enqueue_indirect_dma source(%dma_start3A_209 : memref<128x64xf32, #tpu.memory_space<vmem>>) target(%dma_start3A_215 : memref<10112x64xf32, #tpu.memory_space<vmem_shared>>) offsets(%dma_start3A_212 : memref<128xi32, #tpu.memory_space<vmem>>) semaphore(%run_scoped3A_205 : memref<!tpu.dma_semaphore, #tpu.memory_space<semaphore_mem>>) {add = true}
      %dma_wait3A_216 = arith.constant 0 : i32
      %dma_wait3A_217 = arith.constant 0 : i32
      %dma_wait3A_218 = tpu.memref_slice %arg9[%run_scoped3A_198, %dma_wait3A_216, %dma_wait3A_217] : memref<8x128x64xf32, #tpu.memory_space<vmem>> -> memref<1x128x64xf32, #tpu.memory_space<vmem>>
      %dma_wait3A_219 = tpu.memref_squeeze %dma_wait3A_218 : memref<1x128x64xf32, #tpu.memory_space<vmem>> -> memref<128x64xf32, #tpu.memory_space<vmem>>
      %dma_wait3A_220 = arith.constant 0 : i32
      %dma_wait3A_221 = tpu.memref_slice %arg8[%run_scoped3A_199, %dma_wait3A_220] : memref<79x128xi32, #tpu.memory_space<vmem>> -> memref<1x128xi32, #tpu.memory_space<vmem>>
      %dma_wait3A_222 = tpu.memref_squeeze %dma_wait3A_221 : memref<1x128xi32, #tpu.memory_space<vmem>> -> memref<128xi32, #tpu.memory_space<vmem>>
      %dma_wait3A_223 = arith.constant 0 : i32
      %dma_wait3A_224 = arith.constant 0 : i32
      %dma_wait3A_225 = tpu.memref_slice %arg10[%dma_wait3A_223, %dma_wait3A_224] : memref<10112x64xf32, #tpu.memory_space<vmem_shared>> -> memref<10112x64xf32, #tpu.memory_space<vmem_shared>>
      tpu.wait_indirect_dma semaphore(%run_scoped3A_205 : memref<!tpu.dma_semaphore, #tpu.memory_space<semaphore_mem>>) src(%dma_wait3A_219 : memref<128x64xf32, #tpu.memory_space<vmem>>) dst(%dma_wait3A_225 : memref<10112x64xf32, #tpu.memory_space<vmem_shared>>)
      tpu.yield
    }) : () -> ()
    %barrier3A_200 = arith.constant 0 : index
    tpu.barrier barrier_id(%barrier3A_200)
    %mul3A_201 = arith.constant 632 : i32
    %mul3A_202 = arith.muli %arg1, %mul3A_201 : i32
    %mul3A_203 = arith.constant 632 : i32
    %mul3A_204 = arith.muli %arg1, %mul3A_203 : i32
    "tpu.region"() ({
      %run_scoped3A_205 = tpu.sem_alloc : memref<!tpu.dma_semaphore, #tpu.memory_space<semaphore_mem>>
      %dma_start3A_206 = arith.constant 0 : i32
      %dma_start3A_207 = tpu.memref_slice %arg6[%arg0, %mul3A_204, %dma_start3A_206] : memref<2x10112x64xf32, #tpu.memory_space<hbm>> -> memref<1x632x64xf32, #tpu.memory_space<hbm>>
      %dma_start3A_208 = tpu.memref_squeeze %dma_start3A_207 : memref<1x632x64xf32, #tpu.memory_space<hbm>> -> memref<632x64xf32, #tpu.memory_space<hbm>>
      %dma_start3A_209 = arith.constant 0 : i32
      %dma_start3A_210 = tpu.memref_slice %arg10[%mul3A_202, %dma_start3A_209] : memref<10112x64xf32, #tpu.memory_space<vmem_shared>> -> memref<632x64xf32, #tpu.memory_space<vmem_shared>>
      tpu.enqueue_dma source(%dma_start3A_210 : memref<632x64xf32, #tpu.memory_space<vmem_shared>>) target(%dma_start3A_208 : memref<632x64xf32, #tpu.memory_space<hbm>>) target_semaphore(%run_scoped3A_205 : memref<!tpu.dma_semaphore, #tpu.memory_space<semaphore_mem>>)
      %dma_wait3A_211 = arith.constant 0 : i32
      %dma_wait3A_212 = tpu.memref_slice %arg6[%arg0, %mul3A_204, %dma_wait3A_211] : memref<2x10112x64xf32, #tpu.memory_space<hbm>> -> memref<1x632x64xf32, #tpu.memory_space<hbm>>
      %dma_wait3A_213 = tpu.memref_squeeze %dma_wait3A_212 : memref<1x632x64xf32, #tpu.memory_space<hbm>> -> memref<632x64xf32, #tpu.memory_space<hbm>>
      %dma_wait3A_214 = arith.constant 0 : i32
      %dma_wait3A_215 = tpu.memref_slice %arg10[%mul3A_202, %dma_wait3A_214] : memref<10112x64xf32, #tpu.memory_space<vmem_shared>> -> memref<632x64xf32, #tpu.memory_space<vmem_shared>>
      tpu.wait_dma2 semaphore(%run_scoped3A_205 : memref<!tpu.dma_semaphore, #tpu.memory_space<semaphore_mem>>) src(%dma_wait3A_215 : memref<632x64xf32, #tpu.memory_space<vmem_shared>>) dst(%dma_wait3A_213 : memref<632x64xf32, #tpu.memory_space<hbm>>)
      tpu.yield
    }) : () -> ()
    return
  }
}

module attributes {stable_mosaic.version = 14 : i64} {
  func.func @_tc_norm_mm1_body(%arg0: i32, %arg1: memref<2x2x1000x8xf32, #tpu.memory_space<vmem>>, %arg2: memref<1000x128xf32, #tpu.memory_space<vmem>>, %arg3: memref<128x64xf32, #tpu.memory_space<vmem>>, %arg4: memref<1000x64xf32, #tpu.memory_space<vmem>>, %arg5: memref<1000x1xf32, #tpu.memory_space<vmem>>, %arg6: memref<1000x1xf32, #tpu.memory_space<vmem>>) attributes {dimension_semantics = [#tpu.dimension_semantics<arbitrary>], iteration_bounds = array<i64: 10>, scalar_prefetch = 0 : i64, scratch_operands = 0 : i64, tpu.core_type = #tpu.core_type<tc>, window_params = [{transform_indices = @transform_0, window_bounds = array<i64: 2, 2, 1000, 8>}, {transform_indices = @transform_1, window_bounds = array<i64: 1000, 128>}, {pipeline_mode = #tpu.pipeline_mode<synchronous>, transform_indices = @transform_2, window_bounds = array<i64: 128, 64>}, {transform_indices = @transform_3, window_bounds = array<i64: 1000, 64>}, {transform_indices = @transform_4, window_bounds = array<i64: 1000, 1>}, {transform_indices = @transform_5, window_bounds = array<i64: 1000, 1>}]} {
    %get3A = arith.constant 0 : index
    %get3A_0 = arith.constant 0 : index
    %get3A_1 = arith.constant 0 : index
    %get3A_2 = arith.constant 0 : index
    %get3A_3 = vector.load %arg1[%get3A, %get3A_0, %get3A_1, %get3A_2] : memref<2x2x1000x8xf32, #tpu.memory_space<vmem>>, vector<2x2x1000x8xf32>
    %slice3A = vector.extract_strided_slice %get3A_3 {offsets = [0, 0, 0, 0], sizes = [1, 1, 1000, 1], strides = [1, 1, 1, 1]} : vector<2x2x1000x8xf32> to vector<1x1x1000x1xf32>
    %squeeze3A = vector.shape_cast %slice3A : vector<1x1x1000x1xf32> to vector<1000x1xf32>
    %slice3A_4 = vector.extract_strided_slice %get3A_3 {offsets = [1, 0, 0, 0], sizes = [1, 1, 1000, 1], strides = [1, 1, 1, 1]} : vector<2x2x1000x8xf32> to vector<1x1x1000x1xf32>
    %squeeze3A_5 = vector.shape_cast %slice3A_4 : vector<1x1x1000x1xf32> to vector<1000x1xf32>
    %add3A = arith.addf %squeeze3A, %squeeze3A_5 : vector<1000x1xf32>
    %slice3A_6 = vector.extract_strided_slice %get3A_3 {offsets = [0, 1, 0, 0], sizes = [1, 1, 1000, 1], strides = [1, 1, 1, 1]} : vector<2x2x1000x8xf32> to vector<1x1x1000x1xf32>
    %squeeze3A_7 = vector.shape_cast %slice3A_6 : vector<1x1x1000x1xf32> to vector<1000x1xf32>
    %slice3A_8 = vector.extract_strided_slice %get3A_3 {offsets = [1, 1, 0, 0], sizes = [1, 1, 1000, 1], strides = [1, 1, 1, 1]} : vector<2x2x1000x8xf32> to vector<1x1x1000x1xf32>
    %squeeze3A_9 = vector.shape_cast %slice3A_8 : vector<1x1x1000x1xf32> to vector<1000x1xf32>
    %add3A_10 = arith.addf %squeeze3A_7, %squeeze3A_9 : vector<1000x1xf32>
    %max3A = arith.constant 1.000000e+00 : f32
    %max3A_11 = vector.broadcast %max3A : f32 to vector<1000x1xf32>
    %max3A_12 = arith.maximumf %add3A, %max3A_11 : vector<1000x1xf32>
    %rsqrt3A = math.rsqrt %max3A_12 : vector<1000x1xf32>
    %max3A_13 = arith.constant 1.000000e+00 : f32
    %max3A_14 = vector.broadcast %max3A_13 : f32 to vector<1000x1xf32>
    %max3A_15 = arith.maximumf %add3A_10, %max3A_14 : vector<1000x1xf32>
    %rsqrt3A_16 = math.rsqrt %max3A_15 : vector<1000x1xf32>
    %get3A_17 = arith.constant 0 : index
    %get3A_18 = arith.constant 0 : index
    %get3A_19 = vector.load %arg2[%get3A_17, %get3A_18] : memref<1000x128xf32, #tpu.memory_space<vmem>>, vector<1000x128xf32>
    %get3A_20 = arith.constant 0 : index
    %get3A_21 = arith.constant 0 : index
    %get3A_22 = vector.load %arg3[%get3A_20, %get3A_21] : memref<128x64xf32, #tpu.memory_space<vmem>>, vector<128x64xf32>
    %convert_element_type3A = arith.truncf %get3A_19 : vector<1000x128xf32> to vector<1000x128xbf16>
    %convert_element_type3A_23 = arith.extf %convert_element_type3A : vector<1000x128xbf16> to vector<1000x128xf32>
    %sub3A = arith.subf %get3A_19, %convert_element_type3A_23 : vector<1000x128xf32>
    %convert_element_type3A_24 = arith.truncf %sub3A : vector<1000x128xf32> to vector<1000x128xbf16>
    %convert_element_type3A_25 = arith.truncf %get3A_22 : vector<128x64xf32> to vector<128x64xbf16>
    %convert_element_type3A_26 = arith.extf %convert_element_type3A_25 : vector<128x64xbf16> to vector<128x64xf32>
    %sub3A_27 = arith.subf %get3A_22, %convert_element_type3A_26 : vector<128x64xf32>
    %convert_element_type3A_28 = arith.truncf %sub3A_27 : vector<128x64xf32> to vector<128x64xbf16>
    %dot_general3A = arith.constant dense<0.000000e+00> : vector<1000x64xf32>
    %dot_general3A_29 = tpu.matmul %convert_element_type3A, %convert_element_type3A_25, %dot_general3A {dimension_numbers = #tpu.dot_dimension_numbers<[1], [0], [0], [1], [0, 0, 1, 1], [], []>, transpose_lhs_hint = false} : vector<1000x128xbf16>, vector<128x64xbf16>, vector<1000x64xf32> -> vector<1000x64xf32>
    %dot_general3A_30 = arith.constant dense<0.000000e+00> : vector<1000x64xf32>
    %dot_general3A_31 = tpu.matmul %convert_element_type3A, %convert_element_type3A_28, %dot_general3A_30 {dimension_numbers = #tpu.dot_dimension_numbers<[1], [0], [0], [1], [0, 0, 1, 1], [], []>, transpose_lhs_hint = false} : vector<1000x128xbf16>, vector<128x64xbf16>, vector<1000x64xf32> -> vector<1000x64xf32>
    %add3A_32 = arith.addf %dot_general3A_29, %dot_general3A_31 : vector<1000x64xf32>
    %dot_general3A_33 = arith.constant dense<0.000000e+00> : vector<1000x64xf32>
    %dot_general3A_34 = tpu.matmul %convert_element_type3A_24, %convert_element_type3A_25, %dot_general3A_33 {dimension_numbers = #tpu.dot_dimension_numbers<[1], [0], [0], [1], [0, 0, 1, 1], [], []>, transpose_lhs_hint = false} : vector<1000x128xbf16>, vector<128x64xbf16>, vector<1000x64xf32> -> vector<1000x64xf32>
    %add3A_35 = arith.addf %add3A_32, %dot_general3A_34 : vector<1000x64xf32>
    %mul3A = vector.broadcast %rsqrt3A : vector<1000x1xf32> to vector<1000x64xf32>
    %mul3A_36 = arith.mulf %add3A_35, %mul3A : vector<1000x64xf32>
    %swap3A = arith.constant 0 : index
    %swap3A_37 = arith.constant 0 : index
    %swap3A_38 = vector.load %arg4[%swap3A, %swap3A_37] : memref<1000x64xf32, #tpu.memory_space<vmem>>, vector<1000x64xf32>
    tpu.vector_store %arg4[%swap3A, %swap3A_37], %mul3A_36 {strides = array<i32>} : memref<1000x64xf32, #tpu.memory_space<vmem>>, vector<1000x64xf32>,
    %swap3A_39 = arith.constant 0 : index
    %swap3A_40 = arith.constant 0 : index
    %swap3A_41 = vector.load %arg5[%swap3A_39, %swap3A_40] : memref<1000x1xf32, #tpu.memory_space<vmem>>, vector<1000x1xf32>
    tpu.vector_store %arg5[%swap3A_39, %swap3A_40], %rsqrt3A {strides = array<i32>} : memref<1000x1xf32, #tpu.memory_space<vmem>>, vector<1000x1xf32>,
    %swap3A_42 = arith.constant 0 : index
    %swap3A_43 = arith.constant 0 : index
    %swap3A_44 = vector.load %arg6[%swap3A_42, %swap3A_43] : memref<1000x1xf32, #tpu.memory_space<vmem>>, vector<1000x1xf32>
    tpu.vector_store %arg6[%swap3A_42, %swap3A_43], %rsqrt3A_16 {strides = array<i32>} : memref<1000x1xf32, #tpu.memory_space<vmem>>, vector<1000x1xf32>,
    return
  }
  func.func @transform_0(%arg0: i32) -> (i32, i32, i32, i32) {
    %c0_i32 = arith.constant 0 : i32
    %c0_i32_0 = arith.constant 0 : i32
    %c0_i32_1 = arith.constant 0 : i32
    %c0_i32_2 = arith.constant 0 : i32
    return %c0_i32, %c0_i32_0, %arg0, %c0_i32_1 : i32, i32, i32, i32
  }
  func.func @transform_1(%arg0: i32) -> (i32, i32) {
    %c0_i32 = arith.constant 0 : i32
    %c0_i32_0 = arith.constant 0 : i32
    return %arg0, %c0_i32 : i32, i32
  }
  func.func @transform_2(%arg0: i32) -> (i32, i32) {
    %c0_i32 = arith.constant 0 : i32
    %c0_i32_0 = arith.constant 0 : i32
    %c0_i32_1 = arith.constant 0 : i32
    return %c0_i32, %c0_i32_0 : i32, i32
  }
  func.func @transform_3(%arg0: i32) -> (i32, i32) {
    %c0_i32 = arith.constant 0 : i32
    %c0_i32_0 = arith.constant 0 : i32
    return %arg0, %c0_i32 : i32, i32
  }
  func.func @transform_4(%arg0: i32) -> (i32, i32) {
    %c0_i32 = arith.constant 0 : i32
    %c0_i32_0 = arith.constant 0 : i32
    return %arg0, %c0_i32 : i32, i32
  }
  func.func @transform_5(%arg0: i32) -> (i32, i32) {
    %c0_i32 = arith.constant 0 : i32
    %c0_i32_0 = arith.constant 0 : i32
    return %arg0, %c0_i32 : i32, i32
  }
}

module attributes {stable_mosaic.version = 14 : i64} {
  func.func @_tc_layer_body(%arg0: i32, %arg1: memref<2x1000x64xf32, #tpu.memory_space<vmem>>, %arg2: memref<1000x1xf32, #tpu.memory_space<vmem>>, %arg3: memref<1000x1xf32, #tpu.memory_space<vmem>>, %arg4: memref<64xf32, #tpu.memory_space<vmem>>, %arg5: memref<64x64xf32, #tpu.memory_space<vmem>>, %arg6: memref<1000x64xf32, #tpu.memory_space<vmem>>) attributes {dimension_semantics = [#tpu.dimension_semantics<arbitrary>], iteration_bounds = array<i64: 10>, scalar_prefetch = 0 : i64, scratch_operands = 0 : i64, tpu.core_type = #tpu.core_type<tc>, window_params = [{transform_indices = @transform_0, window_bounds = array<i64: 2, 1000, 64>}, {transform_indices = @transform_1, window_bounds = array<i64: 1000, 1>}, {transform_indices = @transform_2, window_bounds = array<i64: 1000, 1>}, {pipeline_mode = #tpu.pipeline_mode<synchronous>, transform_indices = @transform_3, window_bounds = array<i64: 64>}, {pipeline_mode = #tpu.pipeline_mode<synchronous>, transform_indices = @transform_4, window_bounds = array<i64: 64, 64>}, {transform_indices = @transform_5, window_bounds = array<i64: 1000, 64>}]} {
    %get3A = arith.constant 0 : index
    %get3A_0 = arith.constant 0 : index
    %get3A_1 = arith.constant 0 : index
    %get3A_2 = vector.load %arg1[%get3A, %get3A_0, %get3A_1] : memref<2x1000x64xf32, #tpu.memory_space<vmem>>, vector<1x1000x64xf32>
    %get3A_3 = vector.shape_cast %get3A_2 : vector<1x1000x64xf32> to vector<1000x64xf32>
    %get3A_4 = arith.constant 1 : index
    %get3A_5 = arith.constant 0 : index
    %get3A_6 = arith.constant 0 : index
    %get3A_7 = vector.load %arg1[%get3A_4, %get3A_5, %get3A_6] : memref<2x1000x64xf32, #tpu.memory_space<vmem>>, vector<1x1000x64xf32>
    %get3A_8 = vector.shape_cast %get3A_7 : vector<1x1000x64xf32> to vector<1000x64xf32>
    %add3A = arith.addf %get3A_3, %get3A_8 : vector<1000x64xf32>
    %get3A_9 = arith.constant 0 : index
    %get3A_10 = arith.constant 0 : index
    %get3A_11 = vector.load %arg2[%get3A_9, %get3A_10] : memref<1000x1xf32, #tpu.memory_space<vmem>>, vector<1000x1xf32>
    %mul3A = vector.broadcast %get3A_11 : vector<1000x1xf32> to vector<1000x64xf32>
    %mul3A_12 = arith.mulf %add3A, %mul3A : vector<1000x64xf32>
    %get3A_13 = arith.constant 0 : index
    %get3A_14 = vector.load %arg4[%get3A_13] : memref<64xf32, #tpu.memory_space<vmem>>, vector<64xf32>
    %broadcast_in_dim3A = vector.shape_cast %get3A_14 : vector<64xf32> to vector<1x64xf32>
    %add3A_15 = vector.broadcast %broadcast_in_dim3A : vector<1x64xf32> to vector<1000x64xf32>
    %add3A_16 = arith.addf %mul3A_12, %add3A_15 : vector<1000x64xf32>
    %max3A = arith.constant 0.000000e+00 : f32
    %max3A_17 = vector.broadcast %max3A : f32 to vector<1000x64xf32>
    %max3A_18 = arith.maximumf %add3A_16, %max3A_17 : vector<1000x64xf32>
    %get3A_19 = arith.constant 0 : index
    %get3A_20 = arith.constant 0 : index
    %get3A_21 = vector.load %arg5[%get3A_19, %get3A_20] : memref<64x64xf32, #tpu.memory_space<vmem>>, vector<64x64xf32>
    %convert_element_type3A = arith.truncf %max3A_18 : vector<1000x64xf32> to vector<1000x64xbf16>
    %convert_element_type3A_22 = arith.extf %convert_element_type3A : vector<1000x64xbf16> to vector<1000x64xf32>
    %sub3A = arith.subf %max3A_18, %convert_element_type3A_22 : vector<1000x64xf32>
    %convert_element_type3A_23 = arith.truncf %sub3A : vector<1000x64xf32> to vector<1000x64xbf16>
    %convert_element_type3A_24 = arith.truncf %get3A_21 : vector<64x64xf32> to vector<64x64xbf16>
    %convert_element_type3A_25 = arith.extf %convert_element_type3A_24 : vector<64x64xbf16> to vector<64x64xf32>
    %sub3A_26 = arith.subf %get3A_21, %convert_element_type3A_25 : vector<64x64xf32>
    %convert_element_type3A_27 = arith.truncf %sub3A_26 : vector<64x64xf32> to vector<64x64xbf16>
    %dot_general3A = arith.constant dense<0.000000e+00> : vector<1000x64xf32>
    %dot_general3A_28 = tpu.matmul %convert_element_type3A, %convert_element_type3A_24, %dot_general3A {dimension_numbers = #tpu.dot_dimension_numbers<[1], [0], [0], [1], [0, 0, 1, 1], [], []>, transpose_lhs_hint = false} : vector<1000x64xbf16>, vector<64x64xbf16>, vector<1000x64xf32> -> vector<1000x64xf32>
    %dot_general3A_29 = arith.constant dense<0.000000e+00> : vector<1000x64xf32>
    %dot_general3A_30 = tpu.matmul %convert_element_type3A, %convert_element_type3A_27, %dot_general3A_29 {dimension_numbers = #tpu.dot_dimension_numbers<[1], [0], [0], [1], [0, 0, 1, 1], [], []>, transpose_lhs_hint = false} : vector<1000x64xbf16>, vector<64x64xbf16>, vector<1000x64xf32> -> vector<1000x64xf32>
    %add3A_31 = arith.addf %dot_general3A_28, %dot_general3A_30 : vector<1000x64xf32>
    %dot_general3A_32 = arith.constant dense<0.000000e+00> : vector<1000x64xf32>
    %dot_general3A_33 = tpu.matmul %convert_element_type3A_23, %convert_element_type3A_24, %dot_general3A_32 {dimension_numbers = #tpu.dot_dimension_numbers<[1], [0], [0], [1], [0, 0, 1, 1], [], []>, transpose_lhs_hint = false} : vector<1000x64xbf16>, vector<64x64xbf16>, vector<1000x64xf32> -> vector<1000x64xf32>
    %add3A_34 = arith.addf %add3A_31, %dot_general3A_33 : vector<1000x64xf32>
    %get3A_35 = arith.constant 0 : index
    %get3A_36 = arith.constant 0 : index
    %get3A_37 = vector.load %arg3[%get3A_35, %get3A_36] : memref<1000x1xf32, #tpu.memory_space<vmem>>, vector<1000x1xf32>
    %mul3A_38 = vector.broadcast %get3A_37 : vector<1000x1xf32> to vector<1000x64xf32>
    %mul3A_39 = arith.mulf %add3A_34, %mul3A_38 : vector<1000x64xf32>
    %swap3A = arith.constant 0 : index
    %swap3A_40 = arith.constant 0 : index
    %swap3A_41 = vector.load %arg6[%swap3A, %swap3A_40] : memref<1000x64xf32, #tpu.memory_space<vmem>>, vector<1000x64xf32>
    tpu.vector_store %arg6[%swap3A, %swap3A_40], %mul3A_39 {strides = array<i32>} : memref<1000x64xf32, #tpu.memory_space<vmem>>, vector<1000x64xf32>,
    return
  }
  func.func @transform_0(%arg0: i32) -> (i32, i32, i32) {
    %c0_i32 = arith.constant 0 : i32
    %c0_i32_0 = arith.constant 0 : i32
    %c0_i32_1 = arith.constant 0 : i32
    return %c0_i32, %arg0, %c0_i32_0 : i32, i32, i32
  }
  func.func @transform_1(%arg0: i32) -> (i32, i32) {
    %c0_i32 = arith.constant 0 : i32
    %c0_i32_0 = arith.constant 0 : i32
    return %arg0, %c0_i32 : i32, i32
  }
  func.func @transform_2(%arg0: i32) -> (i32, i32) {
    %c0_i32 = arith.constant 0 : i32
    %c0_i32_0 = arith.constant 0 : i32
    return %arg0, %c0_i32 : i32, i32
  }
  func.func @transform_3(%arg0: i32) -> i32 {
    %c0_i32 = arith.constant 0 : i32
    %c0_i32_0 = arith.constant 0 : i32
    return %c0_i32 : i32
  }
  func.func @transform_4(%arg0: i32) -> (i32, i32) {
    %c0_i32 = arith.constant 0 : i32
    %c0_i32_0 = arith.constant 0 : i32
    %c0_i32_1 = arith.constant 0 : i32
    return %c0_i32, %c0_i32_0 : i32, i32
  }
  func.func @transform_5(%arg0: i32) -> (i32, i32) {
    %c0_i32 = arith.constant 0 : i32
    %c0_i32_0 = arith.constant 0 : i32
    return %arg0, %c0_i32 : i32, i32
  }
}

module attributes {stable_mosaic.version = 14 : i64} {
  func.func @_tc_head_body(%arg0: memref<2x10112x64xf32, #tpu.memory_space<vmem>>, %arg1: memref<10000x1xf32, #tpu.memory_space<vmem>>, %arg2: memref<64xf32, #tpu.memory_space<vmem>>, %arg3: memref<64x128xf32, #tpu.memory_space<vmem>>, %arg4: memref<128xf32, #tpu.memory_space<vmem>>, %arg5: memref<128x64xf32, #tpu.memory_space<vmem>>, %arg6: memref<64xf32, #tpu.memory_space<vmem>>, %arg7: memref<64x1xf32, #tpu.memory_space<vmem>>, %arg8: memref<1xf32, #tpu.memory_space<vmem>>, %arg9: memref<1x1xf32, #tpu.memory_space<vmem>>) attributes {dimension_semantics = [], scalar_prefetch = 0 : i64, scratch_operands = 0 : i64, tpu.core_type = #tpu.core_type<tc>} {
    %get3A = arith.constant 0 : index
    %get3A_0 = arith.constant 0 : index
    %get3A_1 = arith.constant 0 : index
    %get3A_2 = vector.load %arg0[%get3A, %get3A_0, %get3A_1] : memref<2x10112x64xf32, #tpu.memory_space<vmem>>, vector<1x10000x64xf32>
    %get3A_3 = vector.shape_cast %get3A_2 : vector<1x10000x64xf32> to vector<10000x64xf32>
    %get3A_4 = arith.constant 1 : index
    %get3A_5 = arith.constant 0 : index
    %get3A_6 = arith.constant 0 : index
    %get3A_7 = vector.load %arg0[%get3A_4, %get3A_5, %get3A_6] : memref<2x10112x64xf32, #tpu.memory_space<vmem>>, vector<1x10000x64xf32>
    %get3A_8 = vector.shape_cast %get3A_7 : vector<1x10000x64xf32> to vector<10000x64xf32>
    %add3A = arith.addf %get3A_3, %get3A_8 : vector<10000x64xf32>
    %get3A_9 = arith.constant 0 : index
    %get3A_10 = arith.constant 0 : index
    %get3A_11 = vector.load %arg1[%get3A_9, %get3A_10] : memref<10000x1xf32, #tpu.memory_space<vmem>>, vector<10000x1xf32>
    %mul3A = vector.broadcast %get3A_11 : vector<10000x1xf32> to vector<10000x64xf32>
    %mul3A_12 = arith.mulf %add3A, %mul3A : vector<10000x64xf32>
    %get3A_13 = arith.constant 0 : index
    %get3A_14 = vector.load %arg2[%get3A_13] : memref<64xf32, #tpu.memory_space<vmem>>, vector<64xf32>
    %broadcast_in_dim3A = vector.shape_cast %get3A_14 : vector<64xf32> to vector<1x64xf32>
    %add3A_15 = vector.broadcast %broadcast_in_dim3A : vector<1x64xf32> to vector<10000x64xf32>
    %add3A_16 = arith.addf %mul3A_12, %add3A_15 : vector<10000x64xf32>
    %max3A = arith.constant 0.000000e+00 : f32
    %max3A_17 = vector.broadcast %max3A : f32 to vector<10000x64xf32>
    %max3A_18 = arith.maximumf %add3A_16, %max3A_17 : vector<10000x64xf32>
    %reduce_sum3A = arith.constant dense<0.000000e+00> : vector<64xf32>
    %reduce_sum3A_19 = vector.multi_reduction <add>, %max3A_18, %reduce_sum3A [0] : vector<10000x64xf32> to vector<64xf32>
    %broadcast_in_dim3A_20 = vector.shape_cast %reduce_sum3A_19 : vector<64xf32> to vector<1x64xf32>
    %mul3A_21 = arith.constant 9.99999974E-5 : f32
    %mul3A_22 = vector.broadcast %mul3A_21 : f32 to vector<1x64xf32>
    %mul3A_23 = arith.mulf %broadcast_in_dim3A_20, %mul3A_22 : vector<1x64xf32>
    %get3A_24 = arith.constant 0 : index
    %get3A_25 = arith.constant 0 : index
    %get3A_26 = vector.load %arg3[%get3A_24, %get3A_25] : memref<64x128xf32, #tpu.memory_space<vmem>>, vector<64x128xf32>
    %convert_element_type3A = arith.truncf %mul3A_23 : vector<1x64xf32> to vector<1x64xbf16>
    %convert_element_type3A_27 = arith.extf %convert_element_type3A : vector<1x64xbf16> to vector<1x64xf32>
    %sub3A = arith.subf %mul3A_23, %convert_element_type3A_27 : vector<1x64xf32>
    %convert_element_type3A_28 = arith.truncf %sub3A : vector<1x64xf32> to vector<1x64xbf16>
    %convert_element_type3A_29 = arith.truncf %get3A_26 : vector<64x128xf32> to vector<64x128xbf16>
    %convert_element_type3A_30 = arith.extf %convert_element_type3A_29 : vector<64x128xbf16> to vector<64x128xf32>
    %sub3A_31 = arith.subf %get3A_26, %convert_element_type3A_30 : vector<64x128xf32>
    %convert_element_type3A_32 = arith.truncf %sub3A_31 : vector<64x128xf32> to vector<64x128xbf16>
    %dot_general3A = arith.constant dense<0.000000e+00> : vector<1x128xf32>
    %dot_general3A_33 = tpu.matmul %convert_element_type3A, %convert_element_type3A_29, %dot_general3A {dimension_numbers = #tpu.dot_dimension_numbers<[1], [0], [0], [1], [0, 0, 1, 1], [], []>, transpose_lhs_hint = false} : vector<1x64xbf16>, vector<64x128xbf16>, vector<1x128xf32> -> vector<1x128xf32>
    %dot_general3A_34 = arith.constant dense<0.000000e+00> : vector<1x128xf32>
    %dot_general3A_35 = tpu.matmul %convert_element_type3A, %convert_element_type3A_32, %dot_general3A_34 {dimension_numbers = #tpu.dot_dimension_numbers<[1], [0], [0], [1], [0, 0, 1, 1], [], []>, transpose_lhs_hint = false} : vector<1x64xbf16>, vector<64x128xbf16>, vector<1x128xf32> -> vector<1x128xf32>
    %add3A_36 = arith.addf %dot_general3A_33, %dot_general3A_35 : vector<1x128xf32>
    %dot_general3A_37 = arith.constant dense<0.000000e+00> : vector<1x128xf32>
    %dot_general3A_38 = tpu.matmul %convert_element_type3A_28, %convert_element_type3A_29, %dot_general3A_37 {dimension_numbers = #tpu.dot_dimension_numbers<[1], [0], [0], [1], [0, 0, 1, 1], [], []>, transpose_lhs_hint = false} : vector<1x64xbf16>, vector<64x128xbf16>, vector<1x128xf32> -> vector<1x128xf32>
    %add3A_39 = arith.addf %add3A_36, %dot_general3A_38 : vector<1x128xf32>
    %get3A_40 = arith.constant 0 : index
    %get3A_41 = vector.load %arg4[%get3A_40] : memref<128xf32, #tpu.memory_space<vmem>>, vector<128xf32>
    %broadcast_in_dim3A_42 = vector.shape_cast %get3A_41 : vector<128xf32> to vector<1x128xf32>
    %add3A_43 = arith.addf %add3A_39, %broadcast_in_dim3A_42 : vector<1x128xf32>
    %max3A_44 = arith.constant 0.000000e+00 : f32
    %max3A_45 = vector.broadcast %max3A_44 : f32 to vector<1x128xf32>
    %max3A_46 = arith.maximumf %add3A_43, %max3A_45 : vector<1x128xf32>
    %get3A_47 = arith.constant 0 : index
    %get3A_48 = arith.constant 0 : index
    %get3A_49 = vector.load %arg5[%get3A_47, %get3A_48] : memref<128x64xf32, #tpu.memory_space<vmem>>, vector<128x64xf32>
    %convert_element_type3A_50 = arith.truncf %max3A_46 : vector<1x128xf32> to vector<1x128xbf16>
    %convert_element_type3A_51 = arith.extf %convert_element_type3A_50 : vector<1x128xbf16> to vector<1x128xf32>
    %sub3A_52 = arith.subf %max3A_46, %convert_element_type3A_51 : vector<1x128xf32>
    %convert_element_type3A_53 = arith.truncf %sub3A_52 : vector<1x128xf32> to vector<1x128xbf16>
    %convert_element_type3A_54 = arith.truncf %get3A_49 : vector<128x64xf32> to vector<128x64xbf16>
    %convert_element_type3A_55 = arith.extf %convert_element_type3A_54 : vector<128x64xbf16> to vector<128x64xf32>
    %sub3A_56 = arith.subf %get3A_49, %convert_element_type3A_55 : vector<128x64xf32>
    %convert_element_type3A_57 = arith.truncf %sub3A_56 : vector<128x64xf32> to vector<128x64xbf16>
    %dot_general3A_58 = arith.constant dense<0.000000e+00> : vector<1x64xf32>
    %dot_general3A_59 = tpu.matmul %convert_element_type3A_50, %convert_element_type3A_54, %dot_general3A_58 {dimension_numbers = #tpu.dot_dimension_numbers<[1], [0], [0], [1], [0, 0, 1, 1], [], []>, transpose_lhs_hint = false} : vector<1x128xbf16>, vector<128x64xbf16>, vector<1x64xf32> -> vector<1x64xf32>
    %dot_general3A_60 = arith.constant dense<0.000000e+00> : vector<1x64xf32>
    %dot_general3A_61 = tpu.matmul %convert_element_type3A_50, %convert_element_type3A_57, %dot_general3A_60 {dimension_numbers = #tpu.dot_dimension_numbers<[1], [0], [0], [1], [0, 0, 1, 1], [], []>, transpose_lhs_hint = false} : vector<1x128xbf16>, vector<128x64xbf16>, vector<1x64xf32> -> vector<1x64xf32>
    %add3A_62 = arith.addf %dot_general3A_59, %dot_general3A_61 : vector<1x64xf32>
    %dot_general3A_63 = arith.constant dense<0.000000e+00> : vector<1x64xf32>
    %dot_general3A_64 = tpu.matmul %convert_element_type3A_53, %convert_element_type3A_54, %dot_general3A_63 {dimension_numbers = #tpu.dot_dimension_numbers<[1], [0], [0], [1], [0, 0, 1, 1], [], []>, transpose_lhs_hint = false} : vector<1x128xbf16>, vector<128x64xbf16>, vector<1x64xf32> -> vector<1x64xf32>
    %add3A_65 = arith.addf %add3A_62, %dot_general3A_64 : vector<1x64xf32>
    %get3A_66 = arith.constant 0 : index
    %get3A_67 = vector.load %arg6[%get3A_66] : memref<64xf32, #tpu.memory_space<vmem>>, vector<64xf32>
    %broadcast_in_dim3A_68 = vector.shape_cast %get3A_67 : vector<64xf32> to vector<1x64xf32>
    %add3A_69 = arith.addf %add3A_65, %broadcast_in_dim3A_68 : vector<1x64xf32>
    %max3A_70 = arith.constant 0.000000e+00 : f32
    %max3A_71 = vector.broadcast %max3A_70 : f32 to vector<1x64xf32>
    %max3A_72 = arith.maximumf %add3A_69, %max3A_71 : vector<1x64xf32>
    %get3A_73 = arith.constant 0 : index
    %get3A_74 = arith.constant 0 : index
    %get3A_75 = vector.load %arg7[%get3A_73, %get3A_74] : memref<64x1xf32, #tpu.memory_space<vmem>>, vector<64x1xf32>
    %convert_element_type3A_76 = arith.truncf %max3A_72 : vector<1x64xf32> to vector<1x64xbf16>
    %convert_element_type3A_77 = arith.extf %convert_element_type3A_76 : vector<1x64xbf16> to vector<1x64xf32>
    %sub3A_78 = arith.subf %max3A_72, %convert_element_type3A_77 : vector<1x64xf32>
    %convert_element_type3A_79 = arith.truncf %sub3A_78 : vector<1x64xf32> to vector<1x64xbf16>
    %convert_element_type3A_80 = arith.truncf %get3A_75 : vector<64x1xf32> to vector<64x1xbf16>
    %convert_element_type3A_81 = arith.extf %convert_element_type3A_80 : vector<64x1xbf16> to vector<64x1xf32>
    %sub3A_82 = arith.subf %get3A_75, %convert_element_type3A_81 : vector<64x1xf32>
    %convert_element_type3A_83 = arith.truncf %sub3A_82 : vector<64x1xf32> to vector<64x1xbf16>
    %dot_general3A_84 = arith.constant dense<0.000000e+00> : vector<1x1xf32>
    %dot_general3A_85 = tpu.matmul %convert_element_type3A_76, %convert_element_type3A_80, %dot_general3A_84 {dimension_numbers = #tpu.dot_dimension_numbers<[1], [0], [0], [1], [0, 0, 1, 1], [], []>, transpose_lhs_hint = false} : vector<1x64xbf16>, vector<64x1xbf16>, vector<1x1xf32> -> vector<1x1xf32>
    %dot_general3A_86 = arith.constant dense<0.000000e+00> : vector<1x1xf32>
    %dot_general3A_87 = tpu.matmul %convert_element_type3A_76, %convert_element_type3A_83, %dot_general3A_86 {dimension_numbers = #tpu.dot_dimension_numbers<[1], [0], [0], [1], [0, 0, 1, 1], [], []>, transpose_lhs_hint = false} : vector<1x64xbf16>, vector<64x1xbf16>, vector<1x1xf32> -> vector<1x1xf32>
    %add3A_88 = arith.addf %dot_general3A_85, %dot_general3A_87 : vector<1x1xf32>
    %dot_general3A_89 = arith.constant dense<0.000000e+00> : vector<1x1xf32>
    %dot_general3A_90 = tpu.matmul %convert_element_type3A_79, %convert_element_type3A_80, %dot_general3A_89 {dimension_numbers = #tpu.dot_dimension_numbers<[1], [0], [0], [1], [0, 0, 1, 1], [], []>, transpose_lhs_hint = false} : vector<1x64xbf16>, vector<64x1xbf16>, vector<1x1xf32> -> vector<1x1xf32>
    %add3A_91 = arith.addf %add3A_88, %dot_general3A_90 : vector<1x1xf32>
    %get3A_92 = arith.constant 0 : index
    %get3A_93 = vector.load %arg8[%get3A_92] : memref<1xf32, #tpu.memory_space<vmem>>, vector<1xf32>
    %broadcast_in_dim3A_94 = vector.shape_cast %get3A_93 : vector<1xf32> to vector<1x1xf32>
    %add3A_95 = arith.addf %add3A_91, %broadcast_in_dim3A_94 : vector<1x1xf32>
    %swap3A = arith.constant 0 : index
    %swap3A_96 = arith.constant 0 : index
    %swap3A_97 = vector.load %arg9[%swap3A, %swap3A_96] : memref<1x1xf32, #tpu.memory_space<vmem>>, vector<1x1xf32>
    tpu.vector_store %arg9[%swap3A, %swap3A_96], %add3A_95 {strides = array<i32>} : memref<1x1xf32, #tpu.memory_space<vmem>>, vector<1x1xf32>,
    return
  }
}

</mosaic_0001>

<sc_bundles>
// kernel: kernel.10.cloned.1.call-start
scs
__scs_entry_jumppad:
0x0: {  	(pc) =	sbr.rel $0x88, $3  }
0x1: {  	(tag) =	ssettag $0x0;
	lr =	simm.s32 $0x1  }
0x2: {  	[smem:$0x3F93] =	sst lr;
	_ =	strace $0xD0000000  }
0x3: {  	_ = 	snop  }
0x4: {  	_ = 	snop  }
0x5: {  	_ = 	snop  }
0x6: {  	_ = 	snop  }
0x7: {  	_ = 	snop  }
__scs_overlays_trampoline_lowered:
0x8: {  	[smem:$0x3FA2] =	sst s0  }
0x9: {  	[smem:$0x3FA3] =	sst s1  }
0xa: {  	[smem:$0x3FA4] =	sst s2  }
0xb: {  	[smem:$0x3FA5] =	sst s3  }
0xc: {  	[smem:$0x3FA6] =	sst s4  }
0xd: {  	[smem:$0x3FA7] =	sst s5  }
0xe: {  	[smem:$0x3FA8] =	sst s6  }
0xf: {  	[smem:$0x3FA9] =	sst s7  }
0x10: {  	[smem:$0x3FAA] =	sst s8  }
0x11: {  	[smem:$0x3FAB] =	sst s9;
	s0 =	simm.s32 @!p0 $0x0  }
0x12: {  	s1 =	sld [smem:$0x3F91];
	s0 =	simm.s32 @p0 $0x1  }
0x13: {  	[smem:$0x3FAC] =	sst s0;
	s0 =	simm.s32 @!p1 $0x0  }
0x14: {  	s2 =	sld [smem:$0x3F90];
	s0 =	simm.s32 @p1 $0x1  }
0x15: {  	[smem:$0x3FAD] =	sst s0;
	s0 =	simm.s32 @!p2 $0x0  }
0x16: {  	s3 =	sld [smem:$0x3FDB];
	s0 =	simm.s32 @p2 $0x1  }
0x17: {  	s4 =	simm.s32 $0x1BF5;
	[smem:$0x3FAF] =	sst s0  }
0x18: {  	s0 =	sld [smem:$0x3F92];
	_ =	swait.ge [sflag:s4], $0x0  }
0x19: {  	s7 =	sld [smem:$0x3F93]  }
0x1a: {  	s8 =	sadd.s32 $0xFFFFE003, lr  }
0x1b: {  	s9 =	sadd.s32 $0xFFFFFEF7, lr;
	s5 =	simm.s32 $0xFFFFFFFF;
	p2 =	slt.u32 s8, $0xFFFFF086  }
0x1c: {  	p1 =	slt.u32 s9, $0xF7A;
	s5 =	simm.s32 @!p2 $0x0  }
0x1d: {  	s5 =	simm.s32 @p1 $0x1;
	p0 =	seq.s32 s7, s2  }
0x1e: {  	s7 =	smul.u32 @!p0 $0xF7A, s2;
	p2 =	seq.s32 @!p0 s5, $0x0  }
0x1f: {  	s9 =	smul.u32 $0xF7A, s1;
	s8 =	simm.s32 @!p0 $0x1BF5;
	p2 =	por !p2, p0  }
0x20: {  	[sflag:s8] =	ssyncset.s32 @!p0 $0xFFFFF086;
	s6 =	sadd.s32 @!p0 s3, s7;
	s7 =	simm.s32 @!p0 $0x108  }
0x21: {  	s3 =	sadd.s32 s3, s9;
	s6 =	sadd.s32 @!p0 $0x88, s6;
	s7 =	simm.s32 @p2 $0x1082  }
0x22: {  	[simem:s7], [sflag:s8] =	dma.local @!p0 [hbm:s6], $0xF7A  }
0x23: {  	s9 =	sor.u32 $0xD0000000, s2;
	s6 =	simm.s32 $0x108;
	_ =	swait.ge @!p0 [sflag:s8], $0x0  }
0x24: {  	s3 =	sadd.s32 $0x88, s3;
	s6 =	simm.s32 @!p1 $0x1082;
	[sflag:s4] =	ssyncset.s32 $0xFFFFF086  }
0x25: {  	[simem:s6], [sflag:s4] =	dma.local [hbm:s3], $0xF7A  }
0x26: {  	[smem:$0x3F93] =	sst s1;
	(tag) =	ssettag s2;
	_ =	strace s9  }
0x27: {  	s1 =	sld [smem:$0x3FA3]  }
0x28: {  	s2 =	sld [smem:$0x3FA4]  }
0x29: {  	s4 =	sld [smem:$0x3FA6]  }
0x2a: {  	p0 =	seq.s32 s5, $0x0;
	s5 =	sld [smem:$0x3FA7]  }
0x2b: {  	s6 =	sld [smem:$0x3FA8]  }
0x2c: {  	s7 =	sld [smem:$0x3FA9]  }
0x2d: {  	s3 =	simm.s32 $0x108;
	s8 =	sld [smem:$0x3FAA]  }
0x2e: {  	s3 =	simm.s32 @!p0 $0x1082;
	s9 =	sld [smem:$0x3FAB]  }
0x2f: {  	lr =	sadd.s32 s0, s3;
	s0 =	sld [smem:$0x3FA2]  }
0x30: {  	s3 =	sld [smem:$0x3FA5]  }
0x31: {  	[smem:$0x3FAE] =	sst s10  }
0x32: {  	s10 =	sld [smem:$0x3FAC];
	_ =	sdelay $0x3  }
0x33: {  	p0 =	seq.s32 s10, $0x1;
	s10 =	sld [smem:$0x3FAE];
	_ =	sdelay $0x3  }
0x34: {  	[smem:$0x3FAE] =	sst s10  }
0x35: {  	s10 =	sld [smem:$0x3FAD];
	_ =	sdelay $0x3  }
0x36: {  	p1 =	seq.s32 s10, $0x1;
	s10 =	sld [smem:$0x3FAE];
	_ =	sdelay $0x3  }
0x37: {  	[smem:$0x3FAE] =	sst s10  }
0x38: {  	s10 =	sld [smem:$0x3FAF]  }
0x39: {  	_ = 	snop;
	(pc) =	sbr.ind lr, $3  }
0x3a: {  	_ = 	snop  }
0x3b: {  	_ = 	snop  }
0x3c: {  	p2 =	seq.s32 s10, $0x1;
	s10 =	sld [smem:$0x3FAE]  }
0x3d: {  	_ =	shalt  }
0x3e: {  	_ =	shalt  }
0x3f: {  	_ =	shalt  }
0x40: {  	_ =	shalt  }
0x41: {  	_ =	shalt  }
0x42: {  	_ =	shalt  }
0x43: {  	_ =	shalt  }
0x44: {  	_ =	shalt  }
0x45: {  	_ =	shalt  }
0x46: {  	_ =	shalt  }
0x47: {  	_ =	shalt  }
0x48: {  	_ =	shalt  }
0x49: {  	_ =	shalt  }
0x4a: {  	_ =	shalt  }
0x4b: {  	_ =	shalt  }
0x4c: {  	_ =	shalt  }
0x4d: {  	_ =	shalt  }
0x4e: {  	_ =	shalt  }
0x4f: {  	_ =	shalt  }
0x50: {  	_ =	shalt  }
0x51: {  	_ =	shalt  }
0x52: {  	_ =	shalt  }
0x53: {  	_ =	shalt  }
0x54: {  	_ =	shalt  }
0x55: {  	_ =	shalt  }
0x56: {  	_ =	shalt  }
0x57: {  	_ =	shalt  }
0x58: {  	_ =	shalt  }
0x59: {  	_ =	shalt  }
0x5a: {  	_ =	shalt  }
0x5b: {  	_ =	shalt  }
0x5c: {  	_ =	shalt  }
0x5d: {  	_ =	shalt  }
0x5e: {  	_ =	shalt  }
0x5f: {  	_ =	shalt  }
0x60: {  	_ =	shalt  }
0x61: {  	_ =	shalt  }
0x62: {  	_ =	shalt  }
0x63: {  	_ =	shalt  }
0x64: {  	_ =	shalt  }
0x65: {  	_ =	shalt  }
0x66: {  	_ =	shalt  }
0x67: {  	_ =	shalt  }
0x68: {  	_ =	shalt  }
0x69: {  	_ =	shalt  }
0x6a: {  	_ =	shalt  }
0x6b: {  	_ =	shalt  }
0x6c: {  	_ =	shalt  }
0x6d: {  	_ =	shalt  }
0x6e: {  	_ =	shalt  }
0x6f: {  	_ =	shalt  }
0x70: {  	_ =	shalt  }
0x71: {  	_ =	shalt  }
0x72: {  	_ =	shalt  }
0x73: {  	_ =	shalt  }
0x74: {  	_ =	shalt  }
0x75: {  	_ =	shalt  }
0x76: {  	_ =	shalt  }
0x77: {  	_ =	shalt  }
0x78: {  	_ =	shalt  }
0x79: {  	_ =	shalt  }
0x7a: {  	_ =	shalt  }
0x7b: {  	_ =	shalt  }
0x7c: {  	_ =	shalt  }
0x7d: {  	_ =	shalt  }
0x7e: {  	_ =	shalt  }
0x7f: {  	_ =	shalt  }
0x80: {  	_ =	shalt  }
0x81: {  	_ =	shalt  }
0x82: {  	_ =	shalt  }
0x83: {  	_ =	shalt  }
0x84: {  	_ =	shalt  }
0x85: {  	_ =	shalt  }
0x86: {  	_ =	shalt  }
0x87: {  	_ =	shalt  }
.Lfunc_end0:
.L_simem_size_0:
called_computation_lowered:
.L_overlay_start_0:
0x88: {  	s2 =	sld [smem:$0x3FD9]  }
0x89: {  	s3 =	sld [smem:$0x3FFE];
	_ =	sdelay $0x1  }
0x8a: {  	s1 =	srdreg.scid  }
0x8b: {  	s0 =	sand.u32 $0x1, s1  }
0x8c: {  	s16 =	sshll.u32 s0, $0xA;
	s2 =	sadd.s32 s3, s2  }
0x8d: {  	s2 =	sadd.s32 s2, s16  }
0x8e: {  	[smem:$0x3FBA] =	sst s2  }
0x8f: {  	_ = 	snop  }
0x90: {  	(tm) =	ssettm $0x1  }
0x91: {  	s17 =	sld [smem:$0x3FFB];
	_ =	sdelay $0x3  }
0x92: {  	_ =	strace s17  }
0x93: {  	s2 =	sld [smem:$0x3FFC];
	_ =	sdelay $0x3  }
0x94: {  	_ =	strace s2  }
0x95: {  	s2 =	sld [smem:$0x3FFD];
	_ =	sdelay $0x3  }
0x96: {  	_ =	strace s2  }
0x97: {  	_ =	strace $0x8FFFFFFF  }
0x98: {  	s18 =	sld [smem:$0x3FDB];
	_ =	sdelay $0x1  }
0x99: {  	s19 =	simm.s32 $_scs_section_size  }
0x9a: {  	s4 =	simm.s32 $_size__tile_overlayer_lowered;
	s5 =	simm.s32 $_tile_overlayer_lowered  }
0x9b: {  	s22 =	simm.s32 $0x1BFF;
	s21 =	sshll.u32 s5, $0x1;
	s2 =	sadd.s32 s19, s18  }
0x9c: {  	s6 =	simm.s32 $0x0;
	s20 =	sshll.u32 s4, $0x1;
	s4 =	sadd.s32 s21, s2  }
0x9d: {  	[timem:s6], [sflag:s22] =	dma.local [hbm:s4], s20  }
0x9e: {  	_ =	swait.ge [sflag:s22], s20  }
0x9f: {  	s3 =	ssub.s32 $0x0, s20;
	[sflag:s22] =	ssyncset.done $0x0  }
0xa0: {  	[sflag:s22] =	ssyncadd.s32 s3;
	_ =	sdelay $0x1  }
0xa1: {  	s23 =	simm.s32 $0x1B8B  }
0xa2: {  	_ =	swait.ge [sflag:s23], $0x1  }
0xa3: {  	[sflag:s23] =	ssyncset.done $0x0  }
0xa4: {  	s25 =	simm.s32 $0x1B8E;
	s24 =	sld [smem:$0x3FFE];
	[sflag:s23] =	ssyncadd.s32 $0xFFFFFFFF  }
0xa5: {  	s26 =	simm.s32 $execute0_lowered;
	[smem:$0x3FD2] =	sst s25  }
0xa6: {  	s4 =	sshll.u32 s26, $0x1;
	_ =	strace $0x80000046;
	[dreg:$0x1] =	wrdreg $0xFFFFFFFF  }
0xa7: {  	s28 =	simm.s32 $_size_execute0_lowered;
	s2 =	sadd.s32 s2, s4;
	[dreg:$0x0] =	wrdreg $0x0  }
0xa8: {  	s4 =	sshll.u32 s28, $0x1;
	[dreg:$0x2] =	wrdreg s2  }
0xa9: {  	[dreg:$0x3] =	wrdreg s4  }
0xaa: {  	[dreg:$0x4] =	wrdreg $0xC0  }
0xab: {  	_ =	task [dreg:s6], $0x5FFFF  }
0xac: {  	[dreg:$0x1] =	wrdreg $0xFFFFFFFF  }
0xad: {  	[dreg:$0x0] =	wrdreg $0x60  }
0xae: {  	[dreg:$0x2] =	wrdreg s24  }
0xaf: {  	[dreg:$0x3] =	wrdreg $0x53000  }
0xb0: {  	[dreg:$0x4] =	wrdreg $0x66C00  }
0xb1: {  	[dreg:$0x5] =	wrdreg $0x9  }
0xb2: {  	_ =	task.clear_ibuf [dreg:s6], $0x6FFFF;
	_ =	strace $0x90000046  }
0xb3: {  	s29 =	simm.s32 $0x9;
	_ =	strace $0x80000048  }
0xb4: {  	_ =	swait.ge [sflag:s29], $0x1  }
0xb5: {  	[sflag:s29] =	ssyncadd.s32 $0xFFFFFFFF  }
0xb6: {  	_ =	strace $0x90000048  }
0xb7: {  	_ =	sfence  }
0xb8: {  	s30 =	sld [smem:$0x0];
	_ =	sdelay $0x2  }
0xb9: {  	s31 =	sshll.u32 s1, $0xD;
	s1 =	sshrl.u32 s1, $0x2  }
0xba: {  	s3 =	sand.u32 $0x4000, s31;
	s1 =	sadd.s32 s1, s30  }
0xbb: {  	s0 =	sor.u32 s3, s0;
	s1 =	sshll.u32 s1, $0x11  }
0xbc: {  	s0 =	sor.u32 s1, s0  }
0xbd: {  	s0 =	sadd.s32 $0x8F2B, s0  }
0xbe: {  	[sflag:s0] =	ssyncadd.remote.s32 $0x1  }
0xbf: {  	_ =	sfence.sel $0xFFFF  }
0xc0: {  	[dreg:$0x0] =	wrdreg $0xFFFFFFFF;
	(pc) =	sbr.abs _section_cstart, $3  }
0xc1: {  	[dreg:$0x1] =	wrdreg $0xFFFFFFFF  }
0xc2: {  	_ =	task.clear_ibuf [dreg:s6], $0x2FFFF;
	_ =	strace $0x9FFFFFFF  }
0xc3: {  	(tm) =	ssettm $0x7FFFFFFF  }
tec
execute0_lowered:
.L_overlay_start_1:
0x0: {  	(tag) =	ssettag $0x1  }
0x1: {  	s7 =	rddreg [dreg:$0x0]  }
0x2: {  	s0 =	srdreg.scid;
	s2 =	rddreg [dreg:$0x1]  }
0x3: {  	s3 =	rddreg [dreg:$0x2];
	s4 =	simm.s32 $0x0;
	s14 =	simm.s32 $0x4F00  }
0x4: {  	s18 =	simm.s32 $0x80;
	s6 =	sand.u32 $0x1, s0;
	s0 =	stileid.u32  }
0x5: {  	s19 =	simm.s32 $0x0;
	[smem:$0x7FF] =	sst s4;
	s9 =	smul.u32 $0x13C0, s0  }
0x6: {  	s1 =	sshll.u32 s6, $0x4;
	s8 =	smul.u32 $0x27800, s6;
	s6 =	ssub.s32 $0x2, s6  }
0x7: {  	s15 =	sshll.u32 s0, $0x6;
	s1 =	sor.u32 s0, s1;
	s31 =	sshrl.u32 s6, $0x1  }
0x8: {  	s15 =	sor.u32 $0x1C01, s15;
	s5 =	smul.u32 $0x4F0, s1;
	s1 =	rddreg [dreg:$0x3]  }
0x9: {  	_ =	strace $0x80000047;
	s8 =	sadd.s32 s9, s8;
	s11 =	sshrl.u32 s9, $0x3  }
0xa: {  	s13 =	ssub.s32 s6, s31;
	s16 =	sadd.s32 s9, s2;
	s17 =	sadd.s32 s9, s3  }
0xb: {  	s8 =	sshrl.u32 s8, $0x3;
	s11 =	sadd.s32 s11, s7;
	s16 =	sshrl.u32 s16, $0x3  }
0xc: {  	s17 =	sshrl.u32 s17, $0x3;
	s10 =	sadd.s32 s5, s7;
	s5 =	sadd.s32 $0x18E00, s7  }
0xd: {  	s12 =	sadd.s32 s8, s7;
	s8 =	sadd.s32 $0x16600, s11;
	s11 =	smax.u32 s13, $0x1  }
0xe: {  	s13 =	simm.s32 $0x2780;
	s6 =	sadd.s32 $0xC800, s10;
	s7 =	sadd.s32 $0x2A00, s10  }
0xf: {  	s9 =	sadd.s32 $0x19000, s12;
	s10 =	sadd.s32 $0x1B780, s12;
	s12 =	simm.s32 $0x1  }
.LBB2_1:
0x10: {  	[tilespmem:s4], [sflag:$0x1] =	stream.linear.gather [hbm4b:s6+s4], $0x2780, $0x38;
	[tilespmem:$0x7A80] =	vst v63  }
0x11: {  	_ =	swait.ge [sflag:s12], $0x2780  }
0x12: {  	[sflag:s12] =	ssyncset.done $0x0  }
0x13: {  	[sflag:s12] =	ssyncadd.s32 $0xFFFFD880  }
0x14: {  	[tilespmem:s13], [sflag:$0x1] =	stream.linear.gather [hbm4b:s7+s4], $0x2780, $0x38;
	[tilespmem:$0x7A80] =	vst v63  }
0x15: {  	_ =	swait.ge [sflag:s12], $0x2780  }
0x16: {  	[sflag:s12] =	ssyncset.done $0x0  }
0x17: {  	[sflag:s12] =	ssyncadd.s32 $0xFFFFD880  }
0x18: {  	[tilespmem:s14], [sflag:$0x1] =	stream.linear.gather [hbm4b:s5+s4], $0x400, $0x38;
	[tilespmem:$0x7A80] =	vst v63  }
0x19: {  	_ =	swait.ge [sflag:s12], $0x400  }
0x1a: {  	[sflag:s12] =	ssyncset.done $0x0  }
0x1b: {  	[sflag:s12] =	ssyncadd.s32 $0xFFFFFC00  }
0x1c: {  	[spmem:s16], [sflag:s15] =	dma.local [hbm:s8], $0x278  }
0x1d: {  	_ =	swait.ge [sflag:s12], $0x278  }
0x1e: {  	[sflag:s12] =	ssyncset.done $0x0  }
0x1f: {  	[sflag:s12] =	ssyncadd.s32 $0xFFFFFD88  }
0x20: {  	[spmem:s17], [sflag:s15] =	dma.local [hbm:s8], $0x278  }
0x21: {  	_ =	swait.ge [sflag:s12], $0x278  }
0x22: {  	[sflag:s12] =	ssyncset.done $0x0  }
0x23: {  	[sflag:s12] =	ssyncadd.s32 $0xFFFFFD88  }
0x24: {  	s20 =	simm.s32 $0x0;
	[bflag:$0x0] =	sbarrier.arrive $0xFFFF  }
0x25: {  	[spmem:s2] =	stream.indirect.scatter.add.f32 [tilespmem:s14], [sflag:$0x1], $0x8, s20, s18, $0xb8;
	[tilespmem:$0x7A80] =	vst v63  }
0x26: {  	_ =	swait.ge [sflag:s12], $0x400  }
0x27: {  	[sflag:s12] =	ssyncset.done $0x0  }
0x28: {  	s31 =	simm.s32 $0x2780;
	[sflag:s12] =	ssyncadd.s32 $0xFFFFFC00  }
0x29: {  	[spmem:s3] =	stream.indirect.scatter.add.f32 [tilespmem:s14], [sflag:$0x1], $0x8, s31, s18, $0xb8;
	[tilespmem:$0x7A80] =	vst v63  }
0x2a: {  	_ =	swait.ge [sflag:s12], $0x400  }
0x2b: {  	s21 =	simm.s32 $0x400;
	s20 =	simm.s32 $0x200;
	[sflag:s12] =	ssyncset.done $0x0  }
.LBB2_2:
0x2c: {  	s22 =	sshra.s32 s20, $0x2  }
0x2d: {  	[sflag:s12] =	ssyncadd.s32 $0xFFFFFC00;
	s20 =	smov.u32 s21;
	s23 =	sadd.s32 $0x200, s21  }
0x2e: {  	[spmem:s2] =	stream.indirect.scatter.add.f32 [tilespmem:s14], [sflag:$0x1], $0x8, s22, s18, $0xb8;
	[tilespmem:$0x7A80] =	vst v63  }
0x2f: {  	p0 =	sne.s32 s21, $0x9C00;
	_ =	swait.ge [sflag:s12], $0x400  }
.Ltmp0:
0x30: {  	[sflag:s12] =	ssyncset.done $0x0;
	(pc) =	sbr.rel @p0 .LBB2_2-.Ltmp0, $4  }
0x31: {  	s21 =	sadd.s32 $0x2780, s22;
	[sflag:s12] =	ssyncadd.s32 $0xFFFFFC00  }
0x32: {  	[spmem:s3] =	stream.indirect.scatter.add.f32 [tilespmem:s14], [sflag:$0x1], $0x8, s21, s18, $0xb8;
	[tilespmem:$0x7A80] =	vst v63  }
0x33: {  	_ =	swait.ge [sflag:s12], $0x400  }
0x34: {  	s21 =	smov.u32 s23;
	[sflag:s12] =	ssyncset.done $0x0  }
0x35: {  	s20 =	sshra.s32 s20, $0x2;
	[sflag:s12] =	ssyncadd.s32 $0xFFFFFC00  }
0x36: {  	[spmem:s2] =	stream.indirect.scatter.add.f32 [tilespmem:s14], [sflag:$0x1], $0x8, s20, s18, $0xb8;
	[tilespmem:$0x7A80] =	vst v63  }
0x37: {  	_ =	swait.ge [sflag:s12], $0x400  }
0x38: {  	[sflag:s12] =	ssyncset.done $0x0  }
0x39: {  	s20 =	sadd.s32 $0x2780, s20;
	[sflag:s12] =	ssyncadd.s32 $0xFFFFFC00  }
0x3a: {  	[spmem:s3] =	stream.indirect.scatter.add.f32 [tilespmem:s14], [sflag:$0x1], $0x8, s20, s18, $0xb8;
	[tilespmem:$0x7A80] =	vst v63  }
0x3b: {  	_ =	swait.ge [sflag:s12], $0x400  }
0x3c: {  	[sflag:s12] =	ssyncset.done $0x0  }
0x3d: {  	[sflag:s12] =	ssyncadd.s32 $0xFFFFFC00  }
0x3e: {  	[bflag:$0x0] =	sbarrier.arrive $0xFFFF  }
0x3f: {  	[hbm:s9], [sflag:s15] =	dma.local [spmem:s16], $0x278  }
0x40: {  	s19 =	sadd.s32 $0x1, s19;
	_ =	swait.ge [sflag:s12], $0x278  }
0x41: {  	p0 =	sne.s32 s19, s11;
	[sflag:s12] =	ssyncset.done $0x0  }
.Ltmp1:
0x42: {  	[sflag:s12] =	ssyncadd.s32 $0xFFFFFD88;
	(pc) =	sbr.rel @p0 .LBB2_1-.Ltmp1, $4  }
0x43: {  	[hbm:s10], [sflag:s15] =	dma.local [spmem:s17], $0x278  }
0x44: {  	_ =	swait.ge [sflag:s12], $0x278  }
0x45: {  	[sflag:s12] =	ssyncset.done $0x0  }
0x46: {  	[sflag:s12] =	ssyncadd.s32 $0xFFFFFD88  }
0x47: {  	_ =	sfence.sel $0x180000  }
0x48: {  	[bflag:$0x0] =	sbarrier.arrive $0xFFFF  }
0x49: {  	p0 =	sne.s32 s0, $0x0;
	_ =	strace $0x90000047  }
0x4a: {  	s0 =	sadd.s32 @!p0 $0x100000, s1;
	[bflag:$0x2] =	sbarrier.arrive $0xFFFF  }
0x4b: {  	[sflag:s0] =	ssyncadd.tile.s32 @!p0 $0x1;
	_ =	shalt  }
.Lfunc_end2:
_tile_overlayer_lowered:
.L_overlay_start_2:
0x4c: {  	(tag) =	ssettag $0x2  }
0x4d: {  	s0 =	rddreg [dreg:$0x0];
	s2 =	stileid.u32  }
0x4e: {  	s1 =	rddreg [dreg:$0x1];
	p0 =	sne.s32 s2, $0x0  }
0x4f: {  	s3 =	rddreg [dreg:$0x2];
	[bflag:$0x3] =	sbarrier.arrive $0xFFFF;
	s2 =	simm.s32 @!p0 $0x1C01  }
0x50: {  	[timem:s3], [sflag:s2] =	dma.local @!p0 [hbm:s0], s1  }
0x51: {  	s0 =	simm.s32 @!p0 $0x1  }
0x52: {  	_ =	swait.ge @!p0 [sflag:s0], s1  }
0x53: {  	s1 =	ssub.s32 @!p0 $0x0, s1;
	[sflag:s0] =	ssyncset.done @!p0 $0x0  }
0x54: {  	[sflag:s0] =	ssyncadd.s32 @!p0 s1  }
0x55: {  	[bflag:$0x3] =	sbarrier.arrive $0xFFFF  }
0x56: {  	_ =	shalt  }

// kernel: kernel.13.cloned.1.call-start
scs
__scs_entry_jumppad:
0x0: {  	(pc) =	sbr.rel $0x88, $3  }
0x1: {  	(tag) =	ssettag $0x0;
	lr =	simm.s32 $0x1  }
0x2: {  	[smem:$0x3F93] =	sst lr;
	_ =	strace $0xD0000000  }
0x3: {  	_ = 	snop  }
0x4: {  	_ = 	snop  }
0x5: {  	_ = 	snop  }
0x6: {  	_ = 	snop  }
0x7: {  	_ = 	snop  }
__scs_overlays_trampoline_lowered:
0x8: {  	[smem:$0x3FA2] =	sst s0  }
0x9: {  	[smem:$0x3FA3] =	sst s1  }
0xa: {  	[smem:$0x3FA4] =	sst s2  }
0xb: {  	[smem:$0x3FA5] =	sst s3  }
0xc: {  	[smem:$0x3FA6] =	sst s4  }
0xd: {  	[smem:$0x3FA7] =	sst s5  }
0xe: {  	[smem:$0x3FA8] =	sst s6  }
0xf: {  	[smem:$0x3FA9] =	sst s7  }
0x10: {  	[smem:$0x3FAA] =	sst s8  }
0x11: {  	[smem:$0x3FAB] =	sst s9;
	s0 =	simm.s32 @!p0 $0x0  }
0x12: {  	s1 =	sld [smem:$0x3F91];
	s0 =	simm.s32 @p0 $0x1  }
0x13: {  	[smem:$0x3FAC] =	sst s0;
	s0 =	simm.s32 @!p1 $0x0  }
0x14: {  	s2 =	sld [smem:$0x3F90];
	s0 =	simm.s32 @p1 $0x1  }
0x15: {  	[smem:$0x3FAD] =	sst s0;
	s0 =	simm.s32 @!p2 $0x0  }
0x16: {  	s3 =	sld [smem:$0x3FDB];
	s0 =	simm.s32 @p2 $0x1  }
0x17: {  	s4 =	simm.s32 $0x1BF5;
	[smem:$0x3FAF] =	sst s0  }
0x18: {  	s0 =	sld [smem:$0x3F92];
	_ =	swait.ge [sflag:s4], $0x0  }
0x19: {  	s7 =	sld [smem:$0x3F93]  }
0x1a: {  	s8 =	sadd.s32 $0xFFFFE003, lr  }
0x1b: {  	s9 =	sadd.s32 $0xFFFFFEF7, lr;
	s5 =	simm.s32 $0xFFFFFFFF;
	p2 =	slt.u32 s8, $0xFFFFF086  }
0x1c: {  	p1 =	slt.u32 s9, $0xF7A;
	s5 =	simm.s32 @!p2 $0x0  }
0x1d: {  	s5 =	simm.s32 @p1 $0x1;
	p0 =	seq.s32 s7, s2  }
0x1e: {  	s7 =	smul.u32 @!p0 $0xF7A, s2;
	p2 =	seq.s32 @!p0 s5, $0x0  }
0x1f: {  	s9 =	smul.u32 $0xF7A, s1;
	s8 =	simm.s32 @!p0 $0x1BF5;
	p2 =	por !p2, p0  }
0x20: {  	[sflag:s8] =	ssyncset.s32 @!p0 $0xFFFFF086;
	s6 =	sadd.s32 @!p0 s3, s7;
	s7 =	simm.s32 @!p0 $0x108  }
0x21: {  	s3 =	sadd.s32 s3, s9;
	s6 =	sadd.s32 @!p0 $0x88, s6;
	s7 =	simm.s32 @p2 $0x1082  }
0x22: {  	[simem:s7], [sflag:s8] =	dma.local @!p0 [hbm:s6], $0xF7A  }
0x23: {  	s9 =	sor.u32 $0xD0000000, s2;
	s6 =	simm.s32 $0x108;
	_ =	swait.ge @!p0 [sflag:s8], $0x0  }
0x24: {  	s3 =	sadd.s32 $0x88, s3;
	s6 =	simm.s32 @!p1 $0x1082;
	[sflag:s4] =	ssyncset.s32 $0xFFFFF086  }
0x25: {  	[simem:s6], [sflag:s4] =	dma.local [hbm:s3], $0xF7A  }
0x26: {  	[smem:$0x3F93] =	sst s1;
	(tag) =	ssettag s2;
	_ =	strace s9  }
0x27: {  	s1 =	sld [smem:$0x3FA3]  }
0x28: {  	s2 =	sld [smem:$0x3FA4]  }
0x29: {  	s4 =	sld [smem:$0x3FA6]  }
0x2a: {  	p0 =	seq.s32 s5, $0x0;
	s5 =	sld [smem:$0x3FA7]  }
0x2b: {  	s6 =	sld [smem:$0x3FA8]  }
0x2c: {  	s7 =	sld [smem:$0x3FA9]  }
0x2d: {  	s3 =	simm.s32 $0x108;
	s8 =	sld [smem:$0x3FAA]  }
0x2e: {  	s3 =	simm.s32 @!p0 $0x1082;
	s9 =	sld [smem:$0x3FAB]  }
0x2f: {  	lr =	sadd.s32 s0, s3;
	s0 =	sld [smem:$0x3FA2]  }
0x30: {  	s3 =	sld [smem:$0x3FA5]  }
0x31: {  	[smem:$0x3FAE] =	sst s10  }
0x32: {  	s10 =	sld [smem:$0x3FAC];
	_ =	sdelay $0x3  }
0x33: {  	p0 =	seq.s32 s10, $0x1;
	s10 =	sld [smem:$0x3FAE];
	_ =	sdelay $0x3  }
0x34: {  	[smem:$0x3FAE] =	sst s10  }
0x35: {  	s10 =	sld [smem:$0x3FAD];
	_ =	sdelay $0x3  }
0x36: {  	p1 =	seq.s32 s10, $0x1;
	s10 =	sld [smem:$0x3FAE];
	_ =	sdelay $0x3  }
0x37: {  	[smem:$0x3FAE] =	sst s10  }
0x38: {  	s10 =	sld [smem:$0x3FAF]  }
0x39: {  	_ = 	snop;
	(pc) =	sbr.ind lr, $3  }
0x3a: {  	_ = 	snop  }
0x3b: {  	_ = 	snop  }
0x3c: {  	p2 =	seq.s32 s10, $0x1;
	s10 =	sld [smem:$0x3FAE]  }
0x3d: {  	_ =	shalt  }
0x3e: {  	_ =	shalt  }
0x3f: {  	_ =	shalt  }
0x40: {  	_ =	shalt  }
0x41: {  	_ =	shalt  }
0x42: {  	_ =	shalt  }
0x43: {  	_ =	shalt  }
0x44: {  	_ =	shalt  }
0x45: {  	_ =	shalt  }
0x46: {  	_ =	shalt  }
0x47: {  	_ =	shalt  }
0x48: {  	_ =	shalt  }
0x49: {  	_ =	shalt  }
0x4a: {  	_ =	shalt  }
0x4b: {  	_ =	shalt  }
0x4c: {  	_ =	shalt  }
0x4d: {  	_ =	shalt  }
0x4e: {  	_ =	shalt  }
0x4f: {  	_ =	shalt  }
0x50: {  	_ =	shalt  }
0x51: {  	_ =	shalt  }
0x52: {  	_ =	shalt  }
0x53: {  	_ =	shalt  }
0x54: {  	_ =	shalt  }
0x55: {  	_ =	shalt  }
0x56: {  	_ =	shalt  }
0x57: {  	_ =	shalt  }
0x58: {  	_ =	shalt  }
0x59: {  	_ =	shalt  }
0x5a: {  	_ =	shalt  }
0x5b: {  	_ =	shalt  }
0x5c: {  	_ =	shalt  }
0x5d: {  	_ =	shalt  }
0x5e: {  	_ =	shalt  }
0x5f: {  	_ =	shalt  }
0x60: {  	_ =	shalt  }
0x61: {  	_ =	shalt  }
0x62: {  	_ =	shalt  }
0x63: {  	_ =	shalt  }
0x64: {  	_ =	shalt  }
0x65: {  	_ =	shalt  }
0x66: {  	_ =	shalt  }
0x67: {  	_ =	shalt  }
0x68: {  	_ =	shalt  }
0x69: {  	_ =	shalt  }
0x6a: {  	_ =	shalt  }
0x6b: {  	_ =	shalt  }
0x6c: {  	_ =	shalt  }
0x6d: {  	_ =	shalt  }
0x6e: {  	_ =	shalt  }
0x6f: {  	_ =	shalt  }
0x70: {  	_ =	shalt  }
0x71: {  	_ =	shalt  }
0x72: {  	_ =	shalt  }
0x73: {  	_ =	shalt  }
0x74: {  	_ =	shalt  }
0x75: {  	_ =	shalt  }
0x76: {  	_ =	shalt  }
0x77: {  	_ =	shalt  }
0x78: {  	_ =	shalt  }
0x79: {  	_ =	shalt  }
0x7a: {  	_ =	shalt  }
0x7b: {  	_ =	shalt  }
0x7c: {  	_ =	shalt  }
0x7d: {  	_ =	shalt  }
0x7e: {  	_ =	shalt  }
0x7f: {  	_ =	shalt  }
0x80: {  	_ =	shalt  }
0x81: {  	_ =	shalt  }
0x82: {  	_ =	shalt  }
0x83: {  	_ =	shalt  }
0x84: {  	_ =	shalt  }
0x85: {  	_ =	shalt  }
0x86: {  	_ =	shalt  }
0x87: {  	_ =	shalt  }
.Lfunc_end0:
.L_simem_size_0:
called_computation.1_lowered:
.L_overlay_start_0:
0x88: {  	s2 =	sld [smem:$0x3FD9]  }
0x89: {  	s3 =	sld [smem:$0x3FFE];
	_ =	sdelay $0x1  }
0x8a: {  	s1 =	srdreg.scid  }
0x8b: {  	s0 =	sand.u32 $0x1, s1  }
0x8c: {  	s16 =	sshll.u32 s0, $0xA;
	s2 =	sadd.s32 s3, s2  }
0x8d: {  	s2 =	sadd.s32 s2, s16  }
0x8e: {  	[smem:$0x3FBA] =	sst s2  }
0x8f: {  	_ = 	snop  }
0x90: {  	(tm) =	ssettm $0x1  }
0x91: {  	s17 =	sld [smem:$0x3FFB];
	_ =	sdelay $0x3  }
0x92: {  	_ =	strace s17  }
0x93: {  	s2 =	sld [smem:$0x3FFC];
	_ =	sdelay $0x3  }
0x94: {  	_ =	strace s2  }
0x95: {  	s2 =	sld [smem:$0x3FFD];
	_ =	sdelay $0x3  }
0x96: {  	_ =	strace s2  }
0x97: {  	_ =	strace $0x8FFFFFFF  }
0x98: {  	s18 =	sld [smem:$0x3FDB];
	_ =	sdelay $0x1  }
0x99: {  	s19 =	simm.s32 $_scs_section_size  }
0x9a: {  	s4 =	simm.s32 $_size__tile_overlayer_lowered;
	s5 =	simm.s32 $_tile_overlayer_lowered  }
0x9b: {  	s22 =	simm.s32 $0x1BFF;
	s21 =	sshll.u32 s5, $0x1;
	s2 =	sadd.s32 s19, s18  }
0x9c: {  	s6 =	simm.s32 $0x0;
	s20 =	sshll.u32 s4, $0x1;
	s4 =	sadd.s32 s21, s2  }
0x9d: {  	[timem:s6], [sflag:s22] =	dma.local [hbm:s4], s20  }
0x9e: {  	_ =	swait.ge [sflag:s22], s20  }
0x9f: {  	s3 =	ssub.s32 $0x0, s20;
	[sflag:s22] =	ssyncset.done $0x0  }
0xa0: {  	[sflag:s22] =	ssyncadd.s32 s3;
	_ =	sdelay $0x1  }
0xa1: {  	s23 =	simm.s32 $0x1B8B  }
0xa2: {  	_ =	swait.ge [sflag:s23], $0x1  }
0xa3: {  	[sflag:s23] =	ssyncset.done $0x0  }
0xa4: {  	s25 =	simm.s32 $0x1B8E;
	s24 =	sld [smem:$0x3FFE];
	[sflag:s23] =	ssyncadd.s32 $0xFFFFFFFF  }
0xa5: {  	s26 =	simm.s32 $execute0_lowered;
	[smem:$0x3FD2] =	sst s25  }
0xa6: {  	s4 =	sshll.u32 s26, $0x1;
	_ =	strace $0x80000049;
	[dreg:$0x1] =	wrdreg $0xFFFFFFFF  }
0xa7: {  	s28 =	simm.s32 $_size_execute0_lowered;
	s2 =	sadd.s32 s2, s4;
	[dreg:$0x0] =	wrdreg $0x0  }
0xa8: {  	s4 =	sshll.u32 s28, $0x1;
	[dreg:$0x2] =	wrdreg s2  }
0xa9: {  	[dreg:$0x3] =	wrdreg s4  }
0xaa: {  	[dreg:$0x4] =	wrdreg $0xC0  }
0xab: {  	_ =	task [dreg:s6], $0x5FFFF  }
0xac: {  	[dreg:$0x1] =	wrdreg $0xFFFFFFFF  }
0xad: {  	[dreg:$0x0] =	wrdreg $0x60  }
0xae: {  	[dreg:$0x2] =	wrdreg s24  }
0xaf: {  	[dreg:$0x3] =	wrdreg $0x14F000  }
0xb0: {  	[dreg:$0x4] =	wrdreg $0x9  }
0xb1: {  	_ =	task.clear_ibuf [dreg:s6], $0x5FFFF;
	_ =	strace $0x90000049  }
0xb2: {  	s29 =	simm.s32 $0x9;
	_ =	strace $0x8000004B  }
0xb3: {  	_ =	swait.ge [sflag:s29], $0x1  }
0xb4: {  	[sflag:s29] =	ssyncadd.s32 $0xFFFFFFFF  }
0xb5: {  	_ =	strace $0x9000004B  }
0xb6: {  	_ =	sfence  }
0xb7: {  	s30 =	sld [smem:$0x0];
	_ =	sdelay $0x2  }
0xb8: {  	s31 =	sshll.u32 s1, $0xD;
	s1 =	sshrl.u32 s1, $0x2  }
0xb9: {  	s3 =	sand.u32 $0x4000, s31;
	s1 =	sadd.s32 s1, s30  }
0xba: {  	s0 =	sor.u32 s3, s0;
	s1 =	sshll.u32 s1, $0x11  }
0xbb: {  	s0 =	sor.u32 s1, s0  }
0xbc: {  	s0 =	sadd.s32 $0x8F2B, s0  }
0xbd: {  	[sflag:s0] =	ssyncadd.remote.s32 $0x1  }
0xbe: {  	_ =	sfence.sel $0xFFFF  }
0xbf: {  	[dreg:$0x0] =	wrdreg $0xFFFFFFFF;
	(pc) =	sbr.abs _section_cstart, $3  }
0xc0: {  	[dreg:$0x1] =	wrdreg $0xFFFFFFFF  }
0xc1: {  	_ =	task.clear_ibuf [dreg:s6], $0x2FFFF;
	_ =	strace $0x9FFFFFFF  }
0xc2: {  	(tm) =	ssettm $0x7FFFFFFF  }
0xc3: {  	_ =	shalt  }
tec
execute0_lowered:
.L_overlay_start_1:
0x0: {  	(tag) =	ssettag $0x1  }
0x1: {  	s0 =	srdreg.scid;
	s5 =	rddreg [dreg:$0x0]  }
0x2: {  	s11 =	stileid.u32;
	s2 =	rddreg [dreg:$0x1]  }
0x3: {  	s3 =	simm.s32 $0x0;
	s14 =	simm.s32 $0x80;
	s15 =	simm.s32 $0x4F00  }
0x4: {  	s16 =	simm.s32 $0x6F00;
	s18 =	simm.s32 $0x8F00;
	s20 =	simm.s32 $0xAF00  }
0x5: {  	s22 =	simm.s32 $0xCF00;
	s24 =	simm.s32 $0xEF00;
	s29 =	simm.s32 $0x12F00  }
0x6: {  	s30 =	simm.s32 $0x1;
	s31 =	simm.s32 $0x2;
	s17 =	simm.s32 $0x6  }
0x7: {  	s19 =	simm.s32 $0x7;
	s21 =	simm.s32 $0x8;
	s0 =	sand.u32 $0x1, s0  }
0x8: {  	s7 =	smul.u32 $0x9E00, s11;
	[smem:$0x7FF] =	sst s3;
	s4 =	sadd.s32 $0xC800, s5  }
0x9: {  	s28 =	sshll.u32 s11, $0x6;
	s1 =	sshll.u32 s0, $0x4;
	s6 =	smul.u32 $0x9E000, s0  }
0xa: {  	_ =	strace $0x8000004A;
	s0 =	ssub.s32 $0x2, s0;
	s12 =	sor.u32 $0x1C09, s28  }
0xb: {  	s1 =	sor.u32 s11, s1;
	s8 =	sshrl.u32 s7, $0x3;
	s9 =	sshrl.u32 s0, $0x1  }
0xc: {  	s26 =	sadd.s32 s7, s2;
	s11 =	simm.s32 $0x5;
	s1 =	smul.u32 $0x4F0, s1  }
0xd: {  	s6 =	sadd.s32 s7, s6;
	s8 =	sadd.s32 s8, s5;
	s0 =	ssub.s32 s0, s9  }
0xe: {  	s13 =	sshrl.u32 s26, $0x3;
	s26 =	simm.s32 $0x10F00;
	s6 =	sshrl.u32 s6, $0x3  }
0xf: {  	s7 =	sadd.s32 $0x2CC00, s8;
	s9 =	smax.u32 s0, $0x1;
	s1 =	sadd.s32 s1, s5  }
0x10: {  	s0 =	simm.s32 $0x4;
	s10 =	sadd.s32 s6, s5;
	s25 =	sadd.s32 $0x22E00, s1  }
0x11: {  	s6 =	sadd.s32 $0x2A00, s1;
	s8 =	sadd.s32 $0x40800, s10;
	s10 =	simm.s32 $0x9  }
0x12: {  	s1 =	simm.s32 $0x3;
	[dreg:$0x3] =	wrdreg s25;
	s25 =	simm.s32 $0x0  }
.LBB2_1:
0x13: {  	s5 =	rddreg [dreg:$0x3]  }
0x14: {  	[tilespmem:s3], [sflag:$0x9] =	stream.linear.gather [hbm4b:s5+s3], $0x2780, $0x38;
	[tilespmem:$0x1ED00] =	vst v63  }
0x15: {  	_ =	swait.ge [sflag:s10], $0x2780  }
0x16: {  	[sflag:s10] =	ssyncset.done $0x0  }
0x17: {  	s23 =	simm.s32 $0x2780;
	[sflag:s10] =	ssyncadd.s32 $0xFFFFD880  }
0x18: {  	[tilespmem:s23], [sflag:$0x9] =	stream.linear.gather [hbm4b:s6+s3], $0x2780, $0x38;
	[tilespmem:$0x1ED00] =	vst v63  }
0x19: {  	_ =	swait.ge [sflag:s10], $0x2780  }
0x1a: {  	[sflag:s10] =	ssyncset.done $0x0  }
0x1b: {  	[sflag:s10] =	ssyncadd.s32 $0xFFFFD880  }
0x1c: {  	[spmem:s13], [sflag:s12] =	dma.local [hbm:s7], $0x13C0  }
0x1d: {  	_ =	swait.ge [sflag:s10], $0x13C0  }
0x1e: {  	[sflag:s10] =	ssyncset.done $0x0  }
0x1f: {  	[sflag:s10] =	ssyncadd.s32 $0xFFFFEC40  }
0x20: {  	[bflag:$0x0] =	sbarrier.arrive $0xFFFF  }
0x21: {  	[tilespmem:s15], [sflag:$0x1] =	stream.indirect.gather [hbm4b:s4+s14], $0x40, s3, s14, $0xb8;
	[tilespmem:$0x1ED00] =	vst v63  }
0x22: {  	_ = 	snop  }
0x23: {  	[tilespmem:s16], [sflag:$0x2] =	stream.indirect.gather [hbm4b:s4+s14], $0x40, s14, s14, $0xb8;
	[tilespmem:$0x1ED00] =	vst v63  }
0x24: {  	s23 =	simm.s32 $0x100  }
0x25: {  	[tilespmem:s18], [sflag:$0x3] =	stream.indirect.gather [hbm4b:s4+s14], $0x40, s23, s14, $0xb8;
	[tilespmem:$0x1ED00] =	vst v63  }
0x26: {  	s23 =	simm.s32 $0x180  }
0x27: {  	[tilespmem:s20], [sflag:$0x4] =	stream.indirect.gather [hbm4b:s4+s14], $0x40, s23, s14, $0xb8;
	[tilespmem:$0x1ED00] =	vst v63  }
0x28: {  	s23 =	simm.s32 $0x200  }
0x29: {  	[tilespmem:s22], [sflag:$0x5] =	stream.indirect.gather [hbm4b:s4+s14], $0x40, s23, s14, $0xb8;
	[tilespmem:$0x1ED00] =	vst v63  }
0x2a: {  	s23 =	simm.s32 $0x280  }
0x2b: {  	[tilespmem:s24], [sflag:$0x6] =	stream.indirect.gather [hbm4b:s4+s14], $0x40, s23, s14, $0xb8;
	[tilespmem:$0x1ED00] =	vst v63  }
0x2c: {  	s23 =	simm.s32 $0x300  }
0x2d: {  	[tilespmem:s26], [sflag:$0x7] =	stream.indirect.gather [hbm4b:s4+s14], $0x40, s23, s14, $0xb8;
	[tilespmem:$0x1ED00] =	vst v63  }
0x2e: {  	s23 =	simm.s32 $0x380  }
0x2f: {  	[tilespmem:s29], [sflag:$0x8] =	stream.indirect.gather [hbm4b:s4+s14], $0x40, s23, s14, $0xb8;
	[tilespmem:$0x1ED00] =	vst v63  }
0x30: {  	_ =	swait.ge [sflag:s30], $0x2000  }
0x31: {  	[sflag:s30] =	ssyncset.done $0x0  }
0x32: {  	s23 =	simm.s32 $0x2780;
	[sflag:s30] =	ssyncadd.s32 $0xFFFFE000  }
0x33: {  	[spmem:s2] =	stream.indirect.scatter.add.f32 [tilespmem:s15], [sflag:$0x9], $0x40, s23, s14, $0xb8;
	[tilespmem:$0x1ED00] =	vst v63  }
0x34: {  	_ =	swait.ge [sflag:s10], $0x2000  }
0x35: {  	[sflag:s10] =	ssyncset.done $0x0  }
0x36: {  	s5 =	simm.s32 $0x400;
	[sflag:s10] =	ssyncadd.s32 $0xFFFFE000  }
0x37: {  	[tilespmem:s15], [sflag:$0x1] =	stream.indirect.gather [hbm4b:s4+s14], $0x40, s5, s14, $0xb8;
	[tilespmem:$0x1ED00] =	vst v63  }
0x38: {  	_ =	swait.ge [sflag:s31], $0x2000  }
0x39: {  	[sflag:s31] =	ssyncset.done $0x0  }
0x3a: {  	s5 =	simm.s32 $0x2800;
	[sflag:s31] =	ssyncadd.s32 $0xFFFFE000  }
0x3b: {  	[spmem:s2] =	stream.indirect.scatter.add.f32 [tilespmem:s16], [sflag:$0x9], $0x40, s5, s14, $0xb8;
	[tilespmem:$0x1ED00] =	vst v63  }
0x3c: {  	_ =	swait.ge [sflag:s10], $0x2000  }
0x3d: {  	[sflag:s10] =	ssyncset.done $0x0  }
0x3e: {  	s5 =	simm.s32 $0x480;
	[sflag:s10] =	ssyncadd.s32 $0xFFFFE000  }
0x3f: {  	[tilespmem:s16], [sflag:$0x2] =	stream.indirect.gather [hbm4b:s4+s14], $0x40, s5, s14, $0xb8;
	[tilespmem:$0x1ED00] =	vst v63  }
0x40: {  	_ =	swait.ge [sflag:s1], $0x2000  }
0x41: {  	[sflag:s1] =	ssyncset.done $0x0  }
0x42: {  	s5 =	simm.s32 $0x2880;
	[sflag:s1] =	ssyncadd.s32 $0xFFFFE000  }
0x43: {  	[spmem:s2] =	stream.indirect.scatter.add.f32 [tilespmem:s18], [sflag:$0x9], $0x40, s5, s14, $0xb8;
	[tilespmem:$0x1ED00] =	vst v63  }
0x44: {  	_ =	swait.ge [sflag:s10], $0x2000  }
0x45: {  	[sflag:s10] =	ssyncset.done $0x0  }
0x46: {  	s5 =	simm.s32 $0x500;
	[sflag:s10] =	ssyncadd.s32 $0xFFFFE000  }
0x47: {  	[tilespmem:s18], [sflag:$0x3] =	stream.indirect.gather [hbm4b:s4+s14], $0x40, s5, s14, $0xb8;
	[tilespmem:$0x1ED00] =	vst v63  }
0x48: {  	_ =	swait.ge [sflag:s0], $0x2000  }
0x49: {  	[sflag:s0] =	ssyncset.done $0x0  }
0x4a: {  	s5 =	simm.s32 $0x2900;
	[sflag:s0] =	ssyncadd.s32 $0xFFFFE000  }
0x4b: {  	[spmem:s2] =	stream.indirect.scatter.add.f32 [tilespmem:s20], [sflag:$0x9], $0x40, s5, s14, $0xb8;
	[tilespmem:$0x1ED00] =	vst v63  }
0x4c: {  	_ =	swait.ge [sflag:s10], $0x2000  }
0x4d: {  	[sflag:s10] =	ssyncset.done $0x0  }
0x4e: {  	s5 =	simm.s32 $0x580;
	[sflag:s10] =	ssyncadd.s32 $0xFFFFE000  }
0x4f: {  	[tilespmem:s20], [sflag:$0x4] =	stream.indirect.gather [hbm4b:s4+s14], $0x40, s5, s14, $0xb8;
	[tilespmem:$0x1ED00] =	vst v63  }
0x50: {  	_ =	swait.ge [sflag:s11], $0x2000  }
0x51: {  	[sflag:s11] =	ssyncset.done $0x0  }
0x52: {  	s5 =	simm.s32 $0x2980;
	[sflag:s11] =	ssyncadd.s32 $0xFFFFE000  }
0x53: {  	[spmem:s2] =	stream.indirect.scatter.add.f32 [tilespmem:s22], [sflag:$0x9], $0x40, s5, s14, $0xb8;
	[tilespmem:$0x1ED00] =	vst v63  }
0x54: {  	_ =	swait.ge [sflag:s10], $0x2000  }
0x55: {  	[sflag:s10] =	ssyncset.done $0x0  }
0x56: {  	s5 =	simm.s32 $0x600;
	[sflag:s10] =	ssyncadd.s32 $0xFFFFE000  }
0x57: {  	[tilespmem:s22], [sflag:$0x5] =	stream.indirect.gather [hbm4b:s4+s14], $0x40, s5, s14, $0xb8;
	[tilespmem:$0x1ED00] =	vst v63  }
0x58: {  	_ =	swait.ge [sflag:s17], $0x2000  }
0x59: {  	[sflag:s17] =	ssyncset.done $0x0  }
0x5a: {  	s5 =	simm.s32 $0x2A00;
	[sflag:s17] =	ssyncadd.s32 $0xFFFFE000  }
0x5b: {  	[spmem:s2] =	stream.indirect.scatter.add.f32 [tilespmem:s24], [sflag:$0x9], $0x40, s5, s14, $0xb8;
	[tilespmem:$0x1ED00] =	vst v63  }
0x5c: {  	_ =	swait.ge [sflag:s10], $0x2000  }
0x5d: {  	[sflag:s10] =	ssyncset.done $0x0  }
0x5e: {  	s5 =	simm.s32 $0x680;
	[sflag:s10] =	ssyncadd.s32 $0xFFFFE000  }
0x5f: {  	[tilespmem:s24], [sflag:$0x6] =	stream.indirect.gather [hbm4b:s4+s14], $0x40, s5, s14, $0xb8;
	[tilespmem:$0x1ED00] =	vst v63  }
0x60: {  	_ =	swait.ge [sflag:s19], $0x2000  }
0x61: {  	[sflag:s19] =	ssyncset.done $0x0  }
0x62: {  	s5 =	simm.s32 $0x2A80;
	[sflag:s19] =	ssyncadd.s32 $0xFFFFE000  }
0x63: {  	[spmem:s2] =	stream.indirect.scatter.add.f32 [tilespmem:s26], [sflag:$0x9], $0x40, s5, s14, $0xb8;
	[tilespmem:$0x1ED00] =	vst v63  }
0x64: {  	_ =	swait.ge [sflag:s10], $0x2000  }
0x65: {  	[sflag:s10] =	ssyncset.done $0x0  }
0x66: {  	s5 =	simm.s32 $0x700;
	[sflag:s10] =	ssyncadd.s32 $0xFFFFE000  }
0x67: {  	[tilespmem:s26], [sflag:$0x7] =	stream.indirect.gather [hbm4b:s4+s14], $0x40, s5, s14, $0xb8;
	[tilespmem:$0x1ED00] =	vst v63  }
0x68: {  	_ =	swait.ge [sflag:s21], $0x2000  }
0x69: {  	[sflag:s21] =	ssyncset.done $0x0  }
0x6a: {  	s5 =	simm.s32 $0x2B00;
	[sflag:s21] =	ssyncadd.s32 $0xFFFFE000  }
0x6b: {  	[spmem:s2] =	stream.indirect.scatter.add.f32 [tilespmem:s29], [sflag:$0x9], $0x40, s5, s14, $0xb8;
	[tilespmem:$0x1ED00] =	vst v63  }
0x6c: {  	_ =	swait.ge [sflag:s10], $0x2000  }
0x6d: {  	[sflag:s10] =	ssyncset.done $0x0  }
0x6e: {  	s28 =	simm.s32 $0x1000;
	s23 =	simm.s32 $0x780;
	[sflag:s10] =	ssyncadd.s32 $0xFFFFE000  }
.LBB2_2:
0x6f: {  	[tilespmem:s29], [sflag:$0x8] =	stream.indirect.gather [hbm4b:s4+s14], $0x40, s23, s14, $0xb8;
	[tilespmem:$0x1ED00] =	vst v63  }
0x70: {  	s23 =	smov.u32 s28  }
0x71: {  	p0 =	sne.s32 s28, $0x7000;
	s28 =	sadd.s32 $0x1000, s28;
	_ =	swait.ge [sflag:s30], $0x2000  }
0x72: {  	s23 =	sshra.s32 s23, $0x2;
	[sflag:s30] =	ssyncset.done $0x0  }
0x73: {  	s5 =	sadd.s32 $0x2780, s23;
	[sflag:s30] =	ssyncadd.s32 $0xFFFFE000  }
0x74: {  	[spmem:s2] =	stream.indirect.scatter.add.f32 [tilespmem:s15], [sflag:$0x9], $0x40, s5, s14, $0xb8;
	[tilespmem:$0x1ED00] =	vst v63  }
0x75: {  	_ =	swait.ge [sflag:s10], $0x2000  }
0x76: {  	[sflag:s10] =	ssyncset.done $0x0  }
0x77: {  	s5 =	sadd.s32 $0x400, s23;
	[sflag:s10] =	ssyncadd.s32 $0xFFFFE000  }
0x78: {  	[tilespmem:s15], [sflag:$0x1] =	stream.indirect.gather [hbm4b:s4+s14], $0x40, s5, s14, $0xb8;
	[tilespmem:$0x1ED00] =	vst v63  }
0x79: {  	_ =	swait.ge [sflag:s31], $0x2000  }
0x7a: {  	[sflag:s31] =	ssyncset.done $0x0  }
0x7b: {  	s5 =	sadd.s32 $0x2800, s23;
	[sflag:s31] =	ssyncadd.s32 $0xFFFFE000  }
0x7c: {  	[spmem:s2] =	stream.indirect.scatter.add.f32 [tilespmem:s16], [sflag:$0x9], $0x40, s5, s14, $0xb8;
	[tilespmem:$0x1ED00] =	vst v63  }
0x7d: {  	_ =	swait.ge [sflag:s10], $0x2000  }
0x7e: {  	[sflag:s10] =	ssyncset.done $0x0  }
0x7f: {  	s5 =	sadd.s32 $0x480, s23;
	[sflag:s10] =	ssyncadd.s32 $0xFFFFE000  }
0x80: {  	[tilespmem:s16], [sflag:$0x2] =	stream.indirect.gather [hbm4b:s4+s14], $0x40, s5, s14, $0xb8;
	[tilespmem:$0x1ED00] =	vst v63  }
0x81: {  	_ =	swait.ge [sflag:s1], $0x2000  }
0x82: {  	[sflag:s1] =	ssyncset.done $0x0  }
0x83: {  	s5 =	sadd.s32 $0x2880, s23;
	[sflag:s1] =	ssyncadd.s32 $0xFFFFE000  }
0x84: {  	[spmem:s2] =	stream.indirect.scatter.add.f32 [tilespmem:s18], [sflag:$0x9], $0x40, s5, s14, $0xb8;
	[tilespmem:$0x1ED00] =	vst v63  }
0x85: {  	_ =	swait.ge [sflag:s10], $0x2000  }
0x86: {  	[sflag:s10] =	ssyncset.done $0x0  }
0x87: {  	s5 =	sadd.s32 $0x500, s23;
	[sflag:s10] =	ssyncadd.s32 $0xFFFFE000  }
0x88: {  	[tilespmem:s18], [sflag:$0x3] =	stream.indirect.gather [hbm4b:s4+s14], $0x40, s5, s14, $0xb8;
	[tilespmem:$0x1ED00] =	vst v63  }
0x89: {  	_ =	swait.ge [sflag:s0], $0x2000  }
0x8a: {  	[sflag:s0] =	ssyncset.done $0x0  }
0x8b: {  	s5 =	sadd.s32 $0x2900, s23;
	[sflag:s0] =	ssyncadd.s32 $0xFFFFE000  }
0x8c: {  	[spmem:s2] =	stream.indirect.scatter.add.f32 [tilespmem:s20], [sflag:$0x9], $0x40, s5, s14, $0xb8;
	[tilespmem:$0x1ED00] =	vst v63  }
0x8d: {  	_ =	swait.ge [sflag:s10], $0x2000  }
0x8e: {  	[sflag:s10] =	ssyncset.done $0x0  }
0x8f: {  	s5 =	sadd.s32 $0x580, s23;
	[sflag:s10] =	ssyncadd.s32 $0xFFFFE000  }
0x90: {  	[tilespmem:s20], [sflag:$0x4] =	stream.indirect.gather [hbm4b:s4+s14], $0x40, s5, s14, $0xb8;
	[tilespmem:$0x1ED00] =	vst v63  }
0x91: {  	_ =	swait.ge [sflag:s11], $0x2000  }
0x92: {  	[sflag:s11] =	ssyncset.done $0x0  }
0x93: {  	s5 =	sadd.s32 $0x2980, s23;
	[sflag:s11] =	ssyncadd.s32 $0xFFFFE000  }
0x94: {  	[spmem:s2] =	stream.indirect.scatter.add.f32 [tilespmem:s22], [sflag:$0x9], $0x40, s5, s14, $0xb8;
	[tilespmem:$0x1ED00] =	vst v63  }
0x95: {  	_ =	swait.ge [sflag:s10], $0x2000  }
0x96: {  	[sflag:s10] =	ssyncset.done $0x0  }
0x97: {  	s5 =	sadd.s32 $0x600, s23;
	[sflag:s10] =	ssyncadd.s32 $0xFFFFE000  }
0x98: {  	[tilespmem:s22], [sflag:$0x5] =	stream.indirect.gather [hbm4b:s4+s14], $0x40, s5, s14, $0xb8;
	[tilespmem:$0x1ED00] =	vst v63  }
0x99: {  	_ =	swait.ge [sflag:s17], $0x2000  }
0x9a: {  	[sflag:s17] =	ssyncset.done $0x0  }
0x9b: {  	s5 =	sadd.s32 $0x2A00, s23;
	[sflag:s17] =	ssyncadd.s32 $0xFFFFE000  }
0x9c: {  	[spmem:s2] =	stream.indirect.scatter.add.f32 [tilespmem:s24], [sflag:$0x9], $0x40, s5, s14, $0xb8;
	[tilespmem:$0x1ED00] =	vst v63  }
0x9d: {  	_ =	swait.ge [sflag:s10], $0x2000  }
0x9e: {  	[sflag:s10] =	ssyncset.done $0x0  }
0x9f: {  	s5 =	sadd.s32 $0x680, s23;
	[sflag:s10] =	ssyncadd.s32 $0xFFFFE000  }
0xa0: {  	[tilespmem:s24], [sflag:$0x6] =	stream.indirect.gather [hbm4b:s4+s14], $0x40, s5, s14, $0xb8;
	[tilespmem:$0x1ED00] =	vst v63  }
0xa1: {  	_ =	swait.ge [sflag:s19], $0x2000  }
0xa2: {  	[sflag:s19] =	ssyncset.done $0x0  }
0xa3: {  	s5 =	sadd.s32 $0x2A80, s23;
	[sflag:s19] =	ssyncadd.s32 $0xFFFFE000  }
0xa4: {  	[spmem:s2] =	stream.indirect.scatter.add.f32 [tilespmem:s26], [sflag:$0x9], $0x40, s5, s14, $0xb8;
	[tilespmem:$0x1ED00] =	vst v63  }
0xa5: {  	_ =	swait.ge [sflag:s10], $0x2000  }
0xa6: {  	[sflag:s10] =	ssyncset.done $0x0  }
0xa7: {  	s5 =	sadd.s32 $0x700, s23;
	[sflag:s10] =	ssyncadd.s32 $0xFFFFE000  }
0xa8: {  	[tilespmem:s26], [sflag:$0x7] =	stream.indirect.gather [hbm4b:s4+s14], $0x40, s5, s14, $0xb8;
	[tilespmem:$0x1ED00] =	vst v63  }
0xa9: {  	_ =	swait.ge [sflag:s21], $0x2000  }
0xaa: {  	[sflag:s21] =	ssyncset.done $0x0  }
.Ltmp0:
0xab: {  	s5 =	sadd.s32 $0x2B00, s23;
	[sflag:s21] =	ssyncadd.s32 $0xFFFFE000;
	(pc) =	sbr.rel @p0 .LBB2_2-.Ltmp0, $4  }
0xac: {  	[spmem:s2] =	stream.indirect.scatter.add.f32 [tilespmem:s29], [sflag:$0x9], $0x40, s5, s14, $0xb8;
	[tilespmem:$0x1ED00] =	vst v63  }
0xad: {  	_ =	swait.ge [sflag:s10], $0x2000  }
0xae: {  	[sflag:s10] =	ssyncset.done $0x0  }
0xaf: {  	s23 =	sadd.s32 $0x780, s23;
	[sflag:s10] =	ssyncadd.s32 $0xFFFFE000  }
0xb0: {  	[tilespmem:s29], [sflag:$0x8] =	stream.indirect.gather [hbm4b:s4+s14], $0x40, s23, s14, $0xb8;
	[tilespmem:$0x1ED00] =	vst v63  }
0xb1: {  	_ =	swait.ge [sflag:s30], $0x2000  }
0xb2: {  	[sflag:s30] =	ssyncset.done $0x0  }
0xb3: {  	s5 =	simm.s32 $0x4780;
	[sflag:s30] =	ssyncadd.s32 $0xFFFFE000  }
0xb4: {  	[spmem:s2] =	stream.indirect.scatter.add.f32 [tilespmem:s15], [sflag:$0x9], $0x40, s5, s14, $0xb8;
	[tilespmem:$0x1ED00] =	vst v63  }
0xb5: {  	_ =	swait.ge [sflag:s10], $0x2000  }
0xb6: {  	[sflag:s10] =	ssyncset.done $0x0  }
0xb7: {  	s28 =	simm.s32 $0x2400;
	[sflag:s10] =	ssyncadd.s32 $0xFFFFE000  }
0xb8: {  	[tilespmem:s15], [sflag:$0x1] =	stream.indirect.gather [hbm4b:s4+s14], $0x40, s28, s14, $0xb8;
	[tilespmem:$0x1ED00] =	vst v63  }
0xb9: {  	_ =	swait.ge [sflag:s31], $0x2000  }
0xba: {  	[sflag:s31] =	ssyncset.done $0x0  }
0xbb: {  	s23 =	simm.s32 $0x4800;
	[sflag:s31] =	ssyncadd.s32 $0xFFFFE000  }
0xbc: {  	[spmem:s2] =	stream.indirect.scatter.add.f32 [tilespmem:s16], [sflag:$0x9], $0x40, s23, s14, $0xb8;
	[tilespmem:$0x1ED00] =	vst v63  }
0xbd: {  	_ =	swait.ge [sflag:s10], $0x2000  }
0xbe: {  	[sflag:s10] =	ssyncset.done $0x0  }
0xbf: {  	s28 =	simm.s32 $0x2480;
	[sflag:s10] =	ssyncadd.s32 $0xFFFFE000  }
0xc0: {  	[tilespmem:s16], [sflag:$0x2] =	stream.indirect.gather [hbm4b:s4+s14], $0x40, s28, s14, $0xb8;
	[tilespmem:$0x1ED00] =	vst v63  }
0xc1: {  	_ =	swait.ge [sflag:s1], $0x2000  }
0xc2: {  	[sflag:s1] =	ssyncset.done $0x0  }
0xc3: {  	s23 =	simm.s32 $0x4880;
	[sflag:s1] =	ssyncadd.s32 $0xFFFFE000  }
0xc4: {  	[spmem:s2] =	stream.indirect.scatter.add.f32 [tilespmem:s18], [sflag:$0x9], $0x40, s23, s14, $0xb8;
	[tilespmem:$0x1ED00] =	vst v63  }
0xc5: {  	_ =	swait.ge [sflag:s10], $0x2000  }
0xc6: {  	[sflag:s10] =	ssyncset.done $0x0  }
0xc7: {  	s28 =	simm.s32 $0x2500;
	[sflag:s10] =	ssyncadd.s32 $0xFFFFE000  }
0xc8: {  	[tilespmem:s18], [sflag:$0x3] =	stream.indirect.gather [hbm4b:s4+s14], $0x40, s28, s14, $0xb8;
	[tilespmem:$0x1ED00] =	vst v63  }
0xc9: {  	_ =	swait.ge [sflag:s0], $0x2000  }
0xca: {  	[sflag:s0] =	ssyncset.done $0x0  }
0xcb: {  	s23 =	simm.s32 $0x4900;
	[sflag:s0] =	ssyncadd.s32 $0xFFFFE000  }
0xcc: {  	[spmem:s2] =	stream.indirect.scatter.add.f32 [tilespmem:s20], [sflag:$0x9], $0x40, s23, s14, $0xb8;
	[tilespmem:$0x1ED00] =	vst v63  }
0xcd: {  	_ =	swait.ge [sflag:s10], $0x2000  }
0xce: {  	[sflag:s10] =	ssyncset.done $0x0  }
0xcf: {  	s28 =	simm.s32 $0x2580;
	[sflag:s10] =	ssyncadd.s32 $0xFFFFE000  }
0xd0: {  	[tilespmem:s20], [sflag:$0x4] =	stream.indirect.gather [hbm4b:s4+s14], $0x40, s28, s14, $0xb8;
	[tilespmem:$0x1ED00] =	vst v63  }
0xd1: {  	_ =	swait.ge [sflag:s11], $0x2000  }
0xd2: {  	[sflag:s11] =	ssyncset.done $0x0  }
0xd3: {  	s23 =	simm.s32 $0x4980;
	[sflag:s11] =	ssyncadd.s32 $0xFFFFE000  }
0xd4: {  	[spmem:s2] =	stream.indirect.scatter.add.f32 [tilespmem:s22], [sflag:$0x9], $0x40, s23, s14, $0xb8;
	[tilespmem:$0x1ED00] =	vst v63  }
0xd5: {  	_ =	swait.ge [sflag:s10], $0x2000  }
0xd6: {  	[sflag:s10] =	ssyncset.done $0x0  }
0xd7: {  	s28 =	simm.s32 $0x2600;
	[sflag:s10] =	ssyncadd.s32 $0xFFFFE000  }
0xd8: {  	[tilespmem:s22], [sflag:$0x5] =	stream.indirect.gather [hbm4b:s4+s14], $0x40, s28, s14, $0xb8;
	[tilespmem:$0x1ED00] =	vst v63  }
0xd9: {  	_ =	swait.ge [sflag:s17], $0x2000  }
0xda: {  	[sflag:s17] =	ssyncset.done $0x0  }
0xdb: {  	s23 =	simm.s32 $0x4A00;
	[sflag:s17] =	ssyncadd.s32 $0xFFFFE000  }
0xdc: {  	[spmem:s2] =	stream.indirect.scatter.add.f32 [tilespmem:s24], [sflag:$0x9], $0x40, s23, s14, $0xb8;
	[tilespmem:$0x1ED00] =	vst v63  }
0xdd: {  	_ =	swait.ge [sflag:s10], $0x2000  }
0xde: {  	[sflag:s10] =	ssyncset.done $0x0  }
0xdf: {  	s28 =	simm.s32 $0x2680;
	[sflag:s10] =	ssyncadd.s32 $0xFFFFE000  }
0xe0: {  	[tilespmem:s24], [sflag:$0x6] =	stream.indirect.gather [hbm4b:s4+s14], $0x40, s28, s14, $0xb8;
	[tilespmem:$0x1ED00] =	vst v63  }
0xe1: {  	_ =	swait.ge [sflag:s19], $0x2000  }
0xe2: {  	[sflag:s19] =	ssyncset.done $0x0  }
0xe3: {  	s23 =	simm.s32 $0x4A80;
	[sflag:s19] =	ssyncadd.s32 $0xFFFFE000  }
0xe4: {  	[spmem:s2] =	stream.indirect.scatter.add.f32 [tilespmem:s26], [sflag:$0x9], $0x40, s23, s14, $0xb8;
	[tilespmem:$0x1ED00] =	vst v63  }
0xe5: {  	_ =	swait.ge [sflag:s10], $0x2000  }
0xe6: {  	[sflag:s10] =	ssyncset.done $0x0  }
0xe7: {  	s28 =	simm.s32 $0x2700;
	[sflag:s10] =	ssyncadd.s32 $0xFFFFE000  }
0xe8: {  	[tilespmem:s26], [sflag:$0x7] =	stream.indirect.gather [hbm4b:s4+s14], $0x40, s28, s14, $0xb8;
	[tilespmem:$0x1ED00] =	vst v63  }
0xe9: {  	_ =	swait.ge [sflag:s21], $0x2000  }
0xea: {  	[sflag:s21] =	ssyncset.done $0x0  }
0xeb: {  	s23 =	simm.s32 $0x4B00;
	[sflag:s21] =	ssyncadd.s32 $0xFFFFE000  }
0xec: {  	[spmem:s2] =	stream.indirect.scatter.add.f32 [tilespmem:s29], [sflag:$0x9], $0x40, s23, s14, $0xb8;
	[tilespmem:$0x1ED00] =	vst v63  }
0xed: {  	_ =	swait.ge [sflag:s10], $0x2000  }
0xee: {  	[sflag:s10] =	ssyncset.done $0x0  }
0xef: {  	[sflag:s10] =	ssyncadd.s32 $0xFFFFE000  }
0xf0: {  	_ =	swait.ge [sflag:s30], $0x2000  }
0xf1: {  	[sflag:s30] =	ssyncset.done $0x0  }
0xf2: {  	s28 =	simm.s32 $0x4B80;
	[sflag:s30] =	ssyncadd.s32 $0xFFFFE000  }
0xf3: {  	[spmem:s2] =	stream.indirect.scatter.add.f32 [tilespmem:s15], [sflag:$0x9], $0x40, s28, s14, $0xb8;
	[tilespmem:$0x1ED00] =	vst v63  }
0xf4: {  	_ =	swait.ge [sflag:s10], $0x2000  }
0xf5: {  	[sflag:s10] =	ssyncset.done $0x0  }
0xf6: {  	[sflag:s10] =	ssyncadd.s32 $0xFFFFE000  }
0xf7: {  	_ =	swait.ge [sflag:s31], $0x2000  }
0xf8: {  	[sflag:s31] =	ssyncset.done $0x0  }
0xf9: {  	s23 =	simm.s32 $0x4C00;
	[sflag:s31] =	ssyncadd.s32 $0xFFFFE000  }
0xfa: {  	[spmem:s2] =	stream.indirect.scatter.add.f32 [tilespmem:s16], [sflag:$0x9], $0x40, s23, s14, $0xb8;
	[tilespmem:$0x1ED00] =	vst v63  }
0xfb: {  	_ =	swait.ge [sflag:s10], $0x2000  }
0xfc: {  	[sflag:s10] =	ssyncset.done $0x0  }
0xfd: {  	[sflag:s10] =	ssyncadd.s32 $0xFFFFE000  }
0xfe: {  	_ =	swait.ge [sflag:s1], $0x2000  }
0xff: {  	[sflag:s1] =	ssyncset.done $0x0  }
0x100: {  	s28 =	simm.s32 $0x4C80;
	[sflag:s1] =	ssyncadd.s32 $0xFFFFE000  }
0x101: {  	[spmem:s2] =	stream.indirect.scatter.add.f32 [tilespmem:s18], [sflag:$0x9], $0x40, s28, s14, $0xb8;
	[tilespmem:$0x1ED00] =	vst v63  }
0x102: {  	_ =	swait.ge [sflag:s10], $0x2000  }
0x103: {  	[sflag:s10] =	ssyncset.done $0x0  }
0x104: {  	[sflag:s10] =	ssyncadd.s32 $0xFFFFE000  }
0x105: {  	_ =	swait.ge [sflag:s0], $0x2000  }
0x106: {  	[sflag:s0] =	ssyncset.done $0x0  }
0x107: {  	s23 =	simm.s32 $0x4D00;
	[sflag:s0] =	ssyncadd.s32 $0xFFFFE000  }
0x108: {  	[spmem:s2] =	stream.indirect.scatter.add.f32 [tilespmem:s20], [sflag:$0x9], $0x40, s23, s14, $0xb8;
	[tilespmem:$0x1ED00] =	vst v63  }
0x109: {  	_ =	swait.ge [sflag:s10], $0x2000  }
0x10a: {  	[sflag:s10] =	ssyncset.done $0x0  }
0x10b: {  	[sflag:s10] =	ssyncadd.s32 $0xFFFFE000  }
0x10c: {  	_ =	swait.ge [sflag:s11], $0x2000  }
0x10d: {  	[sflag:s11] =	ssyncset.done $0x0  }
0x10e: {  	s28 =	simm.s32 $0x4D80;
	[sflag:s11] =	ssyncadd.s32 $0xFFFFE000  }
0x10f: {  	[spmem:s2] =	stream.indirect.scatter.add.f32 [tilespmem:s22], [sflag:$0x9], $0x40, s28, s14, $0xb8;
	[tilespmem:$0x1ED00] =	vst v63  }
0x110: {  	_ =	swait.ge [sflag:s10], $0x2000  }
0x111: {  	[sflag:s10] =	ssyncset.done $0x0  }
0x112: {  	[sflag:s10] =	ssyncadd.s32 $0xFFFFE000  }
0x113: {  	_ =	swait.ge [sflag:s17], $0x2000  }
0x114: {  	[sflag:s17] =	ssyncset.done $0x0  }
0x115: {  	s23 =	simm.s32 $0x4E00;
	[sflag:s17] =	ssyncadd.s32 $0xFFFFE000  }
0x116: {  	[spmem:s2] =	stream.indirect.scatter.add.f32 [tilespmem:s24], [sflag:$0x9], $0x40, s23, s14, $0xb8;
	[tilespmem:$0x1ED00] =	vst v63  }
0x117: {  	_ =	swait.ge [sflag:s10], $0x2000  }
0x118: {  	[sflag:s10] =	ssyncset.done $0x0  }
0x119: {  	[sflag:s10] =	ssyncadd.s32 $0xFFFFE000  }
0x11a: {  	_ =	swait.ge [sflag:s19], $0x2000  }
0x11b: {  	[sflag:s19] =	ssyncset.done $0x0  }
0x11c: {  	s28 =	simm.s32 $0x4E80;
	[sflag:s19] =	ssyncadd.s32 $0xFFFFE000  }
0x11d: {  	[spmem:s2] =	stream.indirect.scatter.add.f32 [tilespmem:s26], [sflag:$0x9], $0x40, s28, s14, $0xb8;
	[tilespmem:$0x1ED00] =	vst v63  }
0x11e: {  	_ =	swait.ge [sflag:s10], $0x2000  }
0x11f: {  	s25 =	sadd.s32 $0x1, s25;
	[sflag:s10] =	ssyncset.done $0x0  }
0x120: {  	p0 =	sne.s32 s25, s9;
	[sflag:s10] =	ssyncadd.s32 $0xFFFFE000  }
.Ltmp1:
0x121: {  	[bflag:$0x0] =	sbarrier.arrive $0xFFFF;
	(pc) =	sbr.rel @p0 .LBB2_1-.Ltmp1, $4  }
0x122: {  	[hbm:s8], [sflag:s12] =	dma.local [spmem:s13], $0x13C0  }
0x123: {  	_ =	swait.ge [sflag:s10], $0x13C0  }
0x124: {  	[sflag:s10] =	ssyncset.done $0x0  }
0x125: {  	[sflag:s10] =	ssyncadd.s32 $0xFFFFEC40  }
0x126: {  	_ =	sfence.sel $0x180000  }
0x127: {  	[bflag:$0x0] =	sbarrier.arrive $0xFFFF  }
0x128: {  	_ =	strace $0x9000004A  }
0x129: {  	s0 =	stileid.u32;
	[bflag:$0x2] =	sbarrier.arrive $0xFFFF  }
0x12a: {  	p0 =	sne.s32 s0, $0x0;
	s0 =	rddreg [dreg:$0x2]  }
0x12b: {  	s0 =	sadd.s32 @!p0 $0x100000, s0  }
0x12c: {  	[sflag:s0] =	ssyncadd.tile.s32 @!p0 $0x1;
	_ =	shalt  }
.Lfunc_end2:
_tile_overlayer_lowered:
.L_overlay_start_2:
0x12d: {  	(tag) =	ssettag $0x2  }
0x12e: {  	s0 =	rddreg [dreg:$0x0];
	s2 =	stileid.u32  }
0x12f: {  	s1 =	rddreg [dreg:$0x1];
	p0 =	sne.s32 s2, $0x0  }
0x130: {  	s3 =	rddreg [dreg:$0x2];
	[bflag:$0x3] =	sbarrier.arrive $0xFFFF;
	s2 =	simm.s32 @!p0 $0x1C09  }
0x131: {  	[timem:s3], [sflag:s2] =	dma.local @!p0 [hbm:s0], s1  }
0x132: {  	s0 =	simm.s32 @!p0 $0x9  }
0x133: {  	_ =	swait.ge @!p0 [sflag:s0], s1  }
0x134: {  	s1 =	ssub.s32 @!p0 $0x0, s1;
	[sflag:s0] =	ssyncset.done @!p0 $0x0  }
0x135: {  	[sflag:s0] =	ssyncadd.s32 @!p0 s1  }
0x136: {  	[bflag:$0x3] =	sbarrier.arrive $0xFFFF  }
0x137: {  	_ =	shalt  }

// kernel: kernel.16.cloned.1.call-start
scs
__scs_entry_jumppad:
0x0: {  	(pc) =	sbr.rel $0x88, $3  }
0x1: {  	(tag) =	ssettag $0x0;
	lr =	simm.s32 $0x1  }
0x2: {  	[smem:$0x3F93] =	sst lr;
	_ =	strace $0xD0000000  }
0x3: {  	_ = 	snop  }
0x4: {  	_ = 	snop  }
0x5: {  	_ = 	snop  }
0x6: {  	_ = 	snop  }
0x7: {  	_ = 	snop  }
__scs_overlays_trampoline_lowered:
0x8: {  	[smem:$0x3FA2] =	sst s0  }
0x9: {  	[smem:$0x3FA3] =	sst s1  }
0xa: {  	[smem:$0x3FA4] =	sst s2  }
0xb: {  	[smem:$0x3FA5] =	sst s3  }
0xc: {  	[smem:$0x3FA6] =	sst s4  }
0xd: {  	[smem:$0x3FA7] =	sst s5  }
0xe: {  	[smem:$0x3FA8] =	sst s6  }
0xf: {  	[smem:$0x3FA9] =	sst s7  }
0x10: {  	[smem:$0x3FAA] =	sst s8  }
0x11: {  	[smem:$0x3FAB] =	sst s9;
	s0 =	simm.s32 @!p0 $0x0  }
0x12: {  	s1 =	sld [smem:$0x3F91];
	s0 =	simm.s32 @p0 $0x1  }
0x13: {  	[smem:$0x3FAC] =	sst s0;
	s0 =	simm.s32 @!p1 $0x0  }
0x14: {  	s2 =	sld [smem:$0x3F90];
	s0 =	simm.s32 @p1 $0x1  }
0x15: {  	[smem:$0x3FAD] =	sst s0;
	s0 =	simm.s32 @!p2 $0x0  }
0x16: {  	s3 =	sld [smem:$0x3FDB];
	s0 =	simm.s32 @p2 $0x1  }
0x17: {  	s4 =	simm.s32 $0x1BF5;
	[smem:$0x3FAF] =	sst s0  }
0x18: {  	s0 =	sld [smem:$0x3F92];
	_ =	swait.ge [sflag:s4], $0x0  }
0x19: {  	s7 =	sld [smem:$0x3F93]  }
0x1a: {  	s8 =	sadd.s32 $0xFFFFE003, lr  }
0x1b: {  	s9 =	sadd.s32 $0xFFFFFEF7, lr;
	s5 =	simm.s32 $0xFFFFFFFF;
	p2 =	slt.u32 s8, $0xFFFFF086  }
0x1c: {  	p1 =	slt.u32 s9, $0xF7A;
	s5 =	simm.s32 @!p2 $0x0  }
0x1d: {  	s5 =	simm.s32 @p1 $0x1;
	p0 =	seq.s32 s7, s2  }
0x1e: {  	s7 =	smul.u32 @!p0 $0xF7A, s2;
	p2 =	seq.s32 @!p0 s5, $0x0  }
0x1f: {  	s9 =	smul.u32 $0xF7A, s1;
	s8 =	simm.s32 @!p0 $0x1BF5;
	p2 =	por !p2, p0  }
0x20: {  	[sflag:s8] =	ssyncset.s32 @!p0 $0xFFFFF086;
	s6 =	sadd.s32 @!p0 s3, s7;
	s7 =	simm.s32 @!p0 $0x108  }
0x21: {  	s3 =	sadd.s32 s3, s9;
	s6 =	sadd.s32 @!p0 $0x88, s6;
	s7 =	simm.s32 @p2 $0x1082  }
0x22: {  	[simem:s7], [sflag:s8] =	dma.local @!p0 [hbm:s6], $0xF7A  }
0x23: {  	s9 =	sor.u32 $0xD0000000, s2;
	s6 =	simm.s32 $0x108;
	_ =	swait.ge @!p0 [sflag:s8], $0x0  }
0x24: {  	s3 =	sadd.s32 $0x88, s3;
	s6 =	simm.s32 @!p1 $0x1082;
	[sflag:s4] =	ssyncset.s32 $0xFFFFF086  }
0x25: {  	[simem:s6], [sflag:s4] =	dma.local [hbm:s3], $0xF7A  }
0x26: {  	[smem:$0x3F93] =	sst s1;
	(tag) =	ssettag s2;
	_ =	strace s9  }
0x27: {  	s1 =	sld [smem:$0x3FA3]  }
0x28: {  	s2 =	sld [smem:$0x3FA4]  }
0x29: {  	s4 =	sld [smem:$0x3FA6]  }
0x2a: {  	p0 =	seq.s32 s5, $0x0;
	s5 =	sld [smem:$0x3FA7]  }
0x2b: {  	s6 =	sld [smem:$0x3FA8]  }
0x2c: {  	s7 =	sld [smem:$0x3FA9]  }
0x2d: {  	s3 =	simm.s32 $0x108;
	s8 =	sld [smem:$0x3FAA]  }
0x2e: {  	s3 =	simm.s32 @!p0 $0x1082;
	s9 =	sld [smem:$0x3FAB]  }
0x2f: {  	lr =	sadd.s32 s0, s3;
	s0 =	sld [smem:$0x3FA2]  }
0x30: {  	s3 =	sld [smem:$0x3FA5]  }
0x31: {  	[smem:$0x3FAE] =	sst s10  }
0x32: {  	s10 =	sld [smem:$0x3FAC];
	_ =	sdelay $0x3  }
0x33: {  	p0 =	seq.s32 s10, $0x1;
	s10 =	sld [smem:$0x3FAE];
	_ =	sdelay $0x3  }
0x34: {  	[smem:$0x3FAE] =	sst s10  }
0x35: {  	s10 =	sld [smem:$0x3FAD];
	_ =	sdelay $0x3  }
0x36: {  	p1 =	seq.s32 s10, $0x1;
	s10 =	sld [smem:$0x3FAE];
	_ =	sdelay $0x3  }
0x37: {  	[smem:$0x3FAE] =	sst s10  }
0x38: {  	s10 =	sld [smem:$0x3FAF]  }
0x39: {  	_ = 	snop;
	(pc) =	sbr.ind lr, $3  }
0x3a: {  	_ = 	snop  }
0x3b: {  	_ = 	snop  }
0x3c: {  	p2 =	seq.s32 s10, $0x1;
	s10 =	sld [smem:$0x3FAE]  }
0x3d: {  	_ =	shalt  }
0x3e: {  	_ =	shalt  }
0x3f: {  	_ =	shalt  }
0x40: {  	_ =	shalt  }
0x41: {  	_ =	shalt  }
0x42: {  	_ =	shalt  }
0x43: {  	_ =	shalt  }
0x44: {  	_ =	shalt  }
0x45: {  	_ =	shalt  }
0x46: {  	_ =	shalt  }
0x47: {  	_ =	shalt  }
0x48: {  	_ =	shalt  }
0x49: {  	_ =	shalt  }
0x4a: {  	_ =	shalt  }
0x4b: {  	_ =	shalt  }
0x4c: {  	_ =	shalt  }
0x4d: {  	_ =	shalt  }
0x4e: {  	_ =	shalt  }
0x4f: {  	_ =	shalt  }
0x50: {  	_ =	shalt  }
0x51: {  	_ =	shalt  }
0x52: {  	_ =	shalt  }
0x53: {  	_ =	shalt  }
0x54: {  	_ =	shalt  }
0x55: {  	_ =	shalt  }
0x56: {  	_ =	shalt  }
0x57: {  	_ =	shalt  }
0x58: {  	_ =	shalt  }
0x59: {  	_ =	shalt  }
0x5a: {  	_ =	shalt  }
0x5b: {  	_ =	shalt  }
0x5c: {  	_ =	shalt  }
0x5d: {  	_ =	shalt  }
0x5e: {  	_ =	shalt  }
0x5f: {  	_ =	shalt  }
0x60: {  	_ =	shalt  }
0x61: {  	_ =	shalt  }
0x62: {  	_ =	shalt  }
0x63: {  	_ =	shalt  }
0x64: {  	_ =	shalt  }
0x65: {  	_ =	shalt  }
0x66: {  	_ =	shalt  }
0x67: {  	_ =	shalt  }
0x68: {  	_ =	shalt  }
0x69: {  	_ =	shalt  }
0x6a: {  	_ =	shalt  }
0x6b: {  	_ =	shalt  }
0x6c: {  	_ =	shalt  }
0x6d: {  	_ =	shalt  }
0x6e: {  	_ =	shalt  }
0x6f: {  	_ =	shalt  }
0x70: {  	_ =	shalt  }
0x71: {  	_ =	shalt  }
0x72: {  	_ =	shalt  }
0x73: {  	_ =	shalt  }
0x74: {  	_ =	shalt  }
0x75: {  	_ =	shalt  }
0x76: {  	_ =	shalt  }
0x77: {  	_ =	shalt  }
0x78: {  	_ =	shalt  }
0x79: {  	_ =	shalt  }
0x7a: {  	_ =	shalt  }
0x7b: {  	_ =	shalt  }
0x7c: {  	_ =	shalt  }
0x7d: {  	_ =	shalt  }
0x7e: {  	_ =	shalt  }
0x7f: {  	_ =	shalt  }
0x80: {  	_ =	shalt  }
0x81: {  	_ =	shalt  }
0x82: {  	_ =	shalt  }
0x83: {  	_ =	shalt  }
0x84: {  	_ =	shalt  }
0x85: {  	_ =	shalt  }
0x86: {  	_ =	shalt  }
0x87: {  	_ =	shalt  }
.Lfunc_end0:
.L_simem_size_0:
called_computation.2_lowered:
.L_overlay_start_0:
0x88: {  	s2 =	sld [smem:$0x3FD9]  }
0x89: {  	s3 =	sld [smem:$0x3FFE];
	_ =	sdelay $0x1  }
0x8a: {  	s1 =	srdreg.scid  }
0x8b: {  	s0 =	sand.u32 $0x1, s1  }
0x8c: {  	s16 =	sshll.u32 s0, $0xA;
	s2 =	sadd.s32 s3, s2  }
0x8d: {  	s2 =	sadd.s32 s2, s16  }
0x8e: {  	[smem:$0x3FBA] =	sst s2  }
0x8f: {  	_ = 	snop  }
0x90: {  	(tm) =	ssettm $0x1  }
0x91: {  	s17 =	sld [smem:$0x3FFB];
	_ =	sdelay $0x3  }
0x92: {  	_ =	strace s17  }
0x93: {  	s2 =	sld [smem:$0x3FFC];
	_ =	sdelay $0x3  }
0x94: {  	_ =	strace s2  }
0x95: {  	s2 =	sld [smem:$0x3FFD];
	_ =	sdelay $0x3  }
0x96: {  	_ =	strace s2  }
0x97: {  	_ =	strace $0x8FFFFFFF  }
0x98: {  	s18 =	sld [smem:$0x3FDB];
	_ =	sdelay $0x1  }
0x99: {  	s19 =	simm.s32 $_scs_section_size  }
0x9a: {  	s4 =	simm.s32 $_size__tile_overlayer_lowered;
	s5 =	simm.s32 $_tile_overlayer_lowered  }
0x9b: {  	s22 =	simm.s32 $0x1BFF;
	s21 =	sshll.u32 s5, $0x1;
	s2 =	sadd.s32 s19, s18  }
0x9c: {  	s6 =	simm.s32 $0x0;
	s20 =	sshll.u32 s4, $0x1;
	s4 =	sadd.s32 s21, s2  }
0x9d: {  	[timem:s6], [sflag:s22] =	dma.local [hbm:s4], s20  }
0x9e: {  	_ =	swait.ge [sflag:s22], s20  }
0x9f: {  	s3 =	ssub.s32 $0x0, s20;
	[sflag:s22] =	ssyncset.done $0x0  }
0xa0: {  	[sflag:s22] =	ssyncadd.s32 s3;
	_ =	sdelay $0x1  }
0xa1: {  	s23 =	simm.s32 $0x1B8B  }
0xa2: {  	_ =	swait.ge [sflag:s23], $0x1  }
0xa3: {  	[sflag:s23] =	ssyncset.done $0x0  }
0xa4: {  	s25 =	simm.s32 $0x1B8E;
	s24 =	sld [smem:$0x3FFE];
	[sflag:s23] =	ssyncadd.s32 $0xFFFFFFFF  }
0xa5: {  	s26 =	simm.s32 $execute0_lowered;
	[smem:$0x3FD2] =	sst s25  }
0xa6: {  	s4 =	sshll.u32 s26, $0x1;
	_ =	strace $0x8000004C;
	[dreg:$0x1] =	wrdreg $0xFFFFFFFF  }
0xa7: {  	s28 =	simm.s32 $_size_execute0_lowered;
	s2 =	sadd.s32 s2, s4;
	[dreg:$0x0] =	wrdreg $0x0  }
0xa8: {  	s4 =	sshll.u32 s28, $0x1;
	[dreg:$0x2] =	wrdreg s2  }
0xa9: {  	[dreg:$0x3] =	wrdreg s4  }
0xaa: {  	[dreg:$0x4] =	wrdreg $0xC0  }
0xab: {  	_ =	task [dreg:s6], $0x5FFFF  }
0xac: {  	[dreg:$0x1] =	wrdreg $0xFFFFFFFF  }
0xad: {  	[dreg:$0x0] =	wrdreg $0x60  }
0xae: {  	[dreg:$0x2] =	wrdreg s24  }
0xaf: {  	[dreg:$0x3] =	wrdreg $0x14F000  }
0xb0: {  	[dreg:$0x4] =	wrdreg $0x9  }
0xb1: {  	_ =	task.clear_ibuf [dreg:s6], $0x5FFFF;
	_ =	strace $0x9000004C  }
0xb2: {  	s29 =	simm.s32 $0x9;
	_ =	strace $0x8000004E  }
0xb3: {  	_ =	swait.ge [sflag:s29], $0x1  }
0xb4: {  	[sflag:s29] =	ssyncadd.s32 $0xFFFFFFFF  }
0xb5: {  	_ =	strace $0x9000004E  }
0xb6: {  	_ =	sfence  }
0xb7: {  	s30 =	sld [smem:$0x0];
	_ =	sdelay $0x2  }
0xb8: {  	s31 =	sshll.u32 s1, $0xD;
	s1 =	sshrl.u32 s1, $0x2  }
0xb9: {  	s3 =	sand.u32 $0x4000, s31;
	s1 =	sadd.s32 s1, s30  }
0xba: {  	s0 =	sor.u32 s3, s0;
	s1 =	sshll.u32 s1, $0x11  }
0xbb: {  	s0 =	sor.u32 s1, s0  }
0xbc: {  	s0 =	sadd.s32 $0x8F2B, s0  }
0xbd: {  	[sflag:s0] =	ssyncadd.remote.s32 $0x1  }
0xbe: {  	_ =	sfence.sel $0xFFFF  }
0xbf: {  	[dreg:$0x0] =	wrdreg $0xFFFFFFFF;
	(pc) =	sbr.abs _section_cstart, $3  }
0xc0: {  	[dreg:$0x1] =	wrdreg $0xFFFFFFFF  }
0xc1: {  	_ =	task.clear_ibuf [dreg:s6], $0x2FFFF;
	_ =	strace $0x9FFFFFFF  }
0xc2: {  	(tm) =	ssettm $0x7FFFFFFF  }
0xc3: {  	_ =	shalt  }
tec
execute0_lowered:
.L_overlay_start_1:
0x0: {  	(tag) =	ssettag $0x1  }
0x1: {  	s0 =	srdreg.scid;
	s5 =	rddreg [dreg:$0x0]  }
0x2: {  	s11 =	stileid.u32;
	s2 =	rddreg [dreg:$0x1]  }
0x3: {  	s3 =	simm.s32 $0x0;
	s14 =	simm.s32 $0x80;
	s15 =	simm.s32 $0x4F00  }
0x4: {  	s16 =	simm.s32 $0x6F00;
	s18 =	simm.s32 $0x8F00;
	s20 =	simm.s32 $0xAF00  }
0x5: {  	s22 =	simm.s32 $0xCF00;
	s24 =	simm.s32 $0xEF00;
	s29 =	simm.s32 $0x12F00  }
0x6: {  	s30 =	simm.s32 $0x1;
	s31 =	simm.s32 $0x2;
	s17 =	simm.s32 $0x6  }
0x7: {  	s19 =	simm.s32 $0x7;
	s21 =	simm.s32 $0x8;
	s0 =	sand.u32 $0x1, s0  }
0x8: {  	s7 =	smul.u32 $0x9E00, s11;
	[smem:$0x7FF] =	sst s3;
	s4 =	sadd.s32 $0xC800, s5  }
0x9: {  	s28 =	sshll.u32 s11, $0x6;
	s1 =	sshll.u32 s0, $0x4;
	s6 =	smul.u32 $0x9E000, s0  }
0xa: {  	_ =	strace $0x8000004D;
	s0 =	ssub.s32 $0x2, s0;
	s12 =	sor.u32 $0x1C09, s28  }
0xb: {  	s1 =	sor.u32 s11, s1;
	s8 =	sshrl.u32 s7, $0x3;
	s9 =	sshrl.u32 s0, $0x1  }
0xc: {  	s26 =	sadd.s32 s7, s2;
	s11 =	simm.s32 $0x5;
	s1 =	smul.u32 $0x4F0, s1  }
0xd: {  	s6 =	sadd.s32 s7, s6;
	s8 =	sadd.s32 s8, s5;
	s0 =	ssub.s32 s0, s9  }
0xe: {  	s13 =	sshrl.u32 s26, $0x3;
	s26 =	simm.s32 $0x10F00;
	s6 =	sshrl.u32 s6, $0x3  }
0xf: {  	s7 =	sadd.s32 $0x2CC00, s8;
	s9 =	smax.u32 s0, $0x1;
	s1 =	sadd.s32 s1, s5  }
0x10: {  	s0 =	simm.s32 $0x4;
	s10 =	sadd.s32 s6, s5;
	s25 =	sadd.s32 $0x22E00, s1  }
0x11: {  	s6 =	sadd.s32 $0x2A00, s1;
	s8 =	sadd.s32 $0x40800, s10;
	s10 =	simm.s32 $0x9  }
0x12: {  	s1 =	simm.s32 $0x3;
	[dreg:$0x3] =	wrdreg s25;
	s25 =	simm.s32 $0x0  }
.LBB2_1:
0x13: {  	s5 =	rddreg [dreg:$0x3]  }
0x14: {  	[tilespmem:s3], [sflag:$0x9] =	stream.linear.gather [hbm4b:s5+s3], $0x2780, $0x38;
	[tilespmem:$0x1ED00] =	vst v63  }
0x15: {  	_ =	swait.ge [sflag:s10], $0x2780  }
0x16: {  	[sflag:s10] =	ssyncset.done $0x0  }
0x17: {  	s23 =	simm.s32 $0x2780;
	[sflag:s10] =	ssyncadd.s32 $0xFFFFD880  }
0x18: {  	[tilespmem:s23], [sflag:$0x9] =	stream.linear.gather [hbm4b:s6+s3], $0x2780, $0x38;
	[tilespmem:$0x1ED00] =	vst v63  }
0x19: {  	_ =	swait.ge [sflag:s10], $0x2780  }
0x1a: {  	[sflag:s10] =	ssyncset.done $0x0  }
0x1b: {  	[sflag:s10] =	ssyncadd.s32 $0xFFFFD880  }
0x1c: {  	[spmem:s13], [sflag:s12] =	dma.local [hbm:s7], $0x13C0  }
0x1d: {  	_ =	swait.ge [sflag:s10], $0x13C0  }
0x1e: {  	[sflag:s10] =	ssyncset.done $0x0  }
0x1f: {  	[sflag:s10] =	ssyncadd.s32 $0xFFFFEC40  }
0x20: {  	[bflag:$0x0] =	sbarrier.arrive $0xFFFF  }
0x21: {  	[tilespmem:s15], [sflag:$0x1] =	stream.indirect.gather [hbm4b:s4+s14], $0x40, s3, s14, $0xb8;
	[tilespmem:$0x1ED00] =	vst v63  }
0x22: {  	_ = 	snop  }
0x23: {  	[tilespmem:s16], [sflag:$0x2] =	stream.indirect.gather [hbm4b:s4+s14], $0x40, s14, s14, $0xb8;
	[tilespmem:$0x1ED00] =	vst v63  }
0x24: {  	s23 =	simm.s32 $0x100  }
0x25: {  	[tilespmem:s18], [sflag:$0x3] =	stream.indirect.gather [hbm4b:s4+s14], $0x40, s23, s14, $0xb8;
	[tilespmem:$0x1ED00] =	vst v63  }
0x26: {  	s23 =	simm.s32 $0x180  }
0x27: {  	[tilespmem:s20], [sflag:$0x4] =	stream.indirect.gather [hbm4b:s4+s14], $0x40, s23, s14, $0xb8;
	[tilespmem:$0x1ED00] =	vst v63  }
0x28: {  	s23 =	simm.s32 $0x200  }
0x29: {  	[tilespmem:s22], [sflag:$0x5] =	stream.indirect.gather [hbm4b:s4+s14], $0x40, s23, s14, $0xb8;
	[tilespmem:$0x1ED00] =	vst v63  }
0x2a: {  	s23 =	simm.s32 $0x280  }
0x2b: {  	[tilespmem:s24], [sflag:$0x6] =	stream.indirect.gather [hbm4b:s4+s14], $0x40, s23, s14, $0xb8;
	[tilespmem:$0x1ED00] =	vst v63  }
0x2c: {  	s23 =	simm.s32 $0x300  }
0x2d: {  	[tilespmem:s26], [sflag:$0x7] =	stream.indirect.gather [hbm4b:s4+s14], $0x40, s23, s14, $0xb8;
	[tilespmem:$0x1ED00] =	vst v63  }
0x2e: {  	s23 =	simm.s32 $0x380  }
0x2f: {  	[tilespmem:s29], [sflag:$0x8] =	stream.indirect.gather [hbm4b:s4+s14], $0x40, s23, s14, $0xb8;
	[tilespmem:$0x1ED00] =	vst v63  }
0x30: {  	_ =	swait.ge [sflag:s30], $0x2000  }
0x31: {  	[sflag:s30] =	ssyncset.done $0x0  }
0x32: {  	s23 =	simm.s32 $0x2780;
	[sflag:s30] =	ssyncadd.s32 $0xFFFFE000  }
0x33: {  	[spmem:s2] =	stream.indirect.scatter.add.f32 [tilespmem:s15], [sflag:$0x9], $0x40, s23, s14, $0xb8;
	[tilespmem:$0x1ED00] =	vst v63  }
0x34: {  	_ =	swait.ge [sflag:s10], $0x2000  }
0x35: {  	[sflag:s10] =	ssyncset.done $0x0  }
0x36: {  	s5 =	simm.s32 $0x400;
	[sflag:s10] =	ssyncadd.s32 $0xFFFFE000  }
0x37: {  	[tilespmem:s15], [sflag:$0x1] =	stream.indirect.gather [hbm4b:s4+s14], $0x40, s5, s14, $0xb8;
	[tilespmem:$0x1ED00] =	vst v63  }
0x38: {  	_ =	swait.ge [sflag:s31], $0x2000  }
0x39: {  	[sflag:s31] =	ssyncset.done $0x0  }
0x3a: {  	s5 =	simm.s32 $0x2800;
	[sflag:s31] =	ssyncadd.s32 $0xFFFFE000  }
0x3b: {  	[spmem:s2] =	stream.indirect.scatter.add.f32 [tilespmem:s16], [sflag:$0x9], $0x40, s5, s14, $0xb8;
	[tilespmem:$0x1ED00] =	vst v63  }
0x3c: {  	_ =	swait.ge [sflag:s10], $0x2000  }
0x3d: {  	[sflag:s10] =	ssyncset.done $0x0  }
0x3e: {  	s5 =	simm.s32 $0x480;
	[sflag:s10] =	ssyncadd.s32 $0xFFFFE000  }
0x3f: {  	[tilespmem:s16], [sflag:$0x2] =	stream.indirect.gather [hbm4b:s4+s14], $0x40, s5, s14, $0xb8;
	[tilespmem:$0x1ED00] =	vst v63  }
0x40: {  	_ =	swait.ge [sflag:s1], $0x2000  }
0x41: {  	[sflag:s1] =	ssyncset.done $0x0  }
0x42: {  	s5 =	simm.s32 $0x2880;
	[sflag:s1] =	ssyncadd.s32 $0xFFFFE000  }
0x43: {  	[spmem:s2] =	stream.indirect.scatter.add.f32 [tilespmem:s18], [sflag:$0x9], $0x40, s5, s14, $0xb8;
	[tilespmem:$0x1ED00] =	vst v63  }
0x44: {  	_ =	swait.ge [sflag:s10], $0x2000  }
0x45: {  	[sflag:s10] =	ssyncset.done $0x0  }
0x46: {  	s5 =	simm.s32 $0x500;
	[sflag:s10] =	ssyncadd.s32 $0xFFFFE000  }
0x47: {  	[tilespmem:s18], [sflag:$0x3] =	stream.indirect.gather [hbm4b:s4+s14], $0x40, s5, s14, $0xb8;
	[tilespmem:$0x1ED00] =	vst v63  }
0x48: {  	_ =	swait.ge [sflag:s0], $0x2000  }
0x49: {  	[sflag:s0] =	ssyncset.done $0x0  }
0x4a: {  	s5 =	simm.s32 $0x2900;
	[sflag:s0] =	ssyncadd.s32 $0xFFFFE000  }
0x4b: {  	[spmem:s2] =	stream.indirect.scatter.add.f32 [tilespmem:s20], [sflag:$0x9], $0x40, s5, s14, $0xb8;
	[tilespmem:$0x1ED00] =	vst v63  }
0x4c: {  	_ =	swait.ge [sflag:s10], $0x2000  }
0x4d: {  	[sflag:s10] =	ssyncset.done $0x0  }
0x4e: {  	s5 =	simm.s32 $0x580;
	[sflag:s10] =	ssyncadd.s32 $0xFFFFE000  }
0x4f: {  	[tilespmem:s20], [sflag:$0x4] =	stream.indirect.gather [hbm4b:s4+s14], $0x40, s5, s14, $0xb8;
	[tilespmem:$0x1ED00] =	vst v63  }
0x50: {  	_ =	swait.ge [sflag:s11], $0x2000  }
0x51: {  	[sflag:s11] =	ssyncset.done $0x0  }
0x52: {  	s5 =	simm.s32 $0x2980;
	[sflag:s11] =	ssyncadd.s32 $0xFFFFE000  }
0x53: {  	[spmem:s2] =	stream.indirect.scatter.add.f32 [tilespmem:s22], [sflag:$0x9], $0x40, s5, s14, $0xb8;
	[tilespmem:$0x1ED00] =	vst v63  }
0x54: {  	_ =	swait.ge [sflag:s10], $0x2000  }
0x55: {  	[sflag:s10] =	ssyncset.done $0x0  }
0x56: {  	s5 =	simm.s32 $0x600;
	[sflag:s10] =	ssyncadd.s32 $0xFFFFE000  }
0x57: {  	[tilespmem:s22], [sflag:$0x5] =	stream.indirect.gather [hbm4b:s4+s14], $0x40, s5, s14, $0xb8;
	[tilespmem:$0x1ED00] =	vst v63  }
0x58: {  	_ =	swait.ge [sflag:s17], $0x2000  }
0x59: {  	[sflag:s17] =	ssyncset.done $0x0  }
0x5a: {  	s5 =	simm.s32 $0x2A00;
	[sflag:s17] =	ssyncadd.s32 $0xFFFFE000  }
0x5b: {  	[spmem:s2] =	stream.indirect.scatter.add.f32 [tilespmem:s24], [sflag:$0x9], $0x40, s5, s14, $0xb8;
	[tilespmem:$0x1ED00] =	vst v63  }
0x5c: {  	_ =	swait.ge [sflag:s10], $0x2000  }
0x5d: {  	[sflag:s10] =	ssyncset.done $0x0  }
0x5e: {  	s5 =	simm.s32 $0x680;
	[sflag:s10] =	ssyncadd.s32 $0xFFFFE000  }
0x5f: {  	[tilespmem:s24], [sflag:$0x6] =	stream.indirect.gather [hbm4b:s4+s14], $0x40, s5, s14, $0xb8;
	[tilespmem:$0x1ED00] =	vst v63  }
0x60: {  	_ =	swait.ge [sflag:s19], $0x2000  }
0x61: {  	[sflag:s19] =	ssyncset.done $0x0  }
0x62: {  	s5 =	simm.s32 $0x2A80;
	[sflag:s19] =	ssyncadd.s32 $0xFFFFE000  }
0x63: {  	[spmem:s2] =	stream.indirect.scatter.add.f32 [tilespmem:s26], [sflag:$0x9], $0x40, s5, s14, $0xb8;
	[tilespmem:$0x1ED00] =	vst v63  }
0x64: {  	_ =	swait.ge [sflag:s10], $0x2000  }
0x65: {  	[sflag:s10] =	ssyncset.done $0x0  }
0x66: {  	s5 =	simm.s32 $0x700;
	[sflag:s10] =	ssyncadd.s32 $0xFFFFE000  }
0x67: {  	[tilespmem:s26], [sflag:$0x7] =	stream.indirect.gather [hbm4b:s4+s14], $0x40, s5, s14, $0xb8;
	[tilespmem:$0x1ED00] =	vst v63  }
0x68: {  	_ =	swait.ge [sflag:s21], $0x2000  }
0x69: {  	[sflag:s21] =	ssyncset.done $0x0  }
0x6a: {  	s5 =	simm.s32 $0x2B00;
	[sflag:s21] =	ssyncadd.s32 $0xFFFFE000  }
0x6b: {  	[spmem:s2] =	stream.indirect.scatter.add.f32 [tilespmem:s29], [sflag:$0x9], $0x40, s5, s14, $0xb8;
	[tilespmem:$0x1ED00] =	vst v63  }
0x6c: {  	_ =	swait.ge [sflag:s10], $0x2000  }
0x6d: {  	[sflag:s10] =	ssyncset.done $0x0  }
0x6e: {  	s28 =	simm.s32 $0x1000;
	s23 =	simm.s32 $0x780;
	[sflag:s10] =	ssyncadd.s32 $0xFFFFE000  }
.LBB2_2:
0x6f: {  	[tilespmem:s29], [sflag:$0x8] =	stream.indirect.gather [hbm4b:s4+s14], $0x40, s23, s14, $0xb8;
	[tilespmem:$0x1ED00] =	vst v63  }
0x70: {  	s23 =	smov.u32 s28  }
0x71: {  	p0 =	sne.s32 s28, $0x7000;
	s28 =	sadd.s32 $0x1000, s28;
	_ =	swait.ge [sflag:s30], $0x2000  }
0x72: {  	s23 =	sshra.s32 s23, $0x2;
	[sflag:s30] =	ssyncset.done $0x0  }
0x73: {  	s5 =	sadd.s32 $0x2780, s23;
	[sflag:s30] =	ssyncadd.s32 $0xFFFFE000  }
0x74: {  	[spmem:s2] =	stream.indirect.scatter.add.f32 [tilespmem:s15], [sflag:$0x9], $0x40, s5, s14, $0xb8;
	[tilespmem:$0x1ED00] =	vst v63  }
0x75: {  	_ =	swait.ge [sflag:s10], $0x2000  }
0x76: {  	[sflag:s10] =	ssyncset.done $0x0  }
0x77: {  	s5 =	sadd.s32 $0x400, s23;
	[sflag:s10] =	ssyncadd.s32 $0xFFFFE000  }
0x78: {  	[tilespmem:s15], [sflag:$0x1] =	stream.indirect.gather [hbm4b:s4+s14], $0x40, s5, s14, $0xb8;
	[tilespmem:$0x1ED00] =	vst v63  }
0x79: {  	_ =	swait.ge [sflag:s31], $0x2000  }
0x7a: {  	[sflag:s31] =	ssyncset.done $0x0  }
0x7b: {  	s5 =	sadd.s32 $0x2800, s23;
	[sflag:s31] =	ssyncadd.s32 $0xFFFFE000  }
0x7c: {  	[spmem:s2] =	stream.indirect.scatter.add.f32 [tilespmem:s16], [sflag:$0x9], $0x40, s5, s14, $0xb8;
	[tilespmem:$0x1ED00] =	vst v63  }
0x7d: {  	_ =	swait.ge [sflag:s10], $0x2000  }
0x7e: {  	[sflag:s10] =	ssyncset.done $0x0  }
0x7f: {  	s5 =	sadd.s32 $0x480, s23;
	[sflag:s10] =	ssyncadd.s32 $0xFFFFE000  }
0x80: {  	[tilespmem:s16], [sflag:$0x2] =	stream.indirect.gather [hbm4b:s4+s14], $0x40, s5, s14, $0xb8;
	[tilespmem:$0x1ED00] =	vst v63  }
0x81: {  	_ =	swait.ge [sflag:s1], $0x2000  }
0x82: {  	[sflag:s1] =	ssyncset.done $0x0  }
0x83: {  	s5 =	sadd.s32 $0x2880, s23;
	[sflag:s1] =	ssyncadd.s32 $0xFFFFE000  }
0x84: {  	[spmem:s2] =	stream.indirect.scatter.add.f32 [tilespmem:s18], [sflag:$0x9], $0x40, s5, s14, $0xb8;
	[tilespmem:$0x1ED00] =	vst v63  }
0x85: {  	_ =	swait.ge [sflag:s10], $0x2000  }
0x86: {  	[sflag:s10] =	ssyncset.done $0x0  }
0x87: {  	s5 =	sadd.s32 $0x500, s23;
	[sflag:s10] =	ssyncadd.s32 $0xFFFFE000  }
0x88: {  	[tilespmem:s18], [sflag:$0x3] =	stream.indirect.gather [hbm4b:s4+s14], $0x40, s5, s14, $0xb8;
	[tilespmem:$0x1ED00] =	vst v63  }
0x89: {  	_ =	swait.ge [sflag:s0], $0x2000  }
0x8a: {  	[sflag:s0] =	ssyncset.done $0x0  }
0x8b: {  	s5 =	sadd.s32 $0x2900, s23;
	[sflag:s0] =	ssyncadd.s32 $0xFFFFE000  }
0x8c: {  	[spmem:s2] =	stream.indirect.scatter.add.f32 [tilespmem:s20], [sflag:$0x9], $0x40, s5, s14, $0xb8;
	[tilespmem:$0x1ED00] =	vst v63  }
0x8d: {  	_ =	swait.ge [sflag:s10], $0x2000  }
0x8e: {  	[sflag:s10] =	ssyncset.done $0x0  }
0x8f: {  	s5 =	sadd.s32 $0x580, s23;
	[sflag:s10] =	ssyncadd.s32 $0xFFFFE000  }
0x90: {  	[tilespmem:s20], [sflag:$0x4] =	stream.indirect.gather [hbm4b:s4+s14], $0x40, s5, s14, $0xb8;
	[tilespmem:$0x1ED00] =	vst v63  }
0x91: {  	_ =	swait.ge [sflag:s11], $0x2000  }
0x92: {  	[sflag:s11] =	ssyncset.done $0x0  }
0x93: {  	s5 =	sadd.s32 $0x2980, s23;
	[sflag:s11] =	ssyncadd.s32 $0xFFFFE000  }
0x94: {  	[spmem:s2] =	stream.indirect.scatter.add.f32 [tilespmem:s22], [sflag:$0x9], $0x40, s5, s14, $0xb8;
	[tilespmem:$0x1ED00] =	vst v63  }
0x95: {  	_ =	swait.ge [sflag:s10], $0x2000  }
0x96: {  	[sflag:s10] =	ssyncset.done $0x0  }
0x97: {  	s5 =	sadd.s32 $0x600, s23;
	[sflag:s10] =	ssyncadd.s32 $0xFFFFE000  }
0x98: {  	[tilespmem:s22], [sflag:$0x5] =	stream.indirect.gather [hbm4b:s4+s14], $0x40, s5, s14, $0xb8;
	[tilespmem:$0x1ED00] =	vst v63  }
0x99: {  	_ =	swait.ge [sflag:s17], $0x2000  }
0x9a: {  	[sflag:s17] =	ssyncset.done $0x0  }
0x9b: {  	s5 =	sadd.s32 $0x2A00, s23;
	[sflag:s17] =	ssyncadd.s32 $0xFFFFE000  }
0x9c: {  	[spmem:s2] =	stream.indirect.scatter.add.f32 [tilespmem:s24], [sflag:$0x9], $0x40, s5, s14, $0xb8;
	[tilespmem:$0x1ED00] =	vst v63  }
0x9d: {  	_ =	swait.ge [sflag:s10], $0x2000  }
0x9e: {  	[sflag:s10] =	ssyncset.done $0x0  }
0x9f: {  	s5 =	sadd.s32 $0x680, s23;
	[sflag:s10] =	ssyncadd.s32 $0xFFFFE000  }
0xa0: {  	[tilespmem:s24], [sflag:$0x6] =	stream.indirect.gather [hbm4b:s4+s14], $0x40, s5, s14, $0xb8;
	[tilespmem:$0x1ED00] =	vst v63  }
0xa1: {  	_ =	swait.ge [sflag:s19], $0x2000  }
0xa2: {  	[sflag:s19] =	ssyncset.done $0x0  }
0xa3: {  	s5 =	sadd.s32 $0x2A80, s23;
	[sflag:s19] =	ssyncadd.s32 $0xFFFFE000  }
0xa4: {  	[spmem:s2] =	stream.indirect.scatter.add.f32 [tilespmem:s26], [sflag:$0x9], $0x40, s5, s14, $0xb8;
	[tilespmem:$0x1ED00] =	vst v63  }
0xa5: {  	_ =	swait.ge [sflag:s10], $0x2000  }
0xa6: {  	[sflag:s10] =	ssyncset.done $0x0  }
0xa7: {  	s5 =	sadd.s32 $0x700, s23;
	[sflag:s10] =	ssyncadd.s32 $0xFFFFE000  }
0xa8: {  	[tilespmem:s26], [sflag:$0x7] =	stream.indirect.gather [hbm4b:s4+s14], $0x40, s5, s14, $0xb8;
	[tilespmem:$0x1ED00] =	vst v63  }
0xa9: {  	_ =	swait.ge [sflag:s21], $0x2000  }
0xaa: {  	[sflag:s21] =	ssyncset.done $0x0  }
.Ltmp0:
0xab: {  	s5 =	sadd.s32 $0x2B00, s23;
	[sflag:s21] =	ssyncadd.s32 $0xFFFFE000;
	(pc) =	sbr.rel @p0 .LBB2_2-.Ltmp0, $4  }
0xac: {  	[spmem:s2] =	stream.indirect.scatter.add.f32 [tilespmem:s29], [sflag:$0x9], $0x40, s5, s14, $0xb8;
	[tilespmem:$0x1ED00] =	vst v63  }
0xad: {  	_ =	swait.ge [sflag:s10], $0x2000  }
0xae: {  	[sflag:s10] =	ssyncset.done $0x0  }
0xaf: {  	s23 =	sadd.s32 $0x780, s23;
	[sflag:s10] =	ssyncadd.s32 $0xFFFFE000  }
0xb0: {  	[tilespmem:s29], [sflag:$0x8] =	stream.indirect.gather [hbm4b:s4+s14], $0x40, s23, s14, $0xb8;
	[tilespmem:$0x1ED00] =	vst v63  }
0xb1: {  	_ =	swait.ge [sflag:s30], $0x2000  }
0xb2: {  	[sflag:s30] =	ssyncset.done $0x0  }
0xb3: {  	s5 =	simm.s32 $0x4780;
	[sflag:s30] =	ssyncadd.s32 $0xFFFFE000  }
0xb4: {  	[spmem:s2] =	stream.indirect.scatter.add.f32 [tilespmem:s15], [sflag:$0x9], $0x40, s5, s14, $0xb8;
	[tilespmem:$0x1ED00] =	vst v63  }
0xb5: {  	_ =	swait.ge [sflag:s10], $0x2000  }
0xb6: {  	[sflag:s10] =	ssyncset.done $0x0  }
0xb7: {  	s28 =	simm.s32 $0x2400;
	[sflag:s10] =	ssyncadd.s32 $0xFFFFE000  }
0xb8: {  	[tilespmem:s15], [sflag:$0x1] =	stream.indirect.gather [hbm4b:s4+s14], $0x40, s28, s14, $0xb8;
	[tilespmem:$0x1ED00] =	vst v63  }
0xb9: {  	_ =	swait.ge [sflag:s31], $0x2000  }
0xba: {  	[sflag:s31] =	ssyncset.done $0x0  }
0xbb: {  	s23 =	simm.s32 $0x4800;
	[sflag:s31] =	ssyncadd.s32 $0xFFFFE000  }
0xbc: {  	[spmem:s2] =	stream.indirect.scatter.add.f32 [tilespmem:s16], [sflag:$0x9], $0x40, s23, s14, $0xb8;
	[tilespmem:$0x1ED00] =	vst v63  }
0xbd: {  	_ =	swait.ge [sflag:s10], $0x2000  }
0xbe: {  	[sflag:s10] =	ssyncset.done $0x0  }
0xbf: {  	s28 =	simm.s32 $0x2480;
	[sflag:s10] =	ssyncadd.s32 $0xFFFFE000  }
0xc0: {  	[tilespmem:s16], [sflag:$0x2] =	stream.indirect.gather [hbm4b:s4+s14], $0x40, s28, s14, $0xb8;
	[tilespmem:$0x1ED00] =	vst v63  }
0xc1: {  	_ =	swait.ge [sflag:s1], $0x2000  }
0xc2: {  	[sflag:s1] =	ssyncset.done $0x0  }
0xc3: {  	s23 =	simm.s32 $0x4880;
	[sflag:s1] =	ssyncadd.s32 $0xFFFFE000  }
0xc4: {  	[spmem:s2] =	stream.indirect.scatter.add.f32 [tilespmem:s18], [sflag:$0x9], $0x40, s23, s14, $0xb8;
	[tilespmem:$0x1ED00] =	vst v63  }
0xc5: {  	_ =	swait.ge [sflag:s10], $0x2000  }
0xc6: {  	[sflag:s10] =	ssyncset.done $0x0  }
0xc7: {  	s28 =	simm.s32 $0x2500;
	[sflag:s10] =	ssyncadd.s32 $0xFFFFE000  }
0xc8: {  	[tilespmem:s18], [sflag:$0x3] =	stream.indirect.gather [hbm4b:s4+s14], $0x40, s28, s14, $0xb8;
	[tilespmem:$0x1ED00] =	vst v63  }
0xc9: {  	_ =	swait.ge [sflag:s0], $0x2000  }
0xca: {  	[sflag:s0] =	ssyncset.done $0x0  }
0xcb: {  	s23 =	simm.s32 $0x4900;
	[sflag:s0] =	ssyncadd.s32 $0xFFFFE000  }
0xcc: {  	[spmem:s2] =	stream.indirect.scatter.add.f32 [tilespmem:s20], [sflag:$0x9], $0x40, s23, s14, $0xb8;
	[tilespmem:$0x1ED00] =	vst v63  }
0xcd: {  	_ =	swait.ge [sflag:s10], $0x2000  }
0xce: {  	[sflag:s10] =	ssyncset.done $0x0  }
0xcf: {  	s28 =	simm.s32 $0x2580;
	[sflag:s10] =	ssyncadd.s32 $0xFFFFE000  }
0xd0: {  	[tilespmem:s20], [sflag:$0x4] =	stream.indirect.gather [hbm4b:s4+s14], $0x40, s28, s14, $0xb8;
	[tilespmem:$0x1ED00] =	vst v63  }
0xd1: {  	_ =	swait.ge [sflag:s11], $0x2000  }
0xd2: {  	[sflag:s11] =	ssyncset.done $0x0  }
0xd3: {  	s23 =	simm.s32 $0x4980;
	[sflag:s11] =	ssyncadd.s32 $0xFFFFE000  }
0xd4: {  	[spmem:s2] =	stream.indirect.scatter.add.f32 [tilespmem:s22], [sflag:$0x9], $0x40, s23, s14, $0xb8;
	[tilespmem:$0x1ED00] =	vst v63  }
0xd5: {  	_ =	swait.ge [sflag:s10], $0x2000  }
0xd6: {  	[sflag:s10] =	ssyncset.done $0x0  }
0xd7: {  	s28 =	simm.s32 $0x2600;
	[sflag:s10] =	ssyncadd.s32 $0xFFFFE000  }
0xd8: {  	[tilespmem:s22], [sflag:$0x5] =	stream.indirect.gather [hbm4b:s4+s14], $0x40, s28, s14, $0xb8;
	[tilespmem:$0x1ED00] =	vst v63  }
0xd9: {  	_ =	swait.ge [sflag:s17], $0x2000  }
0xda: {  	[sflag:s17] =	ssyncset.done $0x0  }
0xdb: {  	s23 =	simm.s32 $0x4A00;
	[sflag:s17] =	ssyncadd.s32 $0xFFFFE000  }
0xdc: {  	[spmem:s2] =	stream.indirect.scatter.add.f32 [tilespmem:s24], [sflag:$0x9], $0x40, s23, s14, $0xb8;
	[tilespmem:$0x1ED00] =	vst v63  }
0xdd: {  	_ =	swait.ge [sflag:s10], $0x2000  }
0xde: {  	[sflag:s10] =	ssyncset.done $0x0  }
0xdf: {  	s28 =	simm.s32 $0x2680;
	[sflag:s10] =	ssyncadd.s32 $0xFFFFE000  }
0xe0: {  	[tilespmem:s24], [sflag:$0x6] =	stream.indirect.gather [hbm4b:s4+s14], $0x40, s28, s14, $0xb8;
	[tilespmem:$0x1ED00] =	vst v63  }
0xe1: {  	_ =	swait.ge [sflag:s19], $0x2000  }
0xe2: {  	[sflag:s19] =	ssyncset.done $0x0  }
0xe3: {  	s23 =	simm.s32 $0x4A80;
	[sflag:s19] =	ssyncadd.s32 $0xFFFFE000  }
0xe4: {  	[spmem:s2] =	stream.indirect.scatter.add.f32 [tilespmem:s26], [sflag:$0x9], $0x40, s23, s14, $0xb8;
	[tilespmem:$0x1ED00] =	vst v63  }
0xe5: {  	_ =	swait.ge [sflag:s10], $0x2000  }
0xe6: {  	[sflag:s10] =	ssyncset.done $0x0  }
0xe7: {  	s28 =	simm.s32 $0x2700;
	[sflag:s10] =	ssyncadd.s32 $0xFFFFE000  }
0xe8: {  	[tilespmem:s26], [sflag:$0x7] =	stream.indirect.gather [hbm4b:s4+s14], $0x40, s28, s14, $0xb8;
	[tilespmem:$0x1ED00] =	vst v63  }
0xe9: {  	_ =	swait.ge [sflag:s21], $0x2000  }
0xea: {  	[sflag:s21] =	ssyncset.done $0x0  }
0xeb: {  	s23 =	simm.s32 $0x4B00;
	[sflag:s21] =	ssyncadd.s32 $0xFFFFE000  }
0xec: {  	[spmem:s2] =	stream.indirect.scatter.add.f32 [tilespmem:s29], [sflag:$0x9], $0x40, s23, s14, $0xb8;
	[tilespmem:$0x1ED00] =	vst v63  }
0xed: {  	_ =	swait.ge [sflag:s10], $0x2000  }
0xee: {  	[sflag:s10] =	ssyncset.done $0x0  }
0xef: {  	[sflag:s10] =	ssyncadd.s32 $0xFFFFE000  }
0xf0: {  	_ =	swait.ge [sflag:s30], $0x2000  }
0xf1: {  	[sflag:s30] =	ssyncset.done $0x0  }
0xf2: {  	s28 =	simm.s32 $0x4B80;
	[sflag:s30] =	ssyncadd.s32 $0xFFFFE000  }
0xf3: {  	[spmem:s2] =	stream.indirect.scatter.add.f32 [tilespmem:s15], [sflag:$0x9], $0x40, s28, s14, $0xb8;
	[tilespmem:$0x1ED00] =	vst v63  }
0xf4: {  	_ =	swait.ge [sflag:s10], $0x2000  }
0xf5: {  	[sflag:s10] =	ssyncset.done $0x0  }
0xf6: {  	[sflag:s10] =	ssyncadd.s32 $0xFFFFE000  }
0xf7: {  	_ =	swait.ge [sflag:s31], $0x2000  }
0xf8: {  	[sflag:s31] =	ssyncset.done $0x0  }
0xf9: {  	s23 =	simm.s32 $0x4C00;
	[sflag:s31] =	ssyncadd.s32 $0xFFFFE000  }
0xfa: {  	[spmem:s2] =	stream.indirect.scatter.add.f32 [tilespmem:s16], [sflag:$0x9], $0x40, s23, s14, $0xb8;
	[tilespmem:$0x1ED00] =	vst v63  }
0xfb: {  	_ =	swait.ge [sflag:s10], $0x2000  }
0xfc: {  	[sflag:s10] =	ssyncset.done $0x0  }
0xfd: {  	[sflag:s10] =	ssyncadd.s32 $0xFFFFE000  }
0xfe: {  	_ =	swait.ge [sflag:s1], $0x2000  }
0xff: {  	[sflag:s1] =	ssyncset.done $0x0  }
0x100: {  	s28 =	simm.s32 $0x4C80;
	[sflag:s1] =	ssyncadd.s32 $0xFFFFE000  }
0x101: {  	[spmem:s2] =	stream.indirect.scatter.add.f32 [tilespmem:s18], [sflag:$0x9], $0x40, s28, s14, $0xb8;
	[tilespmem:$0x1ED00] =	vst v63  }
0x102: {  	_ =	swait.ge [sflag:s10], $0x2000  }
0x103: {  	[sflag:s10] =	ssyncset.done $0x0  }
0x104: {  	[sflag:s10] =	ssyncadd.s32 $0xFFFFE000  }
0x105: {  	_ =	swait.ge [sflag:s0], $0x2000  }
0x106: {  	[sflag:s0] =	ssyncset.done $0x0  }
0x107: {  	s23 =	simm.s32 $0x4D00;
	[sflag:s0] =	ssyncadd.s32 $0xFFFFE000  }
0x108: {  	[spmem:s2] =	stream.indirect.scatter.add.f32 [tilespmem:s20], [sflag:$0x9], $0x40, s23, s14, $0xb8;
	[tilespmem:$0x1ED00] =	vst v63  }
0x109: {  	_ =	swait.ge [sflag:s10], $0x2000  }
0x10a: {  	[sflag:s10] =	ssyncset.done $0x0  }
0x10b: {  	[sflag:s10] =	ssyncadd.s32 $0xFFFFE000  }
0x10c: {  	_ =	swait.ge [sflag:s11], $0x2000  }
0x10d: {  	[sflag:s11] =	ssyncset.done $0x0  }
0x10e: {  	s28 =	simm.s32 $0x4D80;
	[sflag:s11] =	ssyncadd.s32 $0xFFFFE000  }
0x10f: {  	[spmem:s2] =	stream.indirect.scatter.add.f32 [tilespmem:s22], [sflag:$0x9], $0x40, s28, s14, $0xb8;
	[tilespmem:$0x1ED00] =	vst v63  }
0x110: {  	_ =	swait.ge [sflag:s10], $0x2000  }
0x111: {  	[sflag:s10] =	ssyncset.done $0x0  }
0x112: {  	[sflag:s10] =	ssyncadd.s32 $0xFFFFE000  }
0x113: {  	_ =	swait.ge [sflag:s17], $0x2000  }
0x114: {  	[sflag:s17] =	ssyncset.done $0x0  }
0x115: {  	s23 =	simm.s32 $0x4E00;
	[sflag:s17] =	ssyncadd.s32 $0xFFFFE000  }
0x116: {  	[spmem:s2] =	stream.indirect.scatter.add.f32 [tilespmem:s24], [sflag:$0x9], $0x40, s23, s14, $0xb8;
	[tilespmem:$0x1ED00] =	vst v63  }
0x117: {  	_ =	swait.ge [sflag:s10], $0x2000  }
0x118: {  	[sflag:s10] =	ssyncset.done $0x0  }
0x119: {  	[sflag:s10] =	ssyncadd.s32 $0xFFFFE000  }
0x11a: {  	_ =	swait.ge [sflag:s19], $0x2000  }
0x11b: {  	[sflag:s19] =	ssyncset.done $0x0  }
0x11c: {  	s28 =	simm.s32 $0x4E80;
	[sflag:s19] =	ssyncadd.s32 $0xFFFFE000  }
0x11d: {  	[spmem:s2] =	stream.indirect.scatter.add.f32 [tilespmem:s26], [sflag:$0x9], $0x40, s28, s14, $0xb8;
	[tilespmem:$0x1ED00] =	vst v63  }
0x11e: {  	_ =	swait.ge [sflag:s10], $0x2000  }
0x11f: {  	s25 =	sadd.s32 $0x1, s25;
	[sflag:s10] =	ssyncset.done $0x0  }
0x120: {  	p0 =	sne.s32 s25, s9;
	[sflag:s10] =	ssyncadd.s32 $0xFFFFE000  }
.Ltmp1:
0x121: {  	[bflag:$0x0] =	sbarrier.arrive $0xFFFF;
	(pc) =	sbr.rel @p0 .LBB2_1-.Ltmp1, $4  }
0x122: {  	[hbm:s8], [sflag:s12] =	dma.local [spmem:s13], $0x13C0  }
0x123: {  	_ =	swait.ge [sflag:s10], $0x13C0  }
0x124: {  	[sflag:s10] =	ssyncset.done $0x0  }
0x125: {  	[sflag:s10] =	ssyncadd.s32 $0xFFFFEC40  }
0x126: {  	_ =	sfence.sel $0x180000  }
0x127: {  	[bflag:$0x0] =	sbarrier.arrive $0xFFFF  }
0x128: {  	_ =	strace $0x9000004D  }
0x129: {  	s0 =	stileid.u32;
	[bflag:$0x2] =	sbarrier.arrive $0xFFFF  }
0x12a: {  	p0 =	sne.s32 s0, $0x0;
	s0 =	rddreg [dreg:$0x2]  }
0x12b: {  	s0 =	sadd.s32 @!p0 $0x100000, s0  }
0x12c: {  	[sflag:s0] =	ssyncadd.tile.s32 @!p0 $0x1;
	_ =	shalt  }
.Lfunc_end2:
_tile_overlayer_lowered:
.L_overlay_start_2:
0x12d: {  	(tag) =	ssettag $0x2  }
0x12e: {  	s0 =	rddreg [dreg:$0x0];
	s2 =	stileid.u32  }
0x12f: {  	s1 =	rddreg [dreg:$0x1];
	p0 =	sne.s32 s2, $0x0  }
0x130: {  	s3 =	rddreg [dreg:$0x2];
	[bflag:$0x3] =	sbarrier.arrive $0xFFFF;
	s2 =	simm.s32 @!p0 $0x1C09  }
0x131: {  	[timem:s3], [sflag:s2] =	dma.local @!p0 [hbm:s0], s1  }
0x132: {  	s0 =	simm.s32 @!p0 $0x9  }
0x133: {  	_ =	swait.ge @!p0 [sflag:s0], s1  }
0x134: {  	s1 =	ssub.s32 @!p0 $0x0, s1;
	[sflag:s0] =	ssyncset.done @!p0 $0x0  }
0x135: {  	[sflag:s0] =	ssyncadd.s32 @!p0 s1  }
0x136: {  	[bflag:$0x3] =	sbarrier.arrive $0xFFFF  }
0x137: {  	_ =	shalt  }

// kernel: kernel.19.cloned.1.call-start
scs
__scs_entry_jumppad:
0x0: {  	(pc) =	sbr.rel $0x88, $3  }
0x1: {  	(tag) =	ssettag $0x0;
	lr =	simm.s32 $0x1  }
0x2: {  	[smem:$0x3F93] =	sst lr;
	_ =	strace $0xD0000000  }
0x3: {  	_ = 	snop  }
0x4: {  	_ = 	snop  }
0x5: {  	_ = 	snop  }
0x6: {  	_ = 	snop  }
0x7: {  	_ = 	snop  }
__scs_overlays_trampoline_lowered:
0x8: {  	[smem:$0x3FA2] =	sst s0  }
0x9: {  	[smem:$0x3FA3] =	sst s1  }
0xa: {  	[smem:$0x3FA4] =	sst s2  }
0xb: {  	[smem:$0x3FA5] =	sst s3  }
0xc: {  	[smem:$0x3FA6] =	sst s4  }
0xd: {  	[smem:$0x3FA7] =	sst s5  }
0xe: {  	[smem:$0x3FA8] =	sst s6  }
0xf: {  	[smem:$0x3FA9] =	sst s7  }
0x10: {  	[smem:$0x3FAA] =	sst s8  }
0x11: {  	[smem:$0x3FAB] =	sst s9;
	s0 =	simm.s32 @!p0 $0x0  }
0x12: {  	s1 =	sld [smem:$0x3F91];
	s0 =	simm.s32 @p0 $0x1  }
0x13: {  	[smem:$0x3FAC] =	sst s0;
	s0 =	simm.s32 @!p1 $0x0  }
0x14: {  	s2 =	sld [smem:$0x3F90];
	s0 =	simm.s32 @p1 $0x1  }
0x15: {  	[smem:$0x3FAD] =	sst s0;
	s0 =	simm.s32 @!p2 $0x0  }
0x16: {  	s3 =	sld [smem:$0x3FDB];
	s0 =	simm.s32 @p2 $0x1  }
0x17: {  	s4 =	simm.s32 $0x1BF5;
	[smem:$0x3FAF] =	sst s0  }
0x18: {  	s0 =	sld [smem:$0x3F92];
	_ =	swait.ge [sflag:s4], $0x0  }
0x19: {  	s7 =	sld [smem:$0x3F93]  }
0x1a: {  	s8 =	sadd.s32 $0xFFFFE003, lr  }
0x1b: {  	s9 =	sadd.s32 $0xFFFFFEF7, lr;
	s5 =	simm.s32 $0xFFFFFFFF;
	p2 =	slt.u32 s8, $0xFFFFF086  }
0x1c: {  	p1 =	slt.u32 s9, $0xF7A;
	s5 =	simm.s32 @!p2 $0x0  }
0x1d: {  	s5 =	simm.s32 @p1 $0x1;
	p0 =	seq.s32 s7, s2  }
0x1e: {  	s7 =	smul.u32 @!p0 $0xF7A, s2;
	p2 =	seq.s32 @!p0 s5, $0x0  }
0x1f: {  	s9 =	smul.u32 $0xF7A, s1;
	s8 =	simm.s32 @!p0 $0x1BF5;
	p2 =	por !p2, p0  }
0x20: {  	[sflag:s8] =	ssyncset.s32 @!p0 $0xFFFFF086;
	s6 =	sadd.s32 @!p0 s3, s7;
	s7 =	simm.s32 @!p0 $0x108  }
0x21: {  	s3 =	sadd.s32 s3, s9;
	s6 =	sadd.s32 @!p0 $0x88, s6;
	s7 =	simm.s32 @p2 $0x1082  }
0x22: {  	[simem:s7], [sflag:s8] =	dma.local @!p0 [hbm:s6], $0xF7A  }
0x23: {  	s9 =	sor.u32 $0xD0000000, s2;
	s6 =	simm.s32 $0x108;
	_ =	swait.ge @!p0 [sflag:s8], $0x0  }
0x24: {  	s3 =	sadd.s32 $0x88, s3;
	s6 =	simm.s32 @!p1 $0x1082;
	[sflag:s4] =	ssyncset.s32 $0xFFFFF086  }
0x25: {  	[simem:s6], [sflag:s4] =	dma.local [hbm:s3], $0xF7A  }
0x26: {  	[smem:$0x3F93] =	sst s1;
	(tag) =	ssettag s2;
	_ =	strace s9  }
0x27: {  	s1 =	sld [smem:$0x3FA3]  }
0x28: {  	s2 =	sld [smem:$0x3FA4]  }
0x29: {  	s4 =	sld [smem:$0x3FA6]  }
0x2a: {  	p0 =	seq.s32 s5, $0x0;
	s5 =	sld [smem:$0x3FA7]  }
0x2b: {  	s6 =	sld [smem:$0x3FA8]  }
0x2c: {  	s7 =	sld [smem:$0x3FA9]  }
0x2d: {  	s3 =	simm.s32 $0x108;
	s8 =	sld [smem:$0x3FAA]  }
0x2e: {  	s3 =	simm.s32 @!p0 $0x1082;
	s9 =	sld [smem:$0x3FAB]  }
0x2f: {  	lr =	sadd.s32 s0, s3;
	s0 =	sld [smem:$0x3FA2]  }
0x30: {  	s3 =	sld [smem:$0x3FA5]  }
0x31: {  	[smem:$0x3FAE] =	sst s10  }
0x32: {  	s10 =	sld [smem:$0x3FAC];
	_ =	sdelay $0x3  }
0x33: {  	p0 =	seq.s32 s10, $0x1;
	s10 =	sld [smem:$0x3FAE];
	_ =	sdelay $0x3  }
0x34: {  	[smem:$0x3FAE] =	sst s10  }
0x35: {  	s10 =	sld [smem:$0x3FAD];
	_ =	sdelay $0x3  }
0x36: {  	p1 =	seq.s32 s10, $0x1;
	s10 =	sld [smem:$0x3FAE];
	_ =	sdelay $0x3  }
0x37: {  	[smem:$0x3FAE] =	sst s10  }
0x38: {  	s10 =	sld [smem:$0x3FAF]  }
0x39: {  	_ = 	snop;
	(pc) =	sbr.ind lr, $3  }
0x3a: {  	_ = 	snop  }
0x3b: {  	_ = 	snop  }
0x3c: {  	p2 =	seq.s32 s10, $0x1;
	s10 =	sld [smem:$0x3FAE]  }
0x3d: {  	_ =	shalt  }
0x3e: {  	_ =	shalt  }
0x3f: {  	_ =	shalt  }
0x40: {  	_ =	shalt  }
0x41: {  	_ =	shalt  }
0x42: {  	_ =	shalt  }
0x43: {  	_ =	shalt  }
0x44: {  	_ =	shalt  }
0x45: {  	_ =	shalt  }
0x46: {  	_ =	shalt  }
0x47: {  	_ =	shalt  }
0x48: {  	_ =	shalt  }
0x49: {  	_ =	shalt  }
0x4a: {  	_ =	shalt  }
0x4b: {  	_ =	shalt  }
0x4c: {  	_ =	shalt  }
0x4d: {  	_ =	shalt  }
0x4e: {  	_ =	shalt  }
0x4f: {  	_ =	shalt  }
0x50: {  	_ =	shalt  }
0x51: {  	_ =	shalt  }
0x52: {  	_ =	shalt  }
0x53: {  	_ =	shalt  }
0x54: {  	_ =	shalt  }
0x55: {  	_ =	shalt  }
0x56: {  	_ =	shalt  }
0x57: {  	_ =	shalt  }
0x58: {  	_ =	shalt  }
0x59: {  	_ =	shalt  }
0x5a: {  	_ =	shalt  }
0x5b: {  	_ =	shalt  }
0x5c: {  	_ =	shalt  }
0x5d: {  	_ =	shalt  }
0x5e: {  	_ =	shalt  }
0x5f: {  	_ =	shalt  }
0x60: {  	_ =	shalt  }
0x61: {  	_ =	shalt  }
0x62: {  	_ =	shalt  }
0x63: {  	_ =	shalt  }
0x64: {  	_ =	shalt  }
0x65: {  	_ =	shalt  }
0x66: {  	_ =	shalt  }
0x67: {  	_ =	shalt  }
0x68: {  	_ =	shalt  }
0x69: {  	_ =	shalt  }
0x6a: {  	_ =	shalt  }
0x6b: {  	_ =	shalt  }
0x6c: {  	_ =	shalt  }
0x6d: {  	_ =	shalt  }
0x6e: {  	_ =	shalt  }
0x6f: {  	_ =	shalt  }
0x70: {  	_ =	shalt  }
0x71: {  	_ =	shalt  }
0x72: {  	_ =	shalt  }
0x73: {  	_ =	shalt  }
0x74: {  	_ =	shalt  }
0x75: {  	_ =	shalt  }
0x76: {  	_ =	shalt  }
0x77: {  	_ =	shalt  }
0x78: {  	_ =	shalt  }
0x79: {  	_ =	shalt  }
0x7a: {  	_ =	shalt  }
0x7b: {  	_ =	shalt  }
0x7c: {  	_ =	shalt  }
0x7d: {  	_ =	shalt  }
0x7e: {  	_ =	shalt  }
0x7f: {  	_ =	shalt  }
0x80: {  	_ =	shalt  }
0x81: {  	_ =	shalt  }
0x82: {  	_ =	shalt  }
0x83: {  	_ =	shalt  }
0x84: {  	_ =	shalt  }
0x85: {  	_ =	shalt  }
0x86: {  	_ =	shalt  }
0x87: {  	_ =	shalt  }
.Lfunc_end0:
.L_simem_size_0:
called_computation.3_lowered:
.L_overlay_start_0:
0x88: {  	s2 =	sld [smem:$0x3FD9]  }
0x89: {  	s3 =	sld [smem:$0x3FFE];
	_ =	sdelay $0x1  }
0x8a: {  	s1 =	srdreg.scid  }
0x8b: {  	s0 =	sand.u32 $0x1, s1  }
0x8c: {  	s16 =	sshll.u32 s0, $0xA;
	s2 =	sadd.s32 s3, s2  }
0x8d: {  	s2 =	sadd.s32 s2, s16  }
0x8e: {  	[smem:$0x3FBA] =	sst s2  }
0x8f: {  	_ = 	snop  }
0x90: {  	(tm) =	ssettm $0x1  }
0x91: {  	s17 =	sld [smem:$0x3FFB];
	_ =	sdelay $0x3  }
0x92: {  	_ =	strace s17  }
0x93: {  	s2 =	sld [smem:$0x3FFC];
	_ =	sdelay $0x3  }
0x94: {  	_ =	strace s2  }
0x95: {  	s2 =	sld [smem:$0x3FFD];
	_ =	sdelay $0x3  }
0x96: {  	_ =	strace s2  }
0x97: {  	_ =	strace $0x8FFFFFFF  }
0x98: {  	s18 =	sld [smem:$0x3FDB];
	_ =	sdelay $0x1  }
0x99: {  	s19 =	simm.s32 $_scs_section_size  }
0x9a: {  	s4 =	simm.s32 $_size__tile_overlayer_lowered;
	s5 =	simm.s32 $_tile_overlayer_lowered  }
0x9b: {  	s22 =	simm.s32 $0x1BFF;
	s21 =	sshll.u32 s5, $0x1;
	s2 =	sadd.s32 s19, s18  }
0x9c: {  	s6 =	simm.s32 $0x0;
	s20 =	sshll.u32 s4, $0x1;
	s4 =	sadd.s32 s21, s2  }
0x9d: {  	[timem:s6], [sflag:s22] =	dma.local [hbm:s4], s20  }
0x9e: {  	_ =	swait.ge [sflag:s22], s20  }
0x9f: {  	s3 =	ssub.s32 $0x0, s20;
	[sflag:s22] =	ssyncset.done $0x0  }
0xa0: {  	[sflag:s22] =	ssyncadd.s32 s3;
	_ =	sdelay $0x1  }
0xa1: {  	s23 =	simm.s32 $0x1B8B  }
0xa2: {  	_ =	swait.ge [sflag:s23], $0x1  }
0xa3: {  	[sflag:s23] =	ssyncset.done $0x0  }
0xa4: {  	s25 =	simm.s32 $0x1B8E;
	s24 =	sld [smem:$0x3FFE];
	[sflag:s23] =	ssyncadd.s32 $0xFFFFFFFF  }
0xa5: {  	s26 =	simm.s32 $execute0_lowered;
	[smem:$0x3FD2] =	sst s25  }
0xa6: {  	s4 =	sshll.u32 s26, $0x1;
	_ =	strace $0x8000004F;
	[dreg:$0x1] =	wrdreg $0xFFFFFFFF  }
0xa7: {  	s28 =	simm.s32 $_size_execute0_lowered;
	s2 =	sadd.s32 s2, s4;
	[dreg:$0x0] =	wrdreg $0x0  }
0xa8: {  	s4 =	sshll.u32 s28, $0x1;
	[dreg:$0x2] =	wrdreg s2  }
0xa9: {  	[dreg:$0x3] =	wrdreg s4  }
0xaa: {  	[dreg:$0x4] =	wrdreg $0xC0  }
0xab: {  	_ =	task [dreg:s6], $0x5FFFF  }
0xac: {  	[dreg:$0x1] =	wrdreg $0xFFFFFFFF  }
0xad: {  	[dreg:$0x0] =	wrdreg $0x60  }
0xae: {  	[dreg:$0x2] =	wrdreg s24  }
0xaf: {  	[dreg:$0x3] =	wrdreg $0x14F000  }
0xb0: {  	[dreg:$0x4] =	wrdreg $0x9  }
0xb1: {  	_ =	task.clear_ibuf [dreg:s6], $0x5FFFF;
	_ =	strace $0x9000004F  }
0xb2: {  	s29 =	simm.s32 $0x9;
	_ =	strace $0x80000051  }
0xb3: {  	_ =	swait.ge [sflag:s29], $0x1  }
0xb4: {  	[sflag:s29] =	ssyncadd.s32 $0xFFFFFFFF  }
0xb5: {  	_ =	strace $0x90000051  }
0xb6: {  	_ =	sfence  }
0xb7: {  	s30 =	sld [smem:$0x0];
	_ =	sdelay $0x2  }
0xb8: {  	s31 =	sshll.u32 s1, $0xD;
	s1 =	sshrl.u32 s1, $0x2  }
0xb9: {  	s3 =	sand.u32 $0x4000, s31;
	s1 =	sadd.s32 s1, s30  }
0xba: {  	s0 =	sor.u32 s3, s0;
	s1 =	sshll.u32 s1, $0x11  }
0xbb: {  	s0 =	sor.u32 s1, s0  }
0xbc: {  	s0 =	sadd.s32 $0x8F2B, s0  }
0xbd: {  	[sflag:s0] =	ssyncadd.remote.s32 $0x1  }
0xbe: {  	_ =	sfence.sel $0xFFFF  }
0xbf: {  	[dreg:$0x0] =	wrdreg $0xFFFFFFFF;
	(pc) =	sbr.abs _section_cstart, $3  }
0xc0: {  	[dreg:$0x1] =	wrdreg $0xFFFFFFFF  }
0xc1: {  	_ =	task.clear_ibuf [dreg:s6], $0x2FFFF;
	_ =	strace $0x9FFFFFFF  }
0xc2: {  	(tm) =	ssettm $0x7FFFFFFF  }
0xc3: {  	_ =	shalt  }
tec
execute0_lowered:
.L_overlay_start_1:
0x0: {  	(tag) =	ssettag $0x1  }
0x1: {  	s0 =	srdreg.scid;
	s5 =	rddreg [dreg:$0x0]  }
0x2: {  	s11 =	stileid.u32;
	s2 =	rddreg [dreg:$0x1]  }
0x3: {  	s3 =	simm.s32 $0x0;
	s14 =	simm.s32 $0x80;
	s15 =	simm.s32 $0x4F00  }
0x4: {  	s16 =	simm.s32 $0x6F00;
	s18 =	simm.s32 $0x8F00;
	s20 =	simm.s32 $0xAF00  }
0x5: {  	s22 =	simm.s32 $0xCF00;
	s24 =	simm.s32 $0xEF00;
	s29 =	simm.s32 $0x12F00  }
0x6: {  	s30 =	simm.s32 $0x1;
	s31 =	simm.s32 $0x2;
	s17 =	simm.s32 $0x6  }
0x7: {  	s19 =	simm.s32 $0x7;
	s21 =	simm.s32 $0x8;
	s0 =	sand.u32 $0x1, s0  }
0x8: {  	s7 =	smul.u32 $0x9E00, s11;
	[smem:$0x7FF] =	sst s3;
	s4 =	sadd.s32 $0xC800, s5  }
0x9: {  	s28 =	sshll.u32 s11, $0x6;
	s1 =	sshll.u32 s0, $0x4;
	s6 =	smul.u32 $0x9E000, s0  }
0xa: {  	_ =	strace $0x80000050;
	s0 =	ssub.s32 $0x2, s0;
	s12 =	sor.u32 $0x1C09, s28  }
0xb: {  	s1 =	sor.u32 s11, s1;
	s8 =	sshrl.u32 s7, $0x3;
	s9 =	sshrl.u32 s0, $0x1  }
0xc: {  	s26 =	sadd.s32 s7, s2;
	s11 =	simm.s32 $0x5;
	s1 =	smul.u32 $0x4F0, s1  }
0xd: {  	s6 =	sadd.s32 s7, s6;
	s8 =	sadd.s32 s8, s5;
	s0 =	ssub.s32 s0, s9  }
0xe: {  	s13 =	sshrl.u32 s26, $0x3;
	s26 =	simm.s32 $0x10F00;
	s6 =	sshrl.u32 s6, $0x3  }
0xf: {  	s7 =	sadd.s32 $0x2CC00, s8;
	s9 =	smax.u32 s0, $0x1;
	s1 =	sadd.s32 s1, s5  }
0x10: {  	s0 =	simm.s32 $0x4;
	s10 =	sadd.s32 s6, s5;
	s25 =	sadd.s32 $0x22E00, s1  }
0x11: {  	s6 =	sadd.s32 $0x2A00, s1;
	s8 =	sadd.s32 $0x40800, s10;
	s10 =	simm.s32 $0x9  }
0x12: {  	s1 =	simm.s32 $0x3;
	[dreg:$0x3] =	wrdreg s25;
	s25 =	simm.s32 $0x0  }
.LBB2_1:
0x13: {  	s5 =	rddreg [dreg:$0x3]  }
0x14: {  	[tilespmem:s3], [sflag:$0x9] =	stream.linear.gather [hbm4b:s5+s3], $0x2780, $0x38;
	[tilespmem:$0x1ED00] =	vst v63  }
0x15: {  	_ =	swait.ge [sflag:s10], $0x2780  }
0x16: {  	[sflag:s10] =	ssyncset.done $0x0  }
0x17: {  	s23 =	simm.s32 $0x2780;
	[sflag:s10] =	ssyncadd.s32 $0xFFFFD880  }
0x18: {  	[tilespmem:s23], [sflag:$0x9] =	stream.linear.gather [hbm4b:s6+s3], $0x2780, $0x38;
	[tilespmem:$0x1ED00] =	vst v63  }
0x19: {  	_ =	swait.ge [sflag:s10], $0x2780  }
0x1a: {  	[sflag:s10] =	ssyncset.done $0x0  }
0x1b: {  	[sflag:s10] =	ssyncadd.s32 $0xFFFFD880  }
0x1c: {  	[spmem:s13], [sflag:s12] =	dma.local [hbm:s7], $0x13C0  }
0x1d: {  	_ =	swait.ge [sflag:s10], $0x13C0  }
0x1e: {  	[sflag:s10] =	ssyncset.done $0x0  }
0x1f: {  	[sflag:s10] =	ssyncadd.s32 $0xFFFFEC40  }
0x20: {  	[bflag:$0x0] =	sbarrier.arrive $0xFFFF  }
0x21: {  	[tilespmem:s15], [sflag:$0x1] =	stream.indirect.gather [hbm4b:s4+s14], $0x40, s3, s14, $0xb8;
	[tilespmem:$0x1ED00] =	vst v63  }
0x22: {  	_ = 	snop  }
0x23: {  	[tilespmem:s16], [sflag:$0x2] =	stream.indirect.gather [hbm4b:s4+s14], $0x40, s14, s14, $0xb8;
	[tilespmem:$0x1ED00] =	vst v63  }
0x24: {  	s23 =	simm.s32 $0x100  }
0x25: {  	[tilespmem:s18], [sflag:$0x3] =	stream.indirect.gather [hbm4b:s4+s14], $0x40, s23, s14, $0xb8;
	[tilespmem:$0x1ED00] =	vst v63  }
0x26: {  	s23 =	simm.s32 $0x180  }
0x27: {  	[tilespmem:s20], [sflag:$0x4] =	stream.indirect.gather [hbm4b:s4+s14], $0x40, s23, s14, $0xb8;
	[tilespmem:$0x1ED00] =	vst v63  }
0x28: {  	s23 =	simm.s32 $0x200  }
0x29: {  	[tilespmem:s22], [sflag:$0x5] =	stream.indirect.gather [hbm4b:s4+s14], $0x40, s23, s14, $0xb8;
	[tilespmem:$0x1ED00] =	vst v63  }
0x2a: {  	s23 =	simm.s32 $0x280  }
0x2b: {  	[tilespmem:s24], [sflag:$0x6] =	stream.indirect.gather [hbm4b:s4+s14], $0x40, s23, s14, $0xb8;
	[tilespmem:$0x1ED00] =	vst v63  }
0x2c: {  	s23 =	simm.s32 $0x300  }
0x2d: {  	[tilespmem:s26], [sflag:$0x7] =	stream.indirect.gather [hbm4b:s4+s14], $0x40, s23, s14, $0xb8;
	[tilespmem:$0x1ED00] =	vst v63  }
0x2e: {  	s23 =	simm.s32 $0x380  }
0x2f: {  	[tilespmem:s29], [sflag:$0x8] =	stream.indirect.gather [hbm4b:s4+s14], $0x40, s23, s14, $0xb8;
	[tilespmem:$0x1ED00] =	vst v63  }
0x30: {  	_ =	swait.ge [sflag:s30], $0x2000  }
0x31: {  	[sflag:s30] =	ssyncset.done $0x0  }
0x32: {  	s23 =	simm.s32 $0x2780;
	[sflag:s30] =	ssyncadd.s32 $0xFFFFE000  }
0x33: {  	[spmem:s2] =	stream.indirect.scatter.add.f32 [tilespmem:s15], [sflag:$0x9], $0x40, s23, s14, $0xb8;
	[tilespmem:$0x1ED00] =	vst v63  }
0x34: {  	_ =	swait.ge [sflag:s10], $0x2000  }
0x35: {  	[sflag:s10] =	ssyncset.done $0x0  }
0x36: {  	s5 =	simm.s32 $0x400;
	[sflag:s10] =	ssyncadd.s32 $0xFFFFE000  }
0x37: {  	[tilespmem:s15], [sflag:$0x1] =	stream.indirect.gather [hbm4b:s4+s14], $0x40, s5, s14, $0xb8;
	[tilespmem:$0x1ED00] =	vst v63  }
0x38: {  	_ =	swait.ge [sflag:s31], $0x2000  }
0x39: {  	[sflag:s31] =	ssyncset.done $0x0  }
0x3a: {  	s5 =	simm.s32 $0x2800;
	[sflag:s31] =	ssyncadd.s32 $0xFFFFE000  }
0x3b: {  	[spmem:s2] =	stream.indirect.scatter.add.f32 [tilespmem:s16], [sflag:$0x9], $0x40, s5, s14, $0xb8;
	[tilespmem:$0x1ED00] =	vst v63  }
0x3c: {  	_ =	swait.ge [sflag:s10], $0x2000  }
0x3d: {  	[sflag:s10] =	ssyncset.done $0x0  }
0x3e: {  	s5 =	simm.s32 $0x480;
	[sflag:s10] =	ssyncadd.s32 $0xFFFFE000  }
0x3f: {  	[tilespmem:s16], [sflag:$0x2] =	stream.indirect.gather [hbm4b:s4+s14], $0x40, s5, s14, $0xb8;
	[tilespmem:$0x1ED00] =	vst v63  }
0x40: {  	_ =	swait.ge [sflag:s1], $0x2000  }
0x41: {  	[sflag:s1] =	ssyncset.done $0x0  }
0x42: {  	s5 =	simm.s32 $0x2880;
	[sflag:s1] =	ssyncadd.s32 $0xFFFFE000  }
0x43: {  	[spmem:s2] =	stream.indirect.scatter.add.f32 [tilespmem:s18], [sflag:$0x9], $0x40, s5, s14, $0xb8;
	[tilespmem:$0x1ED00] =	vst v63  }
0x44: {  	_ =	swait.ge [sflag:s10], $0x2000  }
0x45: {  	[sflag:s10] =	ssyncset.done $0x0  }
0x46: {  	s5 =	simm.s32 $0x500;
	[sflag:s10] =	ssyncadd.s32 $0xFFFFE000  }
0x47: {  	[tilespmem:s18], [sflag:$0x3] =	stream.indirect.gather [hbm4b:s4+s14], $0x40, s5, s14, $0xb8;
	[tilespmem:$0x1ED00] =	vst v63  }
0x48: {  	_ =	swait.ge [sflag:s0], $0x2000  }
0x49: {  	[sflag:s0] =	ssyncset.done $0x0  }
0x4a: {  	s5 =	simm.s32 $0x2900;
	[sflag:s0] =	ssyncadd.s32 $0xFFFFE000  }
0x4b: {  	[spmem:s2] =	stream.indirect.scatter.add.f32 [tilespmem:s20], [sflag:$0x9], $0x40, s5, s14, $0xb8;
	[tilespmem:$0x1ED00] =	vst v63  }
0x4c: {  	_ =	swait.ge [sflag:s10], $0x2000  }
0x4d: {  	[sflag:s10] =	ssyncset.done $0x0  }
0x4e: {  	s5 =	simm.s32 $0x580;
	[sflag:s10] =	ssyncadd.s32 $0xFFFFE000  }
0x4f: {  	[tilespmem:s20], [sflag:$0x4] =	stream.indirect.gather [hbm4b:s4+s14], $0x40, s5, s14, $0xb8;
	[tilespmem:$0x1ED00] =	vst v63  }
0x50: {  	_ =	swait.ge [sflag:s11], $0x2000  }
0x51: {  	[sflag:s11] =	ssyncset.done $0x0  }
0x52: {  	s5 =	simm.s32 $0x2980;
	[sflag:s11] =	ssyncadd.s32 $0xFFFFE000  }
0x53: {  	[spmem:s2] =	stream.indirect.scatter.add.f32 [tilespmem:s22], [sflag:$0x9], $0x40, s5, s14, $0xb8;
	[tilespmem:$0x1ED00] =	vst v63  }
0x54: {  	_ =	swait.ge [sflag:s10], $0x2000  }
0x55: {  	[sflag:s10] =	ssyncset.done $0x0  }
0x56: {  	s5 =	simm.s32 $0x600;
	[sflag:s10] =	ssyncadd.s32 $0xFFFFE000  }
0x57: {  	[tilespmem:s22], [sflag:$0x5] =	stream.indirect.gather [hbm4b:s4+s14], $0x40, s5, s14, $0xb8;
	[tilespmem:$0x1ED00] =	vst v63  }
0x58: {  	_ =	swait.ge [sflag:s17], $0x2000  }
0x59: {  	[sflag:s17] =	ssyncset.done $0x0  }
0x5a: {  	s5 =	simm.s32 $0x2A00;
	[sflag:s17] =	ssyncadd.s32 $0xFFFFE000  }
0x5b: {  	[spmem:s2] =	stream.indirect.scatter.add.f32 [tilespmem:s24], [sflag:$0x9], $0x40, s5, s14, $0xb8;
	[tilespmem:$0x1ED00] =	vst v63  }
0x5c: {  	_ =	swait.ge [sflag:s10], $0x2000  }
0x5d: {  	[sflag:s10] =	ssyncset.done $0x0  }
0x5e: {  	s5 =	simm.s32 $0x680;
	[sflag:s10] =	ssyncadd.s32 $0xFFFFE000  }
0x5f: {  	[tilespmem:s24], [sflag:$0x6] =	stream.indirect.gather [hbm4b:s4+s14], $0x40, s5, s14, $0xb8;
	[tilespmem:$0x1ED00] =	vst v63  }
0x60: {  	_ =	swait.ge [sflag:s19], $0x2000  }
0x61: {  	[sflag:s19] =	ssyncset.done $0x0  }
0x62: {  	s5 =	simm.s32 $0x2A80;
	[sflag:s19] =	ssyncadd.s32 $0xFFFFE000  }
0x63: {  	[spmem:s2] =	stream.indirect.scatter.add.f32 [tilespmem:s26], [sflag:$0x9], $0x40, s5, s14, $0xb8;
	[tilespmem:$0x1ED00] =	vst v63  }
0x64: {  	_ =	swait.ge [sflag:s10], $0x2000  }
0x65: {  	[sflag:s10] =	ssyncset.done $0x0  }
0x66: {  	s5 =	simm.s32 $0x700;
	[sflag:s10] =	ssyncadd.s32 $0xFFFFE000  }
0x67: {  	[tilespmem:s26], [sflag:$0x7] =	stream.indirect.gather [hbm4b:s4+s14], $0x40, s5, s14, $0xb8;
	[tilespmem:$0x1ED00] =	vst v63  }
0x68: {  	_ =	swait.ge [sflag:s21], $0x2000  }
0x69: {  	[sflag:s21] =	ssyncset.done $0x0  }
0x6a: {  	s5 =	simm.s32 $0x2B00;
	[sflag:s21] =	ssyncadd.s32 $0xFFFFE000  }
0x6b: {  	[spmem:s2] =	stream.indirect.scatter.add.f32 [tilespmem:s29], [sflag:$0x9], $0x40, s5, s14, $0xb8;
	[tilespmem:$0x1ED00] =	vst v63  }
0x6c: {  	_ =	swait.ge [sflag:s10], $0x2000  }
0x6d: {  	[sflag:s10] =	ssyncset.done $0x0  }
0x6e: {  	s28 =	simm.s32 $0x1000;
	s23 =	simm.s32 $0x780;
	[sflag:s10] =	ssyncadd.s32 $0xFFFFE000  }
.LBB2_2:
0x6f: {  	[tilespmem:s29], [sflag:$0x8] =	stream.indirect.gather [hbm4b:s4+s14], $0x40, s23, s14, $0xb8;
	[tilespmem:$0x1ED00] =	vst v63  }
0x70: {  	s23 =	smov.u32 s28  }
0x71: {  	p0 =	sne.s32 s28, $0x7000;
	s28 =	sadd.s32 $0x1000, s28;
	_ =	swait.ge [sflag:s30], $0x2000  }
0x72: {  	s23 =	sshra.s32 s23, $0x2;
	[sflag:s30] =	ssyncset.done $0x0  }
0x73: {  	s5 =	sadd.s32 $0x2780, s23;
	[sflag:s30] =	ssyncadd.s32 $0xFFFFE000  }
0x74: {  	[spmem:s2] =	stream.indirect.scatter.add.f32 [tilespmem:s15], [sflag:$0x9], $0x40, s5, s14, $0xb8;
	[tilespmem:$0x1ED00] =	vst v63  }
0x75: {  	_ =	swait.ge [sflag:s10], $0x2000  }
0x76: {  	[sflag:s10] =	ssyncset.done $0x0  }
0x77: {  	s5 =	sadd.s32 $0x400, s23;
	[sflag:s10] =	ssyncadd.s32 $0xFFFFE000  }
0x78: {  	[tilespmem:s15], [sflag:$0x1] =	stream.indirect.gather [hbm4b:s4+s14], $0x40, s5, s14, $0xb8;
	[tilespmem:$0x1ED00] =	vst v63  }
0x79: {  	_ =	swait.ge [sflag:s31], $0x2000  }
0x7a: {  	[sflag:s31] =	ssyncset.done $0x0  }
0x7b: {  	s5 =	sadd.s32 $0x2800, s23;
	[sflag:s31] =	ssyncadd.s32 $0xFFFFE000  }
0x7c: {  	[spmem:s2] =	stream.indirect.scatter.add.f32 [tilespmem:s16], [sflag:$0x9], $0x40, s5, s14, $0xb8;
	[tilespmem:$0x1ED00] =	vst v63  }
0x7d: {  	_ =	swait.ge [sflag:s10], $0x2000  }
0x7e: {  	[sflag:s10] =	ssyncset.done $0x0  }
0x7f: {  	s5 =	sadd.s32 $0x480, s23;
	[sflag:s10] =	ssyncadd.s32 $0xFFFFE000  }
0x80: {  	[tilespmem:s16], [sflag:$0x2] =	stream.indirect.gather [hbm4b:s4+s14], $0x40, s5, s14, $0xb8;
	[tilespmem:$0x1ED00] =	vst v63  }
0x81: {  	_ =	swait.ge [sflag:s1], $0x2000  }
0x82: {  	[sflag:s1] =	ssyncset.done $0x0  }
0x83: {  	s5 =	sadd.s32 $0x2880, s23;
	[sflag:s1] =	ssyncadd.s32 $0xFFFFE000  }
0x84: {  	[spmem:s2] =	stream.indirect.scatter.add.f32 [tilespmem:s18], [sflag:$0x9], $0x40, s5, s14, $0xb8;
	[tilespmem:$0x1ED00] =	vst v63  }
0x85: {  	_ =	swait.ge [sflag:s10], $0x2000  }
0x86: {  	[sflag:s10] =	ssyncset.done $0x0  }
0x87: {  	s5 =	sadd.s32 $0x500, s23;
	[sflag:s10] =	ssyncadd.s32 $0xFFFFE000  }
0x88: {  	[tilespmem:s18], [sflag:$0x3] =	stream.indirect.gather [hbm4b:s4+s14], $0x40, s5, s14, $0xb8;
	[tilespmem:$0x1ED00] =	vst v63  }
0x89: {  	_ =	swait.ge [sflag:s0], $0x2000  }
0x8a: {  	[sflag:s0] =	ssyncset.done $0x0  }
0x8b: {  	s5 =	sadd.s32 $0x2900, s23;
	[sflag:s0] =	ssyncadd.s32 $0xFFFFE000  }
0x8c: {  	[spmem:s2] =	stream.indirect.scatter.add.f32 [tilespmem:s20], [sflag:$0x9], $0x40, s5, s14, $0xb8;
	[tilespmem:$0x1ED00] =	vst v63  }
0x8d: {  	_ =	swait.ge [sflag:s10], $0x2000  }
0x8e: {  	[sflag:s10] =	ssyncset.done $0x0  }
0x8f: {  	s5 =	sadd.s32 $0x580, s23;
	[sflag:s10] =	ssyncadd.s32 $0xFFFFE000  }
0x90: {  	[tilespmem:s20], [sflag:$0x4] =	stream.indirect.gather [hbm4b:s4+s14], $0x40, s5, s14, $0xb8;
	[tilespmem:$0x1ED00] =	vst v63  }
0x91: {  	_ =	swait.ge [sflag:s11], $0x2000  }
0x92: {  	[sflag:s11] =	ssyncset.done $0x0  }
0x93: {  	s5 =	sadd.s32 $0x2980, s23;
	[sflag:s11] =	ssyncadd.s32 $0xFFFFE000  }
0x94: {  	[spmem:s2] =	stream.indirect.scatter.add.f32 [tilespmem:s22], [sflag:$0x9], $0x40, s5, s14, $0xb8;
	[tilespmem:$0x1ED00] =	vst v63  }
0x95: {  	_ =	swait.ge [sflag:s10], $0x2000  }
0x96: {  	[sflag:s10] =	ssyncset.done $0x0  }
0x97: {  	s5 =	sadd.s32 $0x600, s23;
	[sflag:s10] =	ssyncadd.s32 $0xFFFFE000  }
0x98: {  	[tilespmem:s22], [sflag:$0x5] =	stream.indirect.gather [hbm4b:s4+s14], $0x40, s5, s14, $0xb8;
	[tilespmem:$0x1ED00] =	vst v63  }
0x99: {  	_ =	swait.ge [sflag:s17], $0x2000  }
0x9a: {  	[sflag:s17] =	ssyncset.done $0x0  }
0x9b: {  	s5 =	sadd.s32 $0x2A00, s23;
	[sflag:s17] =	ssyncadd.s32 $0xFFFFE000  }
0x9c: {  	[spmem:s2] =	stream.indirect.scatter.add.f32 [tilespmem:s24], [sflag:$0x9], $0x40, s5, s14, $0xb8;
	[tilespmem:$0x1ED00] =	vst v63  }
0x9d: {  	_ =	swait.ge [sflag:s10], $0x2000  }
0x9e: {  	[sflag:s10] =	ssyncset.done $0x0  }
0x9f: {  	s5 =	sadd.s32 $0x680, s23;
	[sflag:s10] =	ssyncadd.s32 $0xFFFFE000  }
0xa0: {  	[tilespmem:s24], [sflag:$0x6] =	stream.indirect.gather [hbm4b:s4+s14], $0x40, s5, s14, $0xb8;
	[tilespmem:$0x1ED00] =	vst v63  }
0xa1: {  	_ =	swait.ge [sflag:s19], $0x2000  }
0xa2: {  	[sflag:s19] =	ssyncset.done $0x0  }
0xa3: {  	s5 =	sadd.s32 $0x2A80, s23;
	[sflag:s19] =	ssyncadd.s32 $0xFFFFE000  }
0xa4: {  	[spmem:s2] =	stream.indirect.scatter.add.f32 [tilespmem:s26], [sflag:$0x9], $0x40, s5, s14, $0xb8;
	[tilespmem:$0x1ED00] =	vst v63  }
0xa5: {  	_ =	swait.ge [sflag:s10], $0x2000  }
0xa6: {  	[sflag:s10] =	ssyncset.done $0x0  }
0xa7: {  	s5 =	sadd.s32 $0x700, s23;
	[sflag:s10] =	ssyncadd.s32 $0xFFFFE000  }
0xa8: {  	[tilespmem:s26], [sflag:$0x7] =	stream.indirect.gather [hbm4b:s4+s14], $0x40, s5, s14, $0xb8;
	[tilespmem:$0x1ED00] =	vst v63  }
0xa9: {  	_ =	swait.ge [sflag:s21], $0x2000  }
0xaa: {  	[sflag:s21] =	ssyncset.done $0x0  }
.Ltmp0:
0xab: {  	s5 =	sadd.s32 $0x2B00, s23;
	[sflag:s21] =	ssyncadd.s32 $0xFFFFE000;
	(pc) =	sbr.rel @p0 .LBB2_2-.Ltmp0, $4  }
0xac: {  	[spmem:s2] =	stream.indirect.scatter.add.f32 [tilespmem:s29], [sflag:$0x9], $0x40, s5, s14, $0xb8;
	[tilespmem:$0x1ED00] =	vst v63  }
0xad: {  	_ =	swait.ge [sflag:s10], $0x2000  }
0xae: {  	[sflag:s10] =	ssyncset.done $0x0  }
0xaf: {  	s23 =	sadd.s32 $0x780, s23;
	[sflag:s10] =	ssyncadd.s32 $0xFFFFE000  }
0xb0: {  	[tilespmem:s29], [sflag:$0x8] =	stream.indirect.gather [hbm4b:s4+s14], $0x40, s23, s14, $0xb8;
	[tilespmem:$0x1ED00] =	vst v63  }
0xb1: {  	_ =	swait.ge [sflag:s30], $0x2000  }
0xb2: {  	[sflag:s30] =	ssyncset.done $0x0  }
0xb3: {  	s5 =	simm.s32 $0x4780;
	[sflag:s30] =	ssyncadd.s32 $0xFFFFE000  }
0xb4: {  	[spmem:s2] =	stream.indirect.scatter.add.f32 [tilespmem:s15], [sflag:$0x9], $0x40, s5, s14, $0xb8;
	[tilespmem:$0x1ED00] =	vst v63  }
0xb5: {  	_ =	swait.ge [sflag:s10], $0x2000  }
0xb6: {  	[sflag:s10] =	ssyncset.done $0x0  }
0xb7: {  	s28 =	simm.s32 $0x2400;
	[sflag:s10] =	ssyncadd.s32 $0xFFFFE000  }
0xb8: {  	[tilespmem:s15], [sflag:$0x1] =	stream.indirect.gather [hbm4b:s4+s14], $0x40, s28, s14, $0xb8;
	[tilespmem:$0x1ED00] =	vst v63  }
0xb9: {  	_ =	swait.ge [sflag:s31], $0x2000  }
0xba: {  	[sflag:s31] =	ssyncset.done $0x0  }
0xbb: {  	s23 =	simm.s32 $0x4800;
	[sflag:s31] =	ssyncadd.s32 $0xFFFFE000  }
0xbc: {  	[spmem:s2] =	stream.indirect.scatter.add.f32 [tilespmem:s16], [sflag:$0x9], $0x40, s23, s14, $0xb8;
	[tilespmem:$0x1ED00] =	vst v63  }
0xbd: {  	_ =	swait.ge [sflag:s10], $0x2000  }
0xbe: {  	[sflag:s10] =	ssyncset.done $0x0  }
0xbf: {  	s28 =	simm.s32 $0x2480;
	[sflag:s10] =	ssyncadd.s32 $0xFFFFE000  }
0xc0: {  	[tilespmem:s16], [sflag:$0x2] =	stream.indirect.gather [hbm4b:s4+s14], $0x40, s28, s14, $0xb8;
	[tilespmem:$0x1ED00] =	vst v63  }
0xc1: {  	_ =	swait.ge [sflag:s1], $0x2000  }
0xc2: {  	[sflag:s1] =	ssyncset.done $0x0  }
0xc3: {  	s23 =	simm.s32 $0x4880;
	[sflag:s1] =	ssyncadd.s32 $0xFFFFE000  }
0xc4: {  	[spmem:s2] =	stream.indirect.scatter.add.f32 [tilespmem:s18], [sflag:$0x9], $0x40, s23, s14, $0xb8;
	[tilespmem:$0x1ED00] =	vst v63  }
0xc5: {  	_ =	swait.ge [sflag:s10], $0x2000  }
0xc6: {  	[sflag:s10] =	ssyncset.done $0x0  }
0xc7: {  	s28 =	simm.s32 $0x2500;
	[sflag:s10] =	ssyncadd.s32 $0xFFFFE000  }
0xc8: {  	[tilespmem:s18], [sflag:$0x3] =	stream.indirect.gather [hbm4b:s4+s14], $0x40, s28, s14, $0xb8;
	[tilespmem:$0x1ED00] =	vst v63  }
0xc9: {  	_ =	swait.ge [sflag:s0], $0x2000  }
0xca: {  	[sflag:s0] =	ssyncset.done $0x0  }
0xcb: {  	s23 =	simm.s32 $0x4900;
	[sflag:s0] =	ssyncadd.s32 $0xFFFFE000  }
0xcc: {  	[spmem:s2] =	stream.indirect.scatter.add.f32 [tilespmem:s20], [sflag:$0x9], $0x40, s23, s14, $0xb8;
	[tilespmem:$0x1ED00] =	vst v63  }
0xcd: {  	_ =	swait.ge [sflag:s10], $0x2000  }
0xce: {  	[sflag:s10] =	ssyncset.done $0x0  }
0xcf: {  	s28 =	simm.s32 $0x2580;
	[sflag:s10] =	ssyncadd.s32 $0xFFFFE000  }
0xd0: {  	[tilespmem:s20], [sflag:$0x4] =	stream.indirect.gather [hbm4b:s4+s14], $0x40, s28, s14, $0xb8;
	[tilespmem:$0x1ED00] =	vst v63  }
0xd1: {  	_ =	swait.ge [sflag:s11], $0x2000  }
0xd2: {  	[sflag:s11] =	ssyncset.done $0x0  }
0xd3: {  	s23 =	simm.s32 $0x4980;
	[sflag:s11] =	ssyncadd.s32 $0xFFFFE000  }
0xd4: {  	[spmem:s2] =	stream.indirect.scatter.add.f32 [tilespmem:s22], [sflag:$0x9], $0x40, s23, s14, $0xb8;
	[tilespmem:$0x1ED00] =	vst v63  }
0xd5: {  	_ =	swait.ge [sflag:s10], $0x2000  }
0xd6: {  	[sflag:s10] =	ssyncset.done $0x0  }
0xd7: {  	s28 =	simm.s32 $0x2600;
	[sflag:s10] =	ssyncadd.s32 $0xFFFFE000  }
0xd8: {  	[tilespmem:s22], [sflag:$0x5] =	stream.indirect.gather [hbm4b:s4+s14], $0x40, s28, s14, $0xb8;
	[tilespmem:$0x1ED00] =	vst v63  }
0xd9: {  	_ =	swait.ge [sflag:s17], $0x2000  }
0xda: {  	[sflag:s17] =	ssyncset.done $0x0  }
0xdb: {  	s23 =	simm.s32 $0x4A00;
	[sflag:s17] =	ssyncadd.s32 $0xFFFFE000  }
0xdc: {  	[spmem:s2] =	stream.indirect.scatter.add.f32 [tilespmem:s24], [sflag:$0x9], $0x40, s23, s14, $0xb8;
	[tilespmem:$0x1ED00] =	vst v63  }
0xdd: {  	_ =	swait.ge [sflag:s10], $0x2000  }
0xde: {  	[sflag:s10] =	ssyncset.done $0x0  }
0xdf: {  	s28 =	simm.s32 $0x2680;
	[sflag:s10] =	ssyncadd.s32 $0xFFFFE000  }
0xe0: {  	[tilespmem:s24], [sflag:$0x6] =	stream.indirect.gather [hbm4b:s4+s14], $0x40, s28, s14, $0xb8;
	[tilespmem:$0x1ED00] =	vst v63  }
0xe1: {  	_ =	swait.ge [sflag:s19], $0x2000  }
0xe2: {  	[sflag:s19] =	ssyncset.done $0x0  }
0xe3: {  	s23 =	simm.s32 $0x4A80;
	[sflag:s19] =	ssyncadd.s32 $0xFFFFE000  }
0xe4: {  	[spmem:s2] =	stream.indirect.scatter.add.f32 [tilespmem:s26], [sflag:$0x9], $0x40, s23, s14, $0xb8;
	[tilespmem:$0x1ED00] =	vst v63  }
0xe5: {  	_ =	swait.ge [sflag:s10], $0x2000  }
0xe6: {  	[sflag:s10] =	ssyncset.done $0x0  }
0xe7: {  	s28 =	simm.s32 $0x2700;
	[sflag:s10] =	ssyncadd.s32 $0xFFFFE000  }
0xe8: {  	[tilespmem:s26], [sflag:$0x7] =	stream.indirect.gather [hbm4b:s4+s14], $0x40, s28, s14, $0xb8;
	[tilespmem:$0x1ED00] =	vst v63  }
0xe9: {  	_ =	swait.ge [sflag:s21], $0x2000  }
0xea: {  	[sflag:s21] =	ssyncset.done $0x0  }
0xeb: {  	s23 =	simm.s32 $0x4B00;
	[sflag:s21] =	ssyncadd.s32 $0xFFFFE000  }
0xec: {  	[spmem:s2] =	stream.indirect.scatter.add.f32 [tilespmem:s29], [sflag:$0x9], $0x40, s23, s14, $0xb8;
	[tilespmem:$0x1ED00] =	vst v63  }
0xed: {  	_ =	swait.ge [sflag:s10], $0x2000  }
0xee: {  	[sflag:s10] =	ssyncset.done $0x0  }
0xef: {  	[sflag:s10] =	ssyncadd.s32 $0xFFFFE000  }
0xf0: {  	_ =	swait.ge [sflag:s30], $0x2000  }
0xf1: {  	[sflag:s30] =	ssyncset.done $0x0  }
0xf2: {  	s28 =	simm.s32 $0x4B80;
	[sflag:s30] =	ssyncadd.s32 $0xFFFFE000  }
0xf3: {  	[spmem:s2] =	stream.indirect.scatter.add.f32 [tilespmem:s15], [sflag:$0x9], $0x40, s28, s14, $0xb8;
	[tilespmem:$0x1ED00] =	vst v63  }
0xf4: {  	_ =	swait.ge [sflag:s10], $0x2000  }
0xf5: {  	[sflag:s10] =	ssyncset.done $0x0  }
0xf6: {  	[sflag:s10] =	ssyncadd.s32 $0xFFFFE000  }
0xf7: {  	_ =	swait.ge [sflag:s31], $0x2000  }
0xf8: {  	[sflag:s31] =	ssyncset.done $0x0  }
0xf9: {  	s23 =	simm.s32 $0x4C00;
	[sflag:s31] =	ssyncadd.s32 $0xFFFFE000  }
0xfa: {  	[spmem:s2] =	stream.indirect.scatter.add.f32 [tilespmem:s16], [sflag:$0x9], $0x40, s23, s14, $0xb8;
	[tilespmem:$0x1ED00] =	vst v63  }
0xfb: {  	_ =	swait.ge [sflag:s10], $0x2000  }
0xfc: {  	[sflag:s10] =	ssyncset.done $0x0  }
0xfd: {  	[sflag:s10] =	ssyncadd.s32 $0xFFFFE000  }
0xfe: {  	_ =	swait.ge [sflag:s1], $0x2000  }
0xff: {  	[sflag:s1] =	ssyncset.done $0x0  }
0x100: {  	s28 =	simm.s32 $0x4C80;
	[sflag:s1] =	ssyncadd.s32 $0xFFFFE000  }
0x101: {  	[spmem:s2] =	stream.indirect.scatter.add.f32 [tilespmem:s18], [sflag:$0x9], $0x40, s28, s14, $0xb8;
	[tilespmem:$0x1ED00] =	vst v63  }
0x102: {  	_ =	swait.ge [sflag:s10], $0x2000  }
0x103: {  	[sflag:s10] =	ssyncset.done $0x0  }
0x104: {  	[sflag:s10] =	ssyncadd.s32 $0xFFFFE000  }
0x105: {  	_ =	swait.ge [sflag:s0], $0x2000  }
0x106: {  	[sflag:s0] =	ssyncset.done $0x0  }
0x107: {  	s23 =	simm.s32 $0x4D00;
	[sflag:s0] =	ssyncadd.s32 $0xFFFFE000  }
0x108: {  	[spmem:s2] =	stream.indirect.scatter.add.f32 [tilespmem:s20], [sflag:$0x9], $0x40, s23, s14, $0xb8;
	[tilespmem:$0x1ED00] =	vst v63  }
0x109: {  	_ =	swait.ge [sflag:s10], $0x2000  }
0x10a: {  	[sflag:s10] =	ssyncset.done $0x0  }
0x10b: {  	[sflag:s10] =	ssyncadd.s32 $0xFFFFE000  }
0x10c: {  	_ =	swait.ge [sflag:s11], $0x2000  }
0x10d: {  	[sflag:s11] =	ssyncset.done $0x0  }
0x10e: {  	s28 =	simm.s32 $0x4D80;
	[sflag:s11] =	ssyncadd.s32 $0xFFFFE000  }
0x10f: {  	[spmem:s2] =	stream.indirect.scatter.add.f32 [tilespmem:s22], [sflag:$0x9], $0x40, s28, s14, $0xb8;
	[tilespmem:$0x1ED00] =	vst v63  }
0x110: {  	_ =	swait.ge [sflag:s10], $0x2000  }
0x111: {  	[sflag:s10] =	ssyncset.done $0x0  }
0x112: {  	[sflag:s10] =	ssyncadd.s32 $0xFFFFE000  }
0x113: {  	_ =	swait.ge [sflag:s17], $0x2000  }
0x114: {  	[sflag:s17] =	ssyncset.done $0x0  }
0x115: {  	s23 =	simm.s32 $0x4E00;
	[sflag:s17] =	ssyncadd.s32 $0xFFFFE000  }
0x116: {  	[spmem:s2] =	stream.indirect.scatter.add.f32 [tilespmem:s24], [sflag:$0x9], $0x40, s23, s14, $0xb8;
	[tilespmem:$0x1ED00] =	vst v63  }
0x117: {  	_ =	swait.ge [sflag:s10], $0x2000  }
0x118: {  	[sflag:s10] =	ssyncset.done $0x0  }
0x119: {  	[sflag:s10] =	ssyncadd.s32 $0xFFFFE000  }
0x11a: {  	_ =	swait.ge [sflag:s19], $0x2000  }
0x11b: {  	[sflag:s19] =	ssyncset.done $0x0  }
0x11c: {  	s28 =	simm.s32 $0x4E80;
	[sflag:s19] =	ssyncadd.s32 $0xFFFFE000  }
0x11d: {  	[spmem:s2] =	stream.indirect.scatter.add.f32 [tilespmem:s26], [sflag:$0x9], $0x40, s28, s14, $0xb8;
	[tilespmem:$0x1ED00] =	vst v63  }
0x11e: {  	_ =	swait.ge [sflag:s10], $0x2000  }
0x11f: {  	s25 =	sadd.s32 $0x1, s25;
	[sflag:s10] =	ssyncset.done $0x0  }
0x120: {  	p0 =	sne.s32 s25, s9;
	[sflag:s10] =	ssyncadd.s32 $0xFFFFE000  }
.Ltmp1:
0x121: {  	[bflag:$0x0] =	sbarrier.arrive $0xFFFF;
	(pc) =	sbr.rel @p0 .LBB2_1-.Ltmp1, $4  }
0x122: {  	[hbm:s8], [sflag:s12] =	dma.local [spmem:s13], $0x13C0  }
0x123: {  	_ =	swait.ge [sflag:s10], $0x13C0  }
0x124: {  	[sflag:s10] =	ssyncset.done $0x0  }
0x125: {  	[sflag:s10] =	ssyncadd.s32 $0xFFFFEC40  }
0x126: {  	_ =	sfence.sel $0x180000  }
0x127: {  	[bflag:$0x0] =	sbarrier.arrive $0xFFFF  }
0x128: {  	_ =	strace $0x90000050  }
0x129: {  	s0 =	stileid.u32;
	[bflag:$0x2] =	sbarrier.arrive $0xFFFF  }
0x12a: {  	p0 =	sne.s32 s0, $0x0;
	s0 =	rddreg [dreg:$0x2]  }
0x12b: {  	s0 =	sadd.s32 @!p0 $0x100000, s0  }
0x12c: {  	[sflag:s0] =	ssyncadd.tile.s32 @!p0 $0x1;
	_ =	shalt  }
.Lfunc_end2:
_tile_overlayer_lowered:
.L_overlay_start_2:
0x12d: {  	(tag) =	ssettag $0x2  }
0x12e: {  	s0 =	rddreg [dreg:$0x0];
	s2 =	stileid.u32  }
0x12f: {  	s1 =	rddreg [dreg:$0x1];
	p0 =	sne.s32 s2, $0x0  }
0x130: {  	s3 =	rddreg [dreg:$0x2];
	[bflag:$0x3] =	sbarrier.arrive $0xFFFF;
	s2 =	simm.s32 @!p0 $0x1C09  }
0x131: {  	[timem:s3], [sflag:s2] =	dma.local @!p0 [hbm:s0], s1  }
0x132: {  	s0 =	simm.s32 @!p0 $0x9  }
0x133: {  	_ =	swait.ge @!p0 [sflag:s0], s1  }
0x134: {  	s1 =	ssub.s32 @!p0 $0x0, s1;
	[sflag:s0] =	ssyncset.done @!p0 $0x0  }
0x135: {  	[sflag:s0] =	ssyncadd.s32 @!p0 s1  }
0x136: {  	[bflag:$0x3] =	sbarrier.arrive $0xFFFF  }
0x137: {  	_ =	shalt  }

</sc_bundles>
